<compile_context>
chip_gen: v7x
topology: tpu7x:2x2x1
jax: 0.10.2.dev20260603
libtpu: 0.0.44.dev20260713+nightly
codegen_flags: <defaults>
</compile_context>

<pallas_src>
import functools

import jax
import jax.numpy as jnp
from jax import lax
from jax.experimental import pallas as pl
from jax.experimental.pallas import tpu as pltpu
from jax.experimental.pallas import tpu_sc as plsc

N = 10000
E = 320000
F = 128
G = 64
NPAD = 10240
NCORE = 2
NSUB = 16
NW = NCORE * NSUB
CH = 128
DNCH = 81
NCH0 = 112
NCH1 = 50
EPAD = NSUB * CH * (NCH0 + NCH1)
E0 = NSUB * NCH0 * CH
RPT = NPAD // NSUB


def _sc_mesh():
    return plsc.VectorSubcoreMesh(core_axis_name="c", subcore_axis_name="s",
                                  num_cores=NCORE, num_subcores=NSUB)


@functools.cache
def _deg_kernel():
    return functools.partial(
        pl.kernel,
        out_type=jax.ShapeDtypeStruct((NCORE, NPAD, 16), jnp.float32),
        mesh=_sc_mesh(),
        scratch_types=[
            pltpu.VMEM((DNCH, CH), jnp.int32),
            pltpu.VMEM((CH, 16), jnp.float32),
            pltpu.VMEM_SHARED((NPAD, 16), jnp.float32),
        ],
        compiler_params=pltpu.CompilerParams(use_tc_tiling_on_sc=False),
    )(_deg_body)


def _deg_body(dst_hbm, ones_hbm, zeros_hbm, out_hbm, didx, ones_v, acc_sh):
    c = lax.axis_index("c")
    s = lax.axis_index("s")
    w = c * NSUB + s
    r0 = s * RPT
    pltpu.sync_copy(zeros_hbm.at[pl.ds(r0, RPT)], acc_sh.at[pl.ds(r0, RPT)])
    pltpu.sync_copy(ones_hbm, ones_v)
    pltpu.sync_copy(dst_hbm.at[w], didx)
    plsc.subcore_barrier()

    def body(j, carry):
        pltpu.sync_copy(ones_v, acc_sh.at[didx.at[j]], add=True)
        return carry

    lax.fori_loop(0, DNCH, body, 0)
    plsc.subcore_barrier()
    pltpu.sync_copy(acc_sh.at[pl.ds(r0, RPT)], out_hbm.at[c, pl.ds(r0, RPT)])


FH = F // 2


@functools.cache
def _prop_kernel():
    return functools.partial(
        pl.kernel,
        out_type=jax.ShapeDtypeStruct((2, NCORE, NPAD, FH), jnp.float32),
        mesh=_sc_mesh(),
        scratch_types=[
            pltpu.VMEM((NCH0, CH), jnp.int32),
            pltpu.VMEM((NCH0, CH), jnp.int32),
            pltpu.VMEM((CH, FH), jnp.float32),
            pltpu.VMEM((CH, FH), jnp.float32),
            pltpu.VMEM_SHARED((NPAD, FH), jnp.float32),
            pltpu.SemaphoreType.DMA,
            pltpu.SemaphoreType.DMA,
        ],
        compiler_params=pltpu.CompilerParams(use_tc_tiling_on_sc=False),
    )(_prop_body)


def _prop_body(tlo_hbm, thi_hbm, src0_hbm, dst0_hbm, src1_hbm, dst1_hbm,
               zeros_hbm, out_hbm,
               sidx, didx, rows0, rows1, acc_sh, sem0, sem1):
    c = lax.axis_index("c")
    s = lax.axis_index("s")
    r0 = s * RPT

    @pl.when(c == 0)
    def _():
        pltpu.sync_copy(src0_hbm.at[s], sidx.at[pl.ds(0, NCH0)])
        pltpu.sync_copy(dst0_hbm.at[s], didx.at[pl.ds(0, NCH0)])

    @pl.when(c == 1)
    def _():
        pltpu.sync_copy(src1_hbm.at[s], sidx.at[pl.ds(0, NCH1)])
        pltpu.sync_copy(dst1_hbm.at[s], didx.at[pl.ds(0, NCH1)])

    nch = lax.select(c == 0, NCH0, NCH1)

    for phase, tab in enumerate((tlo_hbm, thi_hbm)):
        pltpu.sync_copy(zeros_hbm.at[pl.ds(r0, RPT)], acc_sh.at[pl.ds(r0, RPT)])
        plsc.subcore_barrier()

        pltpu.async_copy(tab.at[sidx.at[0]], rows0, sem0)

        def body(i, carry, tab=tab):
            j0 = 2 * i
            j1 = j0 + 1
            pltpu.async_copy(tab.at[sidx.at[j1]], rows1, sem1)
            pltpu.make_async_copy(tab.at[sidx.at[j0]], rows0, sem0).wait()
            pltpu.sync_copy(rows0, acc_sh.at[didx.at[j0]], add=True)
            pltpu.async_copy(tab.at[sidx.at[j0 + 2]], rows0, sem0)
            pltpu.make_async_copy(tab.at[sidx.at[j1]], rows1, sem1).wait()
            pltpu.sync_copy(rows1, acc_sh.at[didx.at[j1]], add=True)
            return carry

        lax.fori_loop(0, nch // 2 - 1, body, 0)
        pltpu.async_copy(tab.at[sidx.at[nch - 1]], rows1, sem1)
        pltpu.make_async_copy(tab.at[sidx.at[nch - 2]], rows0, sem0).wait()
        pltpu.sync_copy(rows0, acc_sh.at[didx.at[nch - 2]], add=True)
        pltpu.make_async_copy(tab.at[sidx.at[nch - 1]], rows1, sem1).wait()
        pltpu.sync_copy(rows1, acc_sh.at[didx.at[nch - 1]], add=True)

        plsc.subcore_barrier()
        pltpu.sync_copy(acc_sh.at[pl.ds(r0, RPT)],
                        out_hbm.at[phase, c, pl.ds(r0, RPT)])


def _embed_body(x_ref, we_ref, be_ref, degp_ref, w0_ref,
                tlo_ref, thi_ref, dinv_ref):
    deg = degp_ref[0, :, 0:1] + degp_ref[1, :, 0:1]
    rid = lax.broadcasted_iota(jnp.int32, (NPAD, 1), 0)
    dinv = jnp.where((deg > 0.0) & (rid < N), lax.rsqrt(deg), 0.0)
    h = jnp.maximum(jnp.dot(x_ref[...], we_ref[...],
                            preferred_element_type=jnp.float32)
                    + be_ref[...], 0.0)
    t = jnp.dot(dinv * h, w0_ref[...], preferred_element_type=jnp.float32)
    tlo_ref[...] = t[:, :FH]
    thi_ref[...] = t[:, FH:]
    dinv_ref[...] = dinv


_embed_tc = pl.pallas_call(
    _embed_body,
    out_shape=[
        jax.ShapeDtypeStruct((NPAD, FH), jnp.float32),
        jax.ShapeDtypeStruct((NPAD, FH), jnp.float32),
        jax.ShapeDtypeStruct((NPAD, 1), jnp.float32),
    ],
)


def _agg(p_ref, dinv_ref):
    s = jnp.concatenate([p_ref[0, 0] + p_ref[0, 1],
                         p_ref[1, 0] + p_ref[1, 1]], axis=1)
    return dinv_ref[...] * s


def _mid_body(p_ref, dinv_ref, b_ref, w_ref, tlo_ref, thi_ref):
    dinv = dinv_ref[...]
    h = jnp.maximum(_agg(p_ref, dinv_ref) + b_ref[...], 0.0)
    t = jnp.dot(dinv * h, w_ref[...], preferred_element_type=jnp.float32)
    tlo_ref[...] = t[:, :FH]
    thi_ref[...] = t[:, FH:]


_mid_tc = pl.pallas_call(
    _mid_body,
    out_shape=[
        jax.ShapeDtypeStruct((NPAD, FH), jnp.float32),
        jax.ShapeDtypeStruct((NPAD, FH), jnp.float32),
    ],
)


def _final_body(p_ref, dinv_ref, b_ref, batch_ref, wout_ref, bout_ref, out_ref):
    h = jnp.maximum(_agg(p_ref, dinv_ref) + b_ref[...], 0.0)
    y = jnp.dot(h, wout_ref[...], preferred_element_type=jnp.float32)
    gid = lax.broadcasted_iota(jnp.int32, (NPAD, G), 1)
    m = (batch_ref[...] == gid).astype(jnp.float32)
    sums = jnp.sum(m * y, axis=0)
    counts = jnp.sum(m, axis=0)
    out_ref[...] = (sums / jnp.maximum(counts, 1.0))[:, None] + bout_ref[...]


_final_tc = pl.pallas_call(
    _final_body,
    out_shape=jax.ShapeDtypeStruct((G, 1), jnp.float32),
)


def kernel(x, edge_index, batch, W_embed, b_embed, W_convs, b_convs, W_out,
           b_out):
    layers = W_convs.shape[0]
    loop = jnp.arange(N, dtype=jnp.int32)
    npe = EPAD - E - N
    pad = jnp.full((npe,), N, dtype=jnp.int32)
    padd = N + jnp.arange(npe, dtype=jnp.int32) % (NPAD - N)
    srcp = jnp.concatenate([edge_index[0], loop, pad])
    dstp = jnp.concatenate([edge_index[1], loop, padd])
    src3 = srcp.reshape(NW, DNCH, CH)
    dst3 = dstp.reshape(NW, DNCH, CH)
    src0 = srcp[:E0].reshape(NSUB, NCH0, CH)
    dst0 = dstp[:E0].reshape(NSUB, NCH0, CH)
    src1 = srcp[E0:].reshape(NSUB, NCH1, CH)
    dst1 = dstp[E0:].reshape(NSUB, NCH1, CH)

    zeros64 = jnp.zeros((NPAD, FH), jnp.float32)
    zeros16 = jnp.zeros((NPAD, 16), jnp.float32)
    ones16 = jnp.ones((CH, 16), jnp.float32)
    x_pad = jnp.zeros((NPAD, F), jnp.float32).at[:N].set(x)
    batch2 = jnp.full((NPAD, 1), G, jnp.int32).at[:N, 0].set(batch)

    degp = _deg_kernel()(dst3, ones16, zeros16)
    tlo, thi, dinv = _embed_tc(x_pad, W_embed, b_embed[None, :], degp,
                               W_convs[0])
    out = None
    for i in range(layers):
        p = _prop_kernel()(tlo, thi, src0, dst0, src1, dst1, zeros64)
        if i < layers - 1:
            tlo, thi = _mid_tc(p, dinv, b_convs[i][None, :], W_convs[i + 1])
        else:
            out = _final_tc(p, dinv, b_convs[i][None, :], batch2, W_out,
                            b_out[None, :])
    return out

# --- scband reference (transcript-rebuilt; emitter-appended) ---
"""Pipeline reference for scband-sample-gnn-22548578304211 (READ-ONLY COPY).

The authoritative reference and input builder live on the scoring server;
editing this copy changes nothing except your own understanding.
"""

import jax, jax.numpy as jnp
import numpy as np

N_NODES = 10000
N_EDGES = 320000
NODE_FEAT = 128
HIDDEN = 128
LAYERS = 4
OUT = 1
N_GRAPHS = 64


def setup_inputs(seed: int = 0) -> dict:
    key = jax.random.key(seed)
    ks = jax.random.split(key, 12)
    inp = {}
    inp["x"] = jax.random.normal(ks[0], (N_NODES, NODE_FEAT), dtype=jnp.float32)
    inp["edge_index"] = jax.random.randint(ks[1], (2, N_EDGES), 0, N_NODES, dtype=jnp.int32)
    inp["batch"] = jnp.sort(jax.random.randint(ks[2], (N_NODES,), 0, N_GRAPHS, dtype=jnp.int32))
    inp["W_embed"] = jax.random.normal(ks[3], (NODE_FEAT, HIDDEN), dtype=jnp.float32) / np.sqrt(NODE_FEAT)
    inp["b_embed"] = jnp.zeros((HIDDEN,), dtype=jnp.float32)
    inp["W_convs"] = jax.random.normal(ks[4], (LAYERS, HIDDEN, HIDDEN), dtype=jnp.float32) / np.sqrt(HIDDEN)
    inp["b_convs"] = jnp.zeros((LAYERS, HIDDEN), dtype=jnp.float32)
    inp["W_out"] = jax.random.normal(ks[5], (HIDDEN, OUT), dtype=jnp.float32) / np.sqrt(HIDDEN)
    inp["b_out"] = jnp.zeros((OUT,), dtype=jnp.float32)
    return inp


def _gcn_conv(h, src, dst, W, b):
    # PyG-style GCNConv with self-loops already appended to (src, dst):
    # out = D^{-1/2} (A+I) D^{-1/2} (h W) + b
    N = h.shape[0]
    hw = h @ W
    deg = jnp.zeros((N,), dtype=h.dtype).at[dst].add(1.0)
    dinv = jnp.where(deg > 0, jax.lax.rsqrt(deg), 0.0)
    norm = dinv[src] * dinv[dst]
    msg = hw[src] * norm[:, None]
    agg = jax.ops.segment_sum(msg, dst, num_segments=N)
    return agg + b


def reference(x, edge_index, batch, W_embed, b_embed, W_convs, b_convs, W_out, b_out):
    N = x.shape[0]
    loop = jnp.arange(N, dtype=edge_index.dtype)
    src = jnp.concatenate([edge_index[0], loop])
    dst = jnp.concatenate([edge_index[1], loop])
    h = jax.nn.relu(x @ W_embed + b_embed)
    for i in range(W_convs.shape[0]):
        h = jax.nn.relu(_gcn_conv(h, src, dst, W_convs[i], b_convs[i]))
    # global_mean_pool over graph ids in `batch`
    sums = jax.ops.segment_sum(h, batch, num_segments=N_GRAPHS)
    counts = jax.ops.segment_sum(jnp.ones((N, 1), dtype=h.dtype), batch, num_segments=N_GRAPHS)
    pooled = sums / jnp.maximum(counts, 1.0)
    return pooled @ W_out + b_out

if __name__ == "__main__":
    import jax
    _d = setup_inputs()
    print(jax.jit(kernel)(*tuple(_d.values())))

</pallas_src>

<mosaic_0001>
#map = affine_map<(d0, d1) -> (0, 0, 0)>
#map1 = affine_map<(d0, d1) -> (0, 0)>
module attributes {stable_mosaic.version = 14 : i64} {
  func.func @_deg_body(%arg0: i32, %arg1: i32, %arg2: memref<32x81x128xi32, #tpu.memory_space<hbm>>, %arg3: memref<128x16xf32, #tpu.memory_space<hbm>>, %arg4: memref<10240x16xf32, #tpu.memory_space<hbm>>, %arg5: memref<2x10240x16xf32, #tpu.memory_space<hbm>>, %arg6: memref<81x128xi32, #tpu.memory_space<vmem>>, %arg7: memref<128x16xf32, #tpu.memory_space<vmem>>, %arg8: memref<10240x16xf32, #tpu.memory_space<vmem_shared>>) attributes {dimension_semantics = [#tpu.dimension_semantics<core_parallel>, #tpu.dimension_semantics<subcore_parallel>], iteration_bounds = array<i64: 2, 16>, scalar_prefetch = 0 : i64, scratch_operands = 3 : i64, tpu.core_type = #tpu.core_type<sc_vector_subcore>, window_params = [{transform_indices = #map}, {transform_indices = #map1}, {transform_indices = #map1}, {transform_indices = #map}]} {
    %mul3A = arith.constant 16 : i32
    %mul3A_0 = arith.muli %arg0, %mul3A : i32
    %add3A = arith.addi %mul3A_0, %arg1 : i32
    %mul3A_1 = arith.constant 640 : i32
    %mul3A_2 = arith.muli %arg1, %mul3A_1 : i32
    "tpu.region"() ({
      %run_scoped3A = tpu.sem_alloc : memref<!tpu.dma_semaphore, #tpu.memory_space<semaphore_mem>>
      %dma_start3A = arith.constant 0 : i32
      %dma_start3A_9 = tpu.memref_slice %arg8[%mul3A_2, %dma_start3A] : memref<10240x16xf32, #tpu.memory_space<vmem_shared>> -> memref<640x16xf32, #tpu.memory_space<vmem_shared>>
      %dma_start3A_10 = arith.constant 0 : i32
      %dma_start3A_11 = tpu.memref_slice %arg4[%mul3A_2, %dma_start3A_10] : memref<10240x16xf32, #tpu.memory_space<hbm>> -> memref<640x16xf32, #tpu.memory_space<hbm>>
      tpu.enqueue_dma source(%dma_start3A_11 : memref<640x16xf32, #tpu.memory_space<hbm>>) target(%dma_start3A_9 : memref<640x16xf32, #tpu.memory_space<vmem_shared>>) target_semaphore(%run_scoped3A : memref<!tpu.dma_semaphore, #tpu.memory_space<semaphore_mem>>)
      %dma_wait3A = arith.constant 0 : i32
      %dma_wait3A_12 = tpu.memref_slice %arg8[%mul3A_2, %dma_wait3A] : memref<10240x16xf32, #tpu.memory_space<vmem_shared>> -> memref<640x16xf32, #tpu.memory_space<vmem_shared>>
      %dma_wait3A_13 = arith.constant 0 : i32
      %dma_wait3A_14 = tpu.memref_slice %arg4[%mul3A_2, %dma_wait3A_13] : memref<10240x16xf32, #tpu.memory_space<hbm>> -> memref<640x16xf32, #tpu.memory_space<hbm>>
      tpu.wait_dma2 semaphore(%run_scoped3A : memref<!tpu.dma_semaphore, #tpu.memory_space<semaphore_mem>>) src(%dma_wait3A_14 : memref<640x16xf32, #tpu.memory_space<hbm>>) dst(%dma_wait3A_12 : memref<640x16xf32, #tpu.memory_space<vmem_shared>>)
      tpu.yield
    }) : () -> ()
    "tpu.region"() ({
      %run_scoped3A = tpu.sem_alloc : memref<!tpu.dma_semaphore, #tpu.memory_space<semaphore_mem>>
      tpu.enqueue_dma source(%arg3 : memref<128x16xf32, #tpu.memory_space<hbm>>) target(%arg7 : memref<128x16xf32, #tpu.memory_space<vmem>>) target_semaphore(%run_scoped3A : memref<!tpu.dma_semaphore, #tpu.memory_space<semaphore_mem>>)
      tpu.wait_dma2 semaphore(%run_scoped3A : memref<!tpu.dma_semaphore, #tpu.memory_space<semaphore_mem>>) src(%arg3 : memref<128x16xf32, #tpu.memory_space<hbm>>) dst(%arg7 : memref<128x16xf32, #tpu.memory_space<vmem>>)
      tpu.yield
    }) : () -> ()
    "tpu.region"() ({
      %run_scoped3A = tpu.sem_alloc : memref<!tpu.dma_semaphore, #tpu.memory_space<semaphore_mem>>
      %dma_start3A = arith.constant 0 : i32
      %dma_start3A_9 = arith.constant 0 : i32
      %dma_start3A_10 = tpu.memref_slice %arg2[%add3A, %dma_start3A, %dma_start3A_9] : memref<32x81x128xi32, #tpu.memory_space<hbm>> -> memref<1x81x128xi32, #tpu.memory_space<hbm>>
      %dma_start3A_11 = tpu.memref_squeeze %dma_start3A_10 : memref<1x81x128xi32, #tpu.memory_space<hbm>> -> memref<81x128xi32, #tpu.memory_space<hbm>>
      %dma_start3A_12 = arith.constant 0 : i32
      %dma_start3A_13 = arith.constant 0 : i32
      %dma_start3A_14 = tpu.memref_slice %arg2[%add3A, %dma_start3A_12, %dma_start3A_13] : memref<32x81x128xi32, #tpu.memory_space<hbm>> -> memref<1x81x128xi32, #tpu.memory_space<hbm>>
      %dma_start3A_15 = tpu.memref_squeeze %dma_start3A_14 : memref<1x81x128xi32, #tpu.memory_space<hbm>> -> memref<81x128xi32, #tpu.memory_space<hbm>>
      tpu.enqueue_dma source(%dma_start3A_15 : memref<81x128xi32, #tpu.memory_space<hbm>>) target(%arg6 : memref<81x128xi32, #tpu.memory_space<vmem>>) target_semaphore(%run_scoped3A : memref<!tpu.dma_semaphore, #tpu.memory_space<semaphore_mem>>)
      %dma_wait3A = arith.constant 0 : i32
      %dma_wait3A_16 = arith.constant 0 : i32
      %dma_wait3A_17 = tpu.memref_slice %arg2[%add3A, %dma_wait3A, %dma_wait3A_16] : memref<32x81x128xi32, #tpu.memory_space<hbm>> -> memref<1x81x128xi32, #tpu.memory_space<hbm>>
      %dma_wait3A_18 = tpu.memref_squeeze %dma_wait3A_17 : memref<1x81x128xi32, #tpu.memory_space<hbm>> -> memref<81x128xi32, #tpu.memory_space<hbm>>
      %dma_wait3A_19 = arith.constant 0 : i32
      %dma_wait3A_20 = arith.constant 0 : i32
      %dma_wait3A_21 = tpu.memref_slice %arg2[%add3A, %dma_wait3A_19, %dma_wait3A_20] : memref<32x81x128xi32, #tpu.memory_space<hbm>> -> memref<1x81x128xi32, #tpu.memory_space<hbm>>
      %dma_wait3A_22 = tpu.memref_squeeze %dma_wait3A_21 : memref<1x81x128xi32, #tpu.memory_space<hbm>> -> memref<81x128xi32, #tpu.memory_space<hbm>>
      tpu.wait_dma2 semaphore(%run_scoped3A : memref<!tpu.dma_semaphore, #tpu.memory_space<semaphore_mem>>) src(%dma_wait3A_22 : memref<81x128xi32, #tpu.memory_space<hbm>>) dst(%arg6 : memref<81x128xi32, #tpu.memory_space<vmem>>)
      tpu.yield
    }) : () -> ()
    %barrier3A = arith.constant 0 : index
    tpu.barrier barrier_id(%barrier3A)
    %scan3A = arith.constant 0 : i32
    %scan3A_3 = arith.constant 0 : i32
    %scan3A_4 = arith.constant 81 : i32
    %scan3A_5 = arith.addi %scan3A_3, %scan3A_4 : i32
    %scan3A_6 = arith.constant 1 : i32
    scf.for %scan3A_9 = %scan3A_3 to %scan3A_5 step %scan3A_6  : i32 {
      "tpu.region"() ({
        %run_scoped3A = tpu.sem_alloc : memref<!tpu.dma_semaphore, #tpu.memory_space<semaphore_mem>>
        %dma_start3A = arith.constant 0 : i32
        %dma_start3A_10 = tpu.memref_slice %arg6[%scan3A_9, %dma_start3A] : memref<81x128xi32, #tpu.memory_space<vmem>> -> memref<1x128xi32, #tpu.memory_space<vmem>>
        %dma_start3A_11 = tpu.memref_squeeze %dma_start3A_10 : memref<1x128xi32, #tpu.memory_space<vmem>> -> memref<128xi32, #tpu.memory_space<vmem>>
        %dma_start3A_12 = arith.constant 0 : i32
        %dma_start3A_13 = arith.constant 0 : i32
        %dma_start3A_14 = tpu.memref_slice %arg8[%dma_start3A_12, %dma_start3A_13] : memref<10240x16xf32, #tpu.memory_space<vmem_shared>> -> memref<10240x16xf32, #tpu.memory_space<vmem_shared>>
        tpu.enqueue_indirect_dma source(%arg7 : memref<128x16xf32, #tpu.memory_space<vmem>>) target(%dma_start3A_14 : memref<10240x16xf32, #tpu.memory_space<vmem_shared>>) offsets(%dma_start3A_11 : memref<128xi32, #tpu.memory_space<vmem>>) semaphore(%run_scoped3A : memref<!tpu.dma_semaphore, #tpu.memory_space<semaphore_mem>>) {add = true}
        %dma_wait3A = arith.constant 0 : i32
        %dma_wait3A_15 = tpu.memref_slice %arg6[%scan3A_9, %dma_wait3A] : memref<81x128xi32, #tpu.memory_space<vmem>> -> memref<1x128xi32, #tpu.memory_space<vmem>>
        %dma_wait3A_16 = tpu.memref_squeeze %dma_wait3A_15 : memref<1x128xi32, #tpu.memory_space<vmem>> -> memref<128xi32, #tpu.memory_space<vmem>>
        %dma_wait3A_17 = arith.constant 0 : i32
        %dma_wait3A_18 = arith.constant 0 : i32
        %dma_wait3A_19 = tpu.memref_slice %arg8[%dma_wait3A_17, %dma_wait3A_18] : memref<10240x16xf32, #tpu.memory_space<vmem_shared>> -> memref<10240x16xf32, #tpu.memory_space<vmem_shared>>
        tpu.wait_indirect_dma semaphore(%run_scoped3A : memref<!tpu.dma_semaphore, #tpu.memory_space<semaphore_mem>>) src(%arg7 : memref<128x16xf32, #tpu.memory_space<vmem>>) dst(%dma_wait3A_19 : memref<10240x16xf32, #tpu.memory_space<vmem_shared>>)
        tpu.yield
      }) : () -> ()
    }
    %scan3A_7 = arith.constant 81 : i32
    %barrier3A_8 = arith.constant 0 : index
    tpu.barrier barrier_id(%barrier3A_8)
    "tpu.region"() ({
      %run_scoped3A = tpu.sem_alloc : memref<!tpu.dma_semaphore, #tpu.memory_space<semaphore_mem>>
      %dma_start3A = arith.constant 0 : i32
      %dma_start3A_9 = tpu.memref_slice %arg5[%arg0, %mul3A_2, %dma_start3A] : memref<2x10240x16xf32, #tpu.memory_space<hbm>> -> memref<1x640x16xf32, #tpu.memory_space<hbm>>
      %dma_start3A_10 = tpu.memref_squeeze %dma_start3A_9 : memref<1x640x16xf32, #tpu.memory_space<hbm>> -> memref<640x16xf32, #tpu.memory_space<hbm>>
      %dma_start3A_11 = arith.constant 0 : i32
      %dma_start3A_12 = tpu.memref_slice %arg8[%mul3A_2, %dma_start3A_11] : memref<10240x16xf32, #tpu.memory_space<vmem_shared>> -> memref<640x16xf32, #tpu.memory_space<vmem_shared>>
      tpu.enqueue_dma source(%dma_start3A_12 : memref<640x16xf32, #tpu.memory_space<vmem_shared>>) target(%dma_start3A_10 : memref<640x16xf32, #tpu.memory_space<hbm>>) target_semaphore(%run_scoped3A : memref<!tpu.dma_semaphore, #tpu.memory_space<semaphore_mem>>)
      %dma_wait3A = arith.constant 0 : i32
      %dma_wait3A_13 = tpu.memref_slice %arg5[%arg0, %mul3A_2, %dma_wait3A] : memref<2x10240x16xf32, #tpu.memory_space<hbm>> -> memref<1x640x16xf32, #tpu.memory_space<hbm>>
      %dma_wait3A_14 = tpu.memref_squeeze %dma_wait3A_13 : memref<1x640x16xf32, #tpu.memory_space<hbm>> -> memref<640x16xf32, #tpu.memory_space<hbm>>
      %dma_wait3A_15 = arith.constant 0 : i32
      %dma_wait3A_16 = tpu.memref_slice %arg8[%mul3A_2, %dma_wait3A_15] : memref<10240x16xf32, #tpu.memory_space<vmem_shared>> -> memref<640x16xf32, #tpu.memory_space<vmem_shared>>
      tpu.wait_dma2 semaphore(%run_scoped3A : memref<!tpu.dma_semaphore, #tpu.memory_space<semaphore_mem>>) src(%dma_wait3A_16 : memref<640x16xf32, #tpu.memory_space<vmem_shared>>) dst(%dma_wait3A_14 : memref<640x16xf32, #tpu.memory_space<hbm>>)
      tpu.yield
    }) : () -> ()
    return
  }
}

#map = affine_map<(d0, d1) -> (0, 0)>
#map1 = affine_map<(d0, d1) -> (0, 0, 0)>
#map2 = affine_map<(d0, d1) -> (0, 0, 0, 0)>
module attributes {stable_mosaic.version = 14 : i64} {
  func.func @_prop_body(%arg0: i32, %arg1: i32, %arg2: memref<10240x64xf32, #tpu.memory_space<hbm>>, %arg3: memref<10240x64xf32, #tpu.memory_space<hbm>>, %arg4: memref<16x112x128xi32, #tpu.memory_space<hbm>>, %arg5: memref<16x112x128xi32, #tpu.memory_space<hbm>>, %arg6: memref<16x50x128xi32, #tpu.memory_space<hbm>>, %arg7: memref<16x50x128xi32, #tpu.memory_space<hbm>>, %arg8: memref<10240x64xf32, #tpu.memory_space<hbm>>, %arg9: memref<2x2x10240x64xf32, #tpu.memory_space<hbm>>, %arg10: memref<112x128xi32, #tpu.memory_space<vmem>>, %arg11: memref<112x128xi32, #tpu.memory_space<vmem>>, %arg12: memref<128x64xf32, #tpu.memory_space<vmem>>, %arg13: memref<128x64xf32, #tpu.memory_space<vmem>>, %arg14: memref<10240x64xf32, #tpu.memory_space<vmem_shared>>, %arg15: memref<!tpu.dma_semaphore, #tpu.memory_space<semaphore_mem>>, %arg16: memref<!tpu.dma_semaphore, #tpu.memory_space<semaphore_mem>>) attributes {dimension_semantics = [#tpu.dimension_semantics<core_parallel>, #tpu.dimension_semantics<subcore_parallel>], iteration_bounds = array<i64: 2, 16>, scalar_prefetch = 0 : i64, scratch_operands = 7 : i64, tpu.core_type = #tpu.core_type<sc_vector_subcore>, window_params = [{transform_indices = #map}, {transform_indices = #map}, {transform_indices = #map1}, {transform_indices = #map1}, {transform_indices = #map1}, {transform_indices = #map1}, {transform_indices = #map}, {transform_indices = #map2}]} {
    %mul3A = arith.constant 640 : i32
    %mul3A_0 = arith.muli %arg1, %mul3A : i32
    %eq3A = arith.constant 0 : i32
    %eq3A_1 = arith.cmpi eq, %arg0, %eq3A : i32
    %convert_element_type3A = arith.extui %eq3A_1 : i1 to i32
    %cond3A = arith.constant 0 : i32
    %cond3A_2 = arith.cmpi ne, %convert_element_type3A, %cond3A : i32
    scf.if %cond3A_2 {
      "tpu.region"() ({
        %run_scoped3A_148 = tpu.sem_alloc : memref<!tpu.dma_semaphore, #tpu.memory_space<semaphore_mem>>
        %dma_start3A_149 = arith.constant 0 : i32
        %dma_start3A_150 = arith.constant 0 : i32
        %dma_start3A_151 = tpu.memref_slice %arg10[%dma_start3A_149, %dma_start3A_150] : memref<112x128xi32, #tpu.memory_space<vmem>> -> memref<112x128xi32, #tpu.memory_space<vmem>>
        %dma_start3A_152 = arith.constant 0 : i32
        %dma_start3A_153 = arith.constant 0 : i32
        %dma_start3A_154 = tpu.memref_slice %arg4[%arg1, %dma_start3A_152, %dma_start3A_153] : memref<16x112x128xi32, #tpu.memory_space<hbm>> -> memref<1x112x128xi32, #tpu.memory_space<hbm>>
        %dma_start3A_155 = tpu.memref_squeeze %dma_start3A_154 : memref<1x112x128xi32, #tpu.memory_space<hbm>> -> memref<112x128xi32, #tpu.memory_space<hbm>>
        %dma_start3A_156 = arith.constant 0 : i32
        %dma_start3A_157 = arith.constant 0 : i32
        %dma_start3A_158 = tpu.memref_slice %arg10[%dma_start3A_156, %dma_start3A_157] : memref<112x128xi32, #tpu.memory_space<vmem>> -> memref<112x128xi32, #tpu.memory_space<vmem>>
        %dma_start3A_159 = arith.constant 0 : i32
        %dma_start3A_160 = arith.constant 0 : i32
        %dma_start3A_161 = tpu.memref_slice %arg4[%arg1, %dma_start3A_159, %dma_start3A_160] : memref<16x112x128xi32, #tpu.memory_space<hbm>> -> memref<1x112x128xi32, #tpu.memory_space<hbm>>
        %dma_start3A_162 = tpu.memref_squeeze %dma_start3A_161 : memref<1x112x128xi32, #tpu.memory_space<hbm>> -> memref<112x128xi32, #tpu.memory_space<hbm>>
        tpu.enqueue_dma source(%dma_start3A_162 : memref<112x128xi32, #tpu.memory_space<hbm>>) target(%dma_start3A_158 : memref<112x128xi32, #tpu.memory_space<vmem>>) target_semaphore(%run_scoped3A_148 : memref<!tpu.dma_semaphore, #tpu.memory_space<semaphore_mem>>)
        %dma_wait3A_163 = arith.constant 0 : i32
        %dma_wait3A_164 = arith.constant 0 : i32
        %dma_wait3A_165 = tpu.memref_slice %arg10[%dma_wait3A_163, %dma_wait3A_164] : memref<112x128xi32, #tpu.memory_space<vmem>> -> memref<112x128xi32, #tpu.memory_space<vmem>>
        %dma_wait3A_166 = arith.constant 0 : i32
        %dma_wait3A_167 = arith.constant 0 : i32
        %dma_wait3A_168 = tpu.memref_slice %arg4[%arg1, %dma_wait3A_166, %dma_wait3A_167] : memref<16x112x128xi32, #tpu.memory_space<hbm>> -> memref<1x112x128xi32, #tpu.memory_space<hbm>>
        %dma_wait3A_169 = tpu.memref_squeeze %dma_wait3A_168 : memref<1x112x128xi32, #tpu.memory_space<hbm>> -> memref<112x128xi32, #tpu.memory_space<hbm>>
        %dma_wait3A_170 = arith.constant 0 : i32
        %dma_wait3A_171 = arith.constant 0 : i32
        %dma_wait3A_172 = tpu.memref_slice %arg10[%dma_wait3A_170, %dma_wait3A_171] : memref<112x128xi32, #tpu.memory_space<vmem>> -> memref<112x128xi32, #tpu.memory_space<vmem>>
        %dma_wait3A_173 = arith.constant 0 : i32
        %dma_wait3A_174 = arith.constant 0 : i32
        %dma_wait3A_175 = tpu.memref_slice %arg4[%arg1, %dma_wait3A_173, %dma_wait3A_174] : memref<16x112x128xi32, #tpu.memory_space<hbm>> -> memref<1x112x128xi32, #tpu.memory_space<hbm>>
        %dma_wait3A_176 = tpu.memref_squeeze %dma_wait3A_175 : memref<1x112x128xi32, #tpu.memory_space<hbm>> -> memref<112x128xi32, #tpu.memory_space<hbm>>
        tpu.wait_dma2 semaphore(%run_scoped3A_148 : memref<!tpu.dma_semaphore, #tpu.memory_space<semaphore_mem>>) src(%dma_wait3A_176 : memref<112x128xi32, #tpu.memory_space<hbm>>) dst(%dma_wait3A_172 : memref<112x128xi32, #tpu.memory_space<vmem>>)
        tpu.yield
      }) : () -> ()
      "tpu.region"() ({
        %run_scoped3A_148 = tpu.sem_alloc : memref<!tpu.dma_semaphore, #tpu.memory_space<semaphore_mem>>
        %dma_start3A_149 = arith.constant 0 : i32
        %dma_start3A_150 = arith.constant 0 : i32
        %dma_start3A_151 = tpu.memref_slice %arg11[%dma_start3A_149, %dma_start3A_150] : memref<112x128xi32, #tpu.memory_space<vmem>> -> memref<112x128xi32, #tpu.memory_space<vmem>>
        %dma_start3A_152 = arith.constant 0 : i32
        %dma_start3A_153 = arith.constant 0 : i32
        %dma_start3A_154 = tpu.memref_slice %arg5[%arg1, %dma_start3A_152, %dma_start3A_153] : memref<16x112x128xi32, #tpu.memory_space<hbm>> -> memref<1x112x128xi32, #tpu.memory_space<hbm>>
        %dma_start3A_155 = tpu.memref_squeeze %dma_start3A_154 : memref<1x112x128xi32, #tpu.memory_space<hbm>> -> memref<112x128xi32, #tpu.memory_space<hbm>>
        %dma_start3A_156 = arith.constant 0 : i32
        %dma_start3A_157 = arith.constant 0 : i32
        %dma_start3A_158 = tpu.memref_slice %arg11[%dma_start3A_156, %dma_start3A_157] : memref<112x128xi32, #tpu.memory_space<vmem>> -> memref<112x128xi32, #tpu.memory_space<vmem>>
        %dma_start3A_159 = arith.constant 0 : i32
        %dma_start3A_160 = arith.constant 0 : i32
        %dma_start3A_161 = tpu.memref_slice %arg5[%arg1, %dma_start3A_159, %dma_start3A_160] : memref<16x112x128xi32, #tpu.memory_space<hbm>> -> memref<1x112x128xi32, #tpu.memory_space<hbm>>
        %dma_start3A_162 = tpu.memref_squeeze %dma_start3A_161 : memref<1x112x128xi32, #tpu.memory_space<hbm>> -> memref<112x128xi32, #tpu.memory_space<hbm>>
        tpu.enqueue_dma source(%dma_start3A_162 : memref<112x128xi32, #tpu.memory_space<hbm>>) target(%dma_start3A_158 : memref<112x128xi32, #tpu.memory_space<vmem>>) target_semaphore(%run_scoped3A_148 : memref<!tpu.dma_semaphore, #tpu.memory_space<semaphore_mem>>)
        %dma_wait3A_163 = arith.constant 0 : i32
        %dma_wait3A_164 = arith.constant 0 : i32
        %dma_wait3A_165 = tpu.memref_slice %arg11[%dma_wait3A_163, %dma_wait3A_164] : memref<112x128xi32, #tpu.memory_space<vmem>> -> memref<112x128xi32, #tpu.memory_space<vmem>>
        %dma_wait3A_166 = arith.constant 0 : i32
        %dma_wait3A_167 = arith.constant 0 : i32
        %dma_wait3A_168 = tpu.memref_slice %arg5[%arg1, %dma_wait3A_166, %dma_wait3A_167] : memref<16x112x128xi32, #tpu.memory_space<hbm>> -> memref<1x112x128xi32, #tpu.memory_space<hbm>>
        %dma_wait3A_169 = tpu.memref_squeeze %dma_wait3A_168 : memref<1x112x128xi32, #tpu.memory_space<hbm>> -> memref<112x128xi32, #tpu.memory_space<hbm>>
        %dma_wait3A_170 = arith.constant 0 : i32
        %dma_wait3A_171 = arith.constant 0 : i32
        %dma_wait3A_172 = tpu.memref_slice %arg11[%dma_wait3A_170, %dma_wait3A_171] : memref<112x128xi32, #tpu.memory_space<vmem>> -> memref<112x128xi32, #tpu.memory_space<vmem>>
        %dma_wait3A_173 = arith.constant 0 : i32
        %dma_wait3A_174 = arith.constant 0 : i32
        %dma_wait3A_175 = tpu.memref_slice %arg5[%arg1, %dma_wait3A_173, %dma_wait3A_174] : memref<16x112x128xi32, #tpu.memory_space<hbm>> -> memref<1x112x128xi32, #tpu.memory_space<hbm>>
        %dma_wait3A_176 = tpu.memref_squeeze %dma_wait3A_175 : memref<1x112x128xi32, #tpu.memory_space<hbm>> -> memref<112x128xi32, #tpu.memory_space<hbm>>
        tpu.wait_dma2 semaphore(%run_scoped3A_148 : memref<!tpu.dma_semaphore, #tpu.memory_space<semaphore_mem>>) src(%dma_wait3A_176 : memref<112x128xi32, #tpu.memory_space<hbm>>) dst(%dma_wait3A_172 : memref<112x128xi32, #tpu.memory_space<vmem>>)
        tpu.yield
      }) : () -> ()
    } else {
    }
    %eq3A_3 = arith.constant 1 : i32
    %eq3A_4 = arith.cmpi eq, %arg0, %eq3A_3 : i32
    %convert_element_type3A_5 = arith.extui %eq3A_4 : i1 to i32
    %cond3A_6 = arith.constant 0 : i32
    %cond3A_7 = arith.cmpi ne, %convert_element_type3A_5, %cond3A_6 : i32
    scf.if %cond3A_7 {
      "tpu.region"() ({
        %run_scoped3A_148 = tpu.sem_alloc : memref<!tpu.dma_semaphore, #tpu.memory_space<semaphore_mem>>
        %dma_start3A_149 = arith.constant 0 : i32
        %dma_start3A_150 = arith.constant 0 : i32
        %dma_start3A_151 = tpu.memref_slice %arg10[%dma_start3A_149, %dma_start3A_150] : memref<112x128xi32, #tpu.memory_space<vmem>> -> memref<50x128xi32, #tpu.memory_space<vmem>>
        %dma_start3A_152 = arith.constant 0 : i32
        %dma_start3A_153 = arith.constant 0 : i32
        %dma_start3A_154 = tpu.memref_slice %arg6[%arg1, %dma_start3A_152, %dma_start3A_153] : memref<16x50x128xi32, #tpu.memory_space<hbm>> -> memref<1x50x128xi32, #tpu.memory_space<hbm>>
        %dma_start3A_155 = tpu.memref_squeeze %dma_start3A_154 : memref<1x50x128xi32, #tpu.memory_space<hbm>> -> memref<50x128xi32, #tpu.memory_space<hbm>>
        %dma_start3A_156 = arith.constant 0 : i32
        %dma_start3A_157 = arith.constant 0 : i32
        %dma_start3A_158 = tpu.memref_slice %arg10[%dma_start3A_156, %dma_start3A_157] : memref<112x128xi32, #tpu.memory_space<vmem>> -> memref<50x128xi32, #tpu.memory_space<vmem>>
        %dma_start3A_159 = arith.constant 0 : i32
        %dma_start3A_160 = arith.constant 0 : i32
        %dma_start3A_161 = tpu.memref_slice %arg6[%arg1, %dma_start3A_159, %dma_start3A_160] : memref<16x50x128xi32, #tpu.memory_space<hbm>> -> memref<1x50x128xi32, #tpu.memory_space<hbm>>
        %dma_start3A_162 = tpu.memref_squeeze %dma_start3A_161 : memref<1x50x128xi32, #tpu.memory_space<hbm>> -> memref<50x128xi32, #tpu.memory_space<hbm>>
        tpu.enqueue_dma source(%dma_start3A_162 : memref<50x128xi32, #tpu.memory_space<hbm>>) target(%dma_start3A_158 : memref<50x128xi32, #tpu.memory_space<vmem>>) target_semaphore(%run_scoped3A_148 : memref<!tpu.dma_semaphore, #tpu.memory_space<semaphore_mem>>)
        %dma_wait3A_163 = arith.constant 0 : i32
        %dma_wait3A_164 = arith.constant 0 : i32
        %dma_wait3A_165 = tpu.memref_slice %arg10[%dma_wait3A_163, %dma_wait3A_164] : memref<112x128xi32, #tpu.memory_space<vmem>> -> memref<50x128xi32, #tpu.memory_space<vmem>>
        %dma_wait3A_166 = arith.constant 0 : i32
        %dma_wait3A_167 = arith.constant 0 : i32
        %dma_wait3A_168 = tpu.memref_slice %arg6[%arg1, %dma_wait3A_166, %dma_wait3A_167] : memref<16x50x128xi32, #tpu.memory_space<hbm>> -> memref<1x50x128xi32, #tpu.memory_space<hbm>>
        %dma_wait3A_169 = tpu.memref_squeeze %dma_wait3A_168 : memref<1x50x128xi32, #tpu.memory_space<hbm>> -> memref<50x128xi32, #tpu.memory_space<hbm>>
        %dma_wait3A_170 = arith.constant 0 : i32
        %dma_wait3A_171 = arith.constant 0 : i32
        %dma_wait3A_172 = tpu.memref_slice %arg10[%dma_wait3A_170, %dma_wait3A_171] : memref<112x128xi32, #tpu.memory_space<vmem>> -> memref<50x128xi32, #tpu.memory_space<vmem>>
        %dma_wait3A_173 = arith.constant 0 : i32
        %dma_wait3A_174 = arith.constant 0 : i32
        %dma_wait3A_175 = tpu.memref_slice %arg6[%arg1, %dma_wait3A_173, %dma_wait3A_174] : memref<16x50x128xi32, #tpu.memory_space<hbm>> -> memref<1x50x128xi32, #tpu.memory_space<hbm>>
        %dma_wait3A_176 = tpu.memref_squeeze %dma_wait3A_175 : memref<1x50x128xi32, #tpu.memory_space<hbm>> -> memref<50x128xi32, #tpu.memory_space<hbm>>
        tpu.wait_dma2 semaphore(%run_scoped3A_148 : memref<!tpu.dma_semaphore, #tpu.memory_space<semaphore_mem>>) src(%dma_wait3A_176 : memref<50x128xi32, #tpu.memory_space<hbm>>) dst(%dma_wait3A_172 : memref<50x128xi32, #tpu.memory_space<vmem>>)
        tpu.yield
      }) : () -> ()
      "tpu.region"() ({
        %run_scoped3A_148 = tpu.sem_alloc : memref<!tpu.dma_semaphore, #tpu.memory_space<semaphore_mem>>
        %dma_start3A_149 = arith.constant 0 : i32
        %dma_start3A_150 = arith.constant 0 : i32
        %dma_start3A_151 = tpu.memref_slice %arg11[%dma_start3A_149, %dma_start3A_150] : memref<112x128xi32, #tpu.memory_space<vmem>> -> memref<50x128xi32, #tpu.memory_space<vmem>>
        %dma_start3A_152 = arith.constant 0 : i32
        %dma_start3A_153 = arith.constant 0 : i32
        %dma_start3A_154 = tpu.memref_slice %arg7[%arg1, %dma_start3A_152, %dma_start3A_153] : memref<16x50x128xi32, #tpu.memory_space<hbm>> -> memref<1x50x128xi32, #tpu.memory_space<hbm>>
        %dma_start3A_155 = tpu.memref_squeeze %dma_start3A_154 : memref<1x50x128xi32, #tpu.memory_space<hbm>> -> memref<50x128xi32, #tpu.memory_space<hbm>>
        %dma_start3A_156 = arith.constant 0 : i32
        %dma_start3A_157 = arith.constant 0 : i32
        %dma_start3A_158 = tpu.memref_slice %arg11[%dma_start3A_156, %dma_start3A_157] : memref<112x128xi32, #tpu.memory_space<vmem>> -> memref<50x128xi32, #tpu.memory_space<vmem>>
        %dma_start3A_159 = arith.constant 0 : i32
        %dma_start3A_160 = arith.constant 0 : i32
        %dma_start3A_161 = tpu.memref_slice %arg7[%arg1, %dma_start3A_159, %dma_start3A_160] : memref<16x50x128xi32, #tpu.memory_space<hbm>> -> memref<1x50x128xi32, #tpu.memory_space<hbm>>
        %dma_start3A_162 = tpu.memref_squeeze %dma_start3A_161 : memref<1x50x128xi32, #tpu.memory_space<hbm>> -> memref<50x128xi32, #tpu.memory_space<hbm>>
        tpu.enqueue_dma source(%dma_start3A_162 : memref<50x128xi32, #tpu.memory_space<hbm>>) target(%dma_start3A_158 : memref<50x128xi32, #tpu.memory_space<vmem>>) target_semaphore(%run_scoped3A_148 : memref<!tpu.dma_semaphore, #tpu.memory_space<semaphore_mem>>)
        %dma_wait3A_163 = arith.constant 0 : i32
        %dma_wait3A_164 = arith.constant 0 : i32
        %dma_wait3A_165 = tpu.memref_slice %arg11[%dma_wait3A_163, %dma_wait3A_164] : memref<112x128xi32, #tpu.memory_space<vmem>> -> memref<50x128xi32, #tpu.memory_space<vmem>>
        %dma_wait3A_166 = arith.constant 0 : i32
        %dma_wait3A_167 = arith.constant 0 : i32
        %dma_wait3A_168 = tpu.memref_slice %arg7[%arg1, %dma_wait3A_166, %dma_wait3A_167] : memref<16x50x128xi32, #tpu.memory_space<hbm>> -> memref<1x50x128xi32, #tpu.memory_space<hbm>>
        %dma_wait3A_169 = tpu.memref_squeeze %dma_wait3A_168 : memref<1x50x128xi32, #tpu.memory_space<hbm>> -> memref<50x128xi32, #tpu.memory_space<hbm>>
        %dma_wait3A_170 = arith.constant 0 : i32
        %dma_wait3A_171 = arith.constant 0 : i32
        %dma_wait3A_172 = tpu.memref_slice %arg11[%dma_wait3A_170, %dma_wait3A_171] : memref<112x128xi32, #tpu.memory_space<vmem>> -> memref<50x128xi32, #tpu.memory_space<vmem>>
        %dma_wait3A_173 = arith.constant 0 : i32
        %dma_wait3A_174 = arith.constant 0 : i32
        %dma_wait3A_175 = tpu.memref_slice %arg7[%arg1, %dma_wait3A_173, %dma_wait3A_174] : memref<16x50x128xi32, #tpu.memory_space<hbm>> -> memref<1x50x128xi32, #tpu.memory_space<hbm>>
        %dma_wait3A_176 = tpu.memref_squeeze %dma_wait3A_175 : memref<1x50x128xi32, #tpu.memory_space<hbm>> -> memref<50x128xi32, #tpu.memory_space<hbm>>
        tpu.wait_dma2 semaphore(%run_scoped3A_148 : memref<!tpu.dma_semaphore, #tpu.memory_space<semaphore_mem>>) src(%dma_wait3A_176 : memref<50x128xi32, #tpu.memory_space<hbm>>) dst(%dma_wait3A_172 : memref<50x128xi32, #tpu.memory_space<vmem>>)
        tpu.yield
      }) : () -> ()
    } else {
    }
    %eq3A_8 = arith.constant 0 : i32
    %eq3A_9 = arith.cmpi eq, %arg0, %eq3A_8 : i32
    %select_n3A = arith.constant 50 : i32
    %select_n3A_10 = arith.constant 112 : i32
    %select_n3A_11 = arith.select %eq3A_9, %select_n3A_10, %select_n3A : i32
    "tpu.region"() ({
      %run_scoped3A_148 = tpu.sem_alloc : memref<!tpu.dma_semaphore, #tpu.memory_space<semaphore_mem>>
      %dma_start3A_149 = arith.constant 0 : i32
      %dma_start3A_150 = tpu.memref_slice %arg14[%mul3A_0, %dma_start3A_149] : memref<10240x64xf32, #tpu.memory_space<vmem_shared>> -> memref<640x64xf32, #tpu.memory_space<vmem_shared>>
      %dma_start3A_151 = arith.constant 0 : i32
      %dma_start3A_152 = tpu.memref_slice %arg8[%mul3A_0, %dma_start3A_151] : memref<10240x64xf32, #tpu.memory_space<hbm>> -> memref<640x64xf32, #tpu.memory_space<hbm>>
      tpu.enqueue_dma source(%dma_start3A_152 : memref<640x64xf32, #tpu.memory_space<hbm>>) target(%dma_start3A_150 : memref<640x64xf32, #tpu.memory_space<vmem_shared>>) target_semaphore(%run_scoped3A_148 : memref<!tpu.dma_semaphore, #tpu.memory_space<semaphore_mem>>)
      %dma_wait3A_153 = arith.constant 0 : i32
      %dma_wait3A_154 = tpu.memref_slice %arg14[%mul3A_0, %dma_wait3A_153] : memref<10240x64xf32, #tpu.memory_space<vmem_shared>> -> memref<640x64xf32, #tpu.memory_space<vmem_shared>>
      %dma_wait3A_155 = arith.constant 0 : i32
      %dma_wait3A_156 = tpu.memref_slice %arg8[%mul3A_0, %dma_wait3A_155] : memref<10240x64xf32, #tpu.memory_space<hbm>> -> memref<640x64xf32, #tpu.memory_space<hbm>>
      tpu.wait_dma2 semaphore(%run_scoped3A_148 : memref<!tpu.dma_semaphore, #tpu.memory_space<semaphore_mem>>) src(%dma_wait3A_156 : memref<640x64xf32, #tpu.memory_space<hbm>>) dst(%dma_wait3A_154 : memref<640x64xf32, #tpu.memory_space<vmem_shared>>)
      tpu.yield
    }) : () -> ()
    %barrier3A = arith.constant 0 : index
    tpu.barrier barrier_id(%barrier3A)
    %dma_start3A = arith.constant 0 : i32
    %dma_start3A_12 = arith.constant 0 : i32
    %dma_start3A_13 = tpu.memref_slice %arg10[%dma_start3A, %dma_start3A_12] : memref<112x128xi32, #tpu.memory_space<vmem>> -> memref<1x128xi32, #tpu.memory_space<vmem>>
    %dma_start3A_14 = tpu.memref_squeeze %dma_start3A_13 : memref<1x128xi32, #tpu.memory_space<vmem>> -> memref<128xi32, #tpu.memory_space<vmem>>
    %dma_start3A_15 = arith.constant 0 : i32
    %dma_start3A_16 = arith.constant 0 : i32
    %dma_start3A_17 = tpu.memref_slice %arg2[%dma_start3A_15, %dma_start3A_16] : memref<10240x64xf32, #tpu.memory_space<hbm>> -> memref<10240x64xf32, #tpu.memory_space<hbm>>
    tpu.enqueue_indirect_dma source(%dma_start3A_17 : memref<10240x64xf32, #tpu.memory_space<hbm>>) target(%arg12 : memref<128x64xf32, #tpu.memory_space<vmem>>) offsets(%dma_start3A_14 : memref<128xi32, #tpu.memory_space<vmem>>) semaphore(%arg15 : memref<!tpu.dma_semaphore, #tpu.memory_space<semaphore_mem>>)
    %jit3A = arith.constant 2 : i32
    %div3A = arith.divsi %select_n3A_11, %jit3A : i32
    %sign3A = arith.constant 0 : i32
    %sign3A_18 = arith.cmpi sgt, %select_n3A_11, %sign3A : i32
    %sign3A_19 = arith.extui %sign3A_18 : i1 to i32
    %sign3A_20 = arith.constant 0 : i32
    %sign3A_21 = arith.cmpi slt, %select_n3A_11, %sign3A_20 : i32
    %sign3A_22 = arith.extui %sign3A_21 : i1 to i32
    %sign3A_23 = arith.subi %sign3A_19, %sign3A_22 : i32
    %sign3A_24 = arith.constant 0 : i32
    %sign3A_25 = arith.cmpi sgt, %jit3A, %sign3A_24 : i32
    %sign3A_26 = arith.extui %sign3A_25 : i1 to i32
    %sign3A_27 = arith.constant 0 : i32
    %sign3A_28 = arith.cmpi slt, %jit3A, %sign3A_27 : i32
    %sign3A_29 = arith.extui %sign3A_28 : i1 to i32
    %sign3A_30 = arith.subi %sign3A_26, %sign3A_29 : i32
    %ne3A = arith.cmpi ne, %sign3A_23, %sign3A_30 : i32
    %rem3A = arith.remsi %select_n3A_11, %jit3A : i32
    %ne3A_31 = arith.constant 0 : i32
    %ne3A_32 = arith.cmpi ne, %rem3A, %ne3A_31 : i32
    %and3A = arith.andi %ne3A, %ne3A_32 : i1
    %sub3A = arith.constant 1 : i32
    %sub3A_33 = arith.subi %div3A, %sub3A : i32
    %select_n3A_34 = arith.select %and3A, %sub3A_33, %div3A : i32
    %sub3A_35 = arith.constant 1 : i32
    %sub3A_36 = arith.subi %select_n3A_34, %sub3A_35 : i32
    %while3A = arith.constant 0 : i32
    %while3A_37 = arith.constant 0 : i32
    %while3A_38 = arith.subi %sub3A_36, %while3A_37 : i32
    %while3A_39 = arith.addi %while3A_37, %while3A_38 : i32
    %while3A_40 = arith.constant 1 : i32
    %while3A_41 = arith.divsi %while3A_38, %while3A_40 : i32
    %while3A_42 = arith.muli %while3A_41, %while3A_40 : i32
    %while3A_43 = arith.addi %while3A_37, %while3A_42 : i32
    %while3A_44 = arith.constant 1 : i32
    scf.for %while3A_148 = %while3A_37 to %while3A_43 step %while3A_44  : i32 {
      %mul3A_149 = arith.constant 2 : i32
      %mul3A_150 = arith.muli %mul3A_149, %while3A_148 : i32
      %add3A = arith.constant 1 : i32
      %add3A_151 = arith.addi %mul3A_150, %add3A : i32
      %dma_start3A_152 = arith.constant 0 : i32
      %dma_start3A_153 = tpu.memref_slice %arg10[%add3A_151, %dma_start3A_152] : memref<112x128xi32, #tpu.memory_space<vmem>> -> memref<1x128xi32, #tpu.memory_space<vmem>>
      %dma_start3A_154 = tpu.memref_squeeze %dma_start3A_153 : memref<1x128xi32, #tpu.memory_space<vmem>> -> memref<128xi32, #tpu.memory_space<vmem>>
      %dma_start3A_155 = arith.constant 0 : i32
      %dma_start3A_156 = arith.constant 0 : i32
      %dma_start3A_157 = tpu.memref_slice %arg2[%dma_start3A_155, %dma_start3A_156] : memref<10240x64xf32, #tpu.memory_space<hbm>> -> memref<10240x64xf32, #tpu.memory_space<hbm>>
      tpu.enqueue_indirect_dma source(%dma_start3A_157 : memref<10240x64xf32, #tpu.memory_space<hbm>>) target(%arg13 : memref<128x64xf32, #tpu.memory_space<vmem>>) offsets(%dma_start3A_154 : memref<128xi32, #tpu.memory_space<vmem>>) semaphore(%arg16 : memref<!tpu.dma_semaphore, #tpu.memory_space<semaphore_mem>>)
      %dma_wait3A_158 = arith.constant 0 : i32
      %dma_wait3A_159 = tpu.memref_slice %arg10[%mul3A_150, %dma_wait3A_158] : memref<112x128xi32, #tpu.memory_space<vmem>> -> memref<1x128xi32, #tpu.memory_space<vmem>>
      %dma_wait3A_160 = tpu.memref_squeeze %dma_wait3A_159 : memref<1x128xi32, #tpu.memory_space<vmem>> -> memref<128xi32, #tpu.memory_space<vmem>>
      %dma_wait3A_161 = arith.constant 0 : i32
      %dma_wait3A_162 = arith.constant 0 : i32
      %dma_wait3A_163 = tpu.memref_slice %arg2[%dma_wait3A_161, %dma_wait3A_162] : memref<10240x64xf32, #tpu.memory_space<hbm>> -> memref<10240x64xf32, #tpu.memory_space<hbm>>
      tpu.wait_indirect_dma semaphore(%arg15 : memref<!tpu.dma_semaphore, #tpu.memory_space<semaphore_mem>>) src(%dma_wait3A_163 : memref<10240x64xf32, #tpu.memory_space<hbm>>) dst(%arg12 : memref<128x64xf32, #tpu.memory_space<vmem>>)
      "tpu.region"() ({
        %run_scoped3A_178 = tpu.sem_alloc : memref<!tpu.dma_semaphore, #tpu.memory_space<semaphore_mem>>
        %dma_start3A_179 = arith.constant 0 : i32
        %dma_start3A_180 = tpu.memref_slice %arg11[%mul3A_150, %dma_start3A_179] : memref<112x128xi32, #tpu.memory_space<vmem>> -> memref<1x128xi32, #tpu.memory_space<vmem>>
        %dma_start3A_181 = tpu.memref_squeeze %dma_start3A_180 : memref<1x128xi32, #tpu.memory_space<vmem>> -> memref<128xi32, #tpu.memory_space<vmem>>
        %dma_start3A_182 = arith.constant 0 : i32
        %dma_start3A_183 = arith.constant 0 : i32
        %dma_start3A_184 = tpu.memref_slice %arg14[%dma_start3A_182, %dma_start3A_183] : memref<10240x64xf32, #tpu.memory_space<vmem_shared>> -> memref<10240x64xf32, #tpu.memory_space<vmem_shared>>
        tpu.enqueue_indirect_dma source(%arg12 : memref<128x64xf32, #tpu.memory_space<vmem>>) target(%dma_start3A_184 : memref<10240x64xf32, #tpu.memory_space<vmem_shared>>) offsets(%dma_start3A_181 : memref<128xi32, #tpu.memory_space<vmem>>) semaphore(%run_scoped3A_178 : memref<!tpu.dma_semaphore, #tpu.memory_space<semaphore_mem>>) {add = true}
        %dma_wait3A_185 = arith.constant 0 : i32
        %dma_wait3A_186 = tpu.memref_slice %arg11[%mul3A_150, %dma_wait3A_185] : memref<112x128xi32, #tpu.memory_space<vmem>> -> memref<1x128xi32, #tpu.memory_space<vmem>>
        %dma_wait3A_187 = tpu.memref_squeeze %dma_wait3A_186 : memref<1x128xi32, #tpu.memory_space<vmem>> -> memref<128xi32, #tpu.memory_space<vmem>>
        %dma_wait3A_188 = arith.constant 0 : i32
        %dma_wait3A_189 = arith.constant 0 : i32
        %dma_wait3A_190 = tpu.memref_slice %arg14[%dma_wait3A_188, %dma_wait3A_189] : memref<10240x64xf32, #tpu.memory_space<vmem_shared>> -> memref<10240x64xf32, #tpu.memory_space<vmem_shared>>
        tpu.wait_indirect_dma semaphore(%run_scoped3A_178 : memref<!tpu.dma_semaphore, #tpu.memory_space<semaphore_mem>>) src(%arg12 : memref<128x64xf32, #tpu.memory_space<vmem>>) dst(%dma_wait3A_190 : memref<10240x64xf32, #tpu.memory_space<vmem_shared>>)
        tpu.yield
      }) : () -> ()
      %add3A_164 = arith.constant 2 : i32
      %add3A_165 = arith.addi %mul3A_150, %add3A_164 : i32
      %dma_start3A_166 = arith.constant 0 : i32
      %dma_start3A_167 = tpu.memref_slice %arg10[%add3A_165, %dma_start3A_166] : memref<112x128xi32, #tpu.memory_space<vmem>> -> memref<1x128xi32, #tpu.memory_space<vmem>>
      %dma_start3A_168 = tpu.memref_squeeze %dma_start3A_167 : memref<1x128xi32, #tpu.memory_space<vmem>> -> memref<128xi32, #tpu.memory_space<vmem>>
      %dma_start3A_169 = arith.constant 0 : i32
      %dma_start3A_170 = arith.constant 0 : i32
      %dma_start3A_171 = tpu.memref_slice %arg2[%dma_start3A_169, %dma_start3A_170] : memref<10240x64xf32, #tpu.memory_space<hbm>> -> memref<10240x64xf32, #tpu.memory_space<hbm>>
      tpu.enqueue_indirect_dma source(%dma_start3A_171 : memref<10240x64xf32, #tpu.memory_space<hbm>>) target(%arg12 : memref<128x64xf32, #tpu.memory_space<vmem>>) offsets(%dma_start3A_168 : memref<128xi32, #tpu.memory_space<vmem>>) semaphore(%arg15 : memref<!tpu.dma_semaphore, #tpu.memory_space<semaphore_mem>>)
      %dma_wait3A_172 = arith.constant 0 : i32
      %dma_wait3A_173 = tpu.memref_slice %arg10[%add3A_151, %dma_wait3A_172] : memref<112x128xi32, #tpu.memory_space<vmem>> -> memref<1x128xi32, #tpu.memory_space<vmem>>
      %dma_wait3A_174 = tpu.memref_squeeze %dma_wait3A_173 : memref<1x128xi32, #tpu.memory_space<vmem>> -> memref<128xi32, #tpu.memory_space<vmem>>
      %dma_wait3A_175 = arith.constant 0 : i32
      %dma_wait3A_176 = arith.constant 0 : i32
      %dma_wait3A_177 = tpu.memref_slice %arg2[%dma_wait3A_175, %dma_wait3A_176] : memref<10240x64xf32, #tpu.memory_space<hbm>> -> memref<10240x64xf32, #tpu.memory_space<hbm>>
      tpu.wait_indirect_dma semaphore(%arg16 : memref<!tpu.dma_semaphore, #tpu.memory_space<semaphore_mem>>) src(%dma_wait3A_177 : memref<10240x64xf32, #tpu.memory_space<hbm>>) dst(%arg13 : memref<128x64xf32, #tpu.memory_space<vmem>>)
      "tpu.region"() ({
        %run_scoped3A_178 = tpu.sem_alloc : memref<!tpu.dma_semaphore, #tpu.memory_space<semaphore_mem>>
        %dma_start3A_179 = arith.constant 0 : i32
        %dma_start3A_180 = tpu.memref_slice %arg11[%add3A_151, %dma_start3A_179] : memref<112x128xi32, #tpu.memory_space<vmem>> -> memref<1x128xi32, #tpu.memory_space<vmem>>
        %dma_start3A_181 = tpu.memref_squeeze %dma_start3A_180 : memref<1x128xi32, #tpu.memory_space<vmem>> -> memref<128xi32, #tpu.memory_space<vmem>>
        %dma_start3A_182 = arith.constant 0 : i32
        %dma_start3A_183 = arith.constant 0 : i32
        %dma_start3A_184 = tpu.memref_slice %arg14[%dma_start3A_182, %dma_start3A_183] : memref<10240x64xf32, #tpu.memory_space<vmem_shared>> -> memref<10240x64xf32, #tpu.memory_space<vmem_shared>>
        tpu.enqueue_indirect_dma source(%arg13 : memref<128x64xf32, #tpu.memory_space<vmem>>) target(%dma_start3A_184 : memref<10240x64xf32, #tpu.memory_space<vmem_shared>>) offsets(%dma_start3A_181 : memref<128xi32, #tpu.memory_space<vmem>>) semaphore(%run_scoped3A_178 : memref<!tpu.dma_semaphore, #tpu.memory_space<semaphore_mem>>) {add = true}
        %dma_wait3A_185 = arith.constant 0 : i32
        %dma_wait3A_186 = tpu.memref_slice %arg11[%add3A_151, %dma_wait3A_185] : memref<112x128xi32, #tpu.memory_space<vmem>> -> memref<1x128xi32, #tpu.memory_space<vmem>>
        %dma_wait3A_187 = tpu.memref_squeeze %dma_wait3A_186 : memref<1x128xi32, #tpu.memory_space<vmem>> -> memref<128xi32, #tpu.memory_space<vmem>>
        %dma_wait3A_188 = arith.constant 0 : i32
        %dma_wait3A_189 = arith.constant 0 : i32
        %dma_wait3A_190 = tpu.memref_slice %arg14[%dma_wait3A_188, %dma_wait3A_189] : memref<10240x64xf32, #tpu.memory_space<vmem_shared>> -> memref<10240x64xf32, #tpu.memory_space<vmem_shared>>
        tpu.wait_indirect_dma semaphore(%run_scoped3A_178 : memref<!tpu.dma_semaphore, #tpu.memory_space<semaphore_mem>>) src(%arg13 : memref<128x64xf32, #tpu.memory_space<vmem>>) dst(%dma_wait3A_190 : memref<10240x64xf32, #tpu.memory_space<vmem_shared>>)
        tpu.yield
      }) : () -> ()
    }
    %while3A_45 = arith.constant 1 : i32
    scf.for %while3A_148 = %while3A_43 to %while3A_39 step %while3A_45  : i32 {
      %mul3A_149 = arith.constant 2 : i32
      %mul3A_150 = arith.muli %mul3A_149, %while3A_148 : i32
      %add3A = arith.constant 1 : i32
      %add3A_151 = arith.addi %mul3A_150, %add3A : i32
      %dma_start3A_152 = arith.constant 0 : i32
      %dma_start3A_153 = tpu.memref_slice %arg10[%add3A_151, %dma_start3A_152] : memref<112x128xi32, #tpu.memory_space<vmem>> -> memref<1x128xi32, #tpu.memory_space<vmem>>
      %dma_start3A_154 = tpu.memref_squeeze %dma_start3A_153 : memref<1x128xi32, #tpu.memory_space<vmem>> -> memref<128xi32, #tpu.memory_space<vmem>>
      %dma_start3A_155 = arith.constant 0 : i32
      %dma_start3A_156 = arith.constant 0 : i32
      %dma_start3A_157 = tpu.memref_slice %arg2[%dma_start3A_155, %dma_start3A_156] : memref<10240x64xf32, #tpu.memory_space<hbm>> -> memref<10240x64xf32, #tpu.memory_space<hbm>>
      tpu.enqueue_indirect_dma source(%dma_start3A_157 : memref<10240x64xf32, #tpu.memory_space<hbm>>) target(%arg13 : memref<128x64xf32, #tpu.memory_space<vmem>>) offsets(%dma_start3A_154 : memref<128xi32, #tpu.memory_space<vmem>>) semaphore(%arg16 : memref<!tpu.dma_semaphore, #tpu.memory_space<semaphore_mem>>)
      %dma_wait3A_158 = arith.constant 0 : i32
      %dma_wait3A_159 = tpu.memref_slice %arg10[%mul3A_150, %dma_wait3A_158] : memref<112x128xi32, #tpu.memory_space<vmem>> -> memref<1x128xi32, #tpu.memory_space<vmem>>
      %dma_wait3A_160 = tpu.memref_squeeze %dma_wait3A_159 : memref<1x128xi32, #tpu.memory_space<vmem>> -> memref<128xi32, #tpu.memory_space<vmem>>
      %dma_wait3A_161 = arith.constant 0 : i32
      %dma_wait3A_162 = arith.constant 0 : i32
      %dma_wait3A_163 = tpu.memref_slice %arg2[%dma_wait3A_161, %dma_wait3A_162] : memref<10240x64xf32, #tpu.memory_space<hbm>> -> memref<10240x64xf32, #tpu.memory_space<hbm>>
      tpu.wait_indirect_dma semaphore(%arg15 : memref<!tpu.dma_semaphore, #tpu.memory_space<semaphore_mem>>) src(%dma_wait3A_163 : memref<10240x64xf32, #tpu.memory_space<hbm>>) dst(%arg12 : memref<128x64xf32, #tpu.memory_space<vmem>>)
      "tpu.region"() ({
        %run_scoped3A_178 = tpu.sem_alloc : memref<!tpu.dma_semaphore, #tpu.memory_space<semaphore_mem>>
        %dma_start3A_179 = arith.constant 0 : i32
        %dma_start3A_180 = tpu.memref_slice %arg11[%mul3A_150, %dma_start3A_179] : memref<112x128xi32, #tpu.memory_space<vmem>> -> memref<1x128xi32, #tpu.memory_space<vmem>>
        %dma_start3A_181 = tpu.memref_squeeze %dma_start3A_180 : memref<1x128xi32, #tpu.memory_space<vmem>> -> memref<128xi32, #tpu.memory_space<vmem>>
        %dma_start3A_182 = arith.constant 0 : i32
        %dma_start3A_183 = arith.constant 0 : i32
        %dma_start3A_184 = tpu.memref_slice %arg14[%dma_start3A_182, %dma_start3A_183] : memref<10240x64xf32, #tpu.memory_space<vmem_shared>> -> memref<10240x64xf32, #tpu.memory_space<vmem_shared>>
        tpu.enqueue_indirect_dma source(%arg12 : memref<128x64xf32, #tpu.memory_space<vmem>>) target(%dma_start3A_184 : memref<10240x64xf32, #tpu.memory_space<vmem_shared>>) offsets(%dma_start3A_181 : memref<128xi32, #tpu.memory_space<vmem>>) semaphore(%run_scoped3A_178 : memref<!tpu.dma_semaphore, #tpu.memory_space<semaphore_mem>>) {add = true}
        %dma_wait3A_185 = arith.constant 0 : i32
        %dma_wait3A_186 = tpu.memref_slice %arg11[%mul3A_150, %dma_wait3A_185] : memref<112x128xi32, #tpu.memory_space<vmem>> -> memref<1x128xi32, #tpu.memory_space<vmem>>
        %dma_wait3A_187 = tpu.memref_squeeze %dma_wait3A_186 : memref<1x128xi32, #tpu.memory_space<vmem>> -> memref<128xi32, #tpu.memory_space<vmem>>
        %dma_wait3A_188 = arith.constant 0 : i32
        %dma_wait3A_189 = arith.constant 0 : i32
        %dma_wait3A_190 = tpu.memref_slice %arg14[%dma_wait3A_188, %dma_wait3A_189] : memref<10240x64xf32, #tpu.memory_space<vmem_shared>> -> memref<10240x64xf32, #tpu.memory_space<vmem_shared>>
        tpu.wait_indirect_dma semaphore(%run_scoped3A_178 : memref<!tpu.dma_semaphore, #tpu.memory_space<semaphore_mem>>) src(%arg12 : memref<128x64xf32, #tpu.memory_space<vmem>>) dst(%dma_wait3A_190 : memref<10240x64xf32, #tpu.memory_space<vmem_shared>>)
        tpu.yield
      }) : () -> ()
      %add3A_164 = arith.constant 2 : i32
      %add3A_165 = arith.addi %mul3A_150, %add3A_164 : i32
      %dma_start3A_166 = arith.constant 0 : i32
      %dma_start3A_167 = tpu.memref_slice %arg10[%add3A_165, %dma_start3A_166] : memref<112x128xi32, #tpu.memory_space<vmem>> -> memref<1x128xi32, #tpu.memory_space<vmem>>
      %dma_start3A_168 = tpu.memref_squeeze %dma_start3A_167 : memref<1x128xi32, #tpu.memory_space<vmem>> -> memref<128xi32, #tpu.memory_space<vmem>>
      %dma_start3A_169 = arith.constant 0 : i32
      %dma_start3A_170 = arith.constant 0 : i32
      %dma_start3A_171 = tpu.memref_slice %arg2[%dma_start3A_169, %dma_start3A_170] : memref<10240x64xf32, #tpu.memory_space<hbm>> -> memref<10240x64xf32, #tpu.memory_space<hbm>>
      tpu.enqueue_indirect_dma source(%dma_start3A_171 : memref<10240x64xf32, #tpu.memory_space<hbm>>) target(%arg12 : memref<128x64xf32, #tpu.memory_space<vmem>>) offsets(%dma_start3A_168 : memref<128xi32, #tpu.memory_space<vmem>>) semaphore(%arg15 : memref<!tpu.dma_semaphore, #tpu.memory_space<semaphore_mem>>)
      %dma_wait3A_172 = arith.constant 0 : i32
      %dma_wait3A_173 = tpu.memref_slice %arg10[%add3A_151, %dma_wait3A_172] : memref<112x128xi32, #tpu.memory_space<vmem>> -> memref<1x128xi32, #tpu.memory_space<vmem>>
      %dma_wait3A_174 = tpu.memref_squeeze %dma_wait3A_173 : memref<1x128xi32, #tpu.memory_space<vmem>> -> memref<128xi32, #tpu.memory_space<vmem>>
      %dma_wait3A_175 = arith.constant 0 : i32
      %dma_wait3A_176 = arith.constant 0 : i32
      %dma_wait3A_177 = tpu.memref_slice %arg2[%dma_wait3A_175, %dma_wait3A_176] : memref<10240x64xf32, #tpu.memory_space<hbm>> -> memref<10240x64xf32, #tpu.memory_space<hbm>>
      tpu.wait_indirect_dma semaphore(%arg16 : memref<!tpu.dma_semaphore, #tpu.memory_space<semaphore_mem>>) src(%dma_wait3A_177 : memref<10240x64xf32, #tpu.memory_space<hbm>>) dst(%arg13 : memref<128x64xf32, #tpu.memory_space<vmem>>)
      "tpu.region"() ({
        %run_scoped3A_178 = tpu.sem_alloc : memref<!tpu.dma_semaphore, #tpu.memory_space<semaphore_mem>>
        %dma_start3A_179 = arith.constant 0 : i32
        %dma_start3A_180 = tpu.memref_slice %arg11[%add3A_151, %dma_start3A_179] : memref<112x128xi32, #tpu.memory_space<vmem>> -> memref<1x128xi32, #tpu.memory_space<vmem>>
        %dma_start3A_181 = tpu.memref_squeeze %dma_start3A_180 : memref<1x128xi32, #tpu.memory_space<vmem>> -> memref<128xi32, #tpu.memory_space<vmem>>
        %dma_start3A_182 = arith.constant 0 : i32
        %dma_start3A_183 = arith.constant 0 : i32
        %dma_start3A_184 = tpu.memref_slice %arg14[%dma_start3A_182, %dma_start3A_183] : memref<10240x64xf32, #tpu.memory_space<vmem_shared>> -> memref<10240x64xf32, #tpu.memory_space<vmem_shared>>
        tpu.enqueue_indirect_dma source(%arg13 : memref<128x64xf32, #tpu.memory_space<vmem>>) target(%dma_start3A_184 : memref<10240x64xf32, #tpu.memory_space<vmem_shared>>) offsets(%dma_start3A_181 : memref<128xi32, #tpu.memory_space<vmem>>) semaphore(%run_scoped3A_178 : memref<!tpu.dma_semaphore, #tpu.memory_space<semaphore_mem>>) {add = true}
        %dma_wait3A_185 = arith.constant 0 : i32
        %dma_wait3A_186 = tpu.memref_slice %arg11[%add3A_151, %dma_wait3A_185] : memref<112x128xi32, #tpu.memory_space<vmem>> -> memref<1x128xi32, #tpu.memory_space<vmem>>
        %dma_wait3A_187 = tpu.memref_squeeze %dma_wait3A_186 : memref<1x128xi32, #tpu.memory_space<vmem>> -> memref<128xi32, #tpu.memory_space<vmem>>
        %dma_wait3A_188 = arith.constant 0 : i32
        %dma_wait3A_189 = arith.constant 0 : i32
        %dma_wait3A_190 = tpu.memref_slice %arg14[%dma_wait3A_188, %dma_wait3A_189] : memref<10240x64xf32, #tpu.memory_space<vmem_shared>> -> memref<10240x64xf32, #tpu.memory_space<vmem_shared>>
        tpu.wait_indirect_dma semaphore(%run_scoped3A_178 : memref<!tpu.dma_semaphore, #tpu.memory_space<semaphore_mem>>) src(%arg13 : memref<128x64xf32, #tpu.memory_space<vmem>>) dst(%dma_wait3A_190 : memref<10240x64xf32, #tpu.memory_space<vmem_shared>>)
        tpu.yield
      }) : () -> ()
    }
    %sub3A_46 = arith.constant 1 : i32
    %sub3A_47 = arith.subi %select_n3A_11, %sub3A_46 : i32
    %dma_start3A_48 = arith.constant 0 : i32
    %dma_start3A_49 = tpu.memref_slice %arg10[%sub3A_47, %dma_start3A_48] : memref<112x128xi32, #tpu.memory_space<vmem>> -> memref<1x128xi32, #tpu.memory_space<vmem>>
    %dma_start3A_50 = tpu.memref_squeeze %dma_start3A_49 : memref<1x128xi32, #tpu.memory_space<vmem>> -> memref<128xi32, #tpu.memory_space<vmem>>
    %dma_start3A_51 = arith.constant 0 : i32
    %dma_start3A_52 = arith.constant 0 : i32
    %dma_start3A_53 = tpu.memref_slice %arg2[%dma_start3A_51, %dma_start3A_52] : memref<10240x64xf32, #tpu.memory_space<hbm>> -> memref<10240x64xf32, #tpu.memory_space<hbm>>
    tpu.enqueue_indirect_dma source(%dma_start3A_53 : memref<10240x64xf32, #tpu.memory_space<hbm>>) target(%arg13 : memref<128x64xf32, #tpu.memory_space<vmem>>) offsets(%dma_start3A_50 : memref<128xi32, #tpu.memory_space<vmem>>) semaphore(%arg16 : memref<!tpu.dma_semaphore, #tpu.memory_space<semaphore_mem>>)
    %sub3A_54 = arith.constant 2 : i32
    %sub3A_55 = arith.subi %select_n3A_11, %sub3A_54 : i32
    %dma_wait3A = arith.constant 0 : i32
    %dma_wait3A_56 = tpu.memref_slice %arg10[%sub3A_55, %dma_wait3A] : memref<112x128xi32, #tpu.memory_space<vmem>> -> memref<1x128xi32, #tpu.memory_space<vmem>>
    %dma_wait3A_57 = tpu.memref_squeeze %dma_wait3A_56 : memref<1x128xi32, #tpu.memory_space<vmem>> -> memref<128xi32, #tpu.memory_space<vmem>>
    %dma_wait3A_58 = arith.constant 0 : i32
    %dma_wait3A_59 = arith.constant 0 : i32
    %dma_wait3A_60 = tpu.memref_slice %arg2[%dma_wait3A_58, %dma_wait3A_59] : memref<10240x64xf32, #tpu.memory_space<hbm>> -> memref<10240x64xf32, #tpu.memory_space<hbm>>
    tpu.wait_indirect_dma semaphore(%arg15 : memref<!tpu.dma_semaphore, #tpu.memory_space<semaphore_mem>>) src(%dma_wait3A_60 : memref<10240x64xf32, #tpu.memory_space<hbm>>) dst(%arg12 : memref<128x64xf32, #tpu.memory_space<vmem>>)
    %sub3A_61 = arith.constant 2 : i32
    %sub3A_62 = arith.subi %select_n3A_11, %sub3A_61 : i32
    "tpu.region"() ({
      %run_scoped3A_148 = tpu.sem_alloc : memref<!tpu.dma_semaphore, #tpu.memory_space<semaphore_mem>>
      %dma_start3A_149 = arith.constant 0 : i32
      %dma_start3A_150 = tpu.memref_slice %arg11[%sub3A_62, %dma_start3A_149] : memref<112x128xi32, #tpu.memory_space<vmem>> -> memref<1x128xi32, #tpu.memory_space<vmem>>
      %dma_start3A_151 = tpu.memref_squeeze %dma_start3A_150 : memref<1x128xi32, #tpu.memory_space<vmem>> -> memref<128xi32, #tpu.memory_space<vmem>>
      %dma_start3A_152 = arith.constant 0 : i32
      %dma_start3A_153 = arith.constant 0 : i32
      %dma_start3A_154 = tpu.memref_slice %arg14[%dma_start3A_152, %dma_start3A_153] : memref<10240x64xf32, #tpu.memory_space<vmem_shared>> -> memref<10240x64xf32, #tpu.memory_space<vmem_shared>>
      tpu.enqueue_indirect_dma source(%arg12 : memref<128x64xf32, #tpu.memory_space<vmem>>) target(%dma_start3A_154 : memref<10240x64xf32, #tpu.memory_space<vmem_shared>>) offsets(%dma_start3A_151 : memref<128xi32, #tpu.memory_space<vmem>>) semaphore(%run_scoped3A_148 : memref<!tpu.dma_semaphore, #tpu.memory_space<semaphore_mem>>) {add = true}
      %dma_wait3A_155 = arith.constant 0 : i32
      %dma_wait3A_156 = tpu.memref_slice %arg11[%sub3A_62, %dma_wait3A_155] : memref<112x128xi32, #tpu.memory_space<vmem>> -> memref<1x128xi32, #tpu.memory_space<vmem>>
      %dma_wait3A_157 = tpu.memref_squeeze %dma_wait3A_156 : memref<1x128xi32, #tpu.memory_space<vmem>> -> memref<128xi32, #tpu.memory_space<vmem>>
      %dma_wait3A_158 = arith.constant 0 : i32
      %dma_wait3A_159 = arith.constant 0 : i32
      %dma_wait3A_160 = tpu.memref_slice %arg14[%dma_wait3A_158, %dma_wait3A_159] : memref<10240x64xf32, #tpu.memory_space<vmem_shared>> -> memref<10240x64xf32, #tpu.memory_space<vmem_shared>>
      tpu.wait_indirect_dma semaphore(%run_scoped3A_148 : memref<!tpu.dma_semaphore, #tpu.memory_space<semaphore_mem>>) src(%arg12 : memref<128x64xf32, #tpu.memory_space<vmem>>) dst(%dma_wait3A_160 : memref<10240x64xf32, #tpu.memory_space<vmem_shared>>)
      tpu.yield
    }) : () -> ()
    %sub3A_63 = arith.constant 1 : i32
    %sub3A_64 = arith.subi %select_n3A_11, %sub3A_63 : i32
    %dma_wait3A_65 = arith.constant 0 : i32
    %dma_wait3A_66 = tpu.memref_slice %arg10[%sub3A_64, %dma_wait3A_65] : memref<112x128xi32, #tpu.memory_space<vmem>> -> memref<1x128xi32, #tpu.memory_space<vmem>>
    %dma_wait3A_67 = tpu.memref_squeeze %dma_wait3A_66 : memref<1x128xi32, #tpu.memory_space<vmem>> -> memref<128xi32, #tpu.memory_space<vmem>>
    %dma_wait3A_68 = arith.constant 0 : i32
    %dma_wait3A_69 = arith.constant 0 : i32
    %dma_wait3A_70 = tpu.memref_slice %arg2[%dma_wait3A_68, %dma_wait3A_69] : memref<10240x64xf32, #tpu.memory_space<hbm>> -> memref<10240x64xf32, #tpu.memory_space<hbm>>
    tpu.wait_indirect_dma semaphore(%arg16 : memref<!tpu.dma_semaphore, #tpu.memory_space<semaphore_mem>>) src(%dma_wait3A_70 : memref<10240x64xf32, #tpu.memory_space<hbm>>) dst(%arg13 : memref<128x64xf32, #tpu.memory_space<vmem>>)
    %sub3A_71 = arith.constant 1 : i32
    %sub3A_72 = arith.subi %select_n3A_11, %sub3A_71 : i32
    "tpu.region"() ({
      %run_scoped3A_148 = tpu.sem_alloc : memref<!tpu.dma_semaphore, #tpu.memory_space<semaphore_mem>>
      %dma_start3A_149 = arith.constant 0 : i32
      %dma_start3A_150 = tpu.memref_slice %arg11[%sub3A_72, %dma_start3A_149] : memref<112x128xi32, #tpu.memory_space<vmem>> -> memref<1x128xi32, #tpu.memory_space<vmem>>
      %dma_start3A_151 = tpu.memref_squeeze %dma_start3A_150 : memref<1x128xi32, #tpu.memory_space<vmem>> -> memref<128xi32, #tpu.memory_space<vmem>>
      %dma_start3A_152 = arith.constant 0 : i32
      %dma_start3A_153 = arith.constant 0 : i32
      %dma_start3A_154 = tpu.memref_slice %arg14[%dma_start3A_152, %dma_start3A_153] : memref<10240x64xf32, #tpu.memory_space<vmem_shared>> -> memref<10240x64xf32, #tpu.memory_space<vmem_shared>>
      tpu.enqueue_indirect_dma source(%arg13 : memref<128x64xf32, #tpu.memory_space<vmem>>) target(%dma_start3A_154 : memref<10240x64xf32, #tpu.memory_space<vmem_shared>>) offsets(%dma_start3A_151 : memref<128xi32, #tpu.memory_space<vmem>>) semaphore(%run_scoped3A_148 : memref<!tpu.dma_semaphore, #tpu.memory_space<semaphore_mem>>) {add = true}
      %dma_wait3A_155 = arith.constant 0 : i32
      %dma_wait3A_156 = tpu.memref_slice %arg11[%sub3A_72, %dma_wait3A_155] : memref<112x128xi32, #tpu.memory_space<vmem>> -> memref<1x128xi32, #tpu.memory_space<vmem>>
      %dma_wait3A_157 = tpu.memref_squeeze %dma_wait3A_156 : memref<1x128xi32, #tpu.memory_space<vmem>> -> memref<128xi32, #tpu.memory_space<vmem>>
      %dma_wait3A_158 = arith.constant 0 : i32
      %dma_wait3A_159 = arith.constant 0 : i32
      %dma_wait3A_160 = tpu.memref_slice %arg14[%dma_wait3A_158, %dma_wait3A_159] : memref<10240x64xf32, #tpu.memory_space<vmem_shared>> -> memref<10240x64xf32, #tpu.memory_space<vmem_shared>>
      tpu.wait_indirect_dma semaphore(%run_scoped3A_148 : memref<!tpu.dma_semaphore, #tpu.memory_space<semaphore_mem>>) src(%arg13 : memref<128x64xf32, #tpu.memory_space<vmem>>) dst(%dma_wait3A_160 : memref<10240x64xf32, #tpu.memory_space<vmem_shared>>)
      tpu.yield
    }) : () -> ()
    %barrier3A_73 = arith.constant 0 : index
    tpu.barrier barrier_id(%barrier3A_73)
    %run_scoped3A = arith.constant 0 : i32
    "tpu.region"() ({
      %run_scoped3A_148 = tpu.sem_alloc : memref<!tpu.dma_semaphore, #tpu.memory_space<semaphore_mem>>
      %dma_start3A_149 = arith.constant 0 : i32
      %dma_start3A_150 = tpu.memref_slice %arg9[%run_scoped3A, %arg0, %mul3A_0, %dma_start3A_149] : memref<2x2x10240x64xf32, #tpu.memory_space<hbm>> -> memref<1x1x640x64xf32, #tpu.memory_space<hbm>>
      %dma_start3A_151 = tpu.memref_squeeze %dma_start3A_150 : memref<1x1x640x64xf32, #tpu.memory_space<hbm>> -> memref<640x64xf32, #tpu.memory_space<hbm>>
      %dma_start3A_152 = arith.constant 0 : i32
      %dma_start3A_153 = tpu.memref_slice %arg14[%mul3A_0, %dma_start3A_152] : memref<10240x64xf32, #tpu.memory_space<vmem_shared>> -> memref<640x64xf32, #tpu.memory_space<vmem_shared>>
      tpu.enqueue_dma source(%dma_start3A_153 : memref<640x64xf32, #tpu.memory_space<vmem_shared>>) target(%dma_start3A_151 : memref<640x64xf32, #tpu.memory_space<hbm>>) target_semaphore(%run_scoped3A_148 : memref<!tpu.dma_semaphore, #tpu.memory_space<semaphore_mem>>)
      %dma_wait3A_154 = arith.constant 0 : i32
      %dma_wait3A_155 = tpu.memref_slice %arg9[%run_scoped3A, %arg0, %mul3A_0, %dma_wait3A_154] : memref<2x2x10240x64xf32, #tpu.memory_space<hbm>> -> memref<1x1x640x64xf32, #tpu.memory_space<hbm>>
      %dma_wait3A_156 = tpu.memref_squeeze %dma_wait3A_155 : memref<1x1x640x64xf32, #tpu.memory_space<hbm>> -> memref<640x64xf32, #tpu.memory_space<hbm>>
      %dma_wait3A_157 = arith.constant 0 : i32
      %dma_wait3A_158 = tpu.memref_slice %arg14[%mul3A_0, %dma_wait3A_157] : memref<10240x64xf32, #tpu.memory_space<vmem_shared>> -> memref<640x64xf32, #tpu.memory_space<vmem_shared>>
      tpu.wait_dma2 semaphore(%run_scoped3A_148 : memref<!tpu.dma_semaphore, #tpu.memory_space<semaphore_mem>>) src(%dma_wait3A_158 : memref<640x64xf32, #tpu.memory_space<vmem_shared>>) dst(%dma_wait3A_156 : memref<640x64xf32, #tpu.memory_space<hbm>>)
      tpu.yield
    }) : () -> ()
    "tpu.region"() ({
      %run_scoped3A_148 = tpu.sem_alloc : memref<!tpu.dma_semaphore, #tpu.memory_space<semaphore_mem>>
      %dma_start3A_149 = arith.constant 0 : i32
      %dma_start3A_150 = tpu.memref_slice %arg14[%mul3A_0, %dma_start3A_149] : memref<10240x64xf32, #tpu.memory_space<vmem_shared>> -> memref<640x64xf32, #tpu.memory_space<vmem_shared>>
      %dma_start3A_151 = arith.constant 0 : i32
      %dma_start3A_152 = tpu.memref_slice %arg8[%mul3A_0, %dma_start3A_151] : memref<10240x64xf32, #tpu.memory_space<hbm>> -> memref<640x64xf32, #tpu.memory_space<hbm>>
      tpu.enqueue_dma source(%dma_start3A_152 : memref<640x64xf32, #tpu.memory_space<hbm>>) target(%dma_start3A_150 : memref<640x64xf32, #tpu.memory_space<vmem_shared>>) target_semaphore(%run_scoped3A_148 : memref<!tpu.dma_semaphore, #tpu.memory_space<semaphore_mem>>)
      %dma_wait3A_153 = arith.constant 0 : i32
      %dma_wait3A_154 = tpu.memref_slice %arg14[%mul3A_0, %dma_wait3A_153] : memref<10240x64xf32, #tpu.memory_space<vmem_shared>> -> memref<640x64xf32, #tpu.memory_space<vmem_shared>>
      %dma_wait3A_155 = arith.constant 0 : i32
      %dma_wait3A_156 = tpu.memref_slice %arg8[%mul3A_0, %dma_wait3A_155] : memref<10240x64xf32, #tpu.memory_space<hbm>> -> memref<640x64xf32, #tpu.memory_space<hbm>>
      tpu.wait_dma2 semaphore(%run_scoped3A_148 : memref<!tpu.dma_semaphore, #tpu.memory_space<semaphore_mem>>) src(%dma_wait3A_156 : memref<640x64xf32, #tpu.memory_space<hbm>>) dst(%dma_wait3A_154 : memref<640x64xf32, #tpu.memory_space<vmem_shared>>)
      tpu.yield
    }) : () -> ()
    %barrier3A_74 = arith.constant 0 : index
    tpu.barrier barrier_id(%barrier3A_74)
    %dma_start3A_75 = arith.constant 0 : i32
    %dma_start3A_76 = arith.constant 0 : i32
    %dma_start3A_77 = tpu.memref_slice %arg10[%dma_start3A_75, %dma_start3A_76] : memref<112x128xi32, #tpu.memory_space<vmem>> -> memref<1x128xi32, #tpu.memory_space<vmem>>
    %dma_start3A_78 = tpu.memref_squeeze %dma_start3A_77 : memref<1x128xi32, #tpu.memory_space<vmem>> -> memref<128xi32, #tpu.memory_space<vmem>>
    %dma_start3A_79 = arith.constant 0 : i32
    %dma_start3A_80 = arith.constant 0 : i32
    %dma_start3A_81 = tpu.memref_slice %arg3[%dma_start3A_79, %dma_start3A_80] : memref<10240x64xf32, #tpu.memory_space<hbm>> -> memref<10240x64xf32, #tpu.memory_space<hbm>>
    tpu.enqueue_indirect_dma source(%dma_start3A_81 : memref<10240x64xf32, #tpu.memory_space<hbm>>) target(%arg12 : memref<128x64xf32, #tpu.memory_space<vmem>>) offsets(%dma_start3A_78 : memref<128xi32, #tpu.memory_space<vmem>>) semaphore(%arg15 : memref<!tpu.dma_semaphore, #tpu.memory_space<semaphore_mem>>)
    %jit3A_82 = arith.constant 2 : i32
    %div3A_83 = arith.divsi %select_n3A_11, %jit3A_82 : i32
    %sign3A_84 = arith.constant 0 : i32
    %sign3A_85 = arith.cmpi sgt, %select_n3A_11, %sign3A_84 : i32
    %sign3A_86 = arith.extui %sign3A_85 : i1 to i32
    %sign3A_87 = arith.constant 0 : i32
    %sign3A_88 = arith.cmpi slt, %select_n3A_11, %sign3A_87 : i32
    %sign3A_89 = arith.extui %sign3A_88 : i1 to i32
    %sign3A_90 = arith.subi %sign3A_86, %sign3A_89 : i32
    %sign3A_91 = arith.constant 0 : i32
    %sign3A_92 = arith.cmpi sgt, %jit3A_82, %sign3A_91 : i32
    %sign3A_93 = arith.extui %sign3A_92 : i1 to i32
    %sign3A_94 = arith.constant 0 : i32
    %sign3A_95 = arith.cmpi slt, %jit3A_82, %sign3A_94 : i32
    %sign3A_96 = arith.extui %sign3A_95 : i1 to i32
    %sign3A_97 = arith.subi %sign3A_93, %sign3A_96 : i32
    %ne3A_98 = arith.cmpi ne, %sign3A_90, %sign3A_97 : i32
    %rem3A_99 = arith.remsi %select_n3A_11, %jit3A_82 : i32
    %ne3A_100 = arith.constant 0 : i32
    %ne3A_101 = arith.cmpi ne, %rem3A_99, %ne3A_100 : i32
    %and3A_102 = arith.andi %ne3A_98, %ne3A_101 : i1
    %sub3A_103 = arith.constant 1 : i32
    %sub3A_104 = arith.subi %div3A_83, %sub3A_103 : i32
    %select_n3A_105 = arith.select %and3A_102, %sub3A_104, %div3A_83 : i32
    %sub3A_106 = arith.constant 1 : i32
    %sub3A_107 = arith.subi %select_n3A_105, %sub3A_106 : i32
    %while3A_108 = arith.constant 0 : i32
    %while3A_109 = arith.constant 0 : i32
    %while3A_110 = arith.subi %sub3A_107, %while3A_109 : i32
    %while3A_111 = arith.addi %while3A_109, %while3A_110 : i32
    %while3A_112 = arith.constant 1 : i32
    %while3A_113 = arith.divsi %while3A_110, %while3A_112 : i32
    %while3A_114 = arith.muli %while3A_113, %while3A_112 : i32
    %while3A_115 = arith.addi %while3A_109, %while3A_114 : i32
    %while3A_116 = arith.constant 1 : i32
    scf.for %while3A_148 = %while3A_109 to %while3A_115 step %while3A_116  : i32 {
      %mul3A_149 = arith.constant 2 : i32
      %mul3A_150 = arith.muli %mul3A_149, %while3A_148 : i32
      %add3A = arith.constant 1 : i32
      %add3A_151 = arith.addi %mul3A_150, %add3A : i32
      %dma_start3A_152 = arith.constant 0 : i32
      %dma_start3A_153 = tpu.memref_slice %arg10[%add3A_151, %dma_start3A_152] : memref<112x128xi32, #tpu.memory_space<vmem>> -> memref<1x128xi32, #tpu.memory_space<vmem>>
      %dma_start3A_154 = tpu.memref_squeeze %dma_start3A_153 : memref<1x128xi32, #tpu.memory_space<vmem>> -> memref<128xi32, #tpu.memory_space<vmem>>
      %dma_start3A_155 = arith.constant 0 : i32
      %dma_start3A_156 = arith.constant 0 : i32
      %dma_start3A_157 = tpu.memref_slice %arg3[%dma_start3A_155, %dma_start3A_156] : memref<10240x64xf32, #tpu.memory_space<hbm>> -> memref<10240x64xf32, #tpu.memory_space<hbm>>
      tpu.enqueue_indirect_dma source(%dma_start3A_157 : memref<10240x64xf32, #tpu.memory_space<hbm>>) target(%arg13 : memref<128x64xf32, #tpu.memory_space<vmem>>) offsets(%dma_start3A_154 : memref<128xi32, #tpu.memory_space<vmem>>) semaphore(%arg16 : memref<!tpu.dma_semaphore, #tpu.memory_space<semaphore_mem>>)
      %dma_wait3A_158 = arith.constant 0 : i32
      %dma_wait3A_159 = tpu.memref_slice %arg10[%mul3A_150, %dma_wait3A_158] : memref<112x128xi32, #tpu.memory_space<vmem>> -> memref<1x128xi32, #tpu.memory_space<vmem>>
      %dma_wait3A_160 = tpu.memref_squeeze %dma_wait3A_159 : memref<1x128xi32, #tpu.memory_space<vmem>> -> memref<128xi32, #tpu.memory_space<vmem>>
      %dma_wait3A_161 = arith.constant 0 : i32
      %dma_wait3A_162 = arith.constant 0 : i32
      %dma_wait3A_163 = tpu.memref_slice %arg3[%dma_wait3A_161, %dma_wait3A_162] : memref<10240x64xf32, #tpu.memory_space<hbm>> -> memref<10240x64xf32, #tpu.memory_space<hbm>>
      tpu.wait_indirect_dma semaphore(%arg15 : memref<!tpu.dma_semaphore, #tpu.memory_space<semaphore_mem>>) src(%dma_wait3A_163 : memref<10240x64xf32, #tpu.memory_space<hbm>>) dst(%arg12 : memref<128x64xf32, #tpu.memory_space<vmem>>)
      "tpu.region"() ({
        %run_scoped3A_178 = tpu.sem_alloc : memref<!tpu.dma_semaphore, #tpu.memory_space<semaphore_mem>>
        %dma_start3A_179 = arith.constant 0 : i32
        %dma_start3A_180 = tpu.memref_slice %arg11[%mul3A_150, %dma_start3A_179] : memref<112x128xi32, #tpu.memory_space<vmem>> -> memref<1x128xi32, #tpu.memory_space<vmem>>
        %dma_start3A_181 = tpu.memref_squeeze %dma_start3A_180 : memref<1x128xi32, #tpu.memory_space<vmem>> -> memref<128xi32, #tpu.memory_space<vmem>>
        %dma_start3A_182 = arith.constant 0 : i32
        %dma_start3A_183 = arith.constant 0 : i32
        %dma_start3A_184 = tpu.memref_slice %arg14[%dma_start3A_182, %dma_start3A_183] : memref<10240x64xf32, #tpu.memory_space<vmem_shared>> -> memref<10240x64xf32, #tpu.memory_space<vmem_shared>>
        tpu.enqueue_indirect_dma source(%arg12 : memref<128x64xf32, #tpu.memory_space<vmem>>) target(%dma_start3A_184 : memref<10240x64xf32, #tpu.memory_space<vmem_shared>>) offsets(%dma_start3A_181 : memref<128xi32, #tpu.memory_space<vmem>>) semaphore(%run_scoped3A_178 : memref<!tpu.dma_semaphore, #tpu.memory_space<semaphore_mem>>) {add = true}
        %dma_wait3A_185 = arith.constant 0 : i32
        %dma_wait3A_186 = tpu.memref_slice %arg11[%mul3A_150, %dma_wait3A_185] : memref<112x128xi32, #tpu.memory_space<vmem>> -> memref<1x128xi32, #tpu.memory_space<vmem>>
        %dma_wait3A_187 = tpu.memref_squeeze %dma_wait3A_186 : memref<1x128xi32, #tpu.memory_space<vmem>> -> memref<128xi32, #tpu.memory_space<vmem>>
        %dma_wait3A_188 = arith.constant 0 : i32
        %dma_wait3A_189 = arith.constant 0 : i32
        %dma_wait3A_190 = tpu.memref_slice %arg14[%dma_wait3A_188, %dma_wait3A_189] : memref<10240x64xf32, #tpu.memory_space<vmem_shared>> -> memref<10240x64xf32, #tpu.memory_space<vmem_shared>>
        tpu.wait_indirect_dma semaphore(%run_scoped3A_178 : memref<!tpu.dma_semaphore, #tpu.memory_space<semaphore_mem>>) src(%arg12 : memref<128x64xf32, #tpu.memory_space<vmem>>) dst(%dma_wait3A_190 : memref<10240x64xf32, #tpu.memory_space<vmem_shared>>)
        tpu.yield
      }) : () -> ()
      %add3A_164 = arith.constant 2 : i32
      %add3A_165 = arith.addi %mul3A_150, %add3A_164 : i32
      %dma_start3A_166 = arith.constant 0 : i32
      %dma_start3A_167 = tpu.memref_slice %arg10[%add3A_165, %dma_start3A_166] : memref<112x128xi32, #tpu.memory_space<vmem>> -> memref<1x128xi32, #tpu.memory_space<vmem>>
      %dma_start3A_168 = tpu.memref_squeeze %dma_start3A_167 : memref<1x128xi32, #tpu.memory_space<vmem>> -> memref<128xi32, #tpu.memory_space<vmem>>
      %dma_start3A_169 = arith.constant 0 : i32
      %dma_start3A_170 = arith.constant 0 : i32
      %dma_start3A_171 = tpu.memref_slice %arg3[%dma_start3A_169, %dma_start3A_170] : memref<10240x64xf32, #tpu.memory_space<hbm>> -> memref<10240x64xf32, #tpu.memory_space<hbm>>
      tpu.enqueue_indirect_dma source(%dma_start3A_171 : memref<10240x64xf32, #tpu.memory_space<hbm>>) target(%arg12 : memref<128x64xf32, #tpu.memory_space<vmem>>) offsets(%dma_start3A_168 : memref<128xi32, #tpu.memory_space<vmem>>) semaphore(%arg15 : memref<!tpu.dma_semaphore, #tpu.memory_space<semaphore_mem>>)
      %dma_wait3A_172 = arith.constant 0 : i32
      %dma_wait3A_173 = tpu.memref_slice %arg10[%add3A_151, %dma_wait3A_172] : memref<112x128xi32, #tpu.memory_space<vmem>> -> memref<1x128xi32, #tpu.memory_space<vmem>>
      %dma_wait3A_174 = tpu.memref_squeeze %dma_wait3A_173 : memref<1x128xi32, #tpu.memory_space<vmem>> -> memref<128xi32, #tpu.memory_space<vmem>>
      %dma_wait3A_175 = arith.constant 0 : i32
      %dma_wait3A_176 = arith.constant 0 : i32
      %dma_wait3A_177 = tpu.memref_slice %arg3[%dma_wait3A_175, %dma_wait3A_176] : memref<10240x64xf32, #tpu.memory_space<hbm>> -> memref<10240x64xf32, #tpu.memory_space<hbm>>
      tpu.wait_indirect_dma semaphore(%arg16 : memref<!tpu.dma_semaphore, #tpu.memory_space<semaphore_mem>>) src(%dma_wait3A_177 : memref<10240x64xf32, #tpu.memory_space<hbm>>) dst(%arg13 : memref<128x64xf32, #tpu.memory_space<vmem>>)
      "tpu.region"() ({
        %run_scoped3A_178 = tpu.sem_alloc : memref<!tpu.dma_semaphore, #tpu.memory_space<semaphore_mem>>
        %dma_start3A_179 = arith.constant 0 : i32
        %dma_start3A_180 = tpu.memref_slice %arg11[%add3A_151, %dma_start3A_179] : memref<112x128xi32, #tpu.memory_space<vmem>> -> memref<1x128xi32, #tpu.memory_space<vmem>>
        %dma_start3A_181 = tpu.memref_squeeze %dma_start3A_180 : memref<1x128xi32, #tpu.memory_space<vmem>> -> memref<128xi32, #tpu.memory_space<vmem>>
        %dma_start3A_182 = arith.constant 0 : i32
        %dma_start3A_183 = arith.constant 0 : i32
        %dma_start3A_184 = tpu.memref_slice %arg14[%dma_start3A_182, %dma_start3A_183] : memref<10240x64xf32, #tpu.memory_space<vmem_shared>> -> memref<10240x64xf32, #tpu.memory_space<vmem_shared>>
        tpu.enqueue_indirect_dma source(%arg13 : memref<128x64xf32, #tpu.memory_space<vmem>>) target(%dma_start3A_184 : memref<10240x64xf32, #tpu.memory_space<vmem_shared>>) offsets(%dma_start3A_181 : memref<128xi32, #tpu.memory_space<vmem>>) semaphore(%run_scoped3A_178 : memref<!tpu.dma_semaphore, #tpu.memory_space<semaphore_mem>>) {add = true}
        %dma_wait3A_185 = arith.constant 0 : i32
        %dma_wait3A_186 = tpu.memref_slice %arg11[%add3A_151, %dma_wait3A_185] : memref<112x128xi32, #tpu.memory_space<vmem>> -> memref<1x128xi32, #tpu.memory_space<vmem>>
        %dma_wait3A_187 = tpu.memref_squeeze %dma_wait3A_186 : memref<1x128xi32, #tpu.memory_space<vmem>> -> memref<128xi32, #tpu.memory_space<vmem>>
        %dma_wait3A_188 = arith.constant 0 : i32
        %dma_wait3A_189 = arith.constant 0 : i32
        %dma_wait3A_190 = tpu.memref_slice %arg14[%dma_wait3A_188, %dma_wait3A_189] : memref<10240x64xf32, #tpu.memory_space<vmem_shared>> -> memref<10240x64xf32, #tpu.memory_space<vmem_shared>>
        tpu.wait_indirect_dma semaphore(%run_scoped3A_178 : memref<!tpu.dma_semaphore, #tpu.memory_space<semaphore_mem>>) src(%arg13 : memref<128x64xf32, #tpu.memory_space<vmem>>) dst(%dma_wait3A_190 : memref<10240x64xf32, #tpu.memory_space<vmem_shared>>)
        tpu.yield
      }) : () -> ()
    }
    %while3A_117 = arith.constant 1 : i32
    scf.for %while3A_148 = %while3A_115 to %while3A_111 step %while3A_117  : i32 {
      %mul3A_149 = arith.constant 2 : i32
      %mul3A_150 = arith.muli %mul3A_149, %while3A_148 : i32
      %add3A = arith.constant 1 : i32
      %add3A_151 = arith.addi %mul3A_150, %add3A : i32
      %dma_start3A_152 = arith.constant 0 : i32
      %dma_start3A_153 = tpu.memref_slice %arg10[%add3A_151, %dma_start3A_152] : memref<112x128xi32, #tpu.memory_space<vmem>> -> memref<1x128xi32, #tpu.memory_space<vmem>>
      %dma_start3A_154 = tpu.memref_squeeze %dma_start3A_153 : memref<1x128xi32, #tpu.memory_space<vmem>> -> memref<128xi32, #tpu.memory_space<vmem>>
      %dma_start3A_155 = arith.constant 0 : i32
      %dma_start3A_156 = arith.constant 0 : i32
      %dma_start3A_157 = tpu.memref_slice %arg3[%dma_start3A_155, %dma_start3A_156] : memref<10240x64xf32, #tpu.memory_space<hbm>> -> memref<10240x64xf32, #tpu.memory_space<hbm>>
      tpu.enqueue_indirect_dma source(%dma_start3A_157 : memref<10240x64xf32, #tpu.memory_space<hbm>>) target(%arg13 : memref<128x64xf32, #tpu.memory_space<vmem>>) offsets(%dma_start3A_154 : memref<128xi32, #tpu.memory_space<vmem>>) semaphore(%arg16 : memref<!tpu.dma_semaphore, #tpu.memory_space<semaphore_mem>>)
      %dma_wait3A_158 = arith.constant 0 : i32
      %dma_wait3A_159 = tpu.memref_slice %arg10[%mul3A_150, %dma_wait3A_158] : memref<112x128xi32, #tpu.memory_space<vmem>> -> memref<1x128xi32, #tpu.memory_space<vmem>>
      %dma_wait3A_160 = tpu.memref_squeeze %dma_wait3A_159 : memref<1x128xi32, #tpu.memory_space<vmem>> -> memref<128xi32, #tpu.memory_space<vmem>>
      %dma_wait3A_161 = arith.constant 0 : i32
      %dma_wait3A_162 = arith.constant 0 : i32
      %dma_wait3A_163 = tpu.memref_slice %arg3[%dma_wait3A_161, %dma_wait3A_162] : memref<10240x64xf32, #tpu.memory_space<hbm>> -> memref<10240x64xf32, #tpu.memory_space<hbm>>
      tpu.wait_indirect_dma semaphore(%arg15 : memref<!tpu.dma_semaphore, #tpu.memory_space<semaphore_mem>>) src(%dma_wait3A_163 : memref<10240x64xf32, #tpu.memory_space<hbm>>) dst(%arg12 : memref<128x64xf32, #tpu.memory_space<vmem>>)
      "tpu.region"() ({
        %run_scoped3A_178 = tpu.sem_alloc : memref<!tpu.dma_semaphore, #tpu.memory_space<semaphore_mem>>
        %dma_start3A_179 = arith.constant 0 : i32
        %dma_start3A_180 = tpu.memref_slice %arg11[%mul3A_150, %dma_start3A_179] : memref<112x128xi32, #tpu.memory_space<vmem>> -> memref<1x128xi32, #tpu.memory_space<vmem>>
        %dma_start3A_181 = tpu.memref_squeeze %dma_start3A_180 : memref<1x128xi32, #tpu.memory_space<vmem>> -> memref<128xi32, #tpu.memory_space<vmem>>
        %dma_start3A_182 = arith.constant 0 : i32
        %dma_start3A_183 = arith.constant 0 : i32
        %dma_start3A_184 = tpu.memref_slice %arg14[%dma_start3A_182, %dma_start3A_183] : memref<10240x64xf32, #tpu.memory_space<vmem_shared>> -> memref<10240x64xf32, #tpu.memory_space<vmem_shared>>
        tpu.enqueue_indirect_dma source(%arg12 : memref<128x64xf32, #tpu.memory_space<vmem>>) target(%dma_start3A_184 : memref<10240x64xf32, #tpu.memory_space<vmem_shared>>) offsets(%dma_start3A_181 : memref<128xi32, #tpu.memory_space<vmem>>) semaphore(%run_scoped3A_178 : memref<!tpu.dma_semaphore, #tpu.memory_space<semaphore_mem>>) {add = true}
        %dma_wait3A_185 = arith.constant 0 : i32
        %dma_wait3A_186 = tpu.memref_slice %arg11[%mul3A_150, %dma_wait3A_185] : memref<112x128xi32, #tpu.memory_space<vmem>> -> memref<1x128xi32, #tpu.memory_space<vmem>>
        %dma_wait3A_187 = tpu.memref_squeeze %dma_wait3A_186 : memref<1x128xi32, #tpu.memory_space<vmem>> -> memref<128xi32, #tpu.memory_space<vmem>>
        %dma_wait3A_188 = arith.constant 0 : i32
        %dma_wait3A_189 = arith.constant 0 : i32
        %dma_wait3A_190 = tpu.memref_slice %arg14[%dma_wait3A_188, %dma_wait3A_189] : memref<10240x64xf32, #tpu.memory_space<vmem_shared>> -> memref<10240x64xf32, #tpu.memory_space<vmem_shared>>
        tpu.wait_indirect_dma semaphore(%run_scoped3A_178 : memref<!tpu.dma_semaphore, #tpu.memory_space<semaphore_mem>>) src(%arg12 : memref<128x64xf32, #tpu.memory_space<vmem>>) dst(%dma_wait3A_190 : memref<10240x64xf32, #tpu.memory_space<vmem_shared>>)
        tpu.yield
      }) : () -> ()
      %add3A_164 = arith.constant 2 : i32
      %add3A_165 = arith.addi %mul3A_150, %add3A_164 : i32
      %dma_start3A_166 = arith.constant 0 : i32
      %dma_start3A_167 = tpu.memref_slice %arg10[%add3A_165, %dma_start3A_166] : memref<112x128xi32, #tpu.memory_space<vmem>> -> memref<1x128xi32, #tpu.memory_space<vmem>>
      %dma_start3A_168 = tpu.memref_squeeze %dma_start3A_167 : memref<1x128xi32, #tpu.memory_space<vmem>> -> memref<128xi32, #tpu.memory_space<vmem>>
      %dma_start3A_169 = arith.constant 0 : i32
      %dma_start3A_170 = arith.constant 0 : i32
      %dma_start3A_171 = tpu.memref_slice %arg3[%dma_start3A_169, %dma_start3A_170] : memref<10240x64xf32, #tpu.memory_space<hbm>> -> memref<10240x64xf32, #tpu.memory_space<hbm>>
      tpu.enqueue_indirect_dma source(%dma_start3A_171 : memref<10240x64xf32, #tpu.memory_space<hbm>>) target(%arg12 : memref<128x64xf32, #tpu.memory_space<vmem>>) offsets(%dma_start3A_168 : memref<128xi32, #tpu.memory_space<vmem>>) semaphore(%arg15 : memref<!tpu.dma_semaphore, #tpu.memory_space<semaphore_mem>>)
      %dma_wait3A_172 = arith.constant 0 : i32
      %dma_wait3A_173 = tpu.memref_slice %arg10[%add3A_151, %dma_wait3A_172] : memref<112x128xi32, #tpu.memory_space<vmem>> -> memref<1x128xi32, #tpu.memory_space<vmem>>
      %dma_wait3A_174 = tpu.memref_squeeze %dma_wait3A_173 : memref<1x128xi32, #tpu.memory_space<vmem>> -> memref<128xi32, #tpu.memory_space<vmem>>
      %dma_wait3A_175 = arith.constant 0 : i32
      %dma_wait3A_176 = arith.constant 0 : i32
      %dma_wait3A_177 = tpu.memref_slice %arg3[%dma_wait3A_175, %dma_wait3A_176] : memref<10240x64xf32, #tpu.memory_space<hbm>> -> memref<10240x64xf32, #tpu.memory_space<hbm>>
      tpu.wait_indirect_dma semaphore(%arg16 : memref<!tpu.dma_semaphore, #tpu.memory_space<semaphore_mem>>) src(%dma_wait3A_177 : memref<10240x64xf32, #tpu.memory_space<hbm>>) dst(%arg13 : memref<128x64xf32, #tpu.memory_space<vmem>>)
      "tpu.region"() ({
        %run_scoped3A_178 = tpu.sem_alloc : memref<!tpu.dma_semaphore, #tpu.memory_space<semaphore_mem>>
        %dma_start3A_179 = arith.constant 0 : i32
        %dma_start3A_180 = tpu.memref_slice %arg11[%add3A_151, %dma_start3A_179] : memref<112x128xi32, #tpu.memory_space<vmem>> -> memref<1x128xi32, #tpu.memory_space<vmem>>
        %dma_start3A_181 = tpu.memref_squeeze %dma_start3A_180 : memref<1x128xi32, #tpu.memory_space<vmem>> -> memref<128xi32, #tpu.memory_space<vmem>>
        %dma_start3A_182 = arith.constant 0 : i32
        %dma_start3A_183 = arith.constant 0 : i32
        %dma_start3A_184 = tpu.memref_slice %arg14[%dma_start3A_182, %dma_start3A_183] : memref<10240x64xf32, #tpu.memory_space<vmem_shared>> -> memref<10240x64xf32, #tpu.memory_space<vmem_shared>>
        tpu.enqueue_indirect_dma source(%arg13 : memref<128x64xf32, #tpu.memory_space<vmem>>) target(%dma_start3A_184 : memref<10240x64xf32, #tpu.memory_space<vmem_shared>>) offsets(%dma_start3A_181 : memref<128xi32, #tpu.memory_space<vmem>>) semaphore(%run_scoped3A_178 : memref<!tpu.dma_semaphore, #tpu.memory_space<semaphore_mem>>) {add = true}
        %dma_wait3A_185 = arith.constant 0 : i32
        %dma_wait3A_186 = tpu.memref_slice %arg11[%add3A_151, %dma_wait3A_185] : memref<112x128xi32, #tpu.memory_space<vmem>> -> memref<1x128xi32, #tpu.memory_space<vmem>>
        %dma_wait3A_187 = tpu.memref_squeeze %dma_wait3A_186 : memref<1x128xi32, #tpu.memory_space<vmem>> -> memref<128xi32, #tpu.memory_space<vmem>>
        %dma_wait3A_188 = arith.constant 0 : i32
        %dma_wait3A_189 = arith.constant 0 : i32
        %dma_wait3A_190 = tpu.memref_slice %arg14[%dma_wait3A_188, %dma_wait3A_189] : memref<10240x64xf32, #tpu.memory_space<vmem_shared>> -> memref<10240x64xf32, #tpu.memory_space<vmem_shared>>
        tpu.wait_indirect_dma semaphore(%run_scoped3A_178 : memref<!tpu.dma_semaphore, #tpu.memory_space<semaphore_mem>>) src(%arg13 : memref<128x64xf32, #tpu.memory_space<vmem>>) dst(%dma_wait3A_190 : memref<10240x64xf32, #tpu.memory_space<vmem_shared>>)
        tpu.yield
      }) : () -> ()
    }
    %sub3A_118 = arith.constant 1 : i32
    %sub3A_119 = arith.subi %select_n3A_11, %sub3A_118 : i32
    %dma_start3A_120 = arith.constant 0 : i32
    %dma_start3A_121 = tpu.memref_slice %arg10[%sub3A_119, %dma_start3A_120] : memref<112x128xi32, #tpu.memory_space<vmem>> -> memref<1x128xi32, #tpu.memory_space<vmem>>
    %dma_start3A_122 = tpu.memref_squeeze %dma_start3A_121 : memref<1x128xi32, #tpu.memory_space<vmem>> -> memref<128xi32, #tpu.memory_space<vmem>>
    %dma_start3A_123 = arith.constant 0 : i32
    %dma_start3A_124 = arith.constant 0 : i32
    %dma_start3A_125 = tpu.memref_slice %arg3[%dma_start3A_123, %dma_start3A_124] : memref<10240x64xf32, #tpu.memory_space<hbm>> -> memref<10240x64xf32, #tpu.memory_space<hbm>>
    tpu.enqueue_indirect_dma source(%dma_start3A_125 : memref<10240x64xf32, #tpu.memory_space<hbm>>) target(%arg13 : memref<128x64xf32, #tpu.memory_space<vmem>>) offsets(%dma_start3A_122 : memref<128xi32, #tpu.memory_space<vmem>>) semaphore(%arg16 : memref<!tpu.dma_semaphore, #tpu.memory_space<semaphore_mem>>)
    %sub3A_126 = arith.constant 2 : i32
    %sub3A_127 = arith.subi %select_n3A_11, %sub3A_126 : i32
    %dma_wait3A_128 = arith.constant 0 : i32
    %dma_wait3A_129 = tpu.memref_slice %arg10[%sub3A_127, %dma_wait3A_128] : memref<112x128xi32, #tpu.memory_space<vmem>> -> memref<1x128xi32, #tpu.memory_space<vmem>>
    %dma_wait3A_130 = tpu.memref_squeeze %dma_wait3A_129 : memref<1x128xi32, #tpu.memory_space<vmem>> -> memref<128xi32, #tpu.memory_space<vmem>>
    %dma_wait3A_131 = arith.constant 0 : i32
    %dma_wait3A_132 = arith.constant 0 : i32
    %dma_wait3A_133 = tpu.memref_slice %arg3[%dma_wait3A_131, %dma_wait3A_132] : memref<10240x64xf32, #tpu.memory_space<hbm>> -> memref<10240x64xf32, #tpu.memory_space<hbm>>
    tpu.wait_indirect_dma semaphore(%arg15 : memref<!tpu.dma_semaphore, #tpu.memory_space<semaphore_mem>>) src(%dma_wait3A_133 : memref<10240x64xf32, #tpu.memory_space<hbm>>) dst(%arg12 : memref<128x64xf32, #tpu.memory_space<vmem>>)
    %sub3A_134 = arith.constant 2 : i32
    %sub3A_135 = arith.subi %select_n3A_11, %sub3A_134 : i32
    "tpu.region"() ({
      %run_scoped3A_148 = tpu.sem_alloc : memref<!tpu.dma_semaphore, #tpu.memory_space<semaphore_mem>>
      %dma_start3A_149 = arith.constant 0 : i32
      %dma_start3A_150 = tpu.memref_slice %arg11[%sub3A_135, %dma_start3A_149] : memref<112x128xi32, #tpu.memory_space<vmem>> -> memref<1x128xi32, #tpu.memory_space<vmem>>
      %dma_start3A_151 = tpu.memref_squeeze %dma_start3A_150 : memref<1x128xi32, #tpu.memory_space<vmem>> -> memref<128xi32, #tpu.memory_space<vmem>>
      %dma_start3A_152 = arith.constant 0 : i32
      %dma_start3A_153 = arith.constant 0 : i32
      %dma_start3A_154 = tpu.memref_slice %arg14[%dma_start3A_152, %dma_start3A_153] : memref<10240x64xf32, #tpu.memory_space<vmem_shared>> -> memref<10240x64xf32, #tpu.memory_space<vmem_shared>>
      tpu.enqueue_indirect_dma source(%arg12 : memref<128x64xf32, #tpu.memory_space<vmem>>) target(%dma_start3A_154 : memref<10240x64xf32, #tpu.memory_space<vmem_shared>>) offsets(%dma_start3A_151 : memref<128xi32, #tpu.memory_space<vmem>>) semaphore(%run_scoped3A_148 : memref<!tpu.dma_semaphore, #tpu.memory_space<semaphore_mem>>) {add = true}
      %dma_wait3A_155 = arith.constant 0 : i32
      %dma_wait3A_156 = tpu.memref_slice %arg11[%sub3A_135, %dma_wait3A_155] : memref<112x128xi32, #tpu.memory_space<vmem>> -> memref<1x128xi32, #tpu.memory_space<vmem>>
      %dma_wait3A_157 = tpu.memref_squeeze %dma_wait3A_156 : memref<1x128xi32, #tpu.memory_space<vmem>> -> memref<128xi32, #tpu.memory_space<vmem>>
      %dma_wait3A_158 = arith.constant 0 : i32
      %dma_wait3A_159 = arith.constant 0 : i32
      %dma_wait3A_160 = tpu.memref_slice %arg14[%dma_wait3A_158, %dma_wait3A_159] : memref<10240x64xf32, #tpu.memory_space<vmem_shared>> -> memref<10240x64xf32, #tpu.memory_space<vmem_shared>>
      tpu.wait_indirect_dma semaphore(%run_scoped3A_148 : memref<!tpu.dma_semaphore, #tpu.memory_space<semaphore_mem>>) src(%arg12 : memref<128x64xf32, #tpu.memory_space<vmem>>) dst(%dma_wait3A_160 : memref<10240x64xf32, #tpu.memory_space<vmem_shared>>)
      tpu.yield
    }) : () -> ()
    %sub3A_136 = arith.constant 1 : i32
    %sub3A_137 = arith.subi %select_n3A_11, %sub3A_136 : i32
    %dma_wait3A_138 = arith.constant 0 : i32
    %dma_wait3A_139 = tpu.memref_slice %arg10[%sub3A_137, %dma_wait3A_138] : memref<112x128xi32, #tpu.memory_space<vmem>> -> memref<1x128xi32, #tpu.memory_space<vmem>>
    %dma_wait3A_140 = tpu.memref_squeeze %dma_wait3A_139 : memref<1x128xi32, #tpu.memory_space<vmem>> -> memref<128xi32, #tpu.memory_space<vmem>>
    %dma_wait3A_141 = arith.constant 0 : i32
    %dma_wait3A_142 = arith.constant 0 : i32
    %dma_wait3A_143 = tpu.memref_slice %arg3[%dma_wait3A_141, %dma_wait3A_142] : memref<10240x64xf32, #tpu.memory_space<hbm>> -> memref<10240x64xf32, #tpu.memory_space<hbm>>
    tpu.wait_indirect_dma semaphore(%arg16 : memref<!tpu.dma_semaphore, #tpu.memory_space<semaphore_mem>>) src(%dma_wait3A_143 : memref<10240x64xf32, #tpu.memory_space<hbm>>) dst(%arg13 : memref<128x64xf32, #tpu.memory_space<vmem>>)
    %sub3A_144 = arith.constant 1 : i32
    %sub3A_145 = arith.subi %select_n3A_11, %sub3A_144 : i32
    "tpu.region"() ({
      %run_scoped3A_148 = tpu.sem_alloc : memref<!tpu.dma_semaphore, #tpu.memory_space<semaphore_mem>>
      %dma_start3A_149 = arith.constant 0 : i32
      %dma_start3A_150 = tpu.memref_slice %arg11[%sub3A_145, %dma_start3A_149] : memref<112x128xi32, #tpu.memory_space<vmem>> -> memref<1x128xi32, #tpu.memory_space<vmem>>
      %dma_start3A_151 = tpu.memref_squeeze %dma_start3A_150 : memref<1x128xi32, #tpu.memory_space<vmem>> -> memref<128xi32, #tpu.memory_space<vmem>>
      %dma_start3A_152 = arith.constant 0 : i32
      %dma_start3A_153 = arith.constant 0 : i32
      %dma_start3A_154 = tpu.memref_slice %arg14[%dma_start3A_152, %dma_start3A_153] : memref<10240x64xf32, #tpu.memory_space<vmem_shared>> -> memref<10240x64xf32, #tpu.memory_space<vmem_shared>>
      tpu.enqueue_indirect_dma source(%arg13 : memref<128x64xf32, #tpu.memory_space<vmem>>) target(%dma_start3A_154 : memref<10240x64xf32, #tpu.memory_space<vmem_shared>>) offsets(%dma_start3A_151 : memref<128xi32, #tpu.memory_space<vmem>>) semaphore(%run_scoped3A_148 : memref<!tpu.dma_semaphore, #tpu.memory_space<semaphore_mem>>) {add = true}
      %dma_wait3A_155 = arith.constant 0 : i32
      %dma_wait3A_156 = tpu.memref_slice %arg11[%sub3A_145, %dma_wait3A_155] : memref<112x128xi32, #tpu.memory_space<vmem>> -> memref<1x128xi32, #tpu.memory_space<vmem>>
      %dma_wait3A_157 = tpu.memref_squeeze %dma_wait3A_156 : memref<1x128xi32, #tpu.memory_space<vmem>> -> memref<128xi32, #tpu.memory_space<vmem>>
      %dma_wait3A_158 = arith.constant 0 : i32
      %dma_wait3A_159 = arith.constant 0 : i32
      %dma_wait3A_160 = tpu.memref_slice %arg14[%dma_wait3A_158, %dma_wait3A_159] : memref<10240x64xf32, #tpu.memory_space<vmem_shared>> -> memref<10240x64xf32, #tpu.memory_space<vmem_shared>>
      tpu.wait_indirect_dma semaphore(%run_scoped3A_148 : memref<!tpu.dma_semaphore, #tpu.memory_space<semaphore_mem>>) src(%arg13 : memref<128x64xf32, #tpu.memory_space<vmem>>) dst(%dma_wait3A_160 : memref<10240x64xf32, #tpu.memory_space<vmem_shared>>)
      tpu.yield
    }) : () -> ()
    %barrier3A_146 = arith.constant 0 : index
    tpu.barrier barrier_id(%barrier3A_146)
    %run_scoped3A_147 = arith.constant 1 : i32
    "tpu.region"() ({
      %run_scoped3A_148 = tpu.sem_alloc : memref<!tpu.dma_semaphore, #tpu.memory_space<semaphore_mem>>
      %dma_start3A_149 = arith.constant 0 : i32
      %dma_start3A_150 = tpu.memref_slice %arg9[%run_scoped3A_147, %arg0, %mul3A_0, %dma_start3A_149] : memref<2x2x10240x64xf32, #tpu.memory_space<hbm>> -> memref<1x1x640x64xf32, #tpu.memory_space<hbm>>
      %dma_start3A_151 = tpu.memref_squeeze %dma_start3A_150 : memref<1x1x640x64xf32, #tpu.memory_space<hbm>> -> memref<640x64xf32, #tpu.memory_space<hbm>>
      %dma_start3A_152 = arith.constant 0 : i32
      %dma_start3A_153 = tpu.memref_slice %arg14[%mul3A_0, %dma_start3A_152] : memref<10240x64xf32, #tpu.memory_space<vmem_shared>> -> memref<640x64xf32, #tpu.memory_space<vmem_shared>>
      tpu.enqueue_dma source(%dma_start3A_153 : memref<640x64xf32, #tpu.memory_space<vmem_shared>>) target(%dma_start3A_151 : memref<640x64xf32, #tpu.memory_space<hbm>>) target_semaphore(%run_scoped3A_148 : memref<!tpu.dma_semaphore, #tpu.memory_space<semaphore_mem>>)
      %dma_wait3A_154 = arith.constant 0 : i32
      %dma_wait3A_155 = tpu.memref_slice %arg9[%run_scoped3A_147, %arg0, %mul3A_0, %dma_wait3A_154] : memref<2x2x10240x64xf32, #tpu.memory_space<hbm>> -> memref<1x1x640x64xf32, #tpu.memory_space<hbm>>
      %dma_wait3A_156 = tpu.memref_squeeze %dma_wait3A_155 : memref<1x1x640x64xf32, #tpu.memory_space<hbm>> -> memref<640x64xf32, #tpu.memory_space<hbm>>
      %dma_wait3A_157 = arith.constant 0 : i32
      %dma_wait3A_158 = tpu.memref_slice %arg14[%mul3A_0, %dma_wait3A_157] : memref<10240x64xf32, #tpu.memory_space<vmem_shared>> -> memref<640x64xf32, #tpu.memory_space<vmem_shared>>
      tpu.wait_dma2 semaphore(%run_scoped3A_148 : memref<!tpu.dma_semaphore, #tpu.memory_space<semaphore_mem>>) src(%dma_wait3A_158 : memref<640x64xf32, #tpu.memory_space<vmem_shared>>) dst(%dma_wait3A_156 : memref<640x64xf32, #tpu.memory_space<hbm>>)
      tpu.yield
    }) : () -> ()
    return
  }
}

#map = affine_map<(d0, d1) -> (0, 0)>
#map1 = affine_map<(d0, d1) -> (0, 0, 0)>
#map2 = affine_map<(d0, d1) -> (0, 0, 0, 0)>
module attributes {stable_mosaic.version = 14 : i64} {
  func.func @_prop_body(%arg0: i32, %arg1: i32, %arg2: memref<10240x64xf32, #tpu.memory_space<hbm>>, %arg3: memref<10240x64xf32, #tpu.memory_space<hbm>>, %arg4: memref<16x112x128xi32, #tpu.memory_space<hbm>>, %arg5: memref<16x112x128xi32, #tpu.memory_space<hbm>>, %arg6: memref<16x50x128xi32, #tpu.memory_space<hbm>>, %arg7: memref<16x50x128xi32, #tpu.memory_space<hbm>>, %arg8: memref<10240x64xf32, #tpu.memory_space<hbm>>, %arg9: memref<2x2x10240x64xf32, #tpu.memory_space<hbm>>, %arg10: memref<112x128xi32, #tpu.memory_space<vmem>>, %arg11: memref<112x128xi32, #tpu.memory_space<vmem>>, %arg12: memref<128x64xf32, #tpu.memory_space<vmem>>, %arg13: memref<128x64xf32, #tpu.memory_space<vmem>>, %arg14: memref<10240x64xf32, #tpu.memory_space<vmem_shared>>, %arg15: memref<!tpu.dma_semaphore, #tpu.memory_space<semaphore_mem>>, %arg16: memref<!tpu.dma_semaphore, #tpu.memory_space<semaphore_mem>>) attributes {dimension_semantics = [#tpu.dimension_semantics<core_parallel>, #tpu.dimension_semantics<subcore_parallel>], iteration_bounds = array<i64: 2, 16>, scalar_prefetch = 0 : i64, scratch_operands = 7 : i64, tpu.core_type = #tpu.core_type<sc_vector_subcore>, window_params = [{transform_indices = #map}, {transform_indices = #map}, {transform_indices = #map1}, {transform_indices = #map1}, {transform_indices = #map1}, {transform_indices = #map1}, {transform_indices = #map}, {transform_indices = #map2}]} {
    %mul3A = arith.constant 640 : i32
    %mul3A_0 = arith.muli %arg1, %mul3A : i32
    %eq3A = arith.constant 0 : i32
    %eq3A_1 = arith.cmpi eq, %arg0, %eq3A : i32
    %convert_element_type3A = arith.extui %eq3A_1 : i1 to i32
    %cond3A = arith.constant 0 : i32
    %cond3A_2 = arith.cmpi ne, %convert_element_type3A, %cond3A : i32
    scf.if %cond3A_2 {
      "tpu.region"() ({
        %run_scoped3A_148 = tpu.sem_alloc : memref<!tpu.dma_semaphore, #tpu.memory_space<semaphore_mem>>
        %dma_start3A_149 = arith.constant 0 : i32
        %dma_start3A_150 = arith.constant 0 : i32
        %dma_start3A_151 = tpu.memref_slice %arg10[%dma_start3A_149, %dma_start3A_150] : memref<112x128xi32, #tpu.memory_space<vmem>> -> memref<112x128xi32, #tpu.memory_space<vmem>>
        %dma_start3A_152 = arith.constant 0 : i32
        %dma_start3A_153 = arith.constant 0 : i32
        %dma_start3A_154 = tpu.memref_slice %arg4[%arg1, %dma_start3A_152, %dma_start3A_153] : memref<16x112x128xi32, #tpu.memory_space<hbm>> -> memref<1x112x128xi32, #tpu.memory_space<hbm>>
        %dma_start3A_155 = tpu.memref_squeeze %dma_start3A_154 : memref<1x112x128xi32, #tpu.memory_space<hbm>> -> memref<112x128xi32, #tpu.memory_space<hbm>>
        %dma_start3A_156 = arith.constant 0 : i32
        %dma_start3A_157 = arith.constant 0 : i32
        %dma_start3A_158 = tpu.memref_slice %arg10[%dma_start3A_156, %dma_start3A_157] : memref<112x128xi32, #tpu.memory_space<vmem>> -> memref<112x128xi32, #tpu.memory_space<vmem>>
        %dma_start3A_159 = arith.constant 0 : i32
        %dma_start3A_160 = arith.constant 0 : i32
        %dma_start3A_161 = tpu.memref_slice %arg4[%arg1, %dma_start3A_159, %dma_start3A_160] : memref<16x112x128xi32, #tpu.memory_space<hbm>> -> memref<1x112x128xi32, #tpu.memory_space<hbm>>
        %dma_start3A_162 = tpu.memref_squeeze %dma_start3A_161 : memref<1x112x128xi32, #tpu.memory_space<hbm>> -> memref<112x128xi32, #tpu.memory_space<hbm>>
        tpu.enqueue_dma source(%dma_start3A_162 : memref<112x128xi32, #tpu.memory_space<hbm>>) target(%dma_start3A_158 : memref<112x128xi32, #tpu.memory_space<vmem>>) target_semaphore(%run_scoped3A_148 : memref<!tpu.dma_semaphore, #tpu.memory_space<semaphore_mem>>)
        %dma_wait3A_163 = arith.constant 0 : i32
        %dma_wait3A_164 = arith.constant 0 : i32
        %dma_wait3A_165 = tpu.memref_slice %arg10[%dma_wait3A_163, %dma_wait3A_164] : memref<112x128xi32, #tpu.memory_space<vmem>> -> memref<112x128xi32, #tpu.memory_space<vmem>>
        %dma_wait3A_166 = arith.constant 0 : i32
        %dma_wait3A_167 = arith.constant 0 : i32
        %dma_wait3A_168 = tpu.memref_slice %arg4[%arg1, %dma_wait3A_166, %dma_wait3A_167] : memref<16x112x128xi32, #tpu.memory_space<hbm>> -> memref<1x112x128xi32, #tpu.memory_space<hbm>>
        %dma_wait3A_169 = tpu.memref_squeeze %dma_wait3A_168 : memref<1x112x128xi32, #tpu.memory_space<hbm>> -> memref<112x128xi32, #tpu.memory_space<hbm>>
        %dma_wait3A_170 = arith.constant 0 : i32
        %dma_wait3A_171 = arith.constant 0 : i32
        %dma_wait3A_172 = tpu.memref_slice %arg10[%dma_wait3A_170, %dma_wait3A_171] : memref<112x128xi32, #tpu.memory_space<vmem>> -> memref<112x128xi32, #tpu.memory_space<vmem>>
        %dma_wait3A_173 = arith.constant 0 : i32
        %dma_wait3A_174 = arith.constant 0 : i32
        %dma_wait3A_175 = tpu.memref_slice %arg4[%arg1, %dma_wait3A_173, %dma_wait3A_174] : memref<16x112x128xi32, #tpu.memory_space<hbm>> -> memref<1x112x128xi32, #tpu.memory_space<hbm>>
        %dma_wait3A_176 = tpu.memref_squeeze %dma_wait3A_175 : memref<1x112x128xi32, #tpu.memory_space<hbm>> -> memref<112x128xi32, #tpu.memory_space<hbm>>
        tpu.wait_dma2 semaphore(%run_scoped3A_148 : memref<!tpu.dma_semaphore, #tpu.memory_space<semaphore_mem>>) src(%dma_wait3A_176 : memref<112x128xi32, #tpu.memory_space<hbm>>) dst(%dma_wait3A_172 : memref<112x128xi32, #tpu.memory_space<vmem>>)
        tpu.yield
      }) : () -> ()
      "tpu.region"() ({
        %run_scoped3A_148 = tpu.sem_alloc : memref<!tpu.dma_semaphore, #tpu.memory_space<semaphore_mem>>
        %dma_start3A_149 = arith.constant 0 : i32
        %dma_start3A_150 = arith.constant 0 : i32
        %dma_start3A_151 = tpu.memref_slice %arg11[%dma_start3A_149, %dma_start3A_150] : memref<112x128xi32, #tpu.memory_space<vmem>> -> memref<112x128xi32, #tpu.memory_space<vmem>>
        %dma_start3A_152 = arith.constant 0 : i32
        %dma_start3A_153 = arith.constant 0 : i32
        %dma_start3A_154 = tpu.memref_slice %arg5[%arg1, %dma_start3A_152, %dma_start3A_153] : memref<16x112x128xi32, #tpu.memory_space<hbm>> -> memref<1x112x128xi32, #tpu.memory_space<hbm>>
        %dma_start3A_155 = tpu.memref_squeeze %dma_start3A_154 : memref<1x112x128xi32, #tpu.memory_space<hbm>> -> memref<112x128xi32, #tpu.memory_space<hbm>>
        %dma_start3A_156 = arith.constant 0 : i32
        %dma_start3A_157 = arith.constant 0 : i32
        %dma_start3A_158 = tpu.memref_slice %arg11[%dma_start3A_156, %dma_start3A_157] : memref<112x128xi32, #tpu.memory_space<vmem>> -> memref<112x128xi32, #tpu.memory_space<vmem>>
        %dma_start3A_159 = arith.constant 0 : i32
        %dma_start3A_160 = arith.constant 0 : i32
        %dma_start3A_161 = tpu.memref_slice %arg5[%arg1, %dma_start3A_159, %dma_start3A_160] : memref<16x112x128xi32, #tpu.memory_space<hbm>> -> memref<1x112x128xi32, #tpu.memory_space<hbm>>
        %dma_start3A_162 = tpu.memref_squeeze %dma_start3A_161 : memref<1x112x128xi32, #tpu.memory_space<hbm>> -> memref<112x128xi32, #tpu.memory_space<hbm>>
        tpu.enqueue_dma source(%dma_start3A_162 : memref<112x128xi32, #tpu.memory_space<hbm>>) target(%dma_start3A_158 : memref<112x128xi32, #tpu.memory_space<vmem>>) target_semaphore(%run_scoped3A_148 : memref<!tpu.dma_semaphore, #tpu.memory_space<semaphore_mem>>)
        %dma_wait3A_163 = arith.constant 0 : i32
        %dma_wait3A_164 = arith.constant 0 : i32
        %dma_wait3A_165 = tpu.memref_slice %arg11[%dma_wait3A_163, %dma_wait3A_164] : memref<112x128xi32, #tpu.memory_space<vmem>> -> memref<112x128xi32, #tpu.memory_space<vmem>>
        %dma_wait3A_166 = arith.constant 0 : i32
        %dma_wait3A_167 = arith.constant 0 : i32
        %dma_wait3A_168 = tpu.memref_slice %arg5[%arg1, %dma_wait3A_166, %dma_wait3A_167] : memref<16x112x128xi32, #tpu.memory_space<hbm>> -> memref<1x112x128xi32, #tpu.memory_space<hbm>>
        %dma_wait3A_169 = tpu.memref_squeeze %dma_wait3A_168 : memref<1x112x128xi32, #tpu.memory_space<hbm>> -> memref<112x128xi32, #tpu.memory_space<hbm>>
        %dma_wait3A_170 = arith.constant 0 : i32
        %dma_wait3A_171 = arith.constant 0 : i32
        %dma_wait3A_172 = tpu.memref_slice %arg11[%dma_wait3A_170, %dma_wait3A_171] : memref<112x128xi32, #tpu.memory_space<vmem>> -> memref<112x128xi32, #tpu.memory_space<vmem>>
        %dma_wait3A_173 = arith.constant 0 : i32
        %dma_wait3A_174 = arith.constant 0 : i32
        %dma_wait3A_175 = tpu.memref_slice %arg5[%arg1, %dma_wait3A_173, %dma_wait3A_174] : memref<16x112x128xi32, #tpu.memory_space<hbm>> -> memref<1x112x128xi32, #tpu.memory_space<hbm>>
        %dma_wait3A_176 = tpu.memref_squeeze %dma_wait3A_175 : memref<1x112x128xi32, #tpu.memory_space<hbm>> -> memref<112x128xi32, #tpu.memory_space<hbm>>
        tpu.wait_dma2 semaphore(%run_scoped3A_148 : memref<!tpu.dma_semaphore, #tpu.memory_space<semaphore_mem>>) src(%dma_wait3A_176 : memref<112x128xi32, #tpu.memory_space<hbm>>) dst(%dma_wait3A_172 : memref<112x128xi32, #tpu.memory_space<vmem>>)
        tpu.yield
      }) : () -> ()
    } else {
    }
    %eq3A_3 = arith.constant 1 : i32
    %eq3A_4 = arith.cmpi eq, %arg0, %eq3A_3 : i32
    %convert_element_type3A_5 = arith.extui %eq3A_4 : i1 to i32
    %cond3A_6 = arith.constant 0 : i32
    %cond3A_7 = arith.cmpi ne, %convert_element_type3A_5, %cond3A_6 : i32
    scf.if %cond3A_7 {
      "tpu.region"() ({
        %run_scoped3A_148 = tpu.sem_alloc : memref<!tpu.dma_semaphore, #tpu.memory_space<semaphore_mem>>
        %dma_start3A_149 = arith.constant 0 : i32
        %dma_start3A_150 = arith.constant 0 : i32
        %dma_start3A_151 = tpu.memref_slice %arg10[%dma_start3A_149, %dma_start3A_150] : memref<112x128xi32, #tpu.memory_space<vmem>> -> memref<50x128xi32, #tpu.memory_space<vmem>>
        %dma_start3A_152 = arith.constant 0 : i32
        %dma_start3A_153 = arith.constant 0 : i32
        %dma_start3A_154 = tpu.memref_slice %arg6[%arg1, %dma_start3A_152, %dma_start3A_153] : memref<16x50x128xi32, #tpu.memory_space<hbm>> -> memref<1x50x128xi32, #tpu.memory_space<hbm>>
        %dma_start3A_155 = tpu.memref_squeeze %dma_start3A_154 : memref<1x50x128xi32, #tpu.memory_space<hbm>> -> memref<50x128xi32, #tpu.memory_space<hbm>>
        %dma_start3A_156 = arith.constant 0 : i32
        %dma_start3A_157 = arith.constant 0 : i32
        %dma_start3A_158 = tpu.memref_slice %arg10[%dma_start3A_156, %dma_start3A_157] : memref<112x128xi32, #tpu.memory_space<vmem>> -> memref<50x128xi32, #tpu.memory_space<vmem>>
        %dma_start3A_159 = arith.constant 0 : i32
        %dma_start3A_160 = arith.constant 0 : i32
        %dma_start3A_161 = tpu.memref_slice %arg6[%arg1, %dma_start3A_159, %dma_start3A_160] : memref<16x50x128xi32, #tpu.memory_space<hbm>> -> memref<1x50x128xi32, #tpu.memory_space<hbm>>
        %dma_start3A_162 = tpu.memref_squeeze %dma_start3A_161 : memref<1x50x128xi32, #tpu.memory_space<hbm>> -> memref<50x128xi32, #tpu.memory_space<hbm>>
        tpu.enqueue_dma source(%dma_start3A_162 : memref<50x128xi32, #tpu.memory_space<hbm>>) target(%dma_start3A_158 : memref<50x128xi32, #tpu.memory_space<vmem>>) target_semaphore(%run_scoped3A_148 : memref<!tpu.dma_semaphore, #tpu.memory_space<semaphore_mem>>)
        %dma_wait3A_163 = arith.constant 0 : i32
        %dma_wait3A_164 = arith.constant 0 : i32
        %dma_wait3A_165 = tpu.memref_slice %arg10[%dma_wait3A_163, %dma_wait3A_164] : memref<112x128xi32, #tpu.memory_space<vmem>> -> memref<50x128xi32, #tpu.memory_space<vmem>>
        %dma_wait3A_166 = arith.constant 0 : i32
        %dma_wait3A_167 = arith.constant 0 : i32
        %dma_wait3A_168 = tpu.memref_slice %arg6[%arg1, %dma_wait3A_166, %dma_wait3A_167] : memref<16x50x128xi32, #tpu.memory_space<hbm>> -> memref<1x50x128xi32, #tpu.memory_space<hbm>>
        %dma_wait3A_169 = tpu.memref_squeeze %dma_wait3A_168 : memref<1x50x128xi32, #tpu.memory_space<hbm>> -> memref<50x128xi32, #tpu.memory_space<hbm>>
        %dma_wait3A_170 = arith.constant 0 : i32
        %dma_wait3A_171 = arith.constant 0 : i32
        %dma_wait3A_172 = tpu.memref_slice %arg10[%dma_wait3A_170, %dma_wait3A_171] : memref<112x128xi32, #tpu.memory_space<vmem>> -> memref<50x128xi32, #tpu.memory_space<vmem>>
        %dma_wait3A_173 = arith.constant 0 : i32
        %dma_wait3A_174 = arith.constant 0 : i32
        %dma_wait3A_175 = tpu.memref_slice %arg6[%arg1, %dma_wait3A_173, %dma_wait3A_174] : memref<16x50x128xi32, #tpu.memory_space<hbm>> -> memref<1x50x128xi32, #tpu.memory_space<hbm>>
        %dma_wait3A_176 = tpu.memref_squeeze %dma_wait3A_175 : memref<1x50x128xi32, #tpu.memory_space<hbm>> -> memref<50x128xi32, #tpu.memory_space<hbm>>
        tpu.wait_dma2 semaphore(%run_scoped3A_148 : memref<!tpu.dma_semaphore, #tpu.memory_space<semaphore_mem>>) src(%dma_wait3A_176 : memref<50x128xi32, #tpu.memory_space<hbm>>) dst(%dma_wait3A_172 : memref<50x128xi32, #tpu.memory_space<vmem>>)
        tpu.yield
      }) : () -> ()
      "tpu.region"() ({
        %run_scoped3A_148 = tpu.sem_alloc : memref<!tpu.dma_semaphore, #tpu.memory_space<semaphore_mem>>
        %dma_start3A_149 = arith.constant 0 : i32
        %dma_start3A_150 = arith.constant 0 : i32
        %dma_start3A_151 = tpu.memref_slice %arg11[%dma_start3A_149, %dma_start3A_150] : memref<112x128xi32, #tpu.memory_space<vmem>> -> memref<50x128xi32, #tpu.memory_space<vmem>>
        %dma_start3A_152 = arith.constant 0 : i32
        %dma_start3A_153 = arith.constant 0 : i32
        %dma_start3A_154 = tpu.memref_slice %arg7[%arg1, %dma_start3A_152, %dma_start3A_153] : memref<16x50x128xi32, #tpu.memory_space<hbm>> -> memref<1x50x128xi32, #tpu.memory_space<hbm>>
        %dma_start3A_155 = tpu.memref_squeeze %dma_start3A_154 : memref<1x50x128xi32, #tpu.memory_space<hbm>> -> memref<50x128xi32, #tpu.memory_space<hbm>>
        %dma_start3A_156 = arith.constant 0 : i32
        %dma_start3A_157 = arith.constant 0 : i32
        %dma_start3A_158 = tpu.memref_slice %arg11[%dma_start3A_156, %dma_start3A_157] : memref<112x128xi32, #tpu.memory_space<vmem>> -> memref<50x128xi32, #tpu.memory_space<vmem>>
        %dma_start3A_159 = arith.constant 0 : i32
        %dma_start3A_160 = arith.constant 0 : i32
        %dma_start3A_161 = tpu.memref_slice %arg7[%arg1, %dma_start3A_159, %dma_start3A_160] : memref<16x50x128xi32, #tpu.memory_space<hbm>> -> memref<1x50x128xi32, #tpu.memory_space<hbm>>
        %dma_start3A_162 = tpu.memref_squeeze %dma_start3A_161 : memref<1x50x128xi32, #tpu.memory_space<hbm>> -> memref<50x128xi32, #tpu.memory_space<hbm>>
        tpu.enqueue_dma source(%dma_start3A_162 : memref<50x128xi32, #tpu.memory_space<hbm>>) target(%dma_start3A_158 : memref<50x128xi32, #tpu.memory_space<vmem>>) target_semaphore(%run_scoped3A_148 : memref<!tpu.dma_semaphore, #tpu.memory_space<semaphore_mem>>)
        %dma_wait3A_163 = arith.constant 0 : i32
        %dma_wait3A_164 = arith.constant 0 : i32
        %dma_wait3A_165 = tpu.memref_slice %arg11[%dma_wait3A_163, %dma_wait3A_164] : memref<112x128xi32, #tpu.memory_space<vmem>> -> memref<50x128xi32, #tpu.memory_space<vmem>>
        %dma_wait3A_166 = arith.constant 0 : i32
        %dma_wait3A_167 = arith.constant 0 : i32
        %dma_wait3A_168 = tpu.memref_slice %arg7[%arg1, %dma_wait3A_166, %dma_wait3A_167] : memref<16x50x128xi32, #tpu.memory_space<hbm>> -> memref<1x50x128xi32, #tpu.memory_space<hbm>>
        %dma_wait3A_169 = tpu.memref_squeeze %dma_wait3A_168 : memref<1x50x128xi32, #tpu.memory_space<hbm>> -> memref<50x128xi32, #tpu.memory_space<hbm>>
        %dma_wait3A_170 = arith.constant 0 : i32
        %dma_wait3A_171 = arith.constant 0 : i32
        %dma_wait3A_172 = tpu.memref_slice %arg11[%dma_wait3A_170, %dma_wait3A_171] : memref<112x128xi32, #tpu.memory_space<vmem>> -> memref<50x128xi32, #tpu.memory_space<vmem>>
        %dma_wait3A_173 = arith.constant 0 : i32
        %dma_wait3A_174 = arith.constant 0 : i32
        %dma_wait3A_175 = tpu.memref_slice %arg7[%arg1, %dma_wait3A_173, %dma_wait3A_174] : memref<16x50x128xi32, #tpu.memory_space<hbm>> -> memref<1x50x128xi32, #tpu.memory_space<hbm>>
        %dma_wait3A_176 = tpu.memref_squeeze %dma_wait3A_175 : memref<1x50x128xi32, #tpu.memory_space<hbm>> -> memref<50x128xi32, #tpu.memory_space<hbm>>
        tpu.wait_dma2 semaphore(%run_scoped3A_148 : memref<!tpu.dma_semaphore, #tpu.memory_space<semaphore_mem>>) src(%dma_wait3A_176 : memref<50x128xi32, #tpu.memory_space<hbm>>) dst(%dma_wait3A_172 : memref<50x128xi32, #tpu.memory_space<vmem>>)
        tpu.yield
      }) : () -> ()
    } else {
    }
    %eq3A_8 = arith.constant 0 : i32
    %eq3A_9 = arith.cmpi eq, %arg0, %eq3A_8 : i32
    %select_n3A = arith.constant 50 : i32
    %select_n3A_10 = arith.constant 112 : i32
    %select_n3A_11 = arith.select %eq3A_9, %select_n3A_10, %select_n3A : i32
    "tpu.region"() ({
      %run_scoped3A_148 = tpu.sem_alloc : memref<!tpu.dma_semaphore, #tpu.memory_space<semaphore_mem>>
      %dma_start3A_149 = arith.constant 0 : i32
      %dma_start3A_150 = tpu.memref_slice %arg14[%mul3A_0, %dma_start3A_149] : memref<10240x64xf32, #tpu.memory_space<vmem_shared>> -> memref<640x64xf32, #tpu.memory_space<vmem_shared>>
      %dma_start3A_151 = arith.constant 0 : i32
      %dma_start3A_152 = tpu.memref_slice %arg8[%mul3A_0, %dma_start3A_151] : memref<10240x64xf32, #tpu.memory_space<hbm>> -> memref<640x64xf32, #tpu.memory_space<hbm>>
      tpu.enqueue_dma source(%dma_start3A_152 : memref<640x64xf32, #tpu.memory_space<hbm>>) target(%dma_start3A_150 : memref<640x64xf32, #tpu.memory_space<vmem_shared>>) target_semaphore(%run_scoped3A_148 : memref<!tpu.dma_semaphore, #tpu.memory_space<semaphore_mem>>)
      %dma_wait3A_153 = arith.constant 0 : i32
      %dma_wait3A_154 = tpu.memref_slice %arg14[%mul3A_0, %dma_wait3A_153] : memref<10240x64xf32, #tpu.memory_space<vmem_shared>> -> memref<640x64xf32, #tpu.memory_space<vmem_shared>>
      %dma_wait3A_155 = arith.constant 0 : i32
      %dma_wait3A_156 = tpu.memref_slice %arg8[%mul3A_0, %dma_wait3A_155] : memref<10240x64xf32, #tpu.memory_space<hbm>> -> memref<640x64xf32, #tpu.memory_space<hbm>>
      tpu.wait_dma2 semaphore(%run_scoped3A_148 : memref<!tpu.dma_semaphore, #tpu.memory_space<semaphore_mem>>) src(%dma_wait3A_156 : memref<640x64xf32, #tpu.memory_space<hbm>>) dst(%dma_wait3A_154 : memref<640x64xf32, #tpu.memory_space<vmem_shared>>)
      tpu.yield
    }) : () -> ()
    %barrier3A = arith.constant 0 : index
    tpu.barrier barrier_id(%barrier3A)
    %dma_start3A = arith.constant 0 : i32
    %dma_start3A_12 = arith.constant 0 : i32
    %dma_start3A_13 = tpu.memref_slice %arg10[%dma_start3A, %dma_start3A_12] : memref<112x128xi32, #tpu.memory_space<vmem>> -> memref<1x128xi32, #tpu.memory_space<vmem>>
    %dma_start3A_14 = tpu.memref_squeeze %dma_start3A_13 : memref<1x128xi32, #tpu.memory_space<vmem>> -> memref<128xi32, #tpu.memory_space<vmem>>
    %dma_start3A_15 = arith.constant 0 : i32
    %dma_start3A_16 = arith.constant 0 : i32
    %dma_start3A_17 = tpu.memref_slice %arg2[%dma_start3A_15, %dma_start3A_16] : memref<10240x64xf32, #tpu.memory_space<hbm>> -> memref<10240x64xf32, #tpu.memory_space<hbm>>
    tpu.enqueue_indirect_dma source(%dma_start3A_17 : memref<10240x64xf32, #tpu.memory_space<hbm>>) target(%arg12 : memref<128x64xf32, #tpu.memory_space<vmem>>) offsets(%dma_start3A_14 : memref<128xi32, #tpu.memory_space<vmem>>) semaphore(%arg15 : memref<!tpu.dma_semaphore, #tpu.memory_space<semaphore_mem>>)
    %jit3A = arith.constant 2 : i32
    %div3A = arith.divsi %select_n3A_11, %jit3A : i32
    %sign3A = arith.constant 0 : i32
    %sign3A_18 = arith.cmpi sgt, %select_n3A_11, %sign3A : i32
    %sign3A_19 = arith.extui %sign3A_18 : i1 to i32
    %sign3A_20 = arith.constant 0 : i32
    %sign3A_21 = arith.cmpi slt, %select_n3A_11, %sign3A_20 : i32
    %sign3A_22 = arith.extui %sign3A_21 : i1 to i32
    %sign3A_23 = arith.subi %sign3A_19, %sign3A_22 : i32
    %sign3A_24 = arith.constant 0 : i32
    %sign3A_25 = arith.cmpi sgt, %jit3A, %sign3A_24 : i32
    %sign3A_26 = arith.extui %sign3A_25 : i1 to i32
    %sign3A_27 = arith.constant 0 : i32
    %sign3A_28 = arith.cmpi slt, %jit3A, %sign3A_27 : i32
    %sign3A_29 = arith.extui %sign3A_28 : i1 to i32
    %sign3A_30 = arith.subi %sign3A_26, %sign3A_29 : i32
    %ne3A = arith.cmpi ne, %sign3A_23, %sign3A_30 : i32
    %rem3A = arith.remsi %select_n3A_11, %jit3A : i32
    %ne3A_31 = arith.constant 0 : i32
    %ne3A_32 = arith.cmpi ne, %rem3A, %ne3A_31 : i32
    %and3A = arith.andi %ne3A, %ne3A_32 : i1
    %sub3A = arith.constant 1 : i32
    %sub3A_33 = arith.subi %div3A, %sub3A : i32
    %select_n3A_34 = arith.select %and3A, %sub3A_33, %div3A : i32
    %sub3A_35 = arith.constant 1 : i32
    %sub3A_36 = arith.subi %select_n3A_34, %sub3A_35 : i32
    %while3A = arith.constant 0 : i32
    %while3A_37 = arith.constant 0 : i32
    %while3A_38 = arith.subi %sub3A_36, %while3A_37 : i32
    %while3A_39 = arith.addi %while3A_37, %while3A_38 : i32
    %while3A_40 = arith.constant 1 : i32
    %while3A_41 = arith.divsi %while3A_38, %while3A_40 : i32
    %while3A_42 = arith.muli %while3A_41, %while3A_40 : i32
    %while3A_43 = arith.addi %while3A_37, %while3A_42 : i32
    %while3A_44 = arith.constant 1 : i32
    scf.for %while3A_148 = %while3A_37 to %while3A_43 step %while3A_44  : i32 {
      %mul3A_149 = arith.constant 2 : i32
      %mul3A_150 = arith.muli %mul3A_149, %while3A_148 : i32
      %add3A = arith.constant 1 : i32
      %add3A_151 = arith.addi %mul3A_150, %add3A : i32
      %dma_start3A_152 = arith.constant 0 : i32
      %dma_start3A_153 = tpu.memref_slice %arg10[%add3A_151, %dma_start3A_152] : memref<112x128xi32, #tpu.memory_space<vmem>> -> memref<1x128xi32, #tpu.memory_space<vmem>>
      %dma_start3A_154 = tpu.memref_squeeze %dma_start3A_153 : memref<1x128xi32, #tpu.memory_space<vmem>> -> memref<128xi32, #tpu.memory_space<vmem>>
      %dma_start3A_155 = arith.constant 0 : i32
      %dma_start3A_156 = arith.constant 0 : i32
      %dma_start3A_157 = tpu.memref_slice %arg2[%dma_start3A_155, %dma_start3A_156] : memref<10240x64xf32, #tpu.memory_space<hbm>> -> memref<10240x64xf32, #tpu.memory_space<hbm>>
      tpu.enqueue_indirect_dma source(%dma_start3A_157 : memref<10240x64xf32, #tpu.memory_space<hbm>>) target(%arg13 : memref<128x64xf32, #tpu.memory_space<vmem>>) offsets(%dma_start3A_154 : memref<128xi32, #tpu.memory_space<vmem>>) semaphore(%arg16 : memref<!tpu.dma_semaphore, #tpu.memory_space<semaphore_mem>>)
      %dma_wait3A_158 = arith.constant 0 : i32
      %dma_wait3A_159 = tpu.memref_slice %arg10[%mul3A_150, %dma_wait3A_158] : memref<112x128xi32, #tpu.memory_space<vmem>> -> memref<1x128xi32, #tpu.memory_space<vmem>>
      %dma_wait3A_160 = tpu.memref_squeeze %dma_wait3A_159 : memref<1x128xi32, #tpu.memory_space<vmem>> -> memref<128xi32, #tpu.memory_space<vmem>>
      %dma_wait3A_161 = arith.constant 0 : i32
      %dma_wait3A_162 = arith.constant 0 : i32
      %dma_wait3A_163 = tpu.memref_slice %arg2[%dma_wait3A_161, %dma_wait3A_162] : memref<10240x64xf32, #tpu.memory_space<hbm>> -> memref<10240x64xf32, #tpu.memory_space<hbm>>
      tpu.wait_indirect_dma semaphore(%arg15 : memref<!tpu.dma_semaphore, #tpu.memory_space<semaphore_mem>>) src(%dma_wait3A_163 : memref<10240x64xf32, #tpu.memory_space<hbm>>) dst(%arg12 : memref<128x64xf32, #tpu.memory_space<vmem>>)
      "tpu.region"() ({
        %run_scoped3A_178 = tpu.sem_alloc : memref<!tpu.dma_semaphore, #tpu.memory_space<semaphore_mem>>
        %dma_start3A_179 = arith.constant 0 : i32
        %dma_start3A_180 = tpu.memref_slice %arg11[%mul3A_150, %dma_start3A_179] : memref<112x128xi32, #tpu.memory_space<vmem>> -> memref<1x128xi32, #tpu.memory_space<vmem>>
        %dma_start3A_181 = tpu.memref_squeeze %dma_start3A_180 : memref<1x128xi32, #tpu.memory_space<vmem>> -> memref<128xi32, #tpu.memory_space<vmem>>
        %dma_start3A_182 = arith.constant 0 : i32
        %dma_start3A_183 = arith.constant 0 : i32
        %dma_start3A_184 = tpu.memref_slice %arg14[%dma_start3A_182, %dma_start3A_183] : memref<10240x64xf32, #tpu.memory_space<vmem_shared>> -> memref<10240x64xf32, #tpu.memory_space<vmem_shared>>
        tpu.enqueue_indirect_dma source(%arg12 : memref<128x64xf32, #tpu.memory_space<vmem>>) target(%dma_start3A_184 : memref<10240x64xf32, #tpu.memory_space<vmem_shared>>) offsets(%dma_start3A_181 : memref<128xi32, #tpu.memory_space<vmem>>) semaphore(%run_scoped3A_178 : memref<!tpu.dma_semaphore, #tpu.memory_space<semaphore_mem>>) {add = true}
        %dma_wait3A_185 = arith.constant 0 : i32
        %dma_wait3A_186 = tpu.memref_slice %arg11[%mul3A_150, %dma_wait3A_185] : memref<112x128xi32, #tpu.memory_space<vmem>> -> memref<1x128xi32, #tpu.memory_space<vmem>>
        %dma_wait3A_187 = tpu.memref_squeeze %dma_wait3A_186 : memref<1x128xi32, #tpu.memory_space<vmem>> -> memref<128xi32, #tpu.memory_space<vmem>>
        %dma_wait3A_188 = arith.constant 0 : i32
        %dma_wait3A_189 = arith.constant 0 : i32
        %dma_wait3A_190 = tpu.memref_slice %arg14[%dma_wait3A_188, %dma_wait3A_189] : memref<10240x64xf32, #tpu.memory_space<vmem_shared>> -> memref<10240x64xf32, #tpu.memory_space<vmem_shared>>
        tpu.wait_indirect_dma semaphore(%run_scoped3A_178 : memref<!tpu.dma_semaphore, #tpu.memory_space<semaphore_mem>>) src(%arg12 : memref<128x64xf32, #tpu.memory_space<vmem>>) dst(%dma_wait3A_190 : memref<10240x64xf32, #tpu.memory_space<vmem_shared>>)
        tpu.yield
      }) : () -> ()
      %add3A_164 = arith.constant 2 : i32
      %add3A_165 = arith.addi %mul3A_150, %add3A_164 : i32
      %dma_start3A_166 = arith.constant 0 : i32
      %dma_start3A_167 = tpu.memref_slice %arg10[%add3A_165, %dma_start3A_166] : memref<112x128xi32, #tpu.memory_space<vmem>> -> memref<1x128xi32, #tpu.memory_space<vmem>>
      %dma_start3A_168 = tpu.memref_squeeze %dma_start3A_167 : memref<1x128xi32, #tpu.memory_space<vmem>> -> memref<128xi32, #tpu.memory_space<vmem>>
      %dma_start3A_169 = arith.constant 0 : i32
      %dma_start3A_170 = arith.constant 0 : i32
      %dma_start3A_171 = tpu.memref_slice %arg2[%dma_start3A_169, %dma_start3A_170] : memref<10240x64xf32, #tpu.memory_space<hbm>> -> memref<10240x64xf32, #tpu.memory_space<hbm>>
      tpu.enqueue_indirect_dma source(%dma_start3A_171 : memref<10240x64xf32, #tpu.memory_space<hbm>>) target(%arg12 : memref<128x64xf32, #tpu.memory_space<vmem>>) offsets(%dma_start3A_168 : memref<128xi32, #tpu.memory_space<vmem>>) semaphore(%arg15 : memref<!tpu.dma_semaphore, #tpu.memory_space<semaphore_mem>>)
      %dma_wait3A_172 = arith.constant 0 : i32
      %dma_wait3A_173 = tpu.memref_slice %arg10[%add3A_151, %dma_wait3A_172] : memref<112x128xi32, #tpu.memory_space<vmem>> -> memref<1x128xi32, #tpu.memory_space<vmem>>
      %dma_wait3A_174 = tpu.memref_squeeze %dma_wait3A_173 : memref<1x128xi32, #tpu.memory_space<vmem>> -> memref<128xi32, #tpu.memory_space<vmem>>
      %dma_wait3A_175 = arith.constant 0 : i32
      %dma_wait3A_176 = arith.constant 0 : i32
      %dma_wait3A_177 = tpu.memref_slice %arg2[%dma_wait3A_175, %dma_wait3A_176] : memref<10240x64xf32, #tpu.memory_space<hbm>> -> memref<10240x64xf32, #tpu.memory_space<hbm>>
      tpu.wait_indirect_dma semaphore(%arg16 : memref<!tpu.dma_semaphore, #tpu.memory_space<semaphore_mem>>) src(%dma_wait3A_177 : memref<10240x64xf32, #tpu.memory_space<hbm>>) dst(%arg13 : memref<128x64xf32, #tpu.memory_space<vmem>>)
      "tpu.region"() ({
        %run_scoped3A_178 = tpu.sem_alloc : memref<!tpu.dma_semaphore, #tpu.memory_space<semaphore_mem>>
        %dma_start3A_179 = arith.constant 0 : i32
        %dma_start3A_180 = tpu.memref_slice %arg11[%add3A_151, %dma_start3A_179] : memref<112x128xi32, #tpu.memory_space<vmem>> -> memref<1x128xi32, #tpu.memory_space<vmem>>
        %dma_start3A_181 = tpu.memref_squeeze %dma_start3A_180 : memref<1x128xi32, #tpu.memory_space<vmem>> -> memref<128xi32, #tpu.memory_space<vmem>>
        %dma_start3A_182 = arith.constant 0 : i32
        %dma_start3A_183 = arith.constant 0 : i32
        %dma_start3A_184 = tpu.memref_slice %arg14[%dma_start3A_182, %dma_start3A_183] : memref<10240x64xf32, #tpu.memory_space<vmem_shared>> -> memref<10240x64xf32, #tpu.memory_space<vmem_shared>>
        tpu.enqueue_indirect_dma source(%arg13 : memref<128x64xf32, #tpu.memory_space<vmem>>) target(%dma_start3A_184 : memref<10240x64xf32, #tpu.memory_space<vmem_shared>>) offsets(%dma_start3A_181 : memref<128xi32, #tpu.memory_space<vmem>>) semaphore(%run_scoped3A_178 : memref<!tpu.dma_semaphore, #tpu.memory_space<semaphore_mem>>) {add = true}
        %dma_wait3A_185 = arith.constant 0 : i32
        %dma_wait3A_186 = tpu.memref_slice %arg11[%add3A_151, %dma_wait3A_185] : memref<112x128xi32, #tpu.memory_space<vmem>> -> memref<1x128xi32, #tpu.memory_space<vmem>>
        %dma_wait3A_187 = tpu.memref_squeeze %dma_wait3A_186 : memref<1x128xi32, #tpu.memory_space<vmem>> -> memref<128xi32, #tpu.memory_space<vmem>>
        %dma_wait3A_188 = arith.constant 0 : i32
        %dma_wait3A_189 = arith.constant 0 : i32
        %dma_wait3A_190 = tpu.memref_slice %arg14[%dma_wait3A_188, %dma_wait3A_189] : memref<10240x64xf32, #tpu.memory_space<vmem_shared>> -> memref<10240x64xf32, #tpu.memory_space<vmem_shared>>
        tpu.wait_indirect_dma semaphore(%run_scoped3A_178 : memref<!tpu.dma_semaphore, #tpu.memory_space<semaphore_mem>>) src(%arg13 : memref<128x64xf32, #tpu.memory_space<vmem>>) dst(%dma_wait3A_190 : memref<10240x64xf32, #tpu.memory_space<vmem_shared>>)
        tpu.yield
      }) : () -> ()
    }
    %while3A_45 = arith.constant 1 : i32
    scf.for %while3A_148 = %while3A_43 to %while3A_39 step %while3A_45  : i32 {
      %mul3A_149 = arith.constant 2 : i32
      %mul3A_150 = arith.muli %mul3A_149, %while3A_148 : i32
      %add3A = arith.constant 1 : i32
      %add3A_151 = arith.addi %mul3A_150, %add3A : i32
      %dma_start3A_152 = arith.constant 0 : i32
      %dma_start3A_153 = tpu.memref_slice %arg10[%add3A_151, %dma_start3A_152] : memref<112x128xi32, #tpu.memory_space<vmem>> -> memref<1x128xi32, #tpu.memory_space<vmem>>
      %dma_start3A_154 = tpu.memref_squeeze %dma_start3A_153 : memref<1x128xi32, #tpu.memory_space<vmem>> -> memref<128xi32, #tpu.memory_space<vmem>>
      %dma_start3A_155 = arith.constant 0 : i32
      %dma_start3A_156 = arith.constant 0 : i32
      %dma_start3A_157 = tpu.memref_slice %arg2[%dma_start3A_155, %dma_start3A_156] : memref<10240x64xf32, #tpu.memory_space<hbm>> -> memref<10240x64xf32, #tpu.memory_space<hbm>>
      tpu.enqueue_indirect_dma source(%dma_start3A_157 : memref<10240x64xf32, #tpu.memory_space<hbm>>) target(%arg13 : memref<128x64xf32, #tpu.memory_space<vmem>>) offsets(%dma_start3A_154 : memref<128xi32, #tpu.memory_space<vmem>>) semaphore(%arg16 : memref<!tpu.dma_semaphore, #tpu.memory_space<semaphore_mem>>)
      %dma_wait3A_158 = arith.constant 0 : i32
      %dma_wait3A_159 = tpu.memref_slice %arg10[%mul3A_150, %dma_wait3A_158] : memref<112x128xi32, #tpu.memory_space<vmem>> -> memref<1x128xi32, #tpu.memory_space<vmem>>
      %dma_wait3A_160 = tpu.memref_squeeze %dma_wait3A_159 : memref<1x128xi32, #tpu.memory_space<vmem>> -> memref<128xi32, #tpu.memory_space<vmem>>
      %dma_wait3A_161 = arith.constant 0 : i32
      %dma_wait3A_162 = arith.constant 0 : i32
      %dma_wait3A_163 = tpu.memref_slice %arg2[%dma_wait3A_161, %dma_wait3A_162] : memref<10240x64xf32, #tpu.memory_space<hbm>> -> memref<10240x64xf32, #tpu.memory_space<hbm>>
      tpu.wait_indirect_dma semaphore(%arg15 : memref<!tpu.dma_semaphore, #tpu.memory_space<semaphore_mem>>) src(%dma_wait3A_163 : memref<10240x64xf32, #tpu.memory_space<hbm>>) dst(%arg12 : memref<128x64xf32, #tpu.memory_space<vmem>>)
      "tpu.region"() ({
        %run_scoped3A_178 = tpu.sem_alloc : memref<!tpu.dma_semaphore, #tpu.memory_space<semaphore_mem>>
        %dma_start3A_179 = arith.constant 0 : i32
        %dma_start3A_180 = tpu.memref_slice %arg11[%mul3A_150, %dma_start3A_179] : memref<112x128xi32, #tpu.memory_space<vmem>> -> memref<1x128xi32, #tpu.memory_space<vmem>>
        %dma_start3A_181 = tpu.memref_squeeze %dma_start3A_180 : memref<1x128xi32, #tpu.memory_space<vmem>> -> memref<128xi32, #tpu.memory_space<vmem>>
        %dma_start3A_182 = arith.constant 0 : i32
        %dma_start3A_183 = arith.constant 0 : i32
        %dma_start3A_184 = tpu.memref_slice %arg14[%dma_start3A_182, %dma_start3A_183] : memref<10240x64xf32, #tpu.memory_space<vmem_shared>> -> memref<10240x64xf32, #tpu.memory_space<vmem_shared>>
        tpu.enqueue_indirect_dma source(%arg12 : memref<128x64xf32, #tpu.memory_space<vmem>>) target(%dma_start3A_184 : memref<10240x64xf32, #tpu.memory_space<vmem_shared>>) offsets(%dma_start3A_181 : memref<128xi32, #tpu.memory_space<vmem>>) semaphore(%run_scoped3A_178 : memref<!tpu.dma_semaphore, #tpu.memory_space<semaphore_mem>>) {add = true}
        %dma_wait3A_185 = arith.constant 0 : i32
        %dma_wait3A_186 = tpu.memref_slice %arg11[%mul3A_150, %dma_wait3A_185] : memref<112x128xi32, #tpu.memory_space<vmem>> -> memref<1x128xi32, #tpu.memory_space<vmem>>
        %dma_wait3A_187 = tpu.memref_squeeze %dma_wait3A_186 : memref<1x128xi32, #tpu.memory_space<vmem>> -> memref<128xi32, #tpu.memory_space<vmem>>
        %dma_wait3A_188 = arith.constant 0 : i32
        %dma_wait3A_189 = arith.constant 0 : i32
        %dma_wait3A_190 = tpu.memref_slice %arg14[%dma_wait3A_188, %dma_wait3A_189] : memref<10240x64xf32, #tpu.memory_space<vmem_shared>> -> memref<10240x64xf32, #tpu.memory_space<vmem_shared>>
        tpu.wait_indirect_dma semaphore(%run_scoped3A_178 : memref<!tpu.dma_semaphore, #tpu.memory_space<semaphore_mem>>) src(%arg12 : memref<128x64xf32, #tpu.memory_space<vmem>>) dst(%dma_wait3A_190 : memref<10240x64xf32, #tpu.memory_space<vmem_shared>>)
        tpu.yield
      }) : () -> ()
      %add3A_164 = arith.constant 2 : i32
      %add3A_165 = arith.addi %mul3A_150, %add3A_164 : i32
      %dma_start3A_166 = arith.constant 0 : i32
      %dma_start3A_167 = tpu.memref_slice %arg10[%add3A_165, %dma_start3A_166] : memref<112x128xi32, #tpu.memory_space<vmem>> -> memref<1x128xi32, #tpu.memory_space<vmem>>
      %dma_start3A_168 = tpu.memref_squeeze %dma_start3A_167 : memref<1x128xi32, #tpu.memory_space<vmem>> -> memref<128xi32, #tpu.memory_space<vmem>>
      %dma_start3A_169 = arith.constant 0 : i32
      %dma_start3A_170 = arith.constant 0 : i32
      %dma_start3A_171 = tpu.memref_slice %arg2[%dma_start3A_169, %dma_start3A_170] : memref<10240x64xf32, #tpu.memory_space<hbm>> -> memref<10240x64xf32, #tpu.memory_space<hbm>>
      tpu.enqueue_indirect_dma source(%dma_start3A_171 : memref<10240x64xf32, #tpu.memory_space<hbm>>) target(%arg12 : memref<128x64xf32, #tpu.memory_space<vmem>>) offsets(%dma_start3A_168 : memref<128xi32, #tpu.memory_space<vmem>>) semaphore(%arg15 : memref<!tpu.dma_semaphore, #tpu.memory_space<semaphore_mem>>)
      %dma_wait3A_172 = arith.constant 0 : i32
      %dma_wait3A_173 = tpu.memref_slice %arg10[%add3A_151, %dma_wait3A_172] : memref<112x128xi32, #tpu.memory_space<vmem>> -> memref<1x128xi32, #tpu.memory_space<vmem>>
      %dma_wait3A_174 = tpu.memref_squeeze %dma_wait3A_173 : memref<1x128xi32, #tpu.memory_space<vmem>> -> memref<128xi32, #tpu.memory_space<vmem>>
      %dma_wait3A_175 = arith.constant 0 : i32
      %dma_wait3A_176 = arith.constant 0 : i32
      %dma_wait3A_177 = tpu.memref_slice %arg2[%dma_wait3A_175, %dma_wait3A_176] : memref<10240x64xf32, #tpu.memory_space<hbm>> -> memref<10240x64xf32, #tpu.memory_space<hbm>>
      tpu.wait_indirect_dma semaphore(%arg16 : memref<!tpu.dma_semaphore, #tpu.memory_space<semaphore_mem>>) src(%dma_wait3A_177 : memref<10240x64xf32, #tpu.memory_space<hbm>>) dst(%arg13 : memref<128x64xf32, #tpu.memory_space<vmem>>)
      "tpu.region"() ({
        %run_scoped3A_178 = tpu.sem_alloc : memref<!tpu.dma_semaphore, #tpu.memory_space<semaphore_mem>>
        %dma_start3A_179 = arith.constant 0 : i32
        %dma_start3A_180 = tpu.memref_slice %arg11[%add3A_151, %dma_start3A_179] : memref<112x128xi32, #tpu.memory_space<vmem>> -> memref<1x128xi32, #tpu.memory_space<vmem>>
        %dma_start3A_181 = tpu.memref_squeeze %dma_start3A_180 : memref<1x128xi32, #tpu.memory_space<vmem>> -> memref<128xi32, #tpu.memory_space<vmem>>
        %dma_start3A_182 = arith.constant 0 : i32
        %dma_start3A_183 = arith.constant 0 : i32
        %dma_start3A_184 = tpu.memref_slice %arg14[%dma_start3A_182, %dma_start3A_183] : memref<10240x64xf32, #tpu.memory_space<vmem_shared>> -> memref<10240x64xf32, #tpu.memory_space<vmem_shared>>
        tpu.enqueue_indirect_dma source(%arg13 : memref<128x64xf32, #tpu.memory_space<vmem>>) target(%dma_start3A_184 : memref<10240x64xf32, #tpu.memory_space<vmem_shared>>) offsets(%dma_start3A_181 : memref<128xi32, #tpu.memory_space<vmem>>) semaphore(%run_scoped3A_178 : memref<!tpu.dma_semaphore, #tpu.memory_space<semaphore_mem>>) {add = true}
        %dma_wait3A_185 = arith.constant 0 : i32
        %dma_wait3A_186 = tpu.memref_slice %arg11[%add3A_151, %dma_wait3A_185] : memref<112x128xi32, #tpu.memory_space<vmem>> -> memref<1x128xi32, #tpu.memory_space<vmem>>
        %dma_wait3A_187 = tpu.memref_squeeze %dma_wait3A_186 : memref<1x128xi32, #tpu.memory_space<vmem>> -> memref<128xi32, #tpu.memory_space<vmem>>
        %dma_wait3A_188 = arith.constant 0 : i32
        %dma_wait3A_189 = arith.constant 0 : i32
        %dma_wait3A_190 = tpu.memref_slice %arg14[%dma_wait3A_188, %dma_wait3A_189] : memref<10240x64xf32, #tpu.memory_space<vmem_shared>> -> memref<10240x64xf32, #tpu.memory_space<vmem_shared>>
        tpu.wait_indirect_dma semaphore(%run_scoped3A_178 : memref<!tpu.dma_semaphore, #tpu.memory_space<semaphore_mem>>) src(%arg13 : memref<128x64xf32, #tpu.memory_space<vmem>>) dst(%dma_wait3A_190 : memref<10240x64xf32, #tpu.memory_space<vmem_shared>>)
        tpu.yield
      }) : () -> ()
    }
    %sub3A_46 = arith.constant 1 : i32
    %sub3A_47 = arith.subi %select_n3A_11, %sub3A_46 : i32
    %dma_start3A_48 = arith.constant 0 : i32
    %dma_start3A_49 = tpu.memref_slice %arg10[%sub3A_47, %dma_start3A_48] : memref<112x128xi32, #tpu.memory_space<vmem>> -> memref<1x128xi32, #tpu.memory_space<vmem>>
    %dma_start3A_50 = tpu.memref_squeeze %dma_start3A_49 : memref<1x128xi32, #tpu.memory_space<vmem>> -> memref<128xi32, #tpu.memory_space<vmem>>
    %dma_start3A_51 = arith.constant 0 : i32
    %dma_start3A_52 = arith.constant 0 : i32
    %dma_start3A_53 = tpu.memref_slice %arg2[%dma_start3A_51, %dma_start3A_52] : memref<10240x64xf32, #tpu.memory_space<hbm>> -> memref<10240x64xf32, #tpu.memory_space<hbm>>
    tpu.enqueue_indirect_dma source(%dma_start3A_53 : memref<10240x64xf32, #tpu.memory_space<hbm>>) target(%arg13 : memref<128x64xf32, #tpu.memory_space<vmem>>) offsets(%dma_start3A_50 : memref<128xi32, #tpu.memory_space<vmem>>) semaphore(%arg16 : memref<!tpu.dma_semaphore, #tpu.memory_space<semaphore_mem>>)
    %sub3A_54 = arith.constant 2 : i32
    %sub3A_55 = arith.subi %select_n3A_11, %sub3A_54 : i32
    %dma_wait3A = arith.constant 0 : i32
    %dma_wait3A_56 = tpu.memref_slice %arg10[%sub3A_55, %dma_wait3A] : memref<112x128xi32, #tpu.memory_space<vmem>> -> memref<1x128xi32, #tpu.memory_space<vmem>>
    %dma_wait3A_57 = tpu.memref_squeeze %dma_wait3A_56 : memref<1x128xi32, #tpu.memory_space<vmem>> -> memref<128xi32, #tpu.memory_space<vmem>>
    %dma_wait3A_58 = arith.constant 0 : i32
    %dma_wait3A_59 = arith.constant 0 : i32
    %dma_wait3A_60 = tpu.memref_slice %arg2[%dma_wait3A_58, %dma_wait3A_59] : memref<10240x64xf32, #tpu.memory_space<hbm>> -> memref<10240x64xf32, #tpu.memory_space<hbm>>
    tpu.wait_indirect_dma semaphore(%arg15 : memref<!tpu.dma_semaphore, #tpu.memory_space<semaphore_mem>>) src(%dma_wait3A_60 : memref<10240x64xf32, #tpu.memory_space<hbm>>) dst(%arg12 : memref<128x64xf32, #tpu.memory_space<vmem>>)
    %sub3A_61 = arith.constant 2 : i32
    %sub3A_62 = arith.subi %select_n3A_11, %sub3A_61 : i32
    "tpu.region"() ({
      %run_scoped3A_148 = tpu.sem_alloc : memref<!tpu.dma_semaphore, #tpu.memory_space<semaphore_mem>>
      %dma_start3A_149 = arith.constant 0 : i32
      %dma_start3A_150 = tpu.memref_slice %arg11[%sub3A_62, %dma_start3A_149] : memref<112x128xi32, #tpu.memory_space<vmem>> -> memref<1x128xi32, #tpu.memory_space<vmem>>
      %dma_start3A_151 = tpu.memref_squeeze %dma_start3A_150 : memref<1x128xi32, #tpu.memory_space<vmem>> -> memref<128xi32, #tpu.memory_space<vmem>>
      %dma_start3A_152 = arith.constant 0 : i32
      %dma_start3A_153 = arith.constant 0 : i32
      %dma_start3A_154 = tpu.memref_slice %arg14[%dma_start3A_152, %dma_start3A_153] : memref<10240x64xf32, #tpu.memory_space<vmem_shared>> -> memref<10240x64xf32, #tpu.memory_space<vmem_shared>>
      tpu.enqueue_indirect_dma source(%arg12 : memref<128x64xf32, #tpu.memory_space<vmem>>) target(%dma_start3A_154 : memref<10240x64xf32, #tpu.memory_space<vmem_shared>>) offsets(%dma_start3A_151 : memref<128xi32, #tpu.memory_space<vmem>>) semaphore(%run_scoped3A_148 : memref<!tpu.dma_semaphore, #tpu.memory_space<semaphore_mem>>) {add = true}
      %dma_wait3A_155 = arith.constant 0 : i32
      %dma_wait3A_156 = tpu.memref_slice %arg11[%sub3A_62, %dma_wait3A_155] : memref<112x128xi32, #tpu.memory_space<vmem>> -> memref<1x128xi32, #tpu.memory_space<vmem>>
      %dma_wait3A_157 = tpu.memref_squeeze %dma_wait3A_156 : memref<1x128xi32, #tpu.memory_space<vmem>> -> memref<128xi32, #tpu.memory_space<vmem>>
      %dma_wait3A_158 = arith.constant 0 : i32
      %dma_wait3A_159 = arith.constant 0 : i32
      %dma_wait3A_160 = tpu.memref_slice %arg14[%dma_wait3A_158, %dma_wait3A_159] : memref<10240x64xf32, #tpu.memory_space<vmem_shared>> -> memref<10240x64xf32, #tpu.memory_space<vmem_shared>>
      tpu.wait_indirect_dma semaphore(%run_scoped3A_148 : memref<!tpu.dma_semaphore, #tpu.memory_space<semaphore_mem>>) src(%arg12 : memref<128x64xf32, #tpu.memory_space<vmem>>) dst(%dma_wait3A_160 : memref<10240x64xf32, #tpu.memory_space<vmem_shared>>)
      tpu.yield
    }) : () -> ()
    %sub3A_63 = arith.constant 1 : i32
    %sub3A_64 = arith.subi %select_n3A_11, %sub3A_63 : i32
    %dma_wait3A_65 = arith.constant 0 : i32
    %dma_wait3A_66 = tpu.memref_slice %arg10[%sub3A_64, %dma_wait3A_65] : memref<112x128xi32, #tpu.memory_space<vmem>> -> memref<1x128xi32, #tpu.memory_space<vmem>>
    %dma_wait3A_67 = tpu.memref_squeeze %dma_wait3A_66 : memref<1x128xi32, #tpu.memory_space<vmem>> -> memref<128xi32, #tpu.memory_space<vmem>>
    %dma_wait3A_68 = arith.constant 0 : i32
    %dma_wait3A_69 = arith.constant 0 : i32
    %dma_wait3A_70 = tpu.memref_slice %arg2[%dma_wait3A_68, %dma_wait3A_69] : memref<10240x64xf32, #tpu.memory_space<hbm>> -> memref<10240x64xf32, #tpu.memory_space<hbm>>
    tpu.wait_indirect_dma semaphore(%arg16 : memref<!tpu.dma_semaphore, #tpu.memory_space<semaphore_mem>>) src(%dma_wait3A_70 : memref<10240x64xf32, #tpu.memory_space<hbm>>) dst(%arg13 : memref<128x64xf32, #tpu.memory_space<vmem>>)
    %sub3A_71 = arith.constant 1 : i32
    %sub3A_72 = arith.subi %select_n3A_11, %sub3A_71 : i32
    "tpu.region"() ({
      %run_scoped3A_148 = tpu.sem_alloc : memref<!tpu.dma_semaphore, #tpu.memory_space<semaphore_mem>>
      %dma_start3A_149 = arith.constant 0 : i32
      %dma_start3A_150 = tpu.memref_slice %arg11[%sub3A_72, %dma_start3A_149] : memref<112x128xi32, #tpu.memory_space<vmem>> -> memref<1x128xi32, #tpu.memory_space<vmem>>
      %dma_start3A_151 = tpu.memref_squeeze %dma_start3A_150 : memref<1x128xi32, #tpu.memory_space<vmem>> -> memref<128xi32, #tpu.memory_space<vmem>>
      %dma_start3A_152 = arith.constant 0 : i32
      %dma_start3A_153 = arith.constant 0 : i32
      %dma_start3A_154 = tpu.memref_slice %arg14[%dma_start3A_152, %dma_start3A_153] : memref<10240x64xf32, #tpu.memory_space<vmem_shared>> -> memref<10240x64xf32, #tpu.memory_space<vmem_shared>>
      tpu.enqueue_indirect_dma source(%arg13 : memref<128x64xf32, #tpu.memory_space<vmem>>) target(%dma_start3A_154 : memref<10240x64xf32, #tpu.memory_space<vmem_shared>>) offsets(%dma_start3A_151 : memref<128xi32, #tpu.memory_space<vmem>>) semaphore(%run_scoped3A_148 : memref<!tpu.dma_semaphore, #tpu.memory_space<semaphore_mem>>) {add = true}
      %dma_wait3A_155 = arith.constant 0 : i32
      %dma_wait3A_156 = tpu.memref_slice %arg11[%sub3A_72, %dma_wait3A_155] : memref<112x128xi32, #tpu.memory_space<vmem>> -> memref<1x128xi32, #tpu.memory_space<vmem>>
      %dma_wait3A_157 = tpu.memref_squeeze %dma_wait3A_156 : memref<1x128xi32, #tpu.memory_space<vmem>> -> memref<128xi32, #tpu.memory_space<vmem>>
      %dma_wait3A_158 = arith.constant 0 : i32
      %dma_wait3A_159 = arith.constant 0 : i32
      %dma_wait3A_160 = tpu.memref_slice %arg14[%dma_wait3A_158, %dma_wait3A_159] : memref<10240x64xf32, #tpu.memory_space<vmem_shared>> -> memref<10240x64xf32, #tpu.memory_space<vmem_shared>>
      tpu.wait_indirect_dma semaphore(%run_scoped3A_148 : memref<!tpu.dma_semaphore, #tpu.memory_space<semaphore_mem>>) src(%arg13 : memref<128x64xf32, #tpu.memory_space<vmem>>) dst(%dma_wait3A_160 : memref<10240x64xf32, #tpu.memory_space<vmem_shared>>)
      tpu.yield
    }) : () -> ()
    %barrier3A_73 = arith.constant 0 : index
    tpu.barrier barrier_id(%barrier3A_73)
    %run_scoped3A = arith.constant 0 : i32
    "tpu.region"() ({
      %run_scoped3A_148 = tpu.sem_alloc : memref<!tpu.dma_semaphore, #tpu.memory_space<semaphore_mem>>
      %dma_start3A_149 = arith.constant 0 : i32
      %dma_start3A_150 = tpu.memref_slice %arg9[%run_scoped3A, %arg0, %mul3A_0, %dma_start3A_149] : memref<2x2x10240x64xf32, #tpu.memory_space<hbm>> -> memref<1x1x640x64xf32, #tpu.memory_space<hbm>>
      %dma_start3A_151 = tpu.memref_squeeze %dma_start3A_150 : memref<1x1x640x64xf32, #tpu.memory_space<hbm>> -> memref<640x64xf32, #tpu.memory_space<hbm>>
      %dma_start3A_152 = arith.constant 0 : i32
      %dma_start3A_153 = tpu.memref_slice %arg14[%mul3A_0, %dma_start3A_152] : memref<10240x64xf32, #tpu.memory_space<vmem_shared>> -> memref<640x64xf32, #tpu.memory_space<vmem_shared>>
      tpu.enqueue_dma source(%dma_start3A_153 : memref<640x64xf32, #tpu.memory_space<vmem_shared>>) target(%dma_start3A_151 : memref<640x64xf32, #tpu.memory_space<hbm>>) target_semaphore(%run_scoped3A_148 : memref<!tpu.dma_semaphore, #tpu.memory_space<semaphore_mem>>)
      %dma_wait3A_154 = arith.constant 0 : i32
      %dma_wait3A_155 = tpu.memref_slice %arg9[%run_scoped3A, %arg0, %mul3A_0, %dma_wait3A_154] : memref<2x2x10240x64xf32, #tpu.memory_space<hbm>> -> memref<1x1x640x64xf32, #tpu.memory_space<hbm>>
      %dma_wait3A_156 = tpu.memref_squeeze %dma_wait3A_155 : memref<1x1x640x64xf32, #tpu.memory_space<hbm>> -> memref<640x64xf32, #tpu.memory_space<hbm>>
      %dma_wait3A_157 = arith.constant 0 : i32
      %dma_wait3A_158 = tpu.memref_slice %arg14[%mul3A_0, %dma_wait3A_157] : memref<10240x64xf32, #tpu.memory_space<vmem_shared>> -> memref<640x64xf32, #tpu.memory_space<vmem_shared>>
      tpu.wait_dma2 semaphore(%run_scoped3A_148 : memref<!tpu.dma_semaphore, #tpu.memory_space<semaphore_mem>>) src(%dma_wait3A_158 : memref<640x64xf32, #tpu.memory_space<vmem_shared>>) dst(%dma_wait3A_156 : memref<640x64xf32, #tpu.memory_space<hbm>>)
      tpu.yield
    }) : () -> ()
    "tpu.region"() ({
      %run_scoped3A_148 = tpu.sem_alloc : memref<!tpu.dma_semaphore, #tpu.memory_space<semaphore_mem>>
      %dma_start3A_149 = arith.constant 0 : i32
      %dma_start3A_150 = tpu.memref_slice %arg14[%mul3A_0, %dma_start3A_149] : memref<10240x64xf32, #tpu.memory_space<vmem_shared>> -> memref<640x64xf32, #tpu.memory_space<vmem_shared>>
      %dma_start3A_151 = arith.constant 0 : i32
      %dma_start3A_152 = tpu.memref_slice %arg8[%mul3A_0, %dma_start3A_151] : memref<10240x64xf32, #tpu.memory_space<hbm>> -> memref<640x64xf32, #tpu.memory_space<hbm>>
      tpu.enqueue_dma source(%dma_start3A_152 : memref<640x64xf32, #tpu.memory_space<hbm>>) target(%dma_start3A_150 : memref<640x64xf32, #tpu.memory_space<vmem_shared>>) target_semaphore(%run_scoped3A_148 : memref<!tpu.dma_semaphore, #tpu.memory_space<semaphore_mem>>)
      %dma_wait3A_153 = arith.constant 0 : i32
      %dma_wait3A_154 = tpu.memref_slice %arg14[%mul3A_0, %dma_wait3A_153] : memref<10240x64xf32, #tpu.memory_space<vmem_shared>> -> memref<640x64xf32, #tpu.memory_space<vmem_shared>>
      %dma_wait3A_155 = arith.constant 0 : i32
      %dma_wait3A_156 = tpu.memref_slice %arg8[%mul3A_0, %dma_wait3A_155] : memref<10240x64xf32, #tpu.memory_space<hbm>> -> memref<640x64xf32, #tpu.memory_space<hbm>>
      tpu.wait_dma2 semaphore(%run_scoped3A_148 : memref<!tpu.dma_semaphore, #tpu.memory_space<semaphore_mem>>) src(%dma_wait3A_156 : memref<640x64xf32, #tpu.memory_space<hbm>>) dst(%dma_wait3A_154 : memref<640x64xf32, #tpu.memory_space<vmem_shared>>)
      tpu.yield
    }) : () -> ()
    %barrier3A_74 = arith.constant 0 : index
    tpu.barrier barrier_id(%barrier3A_74)
    %dma_start3A_75 = arith.constant 0 : i32
    %dma_start3A_76 = arith.constant 0 : i32
    %dma_start3A_77 = tpu.memref_slice %arg10[%dma_start3A_75, %dma_start3A_76] : memref<112x128xi32, #tpu.memory_space<vmem>> -> memref<1x128xi32, #tpu.memory_space<vmem>>
    %dma_start3A_78 = tpu.memref_squeeze %dma_start3A_77 : memref<1x128xi32, #tpu.memory_space<vmem>> -> memref<128xi32, #tpu.memory_space<vmem>>
    %dma_start3A_79 = arith.constant 0 : i32
    %dma_start3A_80 = arith.constant 0 : i32
    %dma_start3A_81 = tpu.memref_slice %arg3[%dma_start3A_79, %dma_start3A_80] : memref<10240x64xf32, #tpu.memory_space<hbm>> -> memref<10240x64xf32, #tpu.memory_space<hbm>>
    tpu.enqueue_indirect_dma source(%dma_start3A_81 : memref<10240x64xf32, #tpu.memory_space<hbm>>) target(%arg12 : memref<128x64xf32, #tpu.memory_space<vmem>>) offsets(%dma_start3A_78 : memref<128xi32, #tpu.memory_space<vmem>>) semaphore(%arg15 : memref<!tpu.dma_semaphore, #tpu.memory_space<semaphore_mem>>)
    %jit3A_82 = arith.constant 2 : i32
    %div3A_83 = arith.divsi %select_n3A_11, %jit3A_82 : i32
    %sign3A_84 = arith.constant 0 : i32
    %sign3A_85 = arith.cmpi sgt, %select_n3A_11, %sign3A_84 : i32
    %sign3A_86 = arith.extui %sign3A_85 : i1 to i32
    %sign3A_87 = arith.constant 0 : i32
    %sign3A_88 = arith.cmpi slt, %select_n3A_11, %sign3A_87 : i32
    %sign3A_89 = arith.extui %sign3A_88 : i1 to i32
    %sign3A_90 = arith.subi %sign3A_86, %sign3A_89 : i32
    %sign3A_91 = arith.constant 0 : i32
    %sign3A_92 = arith.cmpi sgt, %jit3A_82, %sign3A_91 : i32
    %sign3A_93 = arith.extui %sign3A_92 : i1 to i32
    %sign3A_94 = arith.constant 0 : i32
    %sign3A_95 = arith.cmpi slt, %jit3A_82, %sign3A_94 : i32
    %sign3A_96 = arith.extui %sign3A_95 : i1 to i32
    %sign3A_97 = arith.subi %sign3A_93, %sign3A_96 : i32
    %ne3A_98 = arith.cmpi ne, %sign3A_90, %sign3A_97 : i32
    %rem3A_99 = arith.remsi %select_n3A_11, %jit3A_82 : i32
    %ne3A_100 = arith.constant 0 : i32
    %ne3A_101 = arith.cmpi ne, %rem3A_99, %ne3A_100 : i32
    %and3A_102 = arith.andi %ne3A_98, %ne3A_101 : i1
    %sub3A_103 = arith.constant 1 : i32
    %sub3A_104 = arith.subi %div3A_83, %sub3A_103 : i32
    %select_n3A_105 = arith.select %and3A_102, %sub3A_104, %div3A_83 : i32
    %sub3A_106 = arith.constant 1 : i32
    %sub3A_107 = arith.subi %select_n3A_105, %sub3A_106 : i32
    %while3A_108 = arith.constant 0 : i32
    %while3A_109 = arith.constant 0 : i32
    %while3A_110 = arith.subi %sub3A_107, %while3A_109 : i32
    %while3A_111 = arith.addi %while3A_109, %while3A_110 : i32
    %while3A_112 = arith.constant 1 : i32
    %while3A_113 = arith.divsi %while3A_110, %while3A_112 : i32
    %while3A_114 = arith.muli %while3A_113, %while3A_112 : i32
    %while3A_115 = arith.addi %while3A_109, %while3A_114 : i32
    %while3A_116 = arith.constant 1 : i32
    scf.for %while3A_148 = %while3A_109 to %while3A_115 step %while3A_116  : i32 {
      %mul3A_149 = arith.constant 2 : i32
      %mul3A_150 = arith.muli %mul3A_149, %while3A_148 : i32
      %add3A = arith.constant 1 : i32
      %add3A_151 = arith.addi %mul3A_150, %add3A : i32
      %dma_start3A_152 = arith.constant 0 : i32
      %dma_start3A_153 = tpu.memref_slice %arg10[%add3A_151, %dma_start3A_152] : memref<112x128xi32, #tpu.memory_space<vmem>> -> memref<1x128xi32, #tpu.memory_space<vmem>>
      %dma_start3A_154 = tpu.memref_squeeze %dma_start3A_153 : memref<1x128xi32, #tpu.memory_space<vmem>> -> memref<128xi32, #tpu.memory_space<vmem>>
      %dma_start3A_155 = arith.constant 0 : i32
      %dma_start3A_156 = arith.constant 0 : i32
      %dma_start3A_157 = tpu.memref_slice %arg3[%dma_start3A_155, %dma_start3A_156] : memref<10240x64xf32, #tpu.memory_space<hbm>> -> memref<10240x64xf32, #tpu.memory_space<hbm>>
      tpu.enqueue_indirect_dma source(%dma_start3A_157 : memref<10240x64xf32, #tpu.memory_space<hbm>>) target(%arg13 : memref<128x64xf32, #tpu.memory_space<vmem>>) offsets(%dma_start3A_154 : memref<128xi32, #tpu.memory_space<vmem>>) semaphore(%arg16 : memref<!tpu.dma_semaphore, #tpu.memory_space<semaphore_mem>>)
      %dma_wait3A_158 = arith.constant 0 : i32
      %dma_wait3A_159 = tpu.memref_slice %arg10[%mul3A_150, %dma_wait3A_158] : memref<112x128xi32, #tpu.memory_space<vmem>> -> memref<1x128xi32, #tpu.memory_space<vmem>>
      %dma_wait3A_160 = tpu.memref_squeeze %dma_wait3A_159 : memref<1x128xi32, #tpu.memory_space<vmem>> -> memref<128xi32, #tpu.memory_space<vmem>>
      %dma_wait3A_161 = arith.constant 0 : i32
      %dma_wait3A_162 = arith.constant 0 : i32
      %dma_wait3A_163 = tpu.memref_slice %arg3[%dma_wait3A_161, %dma_wait3A_162] : memref<10240x64xf32, #tpu.memory_space<hbm>> -> memref<10240x64xf32, #tpu.memory_space<hbm>>
      tpu.wait_indirect_dma semaphore(%arg15 : memref<!tpu.dma_semaphore, #tpu.memory_space<semaphore_mem>>) src(%dma_wait3A_163 : memref<10240x64xf32, #tpu.memory_space<hbm>>) dst(%arg12 : memref<128x64xf32, #tpu.memory_space<vmem>>)
      "tpu.region"() ({
        %run_scoped3A_178 = tpu.sem_alloc : memref<!tpu.dma_semaphore, #tpu.memory_space<semaphore_mem>>
        %dma_start3A_179 = arith.constant 0 : i32
        %dma_start3A_180 = tpu.memref_slice %arg11[%mul3A_150, %dma_start3A_179] : memref<112x128xi32, #tpu.memory_space<vmem>> -> memref<1x128xi32, #tpu.memory_space<vmem>>
        %dma_start3A_181 = tpu.memref_squeeze %dma_start3A_180 : memref<1x128xi32, #tpu.memory_space<vmem>> -> memref<128xi32, #tpu.memory_space<vmem>>
        %dma_start3A_182 = arith.constant 0 : i32
        %dma_start3A_183 = arith.constant 0 : i32
        %dma_start3A_184 = tpu.memref_slice %arg14[%dma_start3A_182, %dma_start3A_183] : memref<10240x64xf32, #tpu.memory_space<vmem_shared>> -> memref<10240x64xf32, #tpu.memory_space<vmem_shared>>
        tpu.enqueue_indirect_dma source(%arg12 : memref<128x64xf32, #tpu.memory_space<vmem>>) target(%dma_start3A_184 : memref<10240x64xf32, #tpu.memory_space<vmem_shared>>) offsets(%dma_start3A_181 : memref<128xi32, #tpu.memory_space<vmem>>) semaphore(%run_scoped3A_178 : memref<!tpu.dma_semaphore, #tpu.memory_space<semaphore_mem>>) {add = true}
        %dma_wait3A_185 = arith.constant 0 : i32
        %dma_wait3A_186 = tpu.memref_slice %arg11[%mul3A_150, %dma_wait3A_185] : memref<112x128xi32, #tpu.memory_space<vmem>> -> memref<1x128xi32, #tpu.memory_space<vmem>>
        %dma_wait3A_187 = tpu.memref_squeeze %dma_wait3A_186 : memref<1x128xi32, #tpu.memory_space<vmem>> -> memref<128xi32, #tpu.memory_space<vmem>>
        %dma_wait3A_188 = arith.constant 0 : i32
        %dma_wait3A_189 = arith.constant 0 : i32
        %dma_wait3A_190 = tpu.memref_slice %arg14[%dma_wait3A_188, %dma_wait3A_189] : memref<10240x64xf32, #tpu.memory_space<vmem_shared>> -> memref<10240x64xf32, #tpu.memory_space<vmem_shared>>
        tpu.wait_indirect_dma semaphore(%run_scoped3A_178 : memref<!tpu.dma_semaphore, #tpu.memory_space<semaphore_mem>>) src(%arg12 : memref<128x64xf32, #tpu.memory_space<vmem>>) dst(%dma_wait3A_190 : memref<10240x64xf32, #tpu.memory_space<vmem_shared>>)
        tpu.yield
      }) : () -> ()
      %add3A_164 = arith.constant 2 : i32
      %add3A_165 = arith.addi %mul3A_150, %add3A_164 : i32
      %dma_start3A_166 = arith.constant 0 : i32
      %dma_start3A_167 = tpu.memref_slice %arg10[%add3A_165, %dma_start3A_166] : memref<112x128xi32, #tpu.memory_space<vmem>> -> memref<1x128xi32, #tpu.memory_space<vmem>>
      %dma_start3A_168 = tpu.memref_squeeze %dma_start3A_167 : memref<1x128xi32, #tpu.memory_space<vmem>> -> memref<128xi32, #tpu.memory_space<vmem>>
      %dma_start3A_169 = arith.constant 0 : i32
      %dma_start3A_170 = arith.constant 0 : i32
      %dma_start3A_171 = tpu.memref_slice %arg3[%dma_start3A_169, %dma_start3A_170] : memref<10240x64xf32, #tpu.memory_space<hbm>> -> memref<10240x64xf32, #tpu.memory_space<hbm>>
      tpu.enqueue_indirect_dma source(%dma_start3A_171 : memref<10240x64xf32, #tpu.memory_space<hbm>>) target(%arg12 : memref<128x64xf32, #tpu.memory_space<vmem>>) offsets(%dma_start3A_168 : memref<128xi32, #tpu.memory_space<vmem>>) semaphore(%arg15 : memref<!tpu.dma_semaphore, #tpu.memory_space<semaphore_mem>>)
      %dma_wait3A_172 = arith.constant 0 : i32
      %dma_wait3A_173 = tpu.memref_slice %arg10[%add3A_151, %dma_wait3A_172] : memref<112x128xi32, #tpu.memory_space<vmem>> -> memref<1x128xi32, #tpu.memory_space<vmem>>
      %dma_wait3A_174 = tpu.memref_squeeze %dma_wait3A_173 : memref<1x128xi32, #tpu.memory_space<vmem>> -> memref<128xi32, #tpu.memory_space<vmem>>
      %dma_wait3A_175 = arith.constant 0 : i32
      %dma_wait3A_176 = arith.constant 0 : i32
      %dma_wait3A_177 = tpu.memref_slice %arg3[%dma_wait3A_175, %dma_wait3A_176] : memref<10240x64xf32, #tpu.memory_space<hbm>> -> memref<10240x64xf32, #tpu.memory_space<hbm>>
      tpu.wait_indirect_dma semaphore(%arg16 : memref<!tpu.dma_semaphore, #tpu.memory_space<semaphore_mem>>) src(%dma_wait3A_177 : memref<10240x64xf32, #tpu.memory_space<hbm>>) dst(%arg13 : memref<128x64xf32, #tpu.memory_space<vmem>>)
      "tpu.region"() ({
        %run_scoped3A_178 = tpu.sem_alloc : memref<!tpu.dma_semaphore, #tpu.memory_space<semaphore_mem>>
        %dma_start3A_179 = arith.constant 0 : i32
        %dma_start3A_180 = tpu.memref_slice %arg11[%add3A_151, %dma_start3A_179] : memref<112x128xi32, #tpu.memory_space<vmem>> -> memref<1x128xi32, #tpu.memory_space<vmem>>
        %dma_start3A_181 = tpu.memref_squeeze %dma_start3A_180 : memref<1x128xi32, #tpu.memory_space<vmem>> -> memref<128xi32, #tpu.memory_space<vmem>>
        %dma_start3A_182 = arith.constant 0 : i32
        %dma_start3A_183 = arith.constant 0 : i32
        %dma_start3A_184 = tpu.memref_slice %arg14[%dma_start3A_182, %dma_start3A_183] : memref<10240x64xf32, #tpu.memory_space<vmem_shared>> -> memref<10240x64xf32, #tpu.memory_space<vmem_shared>>
        tpu.enqueue_indirect_dma source(%arg13 : memref<128x64xf32, #tpu.memory_space<vmem>>) target(%dma_start3A_184 : memref<10240x64xf32, #tpu.memory_space<vmem_shared>>) offsets(%dma_start3A_181 : memref<128xi32, #tpu.memory_space<vmem>>) semaphore(%run_scoped3A_178 : memref<!tpu.dma_semaphore, #tpu.memory_space<semaphore_mem>>) {add = true}
        %dma_wait3A_185 = arith.constant 0 : i32
        %dma_wait3A_186 = tpu.memref_slice %arg11[%add3A_151, %dma_wait3A_185] : memref<112x128xi32, #tpu.memory_space<vmem>> -> memref<1x128xi32, #tpu.memory_space<vmem>>
        %dma_wait3A_187 = tpu.memref_squeeze %dma_wait3A_186 : memref<1x128xi32, #tpu.memory_space<vmem>> -> memref<128xi32, #tpu.memory_space<vmem>>
        %dma_wait3A_188 = arith.constant 0 : i32
        %dma_wait3A_189 = arith.constant 0 : i32
        %dma_wait3A_190 = tpu.memref_slice %arg14[%dma_wait3A_188, %dma_wait3A_189] : memref<10240x64xf32, #tpu.memory_space<vmem_shared>> -> memref<10240x64xf32, #tpu.memory_space<vmem_shared>>
        tpu.wait_indirect_dma semaphore(%run_scoped3A_178 : memref<!tpu.dma_semaphore, #tpu.memory_space<semaphore_mem>>) src(%arg13 : memref<128x64xf32, #tpu.memory_space<vmem>>) dst(%dma_wait3A_190 : memref<10240x64xf32, #tpu.memory_space<vmem_shared>>)
        tpu.yield
      }) : () -> ()
    }
    %while3A_117 = arith.constant 1 : i32
    scf.for %while3A_148 = %while3A_115 to %while3A_111 step %while3A_117  : i32 {
      %mul3A_149 = arith.constant 2 : i32
      %mul3A_150 = arith.muli %mul3A_149, %while3A_148 : i32
      %add3A = arith.constant 1 : i32
      %add3A_151 = arith.addi %mul3A_150, %add3A : i32
      %dma_start3A_152 = arith.constant 0 : i32
      %dma_start3A_153 = tpu.memref_slice %arg10[%add3A_151, %dma_start3A_152] : memref<112x128xi32, #tpu.memory_space<vmem>> -> memref<1x128xi32, #tpu.memory_space<vmem>>
      %dma_start3A_154 = tpu.memref_squeeze %dma_start3A_153 : memref<1x128xi32, #tpu.memory_space<vmem>> -> memref<128xi32, #tpu.memory_space<vmem>>
      %dma_start3A_155 = arith.constant 0 : i32
      %dma_start3A_156 = arith.constant 0 : i32
      %dma_start3A_157 = tpu.memref_slice %arg3[%dma_start3A_155, %dma_start3A_156] : memref<10240x64xf32, #tpu.memory_space<hbm>> -> memref<10240x64xf32, #tpu.memory_space<hbm>>
      tpu.enqueue_indirect_dma source(%dma_start3A_157 : memref<10240x64xf32, #tpu.memory_space<hbm>>) target(%arg13 : memref<128x64xf32, #tpu.memory_space<vmem>>) offsets(%dma_start3A_154 : memref<128xi32, #tpu.memory_space<vmem>>) semaphore(%arg16 : memref<!tpu.dma_semaphore, #tpu.memory_space<semaphore_mem>>)
      %dma_wait3A_158 = arith.constant 0 : i32
      %dma_wait3A_159 = tpu.memref_slice %arg10[%mul3A_150, %dma_wait3A_158] : memref<112x128xi32, #tpu.memory_space<vmem>> -> memref<1x128xi32, #tpu.memory_space<vmem>>
      %dma_wait3A_160 = tpu.memref_squeeze %dma_wait3A_159 : memref<1x128xi32, #tpu.memory_space<vmem>> -> memref<128xi32, #tpu.memory_space<vmem>>
      %dma_wait3A_161 = arith.constant 0 : i32
      %dma_wait3A_162 = arith.constant 0 : i32
      %dma_wait3A_163 = tpu.memref_slice %arg3[%dma_wait3A_161, %dma_wait3A_162] : memref<10240x64xf32, #tpu.memory_space<hbm>> -> memref<10240x64xf32, #tpu.memory_space<hbm>>
      tpu.wait_indirect_dma semaphore(%arg15 : memref<!tpu.dma_semaphore, #tpu.memory_space<semaphore_mem>>) src(%dma_wait3A_163 : memref<10240x64xf32, #tpu.memory_space<hbm>>) dst(%arg12 : memref<128x64xf32, #tpu.memory_space<vmem>>)
      "tpu.region"() ({
        %run_scoped3A_178 = tpu.sem_alloc : memref<!tpu.dma_semaphore, #tpu.memory_space<semaphore_mem>>
        %dma_start3A_179 = arith.constant 0 : i32
        %dma_start3A_180 = tpu.memref_slice %arg11[%mul3A_150, %dma_start3A_179] : memref<112x128xi32, #tpu.memory_space<vmem>> -> memref<1x128xi32, #tpu.memory_space<vmem>>
        %dma_start3A_181 = tpu.memref_squeeze %dma_start3A_180 : memref<1x128xi32, #tpu.memory_space<vmem>> -> memref<128xi32, #tpu.memory_space<vmem>>
        %dma_start3A_182 = arith.constant 0 : i32
        %dma_start3A_183 = arith.constant 0 : i32
        %dma_start3A_184 = tpu.memref_slice %arg14[%dma_start3A_182, %dma_start3A_183] : memref<10240x64xf32, #tpu.memory_space<vmem_shared>> -> memref<10240x64xf32, #tpu.memory_space<vmem_shared>>
        tpu.enqueue_indirect_dma source(%arg12 : memref<128x64xf32, #tpu.memory_space<vmem>>) target(%dma_start3A_184 : memref<10240x64xf32, #tpu.memory_space<vmem_shared>>) offsets(%dma_start3A_181 : memref<128xi32, #tpu.memory_space<vmem>>) semaphore(%run_scoped3A_178 : memref<!tpu.dma_semaphore, #tpu.memory_space<semaphore_mem>>) {add = true}
        %dma_wait3A_185 = arith.constant 0 : i32
        %dma_wait3A_186 = tpu.memref_slice %arg11[%mul3A_150, %dma_wait3A_185] : memref<112x128xi32, #tpu.memory_space<vmem>> -> memref<1x128xi32, #tpu.memory_space<vmem>>
        %dma_wait3A_187 = tpu.memref_squeeze %dma_wait3A_186 : memref<1x128xi32, #tpu.memory_space<vmem>> -> memref<128xi32, #tpu.memory_space<vmem>>
        %dma_wait3A_188 = arith.constant 0 : i32
        %dma_wait3A_189 = arith.constant 0 : i32
        %dma_wait3A_190 = tpu.memref_slice %arg14[%dma_wait3A_188, %dma_wait3A_189] : memref<10240x64xf32, #tpu.memory_space<vmem_shared>> -> memref<10240x64xf32, #tpu.memory_space<vmem_shared>>
        tpu.wait_indirect_dma semaphore(%run_scoped3A_178 : memref<!tpu.dma_semaphore, #tpu.memory_space<semaphore_mem>>) src(%arg12 : memref<128x64xf32, #tpu.memory_space<vmem>>) dst(%dma_wait3A_190 : memref<10240x64xf32, #tpu.memory_space<vmem_shared>>)
        tpu.yield
      }) : () -> ()
      %add3A_164 = arith.constant 2 : i32
      %add3A_165 = arith.addi %mul3A_150, %add3A_164 : i32
      %dma_start3A_166 = arith.constant 0 : i32
      %dma_start3A_167 = tpu.memref_slice %arg10[%add3A_165, %dma_start3A_166] : memref<112x128xi32, #tpu.memory_space<vmem>> -> memref<1x128xi32, #tpu.memory_space<vmem>>
      %dma_start3A_168 = tpu.memref_squeeze %dma_start3A_167 : memref<1x128xi32, #tpu.memory_space<vmem>> -> memref<128xi32, #tpu.memory_space<vmem>>
      %dma_start3A_169 = arith.constant 0 : i32
      %dma_start3A_170 = arith.constant 0 : i32
      %dma_start3A_171 = tpu.memref_slice %arg3[%dma_start3A_169, %dma_start3A_170] : memref<10240x64xf32, #tpu.memory_space<hbm>> -> memref<10240x64xf32, #tpu.memory_space<hbm>>
      tpu.enqueue_indirect_dma source(%dma_start3A_171 : memref<10240x64xf32, #tpu.memory_space<hbm>>) target(%arg12 : memref<128x64xf32, #tpu.memory_space<vmem>>) offsets(%dma_start3A_168 : memref<128xi32, #tpu.memory_space<vmem>>) semaphore(%arg15 : memref<!tpu.dma_semaphore, #tpu.memory_space<semaphore_mem>>)
      %dma_wait3A_172 = arith.constant 0 : i32
      %dma_wait3A_173 = tpu.memref_slice %arg10[%add3A_151, %dma_wait3A_172] : memref<112x128xi32, #tpu.memory_space<vmem>> -> memref<1x128xi32, #tpu.memory_space<vmem>>
      %dma_wait3A_174 = tpu.memref_squeeze %dma_wait3A_173 : memref<1x128xi32, #tpu.memory_space<vmem>> -> memref<128xi32, #tpu.memory_space<vmem>>
      %dma_wait3A_175 = arith.constant 0 : i32
      %dma_wait3A_176 = arith.constant 0 : i32
      %dma_wait3A_177 = tpu.memref_slice %arg3[%dma_wait3A_175, %dma_wait3A_176] : memref<10240x64xf32, #tpu.memory_space<hbm>> -> memref<10240x64xf32, #tpu.memory_space<hbm>>
      tpu.wait_indirect_dma semaphore(%arg16 : memref<!tpu.dma_semaphore, #tpu.memory_space<semaphore_mem>>) src(%dma_wait3A_177 : memref<10240x64xf32, #tpu.memory_space<hbm>>) dst(%arg13 : memref<128x64xf32, #tpu.memory_space<vmem>>)
      "tpu.region"() ({
        %run_scoped3A_178 = tpu.sem_alloc : memref<!tpu.dma_semaphore, #tpu.memory_space<semaphore_mem>>
        %dma_start3A_179 = arith.constant 0 : i32
        %dma_start3A_180 = tpu.memref_slice %arg11[%add3A_151, %dma_start3A_179] : memref<112x128xi32, #tpu.memory_space<vmem>> -> memref<1x128xi32, #tpu.memory_space<vmem>>
        %dma_start3A_181 = tpu.memref_squeeze %dma_start3A_180 : memref<1x128xi32, #tpu.memory_space<vmem>> -> memref<128xi32, #tpu.memory_space<vmem>>
        %dma_start3A_182 = arith.constant 0 : i32
        %dma_start3A_183 = arith.constant 0 : i32
        %dma_start3A_184 = tpu.memref_slice %arg14[%dma_start3A_182, %dma_start3A_183] : memref<10240x64xf32, #tpu.memory_space<vmem_shared>> -> memref<10240x64xf32, #tpu.memory_space<vmem_shared>>
        tpu.enqueue_indirect_dma source(%arg13 : memref<128x64xf32, #tpu.memory_space<vmem>>) target(%dma_start3A_184 : memref<10240x64xf32, #tpu.memory_space<vmem_shared>>) offsets(%dma_start3A_181 : memref<128xi32, #tpu.memory_space<vmem>>) semaphore(%run_scoped3A_178 : memref<!tpu.dma_semaphore, #tpu.memory_space<semaphore_mem>>) {add = true}
        %dma_wait3A_185 = arith.constant 0 : i32
        %dma_wait3A_186 = tpu.memref_slice %arg11[%add3A_151, %dma_wait3A_185] : memref<112x128xi32, #tpu.memory_space<vmem>> -> memref<1x128xi32, #tpu.memory_space<vmem>>
        %dma_wait3A_187 = tpu.memref_squeeze %dma_wait3A_186 : memref<1x128xi32, #tpu.memory_space<vmem>> -> memref<128xi32, #tpu.memory_space<vmem>>
        %dma_wait3A_188 = arith.constant 0 : i32
        %dma_wait3A_189 = arith.constant 0 : i32
        %dma_wait3A_190 = tpu.memref_slice %arg14[%dma_wait3A_188, %dma_wait3A_189] : memref<10240x64xf32, #tpu.memory_space<vmem_shared>> -> memref<10240x64xf32, #tpu.memory_space<vmem_shared>>
        tpu.wait_indirect_dma semaphore(%run_scoped3A_178 : memref<!tpu.dma_semaphore, #tpu.memory_space<semaphore_mem>>) src(%arg13 : memref<128x64xf32, #tpu.memory_space<vmem>>) dst(%dma_wait3A_190 : memref<10240x64xf32, #tpu.memory_space<vmem_shared>>)
        tpu.yield
      }) : () -> ()
    }
    %sub3A_118 = arith.constant 1 : i32
    %sub3A_119 = arith.subi %select_n3A_11, %sub3A_118 : i32
    %dma_start3A_120 = arith.constant 0 : i32
    %dma_start3A_121 = tpu.memref_slice %arg10[%sub3A_119, %dma_start3A_120] : memref<112x128xi32, #tpu.memory_space<vmem>> -> memref<1x128xi32, #tpu.memory_space<vmem>>
    %dma_start3A_122 = tpu.memref_squeeze %dma_start3A_121 : memref<1x128xi32, #tpu.memory_space<vmem>> -> memref<128xi32, #tpu.memory_space<vmem>>
    %dma_start3A_123 = arith.constant 0 : i32
    %dma_start3A_124 = arith.constant 0 : i32
    %dma_start3A_125 = tpu.memref_slice %arg3[%dma_start3A_123, %dma_start3A_124] : memref<10240x64xf32, #tpu.memory_space<hbm>> -> memref<10240x64xf32, #tpu.memory_space<hbm>>
    tpu.enqueue_indirect_dma source(%dma_start3A_125 : memref<10240x64xf32, #tpu.memory_space<hbm>>) target(%arg13 : memref<128x64xf32, #tpu.memory_space<vmem>>) offsets(%dma_start3A_122 : memref<128xi32, #tpu.memory_space<vmem>>) semaphore(%arg16 : memref<!tpu.dma_semaphore, #tpu.memory_space<semaphore_mem>>)
    %sub3A_126 = arith.constant 2 : i32
    %sub3A_127 = arith.subi %select_n3A_11, %sub3A_126 : i32
    %dma_wait3A_128 = arith.constant 0 : i32
    %dma_wait3A_129 = tpu.memref_slice %arg10[%sub3A_127, %dma_wait3A_128] : memref<112x128xi32, #tpu.memory_space<vmem>> -> memref<1x128xi32, #tpu.memory_space<vmem>>
    %dma_wait3A_130 = tpu.memref_squeeze %dma_wait3A_129 : memref<1x128xi32, #tpu.memory_space<vmem>> -> memref<128xi32, #tpu.memory_space<vmem>>
    %dma_wait3A_131 = arith.constant 0 : i32
    %dma_wait3A_132 = arith.constant 0 : i32
    %dma_wait3A_133 = tpu.memref_slice %arg3[%dma_wait3A_131, %dma_wait3A_132] : memref<10240x64xf32, #tpu.memory_space<hbm>> -> memref<10240x64xf32, #tpu.memory_space<hbm>>
    tpu.wait_indirect_dma semaphore(%arg15 : memref<!tpu.dma_semaphore, #tpu.memory_space<semaphore_mem>>) src(%dma_wait3A_133 : memref<10240x64xf32, #tpu.memory_space<hbm>>) dst(%arg12 : memref<128x64xf32, #tpu.memory_space<vmem>>)
    %sub3A_134 = arith.constant 2 : i32
    %sub3A_135 = arith.subi %select_n3A_11, %sub3A_134 : i32
    "tpu.region"() ({
      %run_scoped3A_148 = tpu.sem_alloc : memref<!tpu.dma_semaphore, #tpu.memory_space<semaphore_mem>>
      %dma_start3A_149 = arith.constant 0 : i32
      %dma_start3A_150 = tpu.memref_slice %arg11[%sub3A_135, %dma_start3A_149] : memref<112x128xi32, #tpu.memory_space<vmem>> -> memref<1x128xi32, #tpu.memory_space<vmem>>
      %dma_start3A_151 = tpu.memref_squeeze %dma_start3A_150 : memref<1x128xi32, #tpu.memory_space<vmem>> -> memref<128xi32, #tpu.memory_space<vmem>>
      %dma_start3A_152 = arith.constant 0 : i32
      %dma_start3A_153 = arith.constant 0 : i32
      %dma_start3A_154 = tpu.memref_slice %arg14[%dma_start3A_152, %dma_start3A_153] : memref<10240x64xf32, #tpu.memory_space<vmem_shared>> -> memref<10240x64xf32, #tpu.memory_space<vmem_shared>>
      tpu.enqueue_indirect_dma source(%arg12 : memref<128x64xf32, #tpu.memory_space<vmem>>) target(%dma_start3A_154 : memref<10240x64xf32, #tpu.memory_space<vmem_shared>>) offsets(%dma_start3A_151 : memref<128xi32, #tpu.memory_space<vmem>>) semaphore(%run_scoped3A_148 : memref<!tpu.dma_semaphore, #tpu.memory_space<semaphore_mem>>) {add = true}
      %dma_wait3A_155 = arith.constant 0 : i32
      %dma_wait3A_156 = tpu.memref_slice %arg11[%sub3A_135, %dma_wait3A_155] : memref<112x128xi32, #tpu.memory_space<vmem>> -> memref<1x128xi32, #tpu.memory_space<vmem>>
      %dma_wait3A_157 = tpu.memref_squeeze %dma_wait3A_156 : memref<1x128xi32, #tpu.memory_space<vmem>> -> memref<128xi32, #tpu.memory_space<vmem>>
      %dma_wait3A_158 = arith.constant 0 : i32
      %dma_wait3A_159 = arith.constant 0 : i32
      %dma_wait3A_160 = tpu.memref_slice %arg14[%dma_wait3A_158, %dma_wait3A_159] : memref<10240x64xf32, #tpu.memory_space<vmem_shared>> -> memref<10240x64xf32, #tpu.memory_space<vmem_shared>>
      tpu.wait_indirect_dma semaphore(%run_scoped3A_148 : memref<!tpu.dma_semaphore, #tpu.memory_space<semaphore_mem>>) src(%arg12 : memref<128x64xf32, #tpu.memory_space<vmem>>) dst(%dma_wait3A_160 : memref<10240x64xf32, #tpu.memory_space<vmem_shared>>)
      tpu.yield
    }) : () -> ()
    %sub3A_136 = arith.constant 1 : i32
    %sub3A_137 = arith.subi %select_n3A_11, %sub3A_136 : i32
    %dma_wait3A_138 = arith.constant 0 : i32
    %dma_wait3A_139 = tpu.memref_slice %arg10[%sub3A_137, %dma_wait3A_138] : memref<112x128xi32, #tpu.memory_space<vmem>> -> memref<1x128xi32, #tpu.memory_space<vmem>>
    %dma_wait3A_140 = tpu.memref_squeeze %dma_wait3A_139 : memref<1x128xi32, #tpu.memory_space<vmem>> -> memref<128xi32, #tpu.memory_space<vmem>>
    %dma_wait3A_141 = arith.constant 0 : i32
    %dma_wait3A_142 = arith.constant 0 : i32
    %dma_wait3A_143 = tpu.memref_slice %arg3[%dma_wait3A_141, %dma_wait3A_142] : memref<10240x64xf32, #tpu.memory_space<hbm>> -> memref<10240x64xf32, #tpu.memory_space<hbm>>
    tpu.wait_indirect_dma semaphore(%arg16 : memref<!tpu.dma_semaphore, #tpu.memory_space<semaphore_mem>>) src(%dma_wait3A_143 : memref<10240x64xf32, #tpu.memory_space<hbm>>) dst(%arg13 : memref<128x64xf32, #tpu.memory_space<vmem>>)
    %sub3A_144 = arith.constant 1 : i32
    %sub3A_145 = arith.subi %select_n3A_11, %sub3A_144 : i32
    "tpu.region"() ({
      %run_scoped3A_148 = tpu.sem_alloc : memref<!tpu.dma_semaphore, #tpu.memory_space<semaphore_mem>>
      %dma_start3A_149 = arith.constant 0 : i32
      %dma_start3A_150 = tpu.memref_slice %arg11[%sub3A_145, %dma_start3A_149] : memref<112x128xi32, #tpu.memory_space<vmem>> -> memref<1x128xi32, #tpu.memory_space<vmem>>
      %dma_start3A_151 = tpu.memref_squeeze %dma_start3A_150 : memref<1x128xi32, #tpu.memory_space<vmem>> -> memref<128xi32, #tpu.memory_space<vmem>>
      %dma_start3A_152 = arith.constant 0 : i32
      %dma_start3A_153 = arith.constant 0 : i32
      %dma_start3A_154 = tpu.memref_slice %arg14[%dma_start3A_152, %dma_start3A_153] : memref<10240x64xf32, #tpu.memory_space<vmem_shared>> -> memref<10240x64xf32, #tpu.memory_space<vmem_shared>>
      tpu.enqueue_indirect_dma source(%arg13 : memref<128x64xf32, #tpu.memory_space<vmem>>) target(%dma_start3A_154 : memref<10240x64xf32, #tpu.memory_space<vmem_shared>>) offsets(%dma_start3A_151 : memref<128xi32, #tpu.memory_space<vmem>>) semaphore(%run_scoped3A_148 : memref<!tpu.dma_semaphore, #tpu.memory_space<semaphore_mem>>) {add = true}
      %dma_wait3A_155 = arith.constant 0 : i32
      %dma_wait3A_156 = tpu.memref_slice %arg11[%sub3A_145, %dma_wait3A_155] : memref<112x128xi32, #tpu.memory_space<vmem>> -> memref<1x128xi32, #tpu.memory_space<vmem>>
      %dma_wait3A_157 = tpu.memref_squeeze %dma_wait3A_156 : memref<1x128xi32, #tpu.memory_space<vmem>> -> memref<128xi32, #tpu.memory_space<vmem>>
      %dma_wait3A_158 = arith.constant 0 : i32
      %dma_wait3A_159 = arith.constant 0 : i32
      %dma_wait3A_160 = tpu.memref_slice %arg14[%dma_wait3A_158, %dma_wait3A_159] : memref<10240x64xf32, #tpu.memory_space<vmem_shared>> -> memref<10240x64xf32, #tpu.memory_space<vmem_shared>>
      tpu.wait_indirect_dma semaphore(%run_scoped3A_148 : memref<!tpu.dma_semaphore, #tpu.memory_space<semaphore_mem>>) src(%arg13 : memref<128x64xf32, #tpu.memory_space<vmem>>) dst(%dma_wait3A_160 : memref<10240x64xf32, #tpu.memory_space<vmem_shared>>)
      tpu.yield
    }) : () -> ()
    %barrier3A_146 = arith.constant 0 : index
    tpu.barrier barrier_id(%barrier3A_146)
    %run_scoped3A_147 = arith.constant 1 : i32
    "tpu.region"() ({
      %run_scoped3A_148 = tpu.sem_alloc : memref<!tpu.dma_semaphore, #tpu.memory_space<semaphore_mem>>
      %dma_start3A_149 = arith.constant 0 : i32
      %dma_start3A_150 = tpu.memref_slice %arg9[%run_scoped3A_147, %arg0, %mul3A_0, %dma_start3A_149] : memref<2x2x10240x64xf32, #tpu.memory_space<hbm>> -> memref<1x1x640x64xf32, #tpu.memory_space<hbm>>
      %dma_start3A_151 = tpu.memref_squeeze %dma_start3A_150 : memref<1x1x640x64xf32, #tpu.memory_space<hbm>> -> memref<640x64xf32, #tpu.memory_space<hbm>>
      %dma_start3A_152 = arith.constant 0 : i32
      %dma_start3A_153 = tpu.memref_slice %arg14[%mul3A_0, %dma_start3A_152] : memref<10240x64xf32, #tpu.memory_space<vmem_shared>> -> memref<640x64xf32, #tpu.memory_space<vmem_shared>>
      tpu.enqueue_dma source(%dma_start3A_153 : memref<640x64xf32, #tpu.memory_space<vmem_shared>>) target(%dma_start3A_151 : memref<640x64xf32, #tpu.memory_space<hbm>>) target_semaphore(%run_scoped3A_148 : memref<!tpu.dma_semaphore, #tpu.memory_space<semaphore_mem>>)
      %dma_wait3A_154 = arith.constant 0 : i32
      %dma_wait3A_155 = tpu.memref_slice %arg9[%run_scoped3A_147, %arg0, %mul3A_0, %dma_wait3A_154] : memref<2x2x10240x64xf32, #tpu.memory_space<hbm>> -> memref<1x1x640x64xf32, #tpu.memory_space<hbm>>
      %dma_wait3A_156 = tpu.memref_squeeze %dma_wait3A_155 : memref<1x1x640x64xf32, #tpu.memory_space<hbm>> -> memref<640x64xf32, #tpu.memory_space<hbm>>
      %dma_wait3A_157 = arith.constant 0 : i32
      %dma_wait3A_158 = tpu.memref_slice %arg14[%mul3A_0, %dma_wait3A_157] : memref<10240x64xf32, #tpu.memory_space<vmem_shared>> -> memref<640x64xf32, #tpu.memory_space<vmem_shared>>
      tpu.wait_dma2 semaphore(%run_scoped3A_148 : memref<!tpu.dma_semaphore, #tpu.memory_space<semaphore_mem>>) src(%dma_wait3A_158 : memref<640x64xf32, #tpu.memory_space<vmem_shared>>) dst(%dma_wait3A_156 : memref<640x64xf32, #tpu.memory_space<hbm>>)
      tpu.yield
    }) : () -> ()
    return
  }
}

#map = affine_map<(d0, d1) -> (0, 0)>
#map1 = affine_map<(d0, d1) -> (0, 0, 0)>
#map2 = affine_map<(d0, d1) -> (0, 0, 0, 0)>
module attributes {stable_mosaic.version = 14 : i64} {
  func.func @_prop_body(%arg0: i32, %arg1: i32, %arg2: memref<10240x64xf32, #tpu.memory_space<hbm>>, %arg3: memref<10240x64xf32, #tpu.memory_space<hbm>>, %arg4: memref<16x112x128xi32, #tpu.memory_space<hbm>>, %arg5: memref<16x112x128xi32, #tpu.memory_space<hbm>>, %arg6: memref<16x50x128xi32, #tpu.memory_space<hbm>>, %arg7: memref<16x50x128xi32, #tpu.memory_space<hbm>>, %arg8: memref<10240x64xf32, #tpu.memory_space<hbm>>, %arg9: memref<2x2x10240x64xf32, #tpu.memory_space<hbm>>, %arg10: memref<112x128xi32, #tpu.memory_space<vmem>>, %arg11: memref<112x128xi32, #tpu.memory_space<vmem>>, %arg12: memref<128x64xf32, #tpu.memory_space<vmem>>, %arg13: memref<128x64xf32, #tpu.memory_space<vmem>>, %arg14: memref<10240x64xf32, #tpu.memory_space<vmem_shared>>, %arg15: memref<!tpu.dma_semaphore, #tpu.memory_space<semaphore_mem>>, %arg16: memref<!tpu.dma_semaphore, #tpu.memory_space<semaphore_mem>>) attributes {dimension_semantics = [#tpu.dimension_semantics<core_parallel>, #tpu.dimension_semantics<subcore_parallel>], iteration_bounds = array<i64: 2, 16>, scalar_prefetch = 0 : i64, scratch_operands = 7 : i64, tpu.core_type = #tpu.core_type<sc_vector_subcore>, window_params = [{transform_indices = #map}, {transform_indices = #map}, {transform_indices = #map1}, {transform_indices = #map1}, {transform_indices = #map1}, {transform_indices = #map1}, {transform_indices = #map}, {transform_indices = #map2}]} {
    %mul3A = arith.constant 640 : i32
    %mul3A_0 = arith.muli %arg1, %mul3A : i32
    %eq3A = arith.constant 0 : i32
    %eq3A_1 = arith.cmpi eq, %arg0, %eq3A : i32
    %convert_element_type3A = arith.extui %eq3A_1 : i1 to i32
    %cond3A = arith.constant 0 : i32
    %cond3A_2 = arith.cmpi ne, %convert_element_type3A, %cond3A : i32
    scf.if %cond3A_2 {
      "tpu.region"() ({
        %run_scoped3A_148 = tpu.sem_alloc : memref<!tpu.dma_semaphore, #tpu.memory_space<semaphore_mem>>
        %dma_start3A_149 = arith.constant 0 : i32
        %dma_start3A_150 = arith.constant 0 : i32
        %dma_start3A_151 = tpu.memref_slice %arg10[%dma_start3A_149, %dma_start3A_150] : memref<112x128xi32, #tpu.memory_space<vmem>> -> memref<112x128xi32, #tpu.memory_space<vmem>>
        %dma_start3A_152 = arith.constant 0 : i32
        %dma_start3A_153 = arith.constant 0 : i32
        %dma_start3A_154 = tpu.memref_slice %arg4[%arg1, %dma_start3A_152, %dma_start3A_153] : memref<16x112x128xi32, #tpu.memory_space<hbm>> -> memref<1x112x128xi32, #tpu.memory_space<hbm>>
        %dma_start3A_155 = tpu.memref_squeeze %dma_start3A_154 : memref<1x112x128xi32, #tpu.memory_space<hbm>> -> memref<112x128xi32, #tpu.memory_space<hbm>>
        %dma_start3A_156 = arith.constant 0 : i32
        %dma_start3A_157 = arith.constant 0 : i32
        %dma_start3A_158 = tpu.memref_slice %arg10[%dma_start3A_156, %dma_start3A_157] : memref<112x128xi32, #tpu.memory_space<vmem>> -> memref<112x128xi32, #tpu.memory_space<vmem>>
        %dma_start3A_159 = arith.constant 0 : i32
        %dma_start3A_160 = arith.constant 0 : i32
        %dma_start3A_161 = tpu.memref_slice %arg4[%arg1, %dma_start3A_159, %dma_start3A_160] : memref<16x112x128xi32, #tpu.memory_space<hbm>> -> memref<1x112x128xi32, #tpu.memory_space<hbm>>
        %dma_start3A_162 = tpu.memref_squeeze %dma_start3A_161 : memref<1x112x128xi32, #tpu.memory_space<hbm>> -> memref<112x128xi32, #tpu.memory_space<hbm>>
        tpu.enqueue_dma source(%dma_start3A_162 : memref<112x128xi32, #tpu.memory_space<hbm>>) target(%dma_start3A_158 : memref<112x128xi32, #tpu.memory_space<vmem>>) target_semaphore(%run_scoped3A_148 : memref<!tpu.dma_semaphore, #tpu.memory_space<semaphore_mem>>)
        %dma_wait3A_163 = arith.constant 0 : i32
        %dma_wait3A_164 = arith.constant 0 : i32
        %dma_wait3A_165 = tpu.memref_slice %arg10[%dma_wait3A_163, %dma_wait3A_164] : memref<112x128xi32, #tpu.memory_space<vmem>> -> memref<112x128xi32, #tpu.memory_space<vmem>>
        %dma_wait3A_166 = arith.constant 0 : i32
        %dma_wait3A_167 = arith.constant 0 : i32
        %dma_wait3A_168 = tpu.memref_slice %arg4[%arg1, %dma_wait3A_166, %dma_wait3A_167] : memref<16x112x128xi32, #tpu.memory_space<hbm>> -> memref<1x112x128xi32, #tpu.memory_space<hbm>>
        %dma_wait3A_169 = tpu.memref_squeeze %dma_wait3A_168 : memref<1x112x128xi32, #tpu.memory_space<hbm>> -> memref<112x128xi32, #tpu.memory_space<hbm>>
        %dma_wait3A_170 = arith.constant 0 : i32
        %dma_wait3A_171 = arith.constant 0 : i32
        %dma_wait3A_172 = tpu.memref_slice %arg10[%dma_wait3A_170, %dma_wait3A_171] : memref<112x128xi32, #tpu.memory_space<vmem>> -> memref<112x128xi32, #tpu.memory_space<vmem>>
        %dma_wait3A_173 = arith.constant 0 : i32
        %dma_wait3A_174 = arith.constant 0 : i32
        %dma_wait3A_175 = tpu.memref_slice %arg4[%arg1, %dma_wait3A_173, %dma_wait3A_174] : memref<16x112x128xi32, #tpu.memory_space<hbm>> -> memref<1x112x128xi32, #tpu.memory_space<hbm>>
        %dma_wait3A_176 = tpu.memref_squeeze %dma_wait3A_175 : memref<1x112x128xi32, #tpu.memory_space<hbm>> -> memref<112x128xi32, #tpu.memory_space<hbm>>
        tpu.wait_dma2 semaphore(%run_scoped3A_148 : memref<!tpu.dma_semaphore, #tpu.memory_space<semaphore_mem>>) src(%dma_wait3A_176 : memref<112x128xi32, #tpu.memory_space<hbm>>) dst(%dma_wait3A_172 : memref<112x128xi32, #tpu.memory_space<vmem>>)
        tpu.yield
      }) : () -> ()
      "tpu.region"() ({
        %run_scoped3A_148 = tpu.sem_alloc : memref<!tpu.dma_semaphore, #tpu.memory_space<semaphore_mem>>
        %dma_start3A_149 = arith.constant 0 : i32
        %dma_start3A_150 = arith.constant 0 : i32
        %dma_start3A_151 = tpu.memref_slice %arg11[%dma_start3A_149, %dma_start3A_150] : memref<112x128xi32, #tpu.memory_space<vmem>> -> memref<112x128xi32, #tpu.memory_space<vmem>>
        %dma_start3A_152 = arith.constant 0 : i32
        %dma_start3A_153 = arith.constant 0 : i32
        %dma_start3A_154 = tpu.memref_slice %arg5[%arg1, %dma_start3A_152, %dma_start3A_153] : memref<16x112x128xi32, #tpu.memory_space<hbm>> -> memref<1x112x128xi32, #tpu.memory_space<hbm>>
        %dma_start3A_155 = tpu.memref_squeeze %dma_start3A_154 : memref<1x112x128xi32, #tpu.memory_space<hbm>> -> memref<112x128xi32, #tpu.memory_space<hbm>>
        %dma_start3A_156 = arith.constant 0 : i32
        %dma_start3A_157 = arith.constant 0 : i32
        %dma_start3A_158 = tpu.memref_slice %arg11[%dma_start3A_156, %dma_start3A_157] : memref<112x128xi32, #tpu.memory_space<vmem>> -> memref<112x128xi32, #tpu.memory_space<vmem>>
        %dma_start3A_159 = arith.constant 0 : i32
        %dma_start3A_160 = arith.constant 0 : i32
        %dma_start3A_161 = tpu.memref_slice %arg5[%arg1, %dma_start3A_159, %dma_start3A_160] : memref<16x112x128xi32, #tpu.memory_space<hbm>> -> memref<1x112x128xi32, #tpu.memory_space<hbm>>
        %dma_start3A_162 = tpu.memref_squeeze %dma_start3A_161 : memref<1x112x128xi32, #tpu.memory_space<hbm>> -> memref<112x128xi32, #tpu.memory_space<hbm>>
        tpu.enqueue_dma source(%dma_start3A_162 : memref<112x128xi32, #tpu.memory_space<hbm>>) target(%dma_start3A_158 : memref<112x128xi32, #tpu.memory_space<vmem>>) target_semaphore(%run_scoped3A_148 : memref<!tpu.dma_semaphore, #tpu.memory_space<semaphore_mem>>)
        %dma_wait3A_163 = arith.constant 0 : i32
        %dma_wait3A_164 = arith.constant 0 : i32
        %dma_wait3A_165 = tpu.memref_slice %arg11[%dma_wait3A_163, %dma_wait3A_164] : memref<112x128xi32, #tpu.memory_space<vmem>> -> memref<112x128xi32, #tpu.memory_space<vmem>>
        %dma_wait3A_166 = arith.constant 0 : i32
        %dma_wait3A_167 = arith.constant 0 : i32
        %dma_wait3A_168 = tpu.memref_slice %arg5[%arg1, %dma_wait3A_166, %dma_wait3A_167] : memref<16x112x128xi32, #tpu.memory_space<hbm>> -> memref<1x112x128xi32, #tpu.memory_space<hbm>>
        %dma_wait3A_169 = tpu.memref_squeeze %dma_wait3A_168 : memref<1x112x128xi32, #tpu.memory_space<hbm>> -> memref<112x128xi32, #tpu.memory_space<hbm>>
        %dma_wait3A_170 = arith.constant 0 : i32
        %dma_wait3A_171 = arith.constant 0 : i32
        %dma_wait3A_172 = tpu.memref_slice %arg11[%dma_wait3A_170, %dma_wait3A_171] : memref<112x128xi32, #tpu.memory_space<vmem>> -> memref<112x128xi32, #tpu.memory_space<vmem>>
        %dma_wait3A_173 = arith.constant 0 : i32
        %dma_wait3A_174 = arith.constant 0 : i32
        %dma_wait3A_175 = tpu.memref_slice %arg5[%arg1, %dma_wait3A_173, %dma_wait3A_174] : memref<16x112x128xi32, #tpu.memory_space<hbm>> -> memref<1x112x128xi32, #tpu.memory_space<hbm>>
        %dma_wait3A_176 = tpu.memref_squeeze %dma_wait3A_175 : memref<1x112x128xi32, #tpu.memory_space<hbm>> -> memref<112x128xi32, #tpu.memory_space<hbm>>
        tpu.wait_dma2 semaphore(%run_scoped3A_148 : memref<!tpu.dma_semaphore, #tpu.memory_space<semaphore_mem>>) src(%dma_wait3A_176 : memref<112x128xi32, #tpu.memory_space<hbm>>) dst(%dma_wait3A_172 : memref<112x128xi32, #tpu.memory_space<vmem>>)
        tpu.yield
      }) : () -> ()
    } else {
    }
    %eq3A_3 = arith.constant 1 : i32
    %eq3A_4 = arith.cmpi eq, %arg0, %eq3A_3 : i32
    %convert_element_type3A_5 = arith.extui %eq3A_4 : i1 to i32
    %cond3A_6 = arith.constant 0 : i32
    %cond3A_7 = arith.cmpi ne, %convert_element_type3A_5, %cond3A_6 : i32
    scf.if %cond3A_7 {
      "tpu.region"() ({
        %run_scoped3A_148 = tpu.sem_alloc : memref<!tpu.dma_semaphore, #tpu.memory_space<semaphore_mem>>
        %dma_start3A_149 = arith.constant 0 : i32
        %dma_start3A_150 = arith.constant 0 : i32
        %dma_start3A_151 = tpu.memref_slice %arg10[%dma_start3A_149, %dma_start3A_150] : memref<112x128xi32, #tpu.memory_space<vmem>> -> memref<50x128xi32, #tpu.memory_space<vmem>>
        %dma_start3A_152 = arith.constant 0 : i32
        %dma_start3A_153 = arith.constant 0 : i32
        %dma_start3A_154 = tpu.memref_slice %arg6[%arg1, %dma_start3A_152, %dma_start3A_153] : memref<16x50x128xi32, #tpu.memory_space<hbm>> -> memref<1x50x128xi32, #tpu.memory_space<hbm>>
        %dma_start3A_155 = tpu.memref_squeeze %dma_start3A_154 : memref<1x50x128xi32, #tpu.memory_space<hbm>> -> memref<50x128xi32, #tpu.memory_space<hbm>>
        %dma_start3A_156 = arith.constant 0 : i32
        %dma_start3A_157 = arith.constant 0 : i32
        %dma_start3A_158 = tpu.memref_slice %arg10[%dma_start3A_156, %dma_start3A_157] : memref<112x128xi32, #tpu.memory_space<vmem>> -> memref<50x128xi32, #tpu.memory_space<vmem>>
        %dma_start3A_159 = arith.constant 0 : i32
        %dma_start3A_160 = arith.constant 0 : i32
        %dma_start3A_161 = tpu.memref_slice %arg6[%arg1, %dma_start3A_159, %dma_start3A_160] : memref<16x50x128xi32, #tpu.memory_space<hbm>> -> memref<1x50x128xi32, #tpu.memory_space<hbm>>
        %dma_start3A_162 = tpu.memref_squeeze %dma_start3A_161 : memref<1x50x128xi32, #tpu.memory_space<hbm>> -> memref<50x128xi32, #tpu.memory_space<hbm>>
        tpu.enqueue_dma source(%dma_start3A_162 : memref<50x128xi32, #tpu.memory_space<hbm>>) target(%dma_start3A_158 : memref<50x128xi32, #tpu.memory_space<vmem>>) target_semaphore(%run_scoped3A_148 : memref<!tpu.dma_semaphore, #tpu.memory_space<semaphore_mem>>)
        %dma_wait3A_163 = arith.constant 0 : i32
        %dma_wait3A_164 = arith.constant 0 : i32
        %dma_wait3A_165 = tpu.memref_slice %arg10[%dma_wait3A_163, %dma_wait3A_164] : memref<112x128xi32, #tpu.memory_space<vmem>> -> memref<50x128xi32, #tpu.memory_space<vmem>>
        %dma_wait3A_166 = arith.constant 0 : i32
        %dma_wait3A_167 = arith.constant 0 : i32
        %dma_wait3A_168 = tpu.memref_slice %arg6[%arg1, %dma_wait3A_166, %dma_wait3A_167] : memref<16x50x128xi32, #tpu.memory_space<hbm>> -> memref<1x50x128xi32, #tpu.memory_space<hbm>>
        %dma_wait3A_169 = tpu.memref_squeeze %dma_wait3A_168 : memref<1x50x128xi32, #tpu.memory_space<hbm>> -> memref<50x128xi32, #tpu.memory_space<hbm>>
        %dma_wait3A_170 = arith.constant 0 : i32
        %dma_wait3A_171 = arith.constant 0 : i32
        %dma_wait3A_172 = tpu.memref_slice %arg10[%dma_wait3A_170, %dma_wait3A_171] : memref<112x128xi32, #tpu.memory_space<vmem>> -> memref<50x128xi32, #tpu.memory_space<vmem>>
        %dma_wait3A_173 = arith.constant 0 : i32
        %dma_wait3A_174 = arith.constant 0 : i32
        %dma_wait3A_175 = tpu.memref_slice %arg6[%arg1, %dma_wait3A_173, %dma_wait3A_174] : memref<16x50x128xi32, #tpu.memory_space<hbm>> -> memref<1x50x128xi32, #tpu.memory_space<hbm>>
        %dma_wait3A_176 = tpu.memref_squeeze %dma_wait3A_175 : memref<1x50x128xi32, #tpu.memory_space<hbm>> -> memref<50x128xi32, #tpu.memory_space<hbm>>
        tpu.wait_dma2 semaphore(%run_scoped3A_148 : memref<!tpu.dma_semaphore, #tpu.memory_space<semaphore_mem>>) src(%dma_wait3A_176 : memref<50x128xi32, #tpu.memory_space<hbm>>) dst(%dma_wait3A_172 : memref<50x128xi32, #tpu.memory_space<vmem>>)
        tpu.yield
      }) : () -> ()
      "tpu.region"() ({
        %run_scoped3A_148 = tpu.sem_alloc : memref<!tpu.dma_semaphore, #tpu.memory_space<semaphore_mem>>
        %dma_start3A_149 = arith.constant 0 : i32
        %dma_start3A_150 = arith.constant 0 : i32
        %dma_start3A_151 = tpu.memref_slice %arg11[%dma_start3A_149, %dma_start3A_150] : memref<112x128xi32, #tpu.memory_space<vmem>> -> memref<50x128xi32, #tpu.memory_space<vmem>>
        %dma_start3A_152 = arith.constant 0 : i32
        %dma_start3A_153 = arith.constant 0 : i32
        %dma_start3A_154 = tpu.memref_slice %arg7[%arg1, %dma_start3A_152, %dma_start3A_153] : memref<16x50x128xi32, #tpu.memory_space<hbm>> -> memref<1x50x128xi32, #tpu.memory_space<hbm>>
        %dma_start3A_155 = tpu.memref_squeeze %dma_start3A_154 : memref<1x50x128xi32, #tpu.memory_space<hbm>> -> memref<50x128xi32, #tpu.memory_space<hbm>>
        %dma_start3A_156 = arith.constant 0 : i32
        %dma_start3A_157 = arith.constant 0 : i32
        %dma_start3A_158 = tpu.memref_slice %arg11[%dma_start3A_156, %dma_start3A_157] : memref<112x128xi32, #tpu.memory_space<vmem>> -> memref<50x128xi32, #tpu.memory_space<vmem>>
        %dma_start3A_159 = arith.constant 0 : i32
        %dma_start3A_160 = arith.constant 0 : i32
        %dma_start3A_161 = tpu.memref_slice %arg7[%arg1, %dma_start3A_159, %dma_start3A_160] : memref<16x50x128xi32, #tpu.memory_space<hbm>> -> memref<1x50x128xi32, #tpu.memory_space<hbm>>
        %dma_start3A_162 = tpu.memref_squeeze %dma_start3A_161 : memref<1x50x128xi32, #tpu.memory_space<hbm>> -> memref<50x128xi32, #tpu.memory_space<hbm>>
        tpu.enqueue_dma source(%dma_start3A_162 : memref<50x128xi32, #tpu.memory_space<hbm>>) target(%dma_start3A_158 : memref<50x128xi32, #tpu.memory_space<vmem>>) target_semaphore(%run_scoped3A_148 : memref<!tpu.dma_semaphore, #tpu.memory_space<semaphore_mem>>)
        %dma_wait3A_163 = arith.constant 0 : i32
        %dma_wait3A_164 = arith.constant 0 : i32
        %dma_wait3A_165 = tpu.memref_slice %arg11[%dma_wait3A_163, %dma_wait3A_164] : memref<112x128xi32, #tpu.memory_space<vmem>> -> memref<50x128xi32, #tpu.memory_space<vmem>>
        %dma_wait3A_166 = arith.constant 0 : i32
        %dma_wait3A_167 = arith.constant 0 : i32
        %dma_wait3A_168 = tpu.memref_slice %arg7[%arg1, %dma_wait3A_166, %dma_wait3A_167] : memref<16x50x128xi32, #tpu.memory_space<hbm>> -> memref<1x50x128xi32, #tpu.memory_space<hbm>>
        %dma_wait3A_169 = tpu.memref_squeeze %dma_wait3A_168 : memref<1x50x128xi32, #tpu.memory_space<hbm>> -> memref<50x128xi32, #tpu.memory_space<hbm>>
        %dma_wait3A_170 = arith.constant 0 : i32
        %dma_wait3A_171 = arith.constant 0 : i32
        %dma_wait3A_172 = tpu.memref_slice %arg11[%dma_wait3A_170, %dma_wait3A_171] : memref<112x128xi32, #tpu.memory_space<vmem>> -> memref<50x128xi32, #tpu.memory_space<vmem>>
        %dma_wait3A_173 = arith.constant 0 : i32
        %dma_wait3A_174 = arith.constant 0 : i32
        %dma_wait3A_175 = tpu.memref_slice %arg7[%arg1, %dma_wait3A_173, %dma_wait3A_174] : memref<16x50x128xi32, #tpu.memory_space<hbm>> -> memref<1x50x128xi32, #tpu.memory_space<hbm>>
        %dma_wait3A_176 = tpu.memref_squeeze %dma_wait3A_175 : memref<1x50x128xi32, #tpu.memory_space<hbm>> -> memref<50x128xi32, #tpu.memory_space<hbm>>
        tpu.wait_dma2 semaphore(%run_scoped3A_148 : memref<!tpu.dma_semaphore, #tpu.memory_space<semaphore_mem>>) src(%dma_wait3A_176 : memref<50x128xi32, #tpu.memory_space<hbm>>) dst(%dma_wait3A_172 : memref<50x128xi32, #tpu.memory_space<vmem>>)
        tpu.yield
      }) : () -> ()
    } else {
    }
    %eq3A_8 = arith.constant 0 : i32
    %eq3A_9 = arith.cmpi eq, %arg0, %eq3A_8 : i32
    %select_n3A = arith.constant 50 : i32
    %select_n3A_10 = arith.constant 112 : i32
    %select_n3A_11 = arith.select %eq3A_9, %select_n3A_10, %select_n3A : i32
    "tpu.region"() ({
      %run_scoped3A_148 = tpu.sem_alloc : memref<!tpu.dma_semaphore, #tpu.memory_space<semaphore_mem>>
      %dma_start3A_149 = arith.constant 0 : i32
      %dma_start3A_150 = tpu.memref_slice %arg14[%mul3A_0, %dma_start3A_149] : memref<10240x64xf32, #tpu.memory_space<vmem_shared>> -> memref<640x64xf32, #tpu.memory_space<vmem_shared>>
      %dma_start3A_151 = arith.constant 0 : i32
      %dma_start3A_152 = tpu.memref_slice %arg8[%mul3A_0, %dma_start3A_151] : memref<10240x64xf32, #tpu.memory_space<hbm>> -> memref<640x64xf32, #tpu.memory_space<hbm>>
      tpu.enqueue_dma source(%dma_start3A_152 : memref<640x64xf32, #tpu.memory_space<hbm>>) target(%dma_start3A_150 : memref<640x64xf32, #tpu.memory_space<vmem_shared>>) target_semaphore(%run_scoped3A_148 : memref<!tpu.dma_semaphore, #tpu.memory_space<semaphore_mem>>)
      %dma_wait3A_153 = arith.constant 0 : i32
      %dma_wait3A_154 = tpu.memref_slice %arg14[%mul3A_0, %dma_wait3A_153] : memref<10240x64xf32, #tpu.memory_space<vmem_shared>> -> memref<640x64xf32, #tpu.memory_space<vmem_shared>>
      %dma_wait3A_155 = arith.constant 0 : i32
      %dma_wait3A_156 = tpu.memref_slice %arg8[%mul3A_0, %dma_wait3A_155] : memref<10240x64xf32, #tpu.memory_space<hbm>> -> memref<640x64xf32, #tpu.memory_space<hbm>>
      tpu.wait_dma2 semaphore(%run_scoped3A_148 : memref<!tpu.dma_semaphore, #tpu.memory_space<semaphore_mem>>) src(%dma_wait3A_156 : memref<640x64xf32, #tpu.memory_space<hbm>>) dst(%dma_wait3A_154 : memref<640x64xf32, #tpu.memory_space<vmem_shared>>)
      tpu.yield
    }) : () -> ()
    %barrier3A = arith.constant 0 : index
    tpu.barrier barrier_id(%barrier3A)
    %dma_start3A = arith.constant 0 : i32
    %dma_start3A_12 = arith.constant 0 : i32
    %dma_start3A_13 = tpu.memref_slice %arg10[%dma_start3A, %dma_start3A_12] : memref<112x128xi32, #tpu.memory_space<vmem>> -> memref<1x128xi32, #tpu.memory_space<vmem>>
    %dma_start3A_14 = tpu.memref_squeeze %dma_start3A_13 : memref<1x128xi32, #tpu.memory_space<vmem>> -> memref<128xi32, #tpu.memory_space<vmem>>
    %dma_start3A_15 = arith.constant 0 : i32
    %dma_start3A_16 = arith.constant 0 : i32
    %dma_start3A_17 = tpu.memref_slice %arg2[%dma_start3A_15, %dma_start3A_16] : memref<10240x64xf32, #tpu.memory_space<hbm>> -> memref<10240x64xf32, #tpu.memory_space<hbm>>
    tpu.enqueue_indirect_dma source(%dma_start3A_17 : memref<10240x64xf32, #tpu.memory_space<hbm>>) target(%arg12 : memref<128x64xf32, #tpu.memory_space<vmem>>) offsets(%dma_start3A_14 : memref<128xi32, #tpu.memory_space<vmem>>) semaphore(%arg15 : memref<!tpu.dma_semaphore, #tpu.memory_space<semaphore_mem>>)
    %jit3A = arith.constant 2 : i32
    %div3A = arith.divsi %select_n3A_11, %jit3A : i32
    %sign3A = arith.constant 0 : i32
    %sign3A_18 = arith.cmpi sgt, %select_n3A_11, %sign3A : i32
    %sign3A_19 = arith.extui %sign3A_18 : i1 to i32
    %sign3A_20 = arith.constant 0 : i32
    %sign3A_21 = arith.cmpi slt, %select_n3A_11, %sign3A_20 : i32
    %sign3A_22 = arith.extui %sign3A_21 : i1 to i32
    %sign3A_23 = arith.subi %sign3A_19, %sign3A_22 : i32
    %sign3A_24 = arith.constant 0 : i32
    %sign3A_25 = arith.cmpi sgt, %jit3A, %sign3A_24 : i32
    %sign3A_26 = arith.extui %sign3A_25 : i1 to i32
    %sign3A_27 = arith.constant 0 : i32
    %sign3A_28 = arith.cmpi slt, %jit3A, %sign3A_27 : i32
    %sign3A_29 = arith.extui %sign3A_28 : i1 to i32
    %sign3A_30 = arith.subi %sign3A_26, %sign3A_29 : i32
    %ne3A = arith.cmpi ne, %sign3A_23, %sign3A_30 : i32
    %rem3A = arith.remsi %select_n3A_11, %jit3A : i32
    %ne3A_31 = arith.constant 0 : i32
    %ne3A_32 = arith.cmpi ne, %rem3A, %ne3A_31 : i32
    %and3A = arith.andi %ne3A, %ne3A_32 : i1
    %sub3A = arith.constant 1 : i32
    %sub3A_33 = arith.subi %div3A, %sub3A : i32
    %select_n3A_34 = arith.select %and3A, %sub3A_33, %div3A : i32
    %sub3A_35 = arith.constant 1 : i32
    %sub3A_36 = arith.subi %select_n3A_34, %sub3A_35 : i32
    %while3A = arith.constant 0 : i32
    %while3A_37 = arith.constant 0 : i32
    %while3A_38 = arith.subi %sub3A_36, %while3A_37 : i32
    %while3A_39 = arith.addi %while3A_37, %while3A_38 : i32
    %while3A_40 = arith.constant 1 : i32
    %while3A_41 = arith.divsi %while3A_38, %while3A_40 : i32
    %while3A_42 = arith.muli %while3A_41, %while3A_40 : i32
    %while3A_43 = arith.addi %while3A_37, %while3A_42 : i32
    %while3A_44 = arith.constant 1 : i32
    scf.for %while3A_148 = %while3A_37 to %while3A_43 step %while3A_44  : i32 {
      %mul3A_149 = arith.constant 2 : i32
      %mul3A_150 = arith.muli %mul3A_149, %while3A_148 : i32
      %add3A = arith.constant 1 : i32
      %add3A_151 = arith.addi %mul3A_150, %add3A : i32
      %dma_start3A_152 = arith.constant 0 : i32
      %dma_start3A_153 = tpu.memref_slice %arg10[%add3A_151, %dma_start3A_152] : memref<112x128xi32, #tpu.memory_space<vmem>> -> memref<1x128xi32, #tpu.memory_space<vmem>>
      %dma_start3A_154 = tpu.memref_squeeze %dma_start3A_153 : memref<1x128xi32, #tpu.memory_space<vmem>> -> memref<128xi32, #tpu.memory_space<vmem>>
      %dma_start3A_155 = arith.constant 0 : i32
      %dma_start3A_156 = arith.constant 0 : i32
      %dma_start3A_157 = tpu.memref_slice %arg2[%dma_start3A_155, %dma_start3A_156] : memref<10240x64xf32, #tpu.memory_space<hbm>> -> memref<10240x64xf32, #tpu.memory_space<hbm>>
      tpu.enqueue_indirect_dma source(%dma_start3A_157 : memref<10240x64xf32, #tpu.memory_space<hbm>>) target(%arg13 : memref<128x64xf32, #tpu.memory_space<vmem>>) offsets(%dma_start3A_154 : memref<128xi32, #tpu.memory_space<vmem>>) semaphore(%arg16 : memref<!tpu.dma_semaphore, #tpu.memory_space<semaphore_mem>>)
      %dma_wait3A_158 = arith.constant 0 : i32
      %dma_wait3A_159 = tpu.memref_slice %arg10[%mul3A_150, %dma_wait3A_158] : memref<112x128xi32, #tpu.memory_space<vmem>> -> memref<1x128xi32, #tpu.memory_space<vmem>>
      %dma_wait3A_160 = tpu.memref_squeeze %dma_wait3A_159 : memref<1x128xi32, #tpu.memory_space<vmem>> -> memref<128xi32, #tpu.memory_space<vmem>>
      %dma_wait3A_161 = arith.constant 0 : i32
      %dma_wait3A_162 = arith.constant 0 : i32
      %dma_wait3A_163 = tpu.memref_slice %arg2[%dma_wait3A_161, %dma_wait3A_162] : memref<10240x64xf32, #tpu.memory_space<hbm>> -> memref<10240x64xf32, #tpu.memory_space<hbm>>
      tpu.wait_indirect_dma semaphore(%arg15 : memref<!tpu.dma_semaphore, #tpu.memory_space<semaphore_mem>>) src(%dma_wait3A_163 : memref<10240x64xf32, #tpu.memory_space<hbm>>) dst(%arg12 : memref<128x64xf32, #tpu.memory_space<vmem>>)
      "tpu.region"() ({
        %run_scoped3A_178 = tpu.sem_alloc : memref<!tpu.dma_semaphore, #tpu.memory_space<semaphore_mem>>
        %dma_start3A_179 = arith.constant 0 : i32
        %dma_start3A_180 = tpu.memref_slice %arg11[%mul3A_150, %dma_start3A_179] : memref<112x128xi32, #tpu.memory_space<vmem>> -> memref<1x128xi32, #tpu.memory_space<vmem>>
        %dma_start3A_181 = tpu.memref_squeeze %dma_start3A_180 : memref<1x128xi32, #tpu.memory_space<vmem>> -> memref<128xi32, #tpu.memory_space<vmem>>
        %dma_start3A_182 = arith.constant 0 : i32
        %dma_start3A_183 = arith.constant 0 : i32
        %dma_start3A_184 = tpu.memref_slice %arg14[%dma_start3A_182, %dma_start3A_183] : memref<10240x64xf32, #tpu.memory_space<vmem_shared>> -> memref<10240x64xf32, #tpu.memory_space<vmem_shared>>
        tpu.enqueue_indirect_dma source(%arg12 : memref<128x64xf32, #tpu.memory_space<vmem>>) target(%dma_start3A_184 : memref<10240x64xf32, #tpu.memory_space<vmem_shared>>) offsets(%dma_start3A_181 : memref<128xi32, #tpu.memory_space<vmem>>) semaphore(%run_scoped3A_178 : memref<!tpu.dma_semaphore, #tpu.memory_space<semaphore_mem>>) {add = true}
        %dma_wait3A_185 = arith.constant 0 : i32
        %dma_wait3A_186 = tpu.memref_slice %arg11[%mul3A_150, %dma_wait3A_185] : memref<112x128xi32, #tpu.memory_space<vmem>> -> memref<1x128xi32, #tpu.memory_space<vmem>>
        %dma_wait3A_187 = tpu.memref_squeeze %dma_wait3A_186 : memref<1x128xi32, #tpu.memory_space<vmem>> -> memref<128xi32, #tpu.memory_space<vmem>>
        %dma_wait3A_188 = arith.constant 0 : i32
        %dma_wait3A_189 = arith.constant 0 : i32
        %dma_wait3A_190 = tpu.memref_slice %arg14[%dma_wait3A_188, %dma_wait3A_189] : memref<10240x64xf32, #tpu.memory_space<vmem_shared>> -> memref<10240x64xf32, #tpu.memory_space<vmem_shared>>
        tpu.wait_indirect_dma semaphore(%run_scoped3A_178 : memref<!tpu.dma_semaphore, #tpu.memory_space<semaphore_mem>>) src(%arg12 : memref<128x64xf32, #tpu.memory_space<vmem>>) dst(%dma_wait3A_190 : memref<10240x64xf32, #tpu.memory_space<vmem_shared>>)
        tpu.yield
      }) : () -> ()
      %add3A_164 = arith.constant 2 : i32
      %add3A_165 = arith.addi %mul3A_150, %add3A_164 : i32
      %dma_start3A_166 = arith.constant 0 : i32
      %dma_start3A_167 = tpu.memref_slice %arg10[%add3A_165, %dma_start3A_166] : memref<112x128xi32, #tpu.memory_space<vmem>> -> memref<1x128xi32, #tpu.memory_space<vmem>>
      %dma_start3A_168 = tpu.memref_squeeze %dma_start3A_167 : memref<1x128xi32, #tpu.memory_space<vmem>> -> memref<128xi32, #tpu.memory_space<vmem>>
      %dma_start3A_169 = arith.constant 0 : i32
      %dma_start3A_170 = arith.constant 0 : i32
      %dma_start3A_171 = tpu.memref_slice %arg2[%dma_start3A_169, %dma_start3A_170] : memref<10240x64xf32, #tpu.memory_space<hbm>> -> memref<10240x64xf32, #tpu.memory_space<hbm>>
      tpu.enqueue_indirect_dma source(%dma_start3A_171 : memref<10240x64xf32, #tpu.memory_space<hbm>>) target(%arg12 : memref<128x64xf32, #tpu.memory_space<vmem>>) offsets(%dma_start3A_168 : memref<128xi32, #tpu.memory_space<vmem>>) semaphore(%arg15 : memref<!tpu.dma_semaphore, #tpu.memory_space<semaphore_mem>>)
      %dma_wait3A_172 = arith.constant 0 : i32
      %dma_wait3A_173 = tpu.memref_slice %arg10[%add3A_151, %dma_wait3A_172] : memref<112x128xi32, #tpu.memory_space<vmem>> -> memref<1x128xi32, #tpu.memory_space<vmem>>
      %dma_wait3A_174 = tpu.memref_squeeze %dma_wait3A_173 : memref<1x128xi32, #tpu.memory_space<vmem>> -> memref<128xi32, #tpu.memory_space<vmem>>
      %dma_wait3A_175 = arith.constant 0 : i32
      %dma_wait3A_176 = arith.constant 0 : i32
      %dma_wait3A_177 = tpu.memref_slice %arg2[%dma_wait3A_175, %dma_wait3A_176] : memref<10240x64xf32, #tpu.memory_space<hbm>> -> memref<10240x64xf32, #tpu.memory_space<hbm>>
      tpu.wait_indirect_dma semaphore(%arg16 : memref<!tpu.dma_semaphore, #tpu.memory_space<semaphore_mem>>) src(%dma_wait3A_177 : memref<10240x64xf32, #tpu.memory_space<hbm>>) dst(%arg13 : memref<128x64xf32, #tpu.memory_space<vmem>>)
      "tpu.region"() ({
        %run_scoped3A_178 = tpu.sem_alloc : memref<!tpu.dma_semaphore, #tpu.memory_space<semaphore_mem>>
        %dma_start3A_179 = arith.constant 0 : i32
        %dma_start3A_180 = tpu.memref_slice %arg11[%add3A_151, %dma_start3A_179] : memref<112x128xi32, #tpu.memory_space<vmem>> -> memref<1x128xi32, #tpu.memory_space<vmem>>
        %dma_start3A_181 = tpu.memref_squeeze %dma_start3A_180 : memref<1x128xi32, #tpu.memory_space<vmem>> -> memref<128xi32, #tpu.memory_space<vmem>>
        %dma_start3A_182 = arith.constant 0 : i32
        %dma_start3A_183 = arith.constant 0 : i32
        %dma_start3A_184 = tpu.memref_slice %arg14[%dma_start3A_182, %dma_start3A_183] : memref<10240x64xf32, #tpu.memory_space<vmem_shared>> -> memref<10240x64xf32, #tpu.memory_space<vmem_shared>>
        tpu.enqueue_indirect_dma source(%arg13 : memref<128x64xf32, #tpu.memory_space<vmem>>) target(%dma_start3A_184 : memref<10240x64xf32, #tpu.memory_space<vmem_shared>>) offsets(%dma_start3A_181 : memref<128xi32, #tpu.memory_space<vmem>>) semaphore(%run_scoped3A_178 : memref<!tpu.dma_semaphore, #tpu.memory_space<semaphore_mem>>) {add = true}
        %dma_wait3A_185 = arith.constant 0 : i32
        %dma_wait3A_186 = tpu.memref_slice %arg11[%add3A_151, %dma_wait3A_185] : memref<112x128xi32, #tpu.memory_space<vmem>> -> memref<1x128xi32, #tpu.memory_space<vmem>>
        %dma_wait3A_187 = tpu.memref_squeeze %dma_wait3A_186 : memref<1x128xi32, #tpu.memory_space<vmem>> -> memref<128xi32, #tpu.memory_space<vmem>>
        %dma_wait3A_188 = arith.constant 0 : i32
        %dma_wait3A_189 = arith.constant 0 : i32
        %dma_wait3A_190 = tpu.memref_slice %arg14[%dma_wait3A_188, %dma_wait3A_189] : memref<10240x64xf32, #tpu.memory_space<vmem_shared>> -> memref<10240x64xf32, #tpu.memory_space<vmem_shared>>
        tpu.wait_indirect_dma semaphore(%run_scoped3A_178 : memref<!tpu.dma_semaphore, #tpu.memory_space<semaphore_mem>>) src(%arg13 : memref<128x64xf32, #tpu.memory_space<vmem>>) dst(%dma_wait3A_190 : memref<10240x64xf32, #tpu.memory_space<vmem_shared>>)
        tpu.yield
      }) : () -> ()
    }
    %while3A_45 = arith.constant 1 : i32
    scf.for %while3A_148 = %while3A_43 to %while3A_39 step %while3A_45  : i32 {
      %mul3A_149 = arith.constant 2 : i32
      %mul3A_150 = arith.muli %mul3A_149, %while3A_148 : i32
      %add3A = arith.constant 1 : i32
      %add3A_151 = arith.addi %mul3A_150, %add3A : i32
      %dma_start3A_152 = arith.constant 0 : i32
      %dma_start3A_153 = tpu.memref_slice %arg10[%add3A_151, %dma_start3A_152] : memref<112x128xi32, #tpu.memory_space<vmem>> -> memref<1x128xi32, #tpu.memory_space<vmem>>
      %dma_start3A_154 = tpu.memref_squeeze %dma_start3A_153 : memref<1x128xi32, #tpu.memory_space<vmem>> -> memref<128xi32, #tpu.memory_space<vmem>>
      %dma_start3A_155 = arith.constant 0 : i32
      %dma_start3A_156 = arith.constant 0 : i32
      %dma_start3A_157 = tpu.memref_slice %arg2[%dma_start3A_155, %dma_start3A_156] : memref<10240x64xf32, #tpu.memory_space<hbm>> -> memref<10240x64xf32, #tpu.memory_space<hbm>>
      tpu.enqueue_indirect_dma source(%dma_start3A_157 : memref<10240x64xf32, #tpu.memory_space<hbm>>) target(%arg13 : memref<128x64xf32, #tpu.memory_space<vmem>>) offsets(%dma_start3A_154 : memref<128xi32, #tpu.memory_space<vmem>>) semaphore(%arg16 : memref<!tpu.dma_semaphore, #tpu.memory_space<semaphore_mem>>)
      %dma_wait3A_158 = arith.constant 0 : i32
      %dma_wait3A_159 = tpu.memref_slice %arg10[%mul3A_150, %dma_wait3A_158] : memref<112x128xi32, #tpu.memory_space<vmem>> -> memref<1x128xi32, #tpu.memory_space<vmem>>
      %dma_wait3A_160 = tpu.memref_squeeze %dma_wait3A_159 : memref<1x128xi32, #tpu.memory_space<vmem>> -> memref<128xi32, #tpu.memory_space<vmem>>
      %dma_wait3A_161 = arith.constant 0 : i32
      %dma_wait3A_162 = arith.constant 0 : i32
      %dma_wait3A_163 = tpu.memref_slice %arg2[%dma_wait3A_161, %dma_wait3A_162] : memref<10240x64xf32, #tpu.memory_space<hbm>> -> memref<10240x64xf32, #tpu.memory_space<hbm>>
      tpu.wait_indirect_dma semaphore(%arg15 : memref<!tpu.dma_semaphore, #tpu.memory_space<semaphore_mem>>) src(%dma_wait3A_163 : memref<10240x64xf32, #tpu.memory_space<hbm>>) dst(%arg12 : memref<128x64xf32, #tpu.memory_space<vmem>>)
      "tpu.region"() ({
        %run_scoped3A_178 = tpu.sem_alloc : memref<!tpu.dma_semaphore, #tpu.memory_space<semaphore_mem>>
        %dma_start3A_179 = arith.constant 0 : i32
        %dma_start3A_180 = tpu.memref_slice %arg11[%mul3A_150, %dma_start3A_179] : memref<112x128xi32, #tpu.memory_space<vmem>> -> memref<1x128xi32, #tpu.memory_space<vmem>>
        %dma_start3A_181 = tpu.memref_squeeze %dma_start3A_180 : memref<1x128xi32, #tpu.memory_space<vmem>> -> memref<128xi32, #tpu.memory_space<vmem>>
        %dma_start3A_182 = arith.constant 0 : i32
        %dma_start3A_183 = arith.constant 0 : i32
        %dma_start3A_184 = tpu.memref_slice %arg14[%dma_start3A_182, %dma_start3A_183] : memref<10240x64xf32, #tpu.memory_space<vmem_shared>> -> memref<10240x64xf32, #tpu.memory_space<vmem_shared>>
        tpu.enqueue_indirect_dma source(%arg12 : memref<128x64xf32, #tpu.memory_space<vmem>>) target(%dma_start3A_184 : memref<10240x64xf32, #tpu.memory_space<vmem_shared>>) offsets(%dma_start3A_181 : memref<128xi32, #tpu.memory_space<vmem>>) semaphore(%run_scoped3A_178 : memref<!tpu.dma_semaphore, #tpu.memory_space<semaphore_mem>>) {add = true}
        %dma_wait3A_185 = arith.constant 0 : i32
        %dma_wait3A_186 = tpu.memref_slice %arg11[%mul3A_150, %dma_wait3A_185] : memref<112x128xi32, #tpu.memory_space<vmem>> -> memref<1x128xi32, #tpu.memory_space<vmem>>
        %dma_wait3A_187 = tpu.memref_squeeze %dma_wait3A_186 : memref<1x128xi32, #tpu.memory_space<vmem>> -> memref<128xi32, #tpu.memory_space<vmem>>
        %dma_wait3A_188 = arith.constant 0 : i32
        %dma_wait3A_189 = arith.constant 0 : i32
        %dma_wait3A_190 = tpu.memref_slice %arg14[%dma_wait3A_188, %dma_wait3A_189] : memref<10240x64xf32, #tpu.memory_space<vmem_shared>> -> memref<10240x64xf32, #tpu.memory_space<vmem_shared>>
        tpu.wait_indirect_dma semaphore(%run_scoped3A_178 : memref<!tpu.dma_semaphore, #tpu.memory_space<semaphore_mem>>) src(%arg12 : memref<128x64xf32, #tpu.memory_space<vmem>>) dst(%dma_wait3A_190 : memref<10240x64xf32, #tpu.memory_space<vmem_shared>>)
        tpu.yield
      }) : () -> ()
      %add3A_164 = arith.constant 2 : i32
      %add3A_165 = arith.addi %mul3A_150, %add3A_164 : i32
      %dma_start3A_166 = arith.constant 0 : i32
      %dma_start3A_167 = tpu.memref_slice %arg10[%add3A_165, %dma_start3A_166] : memref<112x128xi32, #tpu.memory_space<vmem>> -> memref<1x128xi32, #tpu.memory_space<vmem>>
      %dma_start3A_168 = tpu.memref_squeeze %dma_start3A_167 : memref<1x128xi32, #tpu.memory_space<vmem>> -> memref<128xi32, #tpu.memory_space<vmem>>
      %dma_start3A_169 = arith.constant 0 : i32
      %dma_start3A_170 = arith.constant 0 : i32
      %dma_start3A_171 = tpu.memref_slice %arg2[%dma_start3A_169, %dma_start3A_170] : memref<10240x64xf32, #tpu.memory_space<hbm>> -> memref<10240x64xf32, #tpu.memory_space<hbm>>
      tpu.enqueue_indirect_dma source(%dma_start3A_171 : memref<10240x64xf32, #tpu.memory_space<hbm>>) target(%arg12 : memref<128x64xf32, #tpu.memory_space<vmem>>) offsets(%dma_start3A_168 : memref<128xi32, #tpu.memory_space<vmem>>) semaphore(%arg15 : memref<!tpu.dma_semaphore, #tpu.memory_space<semaphore_mem>>)
      %dma_wait3A_172 = arith.constant 0 : i32
      %dma_wait3A_173 = tpu.memref_slice %arg10[%add3A_151, %dma_wait3A_172] : memref<112x128xi32, #tpu.memory_space<vmem>> -> memref<1x128xi32, #tpu.memory_space<vmem>>
      %dma_wait3A_174 = tpu.memref_squeeze %dma_wait3A_173 : memref<1x128xi32, #tpu.memory_space<vmem>> -> memref<128xi32, #tpu.memory_space<vmem>>
      %dma_wait3A_175 = arith.constant 0 : i32
      %dma_wait3A_176 = arith.constant 0 : i32
      %dma_wait3A_177 = tpu.memref_slice %arg2[%dma_wait3A_175, %dma_wait3A_176] : memref<10240x64xf32, #tpu.memory_space<hbm>> -> memref<10240x64xf32, #tpu.memory_space<hbm>>
      tpu.wait_indirect_dma semaphore(%arg16 : memref<!tpu.dma_semaphore, #tpu.memory_space<semaphore_mem>>) src(%dma_wait3A_177 : memref<10240x64xf32, #tpu.memory_space<hbm>>) dst(%arg13 : memref<128x64xf32, #tpu.memory_space<vmem>>)
      "tpu.region"() ({
        %run_scoped3A_178 = tpu.sem_alloc : memref<!tpu.dma_semaphore, #tpu.memory_space<semaphore_mem>>
        %dma_start3A_179 = arith.constant 0 : i32
        %dma_start3A_180 = tpu.memref_slice %arg11[%add3A_151, %dma_start3A_179] : memref<112x128xi32, #tpu.memory_space<vmem>> -> memref<1x128xi32, #tpu.memory_space<vmem>>
        %dma_start3A_181 = tpu.memref_squeeze %dma_start3A_180 : memref<1x128xi32, #tpu.memory_space<vmem>> -> memref<128xi32, #tpu.memory_space<vmem>>
        %dma_start3A_182 = arith.constant 0 : i32
        %dma_start3A_183 = arith.constant 0 : i32
        %dma_start3A_184 = tpu.memref_slice %arg14[%dma_start3A_182, %dma_start3A_183] : memref<10240x64xf32, #tpu.memory_space<vmem_shared>> -> memref<10240x64xf32, #tpu.memory_space<vmem_shared>>
        tpu.enqueue_indirect_dma source(%arg13 : memref<128x64xf32, #tpu.memory_space<vmem>>) target(%dma_start3A_184 : memref<10240x64xf32, #tpu.memory_space<vmem_shared>>) offsets(%dma_start3A_181 : memref<128xi32, #tpu.memory_space<vmem>>) semaphore(%run_scoped3A_178 : memref<!tpu.dma_semaphore, #tpu.memory_space<semaphore_mem>>) {add = true}
        %dma_wait3A_185 = arith.constant 0 : i32
        %dma_wait3A_186 = tpu.memref_slice %arg11[%add3A_151, %dma_wait3A_185] : memref<112x128xi32, #tpu.memory_space<vmem>> -> memref<1x128xi32, #tpu.memory_space<vmem>>
        %dma_wait3A_187 = tpu.memref_squeeze %dma_wait3A_186 : memref<1x128xi32, #tpu.memory_space<vmem>> -> memref<128xi32, #tpu.memory_space<vmem>>
        %dma_wait3A_188 = arith.constant 0 : i32
        %dma_wait3A_189 = arith.constant 0 : i32
        %dma_wait3A_190 = tpu.memref_slice %arg14[%dma_wait3A_188, %dma_wait3A_189] : memref<10240x64xf32, #tpu.memory_space<vmem_shared>> -> memref<10240x64xf32, #tpu.memory_space<vmem_shared>>
        tpu.wait_indirect_dma semaphore(%run_scoped3A_178 : memref<!tpu.dma_semaphore, #tpu.memory_space<semaphore_mem>>) src(%arg13 : memref<128x64xf32, #tpu.memory_space<vmem>>) dst(%dma_wait3A_190 : memref<10240x64xf32, #tpu.memory_space<vmem_shared>>)
        tpu.yield
      }) : () -> ()
    }
    %sub3A_46 = arith.constant 1 : i32
    %sub3A_47 = arith.subi %select_n3A_11, %sub3A_46 : i32
    %dma_start3A_48 = arith.constant 0 : i32
    %dma_start3A_49 = tpu.memref_slice %arg10[%sub3A_47, %dma_start3A_48] : memref<112x128xi32, #tpu.memory_space<vmem>> -> memref<1x128xi32, #tpu.memory_space<vmem>>
    %dma_start3A_50 = tpu.memref_squeeze %dma_start3A_49 : memref<1x128xi32, #tpu.memory_space<vmem>> -> memref<128xi32, #tpu.memory_space<vmem>>
    %dma_start3A_51 = arith.constant 0 : i32
    %dma_start3A_52 = arith.constant 0 : i32
    %dma_start3A_53 = tpu.memref_slice %arg2[%dma_start3A_51, %dma_start3A_52] : memref<10240x64xf32, #tpu.memory_space<hbm>> -> memref<10240x64xf32, #tpu.memory_space<hbm>>
    tpu.enqueue_indirect_dma source(%dma_start3A_53 : memref<10240x64xf32, #tpu.memory_space<hbm>>) target(%arg13 : memref<128x64xf32, #tpu.memory_space<vmem>>) offsets(%dma_start3A_50 : memref<128xi32, #tpu.memory_space<vmem>>) semaphore(%arg16 : memref<!tpu.dma_semaphore, #tpu.memory_space<semaphore_mem>>)
    %sub3A_54 = arith.constant 2 : i32
    %sub3A_55 = arith.subi %select_n3A_11, %sub3A_54 : i32
    %dma_wait3A = arith.constant 0 : i32
    %dma_wait3A_56 = tpu.memref_slice %arg10[%sub3A_55, %dma_wait3A] : memref<112x128xi32, #tpu.memory_space<vmem>> -> memref<1x128xi32, #tpu.memory_space<vmem>>
    %dma_wait3A_57 = tpu.memref_squeeze %dma_wait3A_56 : memref<1x128xi32, #tpu.memory_space<vmem>> -> memref<128xi32, #tpu.memory_space<vmem>>
    %dma_wait3A_58 = arith.constant 0 : i32
    %dma_wait3A_59 = arith.constant 0 : i32
    %dma_wait3A_60 = tpu.memref_slice %arg2[%dma_wait3A_58, %dma_wait3A_59] : memref<10240x64xf32, #tpu.memory_space<hbm>> -> memref<10240x64xf32, #tpu.memory_space<hbm>>
    tpu.wait_indirect_dma semaphore(%arg15 : memref<!tpu.dma_semaphore, #tpu.memory_space<semaphore_mem>>) src(%dma_wait3A_60 : memref<10240x64xf32, #tpu.memory_space<hbm>>) dst(%arg12 : memref<128x64xf32, #tpu.memory_space<vmem>>)
    %sub3A_61 = arith.constant 2 : i32
    %sub3A_62 = arith.subi %select_n3A_11, %sub3A_61 : i32
    "tpu.region"() ({
      %run_scoped3A_148 = tpu.sem_alloc : memref<!tpu.dma_semaphore, #tpu.memory_space<semaphore_mem>>
      %dma_start3A_149 = arith.constant 0 : i32
      %dma_start3A_150 = tpu.memref_slice %arg11[%sub3A_62, %dma_start3A_149] : memref<112x128xi32, #tpu.memory_space<vmem>> -> memref<1x128xi32, #tpu.memory_space<vmem>>
      %dma_start3A_151 = tpu.memref_squeeze %dma_start3A_150 : memref<1x128xi32, #tpu.memory_space<vmem>> -> memref<128xi32, #tpu.memory_space<vmem>>
      %dma_start3A_152 = arith.constant 0 : i32
      %dma_start3A_153 = arith.constant 0 : i32
      %dma_start3A_154 = tpu.memref_slice %arg14[%dma_start3A_152, %dma_start3A_153] : memref<10240x64xf32, #tpu.memory_space<vmem_shared>> -> memref<10240x64xf32, #tpu.memory_space<vmem_shared>>
      tpu.enqueue_indirect_dma source(%arg12 : memref<128x64xf32, #tpu.memory_space<vmem>>) target(%dma_start3A_154 : memref<10240x64xf32, #tpu.memory_space<vmem_shared>>) offsets(%dma_start3A_151 : memref<128xi32, #tpu.memory_space<vmem>>) semaphore(%run_scoped3A_148 : memref<!tpu.dma_semaphore, #tpu.memory_space<semaphore_mem>>) {add = true}
      %dma_wait3A_155 = arith.constant 0 : i32
      %dma_wait3A_156 = tpu.memref_slice %arg11[%sub3A_62, %dma_wait3A_155] : memref<112x128xi32, #tpu.memory_space<vmem>> -> memref<1x128xi32, #tpu.memory_space<vmem>>
      %dma_wait3A_157 = tpu.memref_squeeze %dma_wait3A_156 : memref<1x128xi32, #tpu.memory_space<vmem>> -> memref<128xi32, #tpu.memory_space<vmem>>
      %dma_wait3A_158 = arith.constant 0 : i32
      %dma_wait3A_159 = arith.constant 0 : i32
      %dma_wait3A_160 = tpu.memref_slice %arg14[%dma_wait3A_158, %dma_wait3A_159] : memref<10240x64xf32, #tpu.memory_space<vmem_shared>> -> memref<10240x64xf32, #tpu.memory_space<vmem_shared>>
      tpu.wait_indirect_dma semaphore(%run_scoped3A_148 : memref<!tpu.dma_semaphore, #tpu.memory_space<semaphore_mem>>) src(%arg12 : memref<128x64xf32, #tpu.memory_space<vmem>>) dst(%dma_wait3A_160 : memref<10240x64xf32, #tpu.memory_space<vmem_shared>>)
      tpu.yield
    }) : () -> ()
    %sub3A_63 = arith.constant 1 : i32
    %sub3A_64 = arith.subi %select_n3A_11, %sub3A_63 : i32
    %dma_wait3A_65 = arith.constant 0 : i32
    %dma_wait3A_66 = tpu.memref_slice %arg10[%sub3A_64, %dma_wait3A_65] : memref<112x128xi32, #tpu.memory_space<vmem>> -> memref<1x128xi32, #tpu.memory_space<vmem>>
    %dma_wait3A_67 = tpu.memref_squeeze %dma_wait3A_66 : memref<1x128xi32, #tpu.memory_space<vmem>> -> memref<128xi32, #tpu.memory_space<vmem>>
    %dma_wait3A_68 = arith.constant 0 : i32
    %dma_wait3A_69 = arith.constant 0 : i32
    %dma_wait3A_70 = tpu.memref_slice %arg2[%dma_wait3A_68, %dma_wait3A_69] : memref<10240x64xf32, #tpu.memory_space<hbm>> -> memref<10240x64xf32, #tpu.memory_space<hbm>>
    tpu.wait_indirect_dma semaphore(%arg16 : memref<!tpu.dma_semaphore, #tpu.memory_space<semaphore_mem>>) src(%dma_wait3A_70 : memref<10240x64xf32, #tpu.memory_space<hbm>>) dst(%arg13 : memref<128x64xf32, #tpu.memory_space<vmem>>)
    %sub3A_71 = arith.constant 1 : i32
    %sub3A_72 = arith.subi %select_n3A_11, %sub3A_71 : i32
    "tpu.region"() ({
      %run_scoped3A_148 = tpu.sem_alloc : memref<!tpu.dma_semaphore, #tpu.memory_space<semaphore_mem>>
      %dma_start3A_149 = arith.constant 0 : i32
      %dma_start3A_150 = tpu.memref_slice %arg11[%sub3A_72, %dma_start3A_149] : memref<112x128xi32, #tpu.memory_space<vmem>> -> memref<1x128xi32, #tpu.memory_space<vmem>>
      %dma_start3A_151 = tpu.memref_squeeze %dma_start3A_150 : memref<1x128xi32, #tpu.memory_space<vmem>> -> memref<128xi32, #tpu.memory_space<vmem>>
      %dma_start3A_152 = arith.constant 0 : i32
      %dma_start3A_153 = arith.constant 0 : i32
      %dma_start3A_154 = tpu.memref_slice %arg14[%dma_start3A_152, %dma_start3A_153] : memref<10240x64xf32, #tpu.memory_space<vmem_shared>> -> memref<10240x64xf32, #tpu.memory_space<vmem_shared>>
      tpu.enqueue_indirect_dma source(%arg13 : memref<128x64xf32, #tpu.memory_space<vmem>>) target(%dma_start3A_154 : memref<10240x64xf32, #tpu.memory_space<vmem_shared>>) offsets(%dma_start3A_151 : memref<128xi32, #tpu.memory_space<vmem>>) semaphore(%run_scoped3A_148 : memref<!tpu.dma_semaphore, #tpu.memory_space<semaphore_mem>>) {add = true}
      %dma_wait3A_155 = arith.constant 0 : i32
      %dma_wait3A_156 = tpu.memref_slice %arg11[%sub3A_72, %dma_wait3A_155] : memref<112x128xi32, #tpu.memory_space<vmem>> -> memref<1x128xi32, #tpu.memory_space<vmem>>
      %dma_wait3A_157 = tpu.memref_squeeze %dma_wait3A_156 : memref<1x128xi32, #tpu.memory_space<vmem>> -> memref<128xi32, #tpu.memory_space<vmem>>
      %dma_wait3A_158 = arith.constant 0 : i32
      %dma_wait3A_159 = arith.constant 0 : i32
      %dma_wait3A_160 = tpu.memref_slice %arg14[%dma_wait3A_158, %dma_wait3A_159] : memref<10240x64xf32, #tpu.memory_space<vmem_shared>> -> memref<10240x64xf32, #tpu.memory_space<vmem_shared>>
      tpu.wait_indirect_dma semaphore(%run_scoped3A_148 : memref<!tpu.dma_semaphore, #tpu.memory_space<semaphore_mem>>) src(%arg13 : memref<128x64xf32, #tpu.memory_space<vmem>>) dst(%dma_wait3A_160 : memref<10240x64xf32, #tpu.memory_space<vmem_shared>>)
      tpu.yield
    }) : () -> ()
    %barrier3A_73 = arith.constant 0 : index
    tpu.barrier barrier_id(%barrier3A_73)
    %run_scoped3A = arith.constant 0 : i32
    "tpu.region"() ({
      %run_scoped3A_148 = tpu.sem_alloc : memref<!tpu.dma_semaphore, #tpu.memory_space<semaphore_mem>>
      %dma_start3A_149 = arith.constant 0 : i32
      %dma_start3A_150 = tpu.memref_slice %arg9[%run_scoped3A, %arg0, %mul3A_0, %dma_start3A_149] : memref<2x2x10240x64xf32, #tpu.memory_space<hbm>> -> memref<1x1x640x64xf32, #tpu.memory_space<hbm>>
      %dma_start3A_151 = tpu.memref_squeeze %dma_start3A_150 : memref<1x1x640x64xf32, #tpu.memory_space<hbm>> -> memref<640x64xf32, #tpu.memory_space<hbm>>
      %dma_start3A_152 = arith.constant 0 : i32
      %dma_start3A_153 = tpu.memref_slice %arg14[%mul3A_0, %dma_start3A_152] : memref<10240x64xf32, #tpu.memory_space<vmem_shared>> -> memref<640x64xf32, #tpu.memory_space<vmem_shared>>
      tpu.enqueue_dma source(%dma_start3A_153 : memref<640x64xf32, #tpu.memory_space<vmem_shared>>) target(%dma_start3A_151 : memref<640x64xf32, #tpu.memory_space<hbm>>) target_semaphore(%run_scoped3A_148 : memref<!tpu.dma_semaphore, #tpu.memory_space<semaphore_mem>>)
      %dma_wait3A_154 = arith.constant 0 : i32
      %dma_wait3A_155 = tpu.memref_slice %arg9[%run_scoped3A, %arg0, %mul3A_0, %dma_wait3A_154] : memref<2x2x10240x64xf32, #tpu.memory_space<hbm>> -> memref<1x1x640x64xf32, #tpu.memory_space<hbm>>
      %dma_wait3A_156 = tpu.memref_squeeze %dma_wait3A_155 : memref<1x1x640x64xf32, #tpu.memory_space<hbm>> -> memref<640x64xf32, #tpu.memory_space<hbm>>
      %dma_wait3A_157 = arith.constant 0 : i32
      %dma_wait3A_158 = tpu.memref_slice %arg14[%mul3A_0, %dma_wait3A_157] : memref<10240x64xf32, #tpu.memory_space<vmem_shared>> -> memref<640x64xf32, #tpu.memory_space<vmem_shared>>
      tpu.wait_dma2 semaphore(%run_scoped3A_148 : memref<!tpu.dma_semaphore, #tpu.memory_space<semaphore_mem>>) src(%dma_wait3A_158 : memref<640x64xf32, #tpu.memory_space<vmem_shared>>) dst(%dma_wait3A_156 : memref<640x64xf32, #tpu.memory_space<hbm>>)
      tpu.yield
    }) : () -> ()
    "tpu.region"() ({
      %run_scoped3A_148 = tpu.sem_alloc : memref<!tpu.dma_semaphore, #tpu.memory_space<semaphore_mem>>
      %dma_start3A_149 = arith.constant 0 : i32
      %dma_start3A_150 = tpu.memref_slice %arg14[%mul3A_0, %dma_start3A_149] : memref<10240x64xf32, #tpu.memory_space<vmem_shared>> -> memref<640x64xf32, #tpu.memory_space<vmem_shared>>
      %dma_start3A_151 = arith.constant 0 : i32
      %dma_start3A_152 = tpu.memref_slice %arg8[%mul3A_0, %dma_start3A_151] : memref<10240x64xf32, #tpu.memory_space<hbm>> -> memref<640x64xf32, #tpu.memory_space<hbm>>
      tpu.enqueue_dma source(%dma_start3A_152 : memref<640x64xf32, #tpu.memory_space<hbm>>) target(%dma_start3A_150 : memref<640x64xf32, #tpu.memory_space<vmem_shared>>) target_semaphore(%run_scoped3A_148 : memref<!tpu.dma_semaphore, #tpu.memory_space<semaphore_mem>>)
      %dma_wait3A_153 = arith.constant 0 : i32
      %dma_wait3A_154 = tpu.memref_slice %arg14[%mul3A_0, %dma_wait3A_153] : memref<10240x64xf32, #tpu.memory_space<vmem_shared>> -> memref<640x64xf32, #tpu.memory_space<vmem_shared>>
      %dma_wait3A_155 = arith.constant 0 : i32
      %dma_wait3A_156 = tpu.memref_slice %arg8[%mul3A_0, %dma_wait3A_155] : memref<10240x64xf32, #tpu.memory_space<hbm>> -> memref<640x64xf32, #tpu.memory_space<hbm>>
      tpu.wait_dma2 semaphore(%run_scoped3A_148 : memref<!tpu.dma_semaphore, #tpu.memory_space<semaphore_mem>>) src(%dma_wait3A_156 : memref<640x64xf32, #tpu.memory_space<hbm>>) dst(%dma_wait3A_154 : memref<640x64xf32, #tpu.memory_space<vmem_shared>>)
      tpu.yield
    }) : () -> ()
    %barrier3A_74 = arith.constant 0 : index
    tpu.barrier barrier_id(%barrier3A_74)
    %dma_start3A_75 = arith.constant 0 : i32
    %dma_start3A_76 = arith.constant 0 : i32
    %dma_start3A_77 = tpu.memref_slice %arg10[%dma_start3A_75, %dma_start3A_76] : memref<112x128xi32, #tpu.memory_space<vmem>> -> memref<1x128xi32, #tpu.memory_space<vmem>>
    %dma_start3A_78 = tpu.memref_squeeze %dma_start3A_77 : memref<1x128xi32, #tpu.memory_space<vmem>> -> memref<128xi32, #tpu.memory_space<vmem>>
    %dma_start3A_79 = arith.constant 0 : i32
    %dma_start3A_80 = arith.constant 0 : i32
    %dma_start3A_81 = tpu.memref_slice %arg3[%dma_start3A_79, %dma_start3A_80] : memref<10240x64xf32, #tpu.memory_space<hbm>> -> memref<10240x64xf32, #tpu.memory_space<hbm>>
    tpu.enqueue_indirect_dma source(%dma_start3A_81 : memref<10240x64xf32, #tpu.memory_space<hbm>>) target(%arg12 : memref<128x64xf32, #tpu.memory_space<vmem>>) offsets(%dma_start3A_78 : memref<128xi32, #tpu.memory_space<vmem>>) semaphore(%arg15 : memref<!tpu.dma_semaphore, #tpu.memory_space<semaphore_mem>>)
    %jit3A_82 = arith.constant 2 : i32
    %div3A_83 = arith.divsi %select_n3A_11, %jit3A_82 : i32
    %sign3A_84 = arith.constant 0 : i32
    %sign3A_85 = arith.cmpi sgt, %select_n3A_11, %sign3A_84 : i32
    %sign3A_86 = arith.extui %sign3A_85 : i1 to i32
    %sign3A_87 = arith.constant 0 : i32
    %sign3A_88 = arith.cmpi slt, %select_n3A_11, %sign3A_87 : i32
    %sign3A_89 = arith.extui %sign3A_88 : i1 to i32
    %sign3A_90 = arith.subi %sign3A_86, %sign3A_89 : i32
    %sign3A_91 = arith.constant 0 : i32
    %sign3A_92 = arith.cmpi sgt, %jit3A_82, %sign3A_91 : i32
    %sign3A_93 = arith.extui %sign3A_92 : i1 to i32
    %sign3A_94 = arith.constant 0 : i32
    %sign3A_95 = arith.cmpi slt, %jit3A_82, %sign3A_94 : i32
    %sign3A_96 = arith.extui %sign3A_95 : i1 to i32
    %sign3A_97 = arith.subi %sign3A_93, %sign3A_96 : i32
    %ne3A_98 = arith.cmpi ne, %sign3A_90, %sign3A_97 : i32
    %rem3A_99 = arith.remsi %select_n3A_11, %jit3A_82 : i32
    %ne3A_100 = arith.constant 0 : i32
    %ne3A_101 = arith.cmpi ne, %rem3A_99, %ne3A_100 : i32
    %and3A_102 = arith.andi %ne3A_98, %ne3A_101 : i1
    %sub3A_103 = arith.constant 1 : i32
    %sub3A_104 = arith.subi %div3A_83, %sub3A_103 : i32
    %select_n3A_105 = arith.select %and3A_102, %sub3A_104, %div3A_83 : i32
    %sub3A_106 = arith.constant 1 : i32
    %sub3A_107 = arith.subi %select_n3A_105, %sub3A_106 : i32
    %while3A_108 = arith.constant 0 : i32
    %while3A_109 = arith.constant 0 : i32
    %while3A_110 = arith.subi %sub3A_107, %while3A_109 : i32
    %while3A_111 = arith.addi %while3A_109, %while3A_110 : i32
    %while3A_112 = arith.constant 1 : i32
    %while3A_113 = arith.divsi %while3A_110, %while3A_112 : i32
    %while3A_114 = arith.muli %while3A_113, %while3A_112 : i32
    %while3A_115 = arith.addi %while3A_109, %while3A_114 : i32
    %while3A_116 = arith.constant 1 : i32
    scf.for %while3A_148 = %while3A_109 to %while3A_115 step %while3A_116  : i32 {
      %mul3A_149 = arith.constant 2 : i32
      %mul3A_150 = arith.muli %mul3A_149, %while3A_148 : i32
      %add3A = arith.constant 1 : i32
      %add3A_151 = arith.addi %mul3A_150, %add3A : i32
      %dma_start3A_152 = arith.constant 0 : i32
      %dma_start3A_153 = tpu.memref_slice %arg10[%add3A_151, %dma_start3A_152] : memref<112x128xi32, #tpu.memory_space<vmem>> -> memref<1x128xi32, #tpu.memory_space<vmem>>
      %dma_start3A_154 = tpu.memref_squeeze %dma_start3A_153 : memref<1x128xi32, #tpu.memory_space<vmem>> -> memref<128xi32, #tpu.memory_space<vmem>>
      %dma_start3A_155 = arith.constant 0 : i32
      %dma_start3A_156 = arith.constant 0 : i32
      %dma_start3A_157 = tpu.memref_slice %arg3[%dma_start3A_155, %dma_start3A_156] : memref<10240x64xf32, #tpu.memory_space<hbm>> -> memref<10240x64xf32, #tpu.memory_space<hbm>>
      tpu.enqueue_indirect_dma source(%dma_start3A_157 : memref<10240x64xf32, #tpu.memory_space<hbm>>) target(%arg13 : memref<128x64xf32, #tpu.memory_space<vmem>>) offsets(%dma_start3A_154 : memref<128xi32, #tpu.memory_space<vmem>>) semaphore(%arg16 : memref<!tpu.dma_semaphore, #tpu.memory_space<semaphore_mem>>)
      %dma_wait3A_158 = arith.constant 0 : i32
      %dma_wait3A_159 = tpu.memref_slice %arg10[%mul3A_150, %dma_wait3A_158] : memref<112x128xi32, #tpu.memory_space<vmem>> -> memref<1x128xi32, #tpu.memory_space<vmem>>
      %dma_wait3A_160 = tpu.memref_squeeze %dma_wait3A_159 : memref<1x128xi32, #tpu.memory_space<vmem>> -> memref<128xi32, #tpu.memory_space<vmem>>
      %dma_wait3A_161 = arith.constant 0 : i32
      %dma_wait3A_162 = arith.constant 0 : i32
      %dma_wait3A_163 = tpu.memref_slice %arg3[%dma_wait3A_161, %dma_wait3A_162] : memref<10240x64xf32, #tpu.memory_space<hbm>> -> memref<10240x64xf32, #tpu.memory_space<hbm>>
      tpu.wait_indirect_dma semaphore(%arg15 : memref<!tpu.dma_semaphore, #tpu.memory_space<semaphore_mem>>) src(%dma_wait3A_163 : memref<10240x64xf32, #tpu.memory_space<hbm>>) dst(%arg12 : memref<128x64xf32, #tpu.memory_space<vmem>>)
      "tpu.region"() ({
        %run_scoped3A_178 = tpu.sem_alloc : memref<!tpu.dma_semaphore, #tpu.memory_space<semaphore_mem>>
        %dma_start3A_179 = arith.constant 0 : i32
        %dma_start3A_180 = tpu.memref_slice %arg11[%mul3A_150, %dma_start3A_179] : memref<112x128xi32, #tpu.memory_space<vmem>> -> memref<1x128xi32, #tpu.memory_space<vmem>>
        %dma_start3A_181 = tpu.memref_squeeze %dma_start3A_180 : memref<1x128xi32, #tpu.memory_space<vmem>> -> memref<128xi32, #tpu.memory_space<vmem>>
        %dma_start3A_182 = arith.constant 0 : i32
        %dma_start3A_183 = arith.constant 0 : i32
        %dma_start3A_184 = tpu.memref_slice %arg14[%dma_start3A_182, %dma_start3A_183] : memref<10240x64xf32, #tpu.memory_space<vmem_shared>> -> memref<10240x64xf32, #tpu.memory_space<vmem_shared>>
        tpu.enqueue_indirect_dma source(%arg12 : memref<128x64xf32, #tpu.memory_space<vmem>>) target(%dma_start3A_184 : memref<10240x64xf32, #tpu.memory_space<vmem_shared>>) offsets(%dma_start3A_181 : memref<128xi32, #tpu.memory_space<vmem>>) semaphore(%run_scoped3A_178 : memref<!tpu.dma_semaphore, #tpu.memory_space<semaphore_mem>>) {add = true}
        %dma_wait3A_185 = arith.constant 0 : i32
        %dma_wait3A_186 = tpu.memref_slice %arg11[%mul3A_150, %dma_wait3A_185] : memref<112x128xi32, #tpu.memory_space<vmem>> -> memref<1x128xi32, #tpu.memory_space<vmem>>
        %dma_wait3A_187 = tpu.memref_squeeze %dma_wait3A_186 : memref<1x128xi32, #tpu.memory_space<vmem>> -> memref<128xi32, #tpu.memory_space<vmem>>
        %dma_wait3A_188 = arith.constant 0 : i32
        %dma_wait3A_189 = arith.constant 0 : i32
        %dma_wait3A_190 = tpu.memref_slice %arg14[%dma_wait3A_188, %dma_wait3A_189] : memref<10240x64xf32, #tpu.memory_space<vmem_shared>> -> memref<10240x64xf32, #tpu.memory_space<vmem_shared>>
        tpu.wait_indirect_dma semaphore(%run_scoped3A_178 : memref<!tpu.dma_semaphore, #tpu.memory_space<semaphore_mem>>) src(%arg12 : memref<128x64xf32, #tpu.memory_space<vmem>>) dst(%dma_wait3A_190 : memref<10240x64xf32, #tpu.memory_space<vmem_shared>>)
        tpu.yield
      }) : () -> ()
      %add3A_164 = arith.constant 2 : i32
      %add3A_165 = arith.addi %mul3A_150, %add3A_164 : i32
      %dma_start3A_166 = arith.constant 0 : i32
      %dma_start3A_167 = tpu.memref_slice %arg10[%add3A_165, %dma_start3A_166] : memref<112x128xi32, #tpu.memory_space<vmem>> -> memref<1x128xi32, #tpu.memory_space<vmem>>
      %dma_start3A_168 = tpu.memref_squeeze %dma_start3A_167 : memref<1x128xi32, #tpu.memory_space<vmem>> -> memref<128xi32, #tpu.memory_space<vmem>>
      %dma_start3A_169 = arith.constant 0 : i32
      %dma_start3A_170 = arith.constant 0 : i32
      %dma_start3A_171 = tpu.memref_slice %arg3[%dma_start3A_169, %dma_start3A_170] : memref<10240x64xf32, #tpu.memory_space<hbm>> -> memref<10240x64xf32, #tpu.memory_space<hbm>>
      tpu.enqueue_indirect_dma source(%dma_start3A_171 : memref<10240x64xf32, #tpu.memory_space<hbm>>) target(%arg12 : memref<128x64xf32, #tpu.memory_space<vmem>>) offsets(%dma_start3A_168 : memref<128xi32, #tpu.memory_space<vmem>>) semaphore(%arg15 : memref<!tpu.dma_semaphore, #tpu.memory_space<semaphore_mem>>)
      %dma_wait3A_172 = arith.constant 0 : i32
      %dma_wait3A_173 = tpu.memref_slice %arg10[%add3A_151, %dma_wait3A_172] : memref<112x128xi32, #tpu.memory_space<vmem>> -> memref<1x128xi32, #tpu.memory_space<vmem>>
      %dma_wait3A_174 = tpu.memref_squeeze %dma_wait3A_173 : memref<1x128xi32, #tpu.memory_space<vmem>> -> memref<128xi32, #tpu.memory_space<vmem>>
      %dma_wait3A_175 = arith.constant 0 : i32
      %dma_wait3A_176 = arith.constant 0 : i32
      %dma_wait3A_177 = tpu.memref_slice %arg3[%dma_wait3A_175, %dma_wait3A_176] : memref<10240x64xf32, #tpu.memory_space<hbm>> -> memref<10240x64xf32, #tpu.memory_space<hbm>>
      tpu.wait_indirect_dma semaphore(%arg16 : memref<!tpu.dma_semaphore, #tpu.memory_space<semaphore_mem>>) src(%dma_wait3A_177 : memref<10240x64xf32, #tpu.memory_space<hbm>>) dst(%arg13 : memref<128x64xf32, #tpu.memory_space<vmem>>)
      "tpu.region"() ({
        %run_scoped3A_178 = tpu.sem_alloc : memref<!tpu.dma_semaphore, #tpu.memory_space<semaphore_mem>>
        %dma_start3A_179 = arith.constant 0 : i32
        %dma_start3A_180 = tpu.memref_slice %arg11[%add3A_151, %dma_start3A_179] : memref<112x128xi32, #tpu.memory_space<vmem>> -> memref<1x128xi32, #tpu.memory_space<vmem>>
        %dma_start3A_181 = tpu.memref_squeeze %dma_start3A_180 : memref<1x128xi32, #tpu.memory_space<vmem>> -> memref<128xi32, #tpu.memory_space<vmem>>
        %dma_start3A_182 = arith.constant 0 : i32
        %dma_start3A_183 = arith.constant 0 : i32
        %dma_start3A_184 = tpu.memref_slice %arg14[%dma_start3A_182, %dma_start3A_183] : memref<10240x64xf32, #tpu.memory_space<vmem_shared>> -> memref<10240x64xf32, #tpu.memory_space<vmem_shared>>
        tpu.enqueue_indirect_dma source(%arg13 : memref<128x64xf32, #tpu.memory_space<vmem>>) target(%dma_start3A_184 : memref<10240x64xf32, #tpu.memory_space<vmem_shared>>) offsets(%dma_start3A_181 : memref<128xi32, #tpu.memory_space<vmem>>) semaphore(%run_scoped3A_178 : memref<!tpu.dma_semaphore, #tpu.memory_space<semaphore_mem>>) {add = true}
        %dma_wait3A_185 = arith.constant 0 : i32
        %dma_wait3A_186 = tpu.memref_slice %arg11[%add3A_151, %dma_wait3A_185] : memref<112x128xi32, #tpu.memory_space<vmem>> -> memref<1x128xi32, #tpu.memory_space<vmem>>
        %dma_wait3A_187 = tpu.memref_squeeze %dma_wait3A_186 : memref<1x128xi32, #tpu.memory_space<vmem>> -> memref<128xi32, #tpu.memory_space<vmem>>
        %dma_wait3A_188 = arith.constant 0 : i32
        %dma_wait3A_189 = arith.constant 0 : i32
        %dma_wait3A_190 = tpu.memref_slice %arg14[%dma_wait3A_188, %dma_wait3A_189] : memref<10240x64xf32, #tpu.memory_space<vmem_shared>> -> memref<10240x64xf32, #tpu.memory_space<vmem_shared>>
        tpu.wait_indirect_dma semaphore(%run_scoped3A_178 : memref<!tpu.dma_semaphore, #tpu.memory_space<semaphore_mem>>) src(%arg13 : memref<128x64xf32, #tpu.memory_space<vmem>>) dst(%dma_wait3A_190 : memref<10240x64xf32, #tpu.memory_space<vmem_shared>>)
        tpu.yield
      }) : () -> ()
    }
    %while3A_117 = arith.constant 1 : i32
    scf.for %while3A_148 = %while3A_115 to %while3A_111 step %while3A_117  : i32 {
      %mul3A_149 = arith.constant 2 : i32
      %mul3A_150 = arith.muli %mul3A_149, %while3A_148 : i32
      %add3A = arith.constant 1 : i32
      %add3A_151 = arith.addi %mul3A_150, %add3A : i32
      %dma_start3A_152 = arith.constant 0 : i32
      %dma_start3A_153 = tpu.memref_slice %arg10[%add3A_151, %dma_start3A_152] : memref<112x128xi32, #tpu.memory_space<vmem>> -> memref<1x128xi32, #tpu.memory_space<vmem>>
      %dma_start3A_154 = tpu.memref_squeeze %dma_start3A_153 : memref<1x128xi32, #tpu.memory_space<vmem>> -> memref<128xi32, #tpu.memory_space<vmem>>
      %dma_start3A_155 = arith.constant 0 : i32
      %dma_start3A_156 = arith.constant 0 : i32
      %dma_start3A_157 = tpu.memref_slice %arg3[%dma_start3A_155, %dma_start3A_156] : memref<10240x64xf32, #tpu.memory_space<hbm>> -> memref<10240x64xf32, #tpu.memory_space<hbm>>
      tpu.enqueue_indirect_dma source(%dma_start3A_157 : memref<10240x64xf32, #tpu.memory_space<hbm>>) target(%arg13 : memref<128x64xf32, #tpu.memory_space<vmem>>) offsets(%dma_start3A_154 : memref<128xi32, #tpu.memory_space<vmem>>) semaphore(%arg16 : memref<!tpu.dma_semaphore, #tpu.memory_space<semaphore_mem>>)
      %dma_wait3A_158 = arith.constant 0 : i32
      %dma_wait3A_159 = tpu.memref_slice %arg10[%mul3A_150, %dma_wait3A_158] : memref<112x128xi32, #tpu.memory_space<vmem>> -> memref<1x128xi32, #tpu.memory_space<vmem>>
      %dma_wait3A_160 = tpu.memref_squeeze %dma_wait3A_159 : memref<1x128xi32, #tpu.memory_space<vmem>> -> memref<128xi32, #tpu.memory_space<vmem>>
      %dma_wait3A_161 = arith.constant 0 : i32
      %dma_wait3A_162 = arith.constant 0 : i32
      %dma_wait3A_163 = tpu.memref_slice %arg3[%dma_wait3A_161, %dma_wait3A_162] : memref<10240x64xf32, #tpu.memory_space<hbm>> -> memref<10240x64xf32, #tpu.memory_space<hbm>>
      tpu.wait_indirect_dma semaphore(%arg15 : memref<!tpu.dma_semaphore, #tpu.memory_space<semaphore_mem>>) src(%dma_wait3A_163 : memref<10240x64xf32, #tpu.memory_space<hbm>>) dst(%arg12 : memref<128x64xf32, #tpu.memory_space<vmem>>)
      "tpu.region"() ({
        %run_scoped3A_178 = tpu.sem_alloc : memref<!tpu.dma_semaphore, #tpu.memory_space<semaphore_mem>>
        %dma_start3A_179 = arith.constant 0 : i32
        %dma_start3A_180 = tpu.memref_slice %arg11[%mul3A_150, %dma_start3A_179] : memref<112x128xi32, #tpu.memory_space<vmem>> -> memref<1x128xi32, #tpu.memory_space<vmem>>
        %dma_start3A_181 = tpu.memref_squeeze %dma_start3A_180 : memref<1x128xi32, #tpu.memory_space<vmem>> -> memref<128xi32, #tpu.memory_space<vmem>>
        %dma_start3A_182 = arith.constant 0 : i32
        %dma_start3A_183 = arith.constant 0 : i32
        %dma_start3A_184 = tpu.memref_slice %arg14[%dma_start3A_182, %dma_start3A_183] : memref<10240x64xf32, #tpu.memory_space<vmem_shared>> -> memref<10240x64xf32, #tpu.memory_space<vmem_shared>>
        tpu.enqueue_indirect_dma source(%arg12 : memref<128x64xf32, #tpu.memory_space<vmem>>) target(%dma_start3A_184 : memref<10240x64xf32, #tpu.memory_space<vmem_shared>>) offsets(%dma_start3A_181 : memref<128xi32, #tpu.memory_space<vmem>>) semaphore(%run_scoped3A_178 : memref<!tpu.dma_semaphore, #tpu.memory_space<semaphore_mem>>) {add = true}
        %dma_wait3A_185 = arith.constant 0 : i32
        %dma_wait3A_186 = tpu.memref_slice %arg11[%mul3A_150, %dma_wait3A_185] : memref<112x128xi32, #tpu.memory_space<vmem>> -> memref<1x128xi32, #tpu.memory_space<vmem>>
        %dma_wait3A_187 = tpu.memref_squeeze %dma_wait3A_186 : memref<1x128xi32, #tpu.memory_space<vmem>> -> memref<128xi32, #tpu.memory_space<vmem>>
        %dma_wait3A_188 = arith.constant 0 : i32
        %dma_wait3A_189 = arith.constant 0 : i32
        %dma_wait3A_190 = tpu.memref_slice %arg14[%dma_wait3A_188, %dma_wait3A_189] : memref<10240x64xf32, #tpu.memory_space<vmem_shared>> -> memref<10240x64xf32, #tpu.memory_space<vmem_shared>>
        tpu.wait_indirect_dma semaphore(%run_scoped3A_178 : memref<!tpu.dma_semaphore, #tpu.memory_space<semaphore_mem>>) src(%arg12 : memref<128x64xf32, #tpu.memory_space<vmem>>) dst(%dma_wait3A_190 : memref<10240x64xf32, #tpu.memory_space<vmem_shared>>)
        tpu.yield
      }) : () -> ()
      %add3A_164 = arith.constant 2 : i32
      %add3A_165 = arith.addi %mul3A_150, %add3A_164 : i32
      %dma_start3A_166 = arith.constant 0 : i32
      %dma_start3A_167 = tpu.memref_slice %arg10[%add3A_165, %dma_start3A_166] : memref<112x128xi32, #tpu.memory_space<vmem>> -> memref<1x128xi32, #tpu.memory_space<vmem>>
      %dma_start3A_168 = tpu.memref_squeeze %dma_start3A_167 : memref<1x128xi32, #tpu.memory_space<vmem>> -> memref<128xi32, #tpu.memory_space<vmem>>
      %dma_start3A_169 = arith.constant 0 : i32
      %dma_start3A_170 = arith.constant 0 : i32
      %dma_start3A_171 = tpu.memref_slice %arg3[%dma_start3A_169, %dma_start3A_170] : memref<10240x64xf32, #tpu.memory_space<hbm>> -> memref<10240x64xf32, #tpu.memory_space<hbm>>
      tpu.enqueue_indirect_dma source(%dma_start3A_171 : memref<10240x64xf32, #tpu.memory_space<hbm>>) target(%arg12 : memref<128x64xf32, #tpu.memory_space<vmem>>) offsets(%dma_start3A_168 : memref<128xi32, #tpu.memory_space<vmem>>) semaphore(%arg15 : memref<!tpu.dma_semaphore, #tpu.memory_space<semaphore_mem>>)
      %dma_wait3A_172 = arith.constant 0 : i32
      %dma_wait3A_173 = tpu.memref_slice %arg10[%add3A_151, %dma_wait3A_172] : memref<112x128xi32, #tpu.memory_space<vmem>> -> memref<1x128xi32, #tpu.memory_space<vmem>>
      %dma_wait3A_174 = tpu.memref_squeeze %dma_wait3A_173 : memref<1x128xi32, #tpu.memory_space<vmem>> -> memref<128xi32, #tpu.memory_space<vmem>>
      %dma_wait3A_175 = arith.constant 0 : i32
      %dma_wait3A_176 = arith.constant 0 : i32
      %dma_wait3A_177 = tpu.memref_slice %arg3[%dma_wait3A_175, %dma_wait3A_176] : memref<10240x64xf32, #tpu.memory_space<hbm>> -> memref<10240x64xf32, #tpu.memory_space<hbm>>
      tpu.wait_indirect_dma semaphore(%arg16 : memref<!tpu.dma_semaphore, #tpu.memory_space<semaphore_mem>>) src(%dma_wait3A_177 : memref<10240x64xf32, #tpu.memory_space<hbm>>) dst(%arg13 : memref<128x64xf32, #tpu.memory_space<vmem>>)
      "tpu.region"() ({
        %run_scoped3A_178 = tpu.sem_alloc : memref<!tpu.dma_semaphore, #tpu.memory_space<semaphore_mem>>
        %dma_start3A_179 = arith.constant 0 : i32
        %dma_start3A_180 = tpu.memref_slice %arg11[%add3A_151, %dma_start3A_179] : memref<112x128xi32, #tpu.memory_space<vmem>> -> memref<1x128xi32, #tpu.memory_space<vmem>>
        %dma_start3A_181 = tpu.memref_squeeze %dma_start3A_180 : memref<1x128xi32, #tpu.memory_space<vmem>> -> memref<128xi32, #tpu.memory_space<vmem>>
        %dma_start3A_182 = arith.constant 0 : i32
        %dma_start3A_183 = arith.constant 0 : i32
        %dma_start3A_184 = tpu.memref_slice %arg14[%dma_start3A_182, %dma_start3A_183] : memref<10240x64xf32, #tpu.memory_space<vmem_shared>> -> memref<10240x64xf32, #tpu.memory_space<vmem_shared>>
        tpu.enqueue_indirect_dma source(%arg13 : memref<128x64xf32, #tpu.memory_space<vmem>>) target(%dma_start3A_184 : memref<10240x64xf32, #tpu.memory_space<vmem_shared>>) offsets(%dma_start3A_181 : memref<128xi32, #tpu.memory_space<vmem>>) semaphore(%run_scoped3A_178 : memref<!tpu.dma_semaphore, #tpu.memory_space<semaphore_mem>>) {add = true}
        %dma_wait3A_185 = arith.constant 0 : i32
        %dma_wait3A_186 = tpu.memref_slice %arg11[%add3A_151, %dma_wait3A_185] : memref<112x128xi32, #tpu.memory_space<vmem>> -> memref<1x128xi32, #tpu.memory_space<vmem>>
        %dma_wait3A_187 = tpu.memref_squeeze %dma_wait3A_186 : memref<1x128xi32, #tpu.memory_space<vmem>> -> memref<128xi32, #tpu.memory_space<vmem>>
        %dma_wait3A_188 = arith.constant 0 : i32
        %dma_wait3A_189 = arith.constant 0 : i32
        %dma_wait3A_190 = tpu.memref_slice %arg14[%dma_wait3A_188, %dma_wait3A_189] : memref<10240x64xf32, #tpu.memory_space<vmem_shared>> -> memref<10240x64xf32, #tpu.memory_space<vmem_shared>>
        tpu.wait_indirect_dma semaphore(%run_scoped3A_178 : memref<!tpu.dma_semaphore, #tpu.memory_space<semaphore_mem>>) src(%arg13 : memref<128x64xf32, #tpu.memory_space<vmem>>) dst(%dma_wait3A_190 : memref<10240x64xf32, #tpu.memory_space<vmem_shared>>)
        tpu.yield
      }) : () -> ()
    }
    %sub3A_118 = arith.constant 1 : i32
    %sub3A_119 = arith.subi %select_n3A_11, %sub3A_118 : i32
    %dma_start3A_120 = arith.constant 0 : i32
    %dma_start3A_121 = tpu.memref_slice %arg10[%sub3A_119, %dma_start3A_120] : memref<112x128xi32, #tpu.memory_space<vmem>> -> memref<1x128xi32, #tpu.memory_space<vmem>>
    %dma_start3A_122 = tpu.memref_squeeze %dma_start3A_121 : memref<1x128xi32, #tpu.memory_space<vmem>> -> memref<128xi32, #tpu.memory_space<vmem>>
    %dma_start3A_123 = arith.constant 0 : i32
    %dma_start3A_124 = arith.constant 0 : i32
    %dma_start3A_125 = tpu.memref_slice %arg3[%dma_start3A_123, %dma_start3A_124] : memref<10240x64xf32, #tpu.memory_space<hbm>> -> memref<10240x64xf32, #tpu.memory_space<hbm>>
    tpu.enqueue_indirect_dma source(%dma_start3A_125 : memref<10240x64xf32, #tpu.memory_space<hbm>>) target(%arg13 : memref<128x64xf32, #tpu.memory_space<vmem>>) offsets(%dma_start3A_122 : memref<128xi32, #tpu.memory_space<vmem>>) semaphore(%arg16 : memref<!tpu.dma_semaphore, #tpu.memory_space<semaphore_mem>>)
    %sub3A_126 = arith.constant 2 : i32
    %sub3A_127 = arith.subi %select_n3A_11, %sub3A_126 : i32
    %dma_wait3A_128 = arith.constant 0 : i32
    %dma_wait3A_129 = tpu.memref_slice %arg10[%sub3A_127, %dma_wait3A_128] : memref<112x128xi32, #tpu.memory_space<vmem>> -> memref<1x128xi32, #tpu.memory_space<vmem>>
    %dma_wait3A_130 = tpu.memref_squeeze %dma_wait3A_129 : memref<1x128xi32, #tpu.memory_space<vmem>> -> memref<128xi32, #tpu.memory_space<vmem>>
    %dma_wait3A_131 = arith.constant 0 : i32
    %dma_wait3A_132 = arith.constant 0 : i32
    %dma_wait3A_133 = tpu.memref_slice %arg3[%dma_wait3A_131, %dma_wait3A_132] : memref<10240x64xf32, #tpu.memory_space<hbm>> -> memref<10240x64xf32, #tpu.memory_space<hbm>>
    tpu.wait_indirect_dma semaphore(%arg15 : memref<!tpu.dma_semaphore, #tpu.memory_space<semaphore_mem>>) src(%dma_wait3A_133 : memref<10240x64xf32, #tpu.memory_space<hbm>>) dst(%arg12 : memref<128x64xf32, #tpu.memory_space<vmem>>)
    %sub3A_134 = arith.constant 2 : i32
    %sub3A_135 = arith.subi %select_n3A_11, %sub3A_134 : i32
    "tpu.region"() ({
      %run_scoped3A_148 = tpu.sem_alloc : memref<!tpu.dma_semaphore, #tpu.memory_space<semaphore_mem>>
      %dma_start3A_149 = arith.constant 0 : i32
      %dma_start3A_150 = tpu.memref_slice %arg11[%sub3A_135, %dma_start3A_149] : memref<112x128xi32, #tpu.memory_space<vmem>> -> memref<1x128xi32, #tpu.memory_space<vmem>>
      %dma_start3A_151 = tpu.memref_squeeze %dma_start3A_150 : memref<1x128xi32, #tpu.memory_space<vmem>> -> memref<128xi32, #tpu.memory_space<vmem>>
      %dma_start3A_152 = arith.constant 0 : i32
      %dma_start3A_153 = arith.constant 0 : i32
      %dma_start3A_154 = tpu.memref_slice %arg14[%dma_start3A_152, %dma_start3A_153] : memref<10240x64xf32, #tpu.memory_space<vmem_shared>> -> memref<10240x64xf32, #tpu.memory_space<vmem_shared>>
      tpu.enqueue_indirect_dma source(%arg12 : memref<128x64xf32, #tpu.memory_space<vmem>>) target(%dma_start3A_154 : memref<10240x64xf32, #tpu.memory_space<vmem_shared>>) offsets(%dma_start3A_151 : memref<128xi32, #tpu.memory_space<vmem>>) semaphore(%run_scoped3A_148 : memref<!tpu.dma_semaphore, #tpu.memory_space<semaphore_mem>>) {add = true}
      %dma_wait3A_155 = arith.constant 0 : i32
      %dma_wait3A_156 = tpu.memref_slice %arg11[%sub3A_135, %dma_wait3A_155] : memref<112x128xi32, #tpu.memory_space<vmem>> -> memref<1x128xi32, #tpu.memory_space<vmem>>
      %dma_wait3A_157 = tpu.memref_squeeze %dma_wait3A_156 : memref<1x128xi32, #tpu.memory_space<vmem>> -> memref<128xi32, #tpu.memory_space<vmem>>
      %dma_wait3A_158 = arith.constant 0 : i32
      %dma_wait3A_159 = arith.constant 0 : i32
      %dma_wait3A_160 = tpu.memref_slice %arg14[%dma_wait3A_158, %dma_wait3A_159] : memref<10240x64xf32, #tpu.memory_space<vmem_shared>> -> memref<10240x64xf32, #tpu.memory_space<vmem_shared>>
      tpu.wait_indirect_dma semaphore(%run_scoped3A_148 : memref<!tpu.dma_semaphore, #tpu.memory_space<semaphore_mem>>) src(%arg12 : memref<128x64xf32, #tpu.memory_space<vmem>>) dst(%dma_wait3A_160 : memref<10240x64xf32, #tpu.memory_space<vmem_shared>>)
      tpu.yield
    }) : () -> ()
    %sub3A_136 = arith.constant 1 : i32
    %sub3A_137 = arith.subi %select_n3A_11, %sub3A_136 : i32
    %dma_wait3A_138 = arith.constant 0 : i32
    %dma_wait3A_139 = tpu.memref_slice %arg10[%sub3A_137, %dma_wait3A_138] : memref<112x128xi32, #tpu.memory_space<vmem>> -> memref<1x128xi32, #tpu.memory_space<vmem>>
    %dma_wait3A_140 = tpu.memref_squeeze %dma_wait3A_139 : memref<1x128xi32, #tpu.memory_space<vmem>> -> memref<128xi32, #tpu.memory_space<vmem>>
    %dma_wait3A_141 = arith.constant 0 : i32
    %dma_wait3A_142 = arith.constant 0 : i32
    %dma_wait3A_143 = tpu.memref_slice %arg3[%dma_wait3A_141, %dma_wait3A_142] : memref<10240x64xf32, #tpu.memory_space<hbm>> -> memref<10240x64xf32, #tpu.memory_space<hbm>>
    tpu.wait_indirect_dma semaphore(%arg16 : memref<!tpu.dma_semaphore, #tpu.memory_space<semaphore_mem>>) src(%dma_wait3A_143 : memref<10240x64xf32, #tpu.memory_space<hbm>>) dst(%arg13 : memref<128x64xf32, #tpu.memory_space<vmem>>)
    %sub3A_144 = arith.constant 1 : i32
    %sub3A_145 = arith.subi %select_n3A_11, %sub3A_144 : i32
    "tpu.region"() ({
      %run_scoped3A_148 = tpu.sem_alloc : memref<!tpu.dma_semaphore, #tpu.memory_space<semaphore_mem>>
      %dma_start3A_149 = arith.constant 0 : i32
      %dma_start3A_150 = tpu.memref_slice %arg11[%sub3A_145, %dma_start3A_149] : memref<112x128xi32, #tpu.memory_space<vmem>> -> memref<1x128xi32, #tpu.memory_space<vmem>>
      %dma_start3A_151 = tpu.memref_squeeze %dma_start3A_150 : memref<1x128xi32, #tpu.memory_space<vmem>> -> memref<128xi32, #tpu.memory_space<vmem>>
      %dma_start3A_152 = arith.constant 0 : i32
      %dma_start3A_153 = arith.constant 0 : i32
      %dma_start3A_154 = tpu.memref_slice %arg14[%dma_start3A_152, %dma_start3A_153] : memref<10240x64xf32, #tpu.memory_space<vmem_shared>> -> memref<10240x64xf32, #tpu.memory_space<vmem_shared>>
      tpu.enqueue_indirect_dma source(%arg13 : memref<128x64xf32, #tpu.memory_space<vmem>>) target(%dma_start3A_154 : memref<10240x64xf32, #tpu.memory_space<vmem_shared>>) offsets(%dma_start3A_151 : memref<128xi32, #tpu.memory_space<vmem>>) semaphore(%run_scoped3A_148 : memref<!tpu.dma_semaphore, #tpu.memory_space<semaphore_mem>>) {add = true}
      %dma_wait3A_155 = arith.constant 0 : i32
      %dma_wait3A_156 = tpu.memref_slice %arg11[%sub3A_145, %dma_wait3A_155] : memref<112x128xi32, #tpu.memory_space<vmem>> -> memref<1x128xi32, #tpu.memory_space<vmem>>
      %dma_wait3A_157 = tpu.memref_squeeze %dma_wait3A_156 : memref<1x128xi32, #tpu.memory_space<vmem>> -> memref<128xi32, #tpu.memory_space<vmem>>
      %dma_wait3A_158 = arith.constant 0 : i32
      %dma_wait3A_159 = arith.constant 0 : i32
      %dma_wait3A_160 = tpu.memref_slice %arg14[%dma_wait3A_158, %dma_wait3A_159] : memref<10240x64xf32, #tpu.memory_space<vmem_shared>> -> memref<10240x64xf32, #tpu.memory_space<vmem_shared>>
      tpu.wait_indirect_dma semaphore(%run_scoped3A_148 : memref<!tpu.dma_semaphore, #tpu.memory_space<semaphore_mem>>) src(%arg13 : memref<128x64xf32, #tpu.memory_space<vmem>>) dst(%dma_wait3A_160 : memref<10240x64xf32, #tpu.memory_space<vmem_shared>>)
      tpu.yield
    }) : () -> ()
    %barrier3A_146 = arith.constant 0 : index
    tpu.barrier barrier_id(%barrier3A_146)
    %run_scoped3A_147 = arith.constant 1 : i32
    "tpu.region"() ({
      %run_scoped3A_148 = tpu.sem_alloc : memref<!tpu.dma_semaphore, #tpu.memory_space<semaphore_mem>>
      %dma_start3A_149 = arith.constant 0 : i32
      %dma_start3A_150 = tpu.memref_slice %arg9[%run_scoped3A_147, %arg0, %mul3A_0, %dma_start3A_149] : memref<2x2x10240x64xf32, #tpu.memory_space<hbm>> -> memref<1x1x640x64xf32, #tpu.memory_space<hbm>>
      %dma_start3A_151 = tpu.memref_squeeze %dma_start3A_150 : memref<1x1x640x64xf32, #tpu.memory_space<hbm>> -> memref<640x64xf32, #tpu.memory_space<hbm>>
      %dma_start3A_152 = arith.constant 0 : i32
      %dma_start3A_153 = tpu.memref_slice %arg14[%mul3A_0, %dma_start3A_152] : memref<10240x64xf32, #tpu.memory_space<vmem_shared>> -> memref<640x64xf32, #tpu.memory_space<vmem_shared>>
      tpu.enqueue_dma source(%dma_start3A_153 : memref<640x64xf32, #tpu.memory_space<vmem_shared>>) target(%dma_start3A_151 : memref<640x64xf32, #tpu.memory_space<hbm>>) target_semaphore(%run_scoped3A_148 : memref<!tpu.dma_semaphore, #tpu.memory_space<semaphore_mem>>)
      %dma_wait3A_154 = arith.constant 0 : i32
      %dma_wait3A_155 = tpu.memref_slice %arg9[%run_scoped3A_147, %arg0, %mul3A_0, %dma_wait3A_154] : memref<2x2x10240x64xf32, #tpu.memory_space<hbm>> -> memref<1x1x640x64xf32, #tpu.memory_space<hbm>>
      %dma_wait3A_156 = tpu.memref_squeeze %dma_wait3A_155 : memref<1x1x640x64xf32, #tpu.memory_space<hbm>> -> memref<640x64xf32, #tpu.memory_space<hbm>>
      %dma_wait3A_157 = arith.constant 0 : i32
      %dma_wait3A_158 = tpu.memref_slice %arg14[%mul3A_0, %dma_wait3A_157] : memref<10240x64xf32, #tpu.memory_space<vmem_shared>> -> memref<640x64xf32, #tpu.memory_space<vmem_shared>>
      tpu.wait_dma2 semaphore(%run_scoped3A_148 : memref<!tpu.dma_semaphore, #tpu.memory_space<semaphore_mem>>) src(%dma_wait3A_158 : memref<640x64xf32, #tpu.memory_space<vmem_shared>>) dst(%dma_wait3A_156 : memref<640x64xf32, #tpu.memory_space<hbm>>)
      tpu.yield
    }) : () -> ()
    return
  }
}

#map = affine_map<(d0, d1) -> (0, 0)>
#map1 = affine_map<(d0, d1) -> (0, 0, 0)>
#map2 = affine_map<(d0, d1) -> (0, 0, 0, 0)>
module attributes {stable_mosaic.version = 14 : i64} {
  func.func @_prop_body(%arg0: i32, %arg1: i32, %arg2: memref<10240x64xf32, #tpu.memory_space<hbm>>, %arg3: memref<10240x64xf32, #tpu.memory_space<hbm>>, %arg4: memref<16x112x128xi32, #tpu.memory_space<hbm>>, %arg5: memref<16x112x128xi32, #tpu.memory_space<hbm>>, %arg6: memref<16x50x128xi32, #tpu.memory_space<hbm>>, %arg7: memref<16x50x128xi32, #tpu.memory_space<hbm>>, %arg8: memref<10240x64xf32, #tpu.memory_space<hbm>>, %arg9: memref<2x2x10240x64xf32, #tpu.memory_space<hbm>>, %arg10: memref<112x128xi32, #tpu.memory_space<vmem>>, %arg11: memref<112x128xi32, #tpu.memory_space<vmem>>, %arg12: memref<128x64xf32, #tpu.memory_space<vmem>>, %arg13: memref<128x64xf32, #tpu.memory_space<vmem>>, %arg14: memref<10240x64xf32, #tpu.memory_space<vmem_shared>>, %arg15: memref<!tpu.dma_semaphore, #tpu.memory_space<semaphore_mem>>, %arg16: memref<!tpu.dma_semaphore, #tpu.memory_space<semaphore_mem>>) attributes {dimension_semantics = [#tpu.dimension_semantics<core_parallel>, #tpu.dimension_semantics<subcore_parallel>], iteration_bounds = array<i64: 2, 16>, scalar_prefetch = 0 : i64, scratch_operands = 7 : i64, tpu.core_type = #tpu.core_type<sc_vector_subcore>, window_params = [{transform_indices = #map}, {transform_indices = #map}, {transform_indices = #map1}, {transform_indices = #map1}, {transform_indices = #map1}, {transform_indices = #map1}, {transform_indices = #map}, {transform_indices = #map2}]} {
    %mul3A = arith.constant 640 : i32
    %mul3A_0 = arith.muli %arg1, %mul3A : i32
    %eq3A = arith.constant 0 : i32
    %eq3A_1 = arith.cmpi eq, %arg0, %eq3A : i32
    %convert_element_type3A = arith.extui %eq3A_1 : i1 to i32
    %cond3A = arith.constant 0 : i32
    %cond3A_2 = arith.cmpi ne, %convert_element_type3A, %cond3A : i32
    scf.if %cond3A_2 {
      "tpu.region"() ({
        %run_scoped3A_148 = tpu.sem_alloc : memref<!tpu.dma_semaphore, #tpu.memory_space<semaphore_mem>>
        %dma_start3A_149 = arith.constant 0 : i32
        %dma_start3A_150 = arith.constant 0 : i32
        %dma_start3A_151 = tpu.memref_slice %arg10[%dma_start3A_149, %dma_start3A_150] : memref<112x128xi32, #tpu.memory_space<vmem>> -> memref<112x128xi32, #tpu.memory_space<vmem>>
        %dma_start3A_152 = arith.constant 0 : i32
        %dma_start3A_153 = arith.constant 0 : i32
        %dma_start3A_154 = tpu.memref_slice %arg4[%arg1, %dma_start3A_152, %dma_start3A_153] : memref<16x112x128xi32, #tpu.memory_space<hbm>> -> memref<1x112x128xi32, #tpu.memory_space<hbm>>
        %dma_start3A_155 = tpu.memref_squeeze %dma_start3A_154 : memref<1x112x128xi32, #tpu.memory_space<hbm>> -> memref<112x128xi32, #tpu.memory_space<hbm>>
        %dma_start3A_156 = arith.constant 0 : i32
        %dma_start3A_157 = arith.constant 0 : i32
        %dma_start3A_158 = tpu.memref_slice %arg10[%dma_start3A_156, %dma_start3A_157] : memref<112x128xi32, #tpu.memory_space<vmem>> -> memref<112x128xi32, #tpu.memory_space<vmem>>
        %dma_start3A_159 = arith.constant 0 : i32
        %dma_start3A_160 = arith.constant 0 : i32
        %dma_start3A_161 = tpu.memref_slice %arg4[%arg1, %dma_start3A_159, %dma_start3A_160] : memref<16x112x128xi32, #tpu.memory_space<hbm>> -> memref<1x112x128xi32, #tpu.memory_space<hbm>>
        %dma_start3A_162 = tpu.memref_squeeze %dma_start3A_161 : memref<1x112x128xi32, #tpu.memory_space<hbm>> -> memref<112x128xi32, #tpu.memory_space<hbm>>
        tpu.enqueue_dma source(%dma_start3A_162 : memref<112x128xi32, #tpu.memory_space<hbm>>) target(%dma_start3A_158 : memref<112x128xi32, #tpu.memory_space<vmem>>) target_semaphore(%run_scoped3A_148 : memref<!tpu.dma_semaphore, #tpu.memory_space<semaphore_mem>>)
        %dma_wait3A_163 = arith.constant 0 : i32
        %dma_wait3A_164 = arith.constant 0 : i32
        %dma_wait3A_165 = tpu.memref_slice %arg10[%dma_wait3A_163, %dma_wait3A_164] : memref<112x128xi32, #tpu.memory_space<vmem>> -> memref<112x128xi32, #tpu.memory_space<vmem>>
        %dma_wait3A_166 = arith.constant 0 : i32
        %dma_wait3A_167 = arith.constant 0 : i32
        %dma_wait3A_168 = tpu.memref_slice %arg4[%arg1, %dma_wait3A_166, %dma_wait3A_167] : memref<16x112x128xi32, #tpu.memory_space<hbm>> -> memref<1x112x128xi32, #tpu.memory_space<hbm>>
        %dma_wait3A_169 = tpu.memref_squeeze %dma_wait3A_168 : memref<1x112x128xi32, #tpu.memory_space<hbm>> -> memref<112x128xi32, #tpu.memory_space<hbm>>
        %dma_wait3A_170 = arith.constant 0 : i32
        %dma_wait3A_171 = arith.constant 0 : i32
        %dma_wait3A_172 = tpu.memref_slice %arg10[%dma_wait3A_170, %dma_wait3A_171] : memref<112x128xi32, #tpu.memory_space<vmem>> -> memref<112x128xi32, #tpu.memory_space<vmem>>
        %dma_wait3A_173 = arith.constant 0 : i32
        %dma_wait3A_174 = arith.constant 0 : i32
        %dma_wait3A_175 = tpu.memref_slice %arg4[%arg1, %dma_wait3A_173, %dma_wait3A_174] : memref<16x112x128xi32, #tpu.memory_space<hbm>> -> memref<1x112x128xi32, #tpu.memory_space<hbm>>
        %dma_wait3A_176 = tpu.memref_squeeze %dma_wait3A_175 : memref<1x112x128xi32, #tpu.memory_space<hbm>> -> memref<112x128xi32, #tpu.memory_space<hbm>>
        tpu.wait_dma2 semaphore(%run_scoped3A_148 : memref<!tpu.dma_semaphore, #tpu.memory_space<semaphore_mem>>) src(%dma_wait3A_176 : memref<112x128xi32, #tpu.memory_space<hbm>>) dst(%dma_wait3A_172 : memref<112x128xi32, #tpu.memory_space<vmem>>)
        tpu.yield
      }) : () -> ()
      "tpu.region"() ({
        %run_scoped3A_148 = tpu.sem_alloc : memref<!tpu.dma_semaphore, #tpu.memory_space<semaphore_mem>>
        %dma_start3A_149 = arith.constant 0 : i32
        %dma_start3A_150 = arith.constant 0 : i32
        %dma_start3A_151 = tpu.memref_slice %arg11[%dma_start3A_149, %dma_start3A_150] : memref<112x128xi32, #tpu.memory_space<vmem>> -> memref<112x128xi32, #tpu.memory_space<vmem>>
        %dma_start3A_152 = arith.constant 0 : i32
        %dma_start3A_153 = arith.constant 0 : i32
        %dma_start3A_154 = tpu.memref_slice %arg5[%arg1, %dma_start3A_152, %dma_start3A_153] : memref<16x112x128xi32, #tpu.memory_space<hbm>> -> memref<1x112x128xi32, #tpu.memory_space<hbm>>
        %dma_start3A_155 = tpu.memref_squeeze %dma_start3A_154 : memref<1x112x128xi32, #tpu.memory_space<hbm>> -> memref<112x128xi32, #tpu.memory_space<hbm>>
        %dma_start3A_156 = arith.constant 0 : i32
        %dma_start3A_157 = arith.constant 0 : i32
        %dma_start3A_158 = tpu.memref_slice %arg11[%dma_start3A_156, %dma_start3A_157] : memref<112x128xi32, #tpu.memory_space<vmem>> -> memref<112x128xi32, #tpu.memory_space<vmem>>
        %dma_start3A_159 = arith.constant 0 : i32
        %dma_start3A_160 = arith.constant 0 : i32
        %dma_start3A_161 = tpu.memref_slice %arg5[%arg1, %dma_start3A_159, %dma_start3A_160] : memref<16x112x128xi32, #tpu.memory_space<hbm>> -> memref<1x112x128xi32, #tpu.memory_space<hbm>>
        %dma_start3A_162 = tpu.memref_squeeze %dma_start3A_161 : memref<1x112x128xi32, #tpu.memory_space<hbm>> -> memref<112x128xi32, #tpu.memory_space<hbm>>
        tpu.enqueue_dma source(%dma_start3A_162 : memref<112x128xi32, #tpu.memory_space<hbm>>) target(%dma_start3A_158 : memref<112x128xi32, #tpu.memory_space<vmem>>) target_semaphore(%run_scoped3A_148 : memref<!tpu.dma_semaphore, #tpu.memory_space<semaphore_mem>>)
        %dma_wait3A_163 = arith.constant 0 : i32
        %dma_wait3A_164 = arith.constant 0 : i32
        %dma_wait3A_165 = tpu.memref_slice %arg11[%dma_wait3A_163, %dma_wait3A_164] : memref<112x128xi32, #tpu.memory_space<vmem>> -> memref<112x128xi32, #tpu.memory_space<vmem>>
        %dma_wait3A_166 = arith.constant 0 : i32
        %dma_wait3A_167 = arith.constant 0 : i32
        %dma_wait3A_168 = tpu.memref_slice %arg5[%arg1, %dma_wait3A_166, %dma_wait3A_167] : memref<16x112x128xi32, #tpu.memory_space<hbm>> -> memref<1x112x128xi32, #tpu.memory_space<hbm>>
        %dma_wait3A_169 = tpu.memref_squeeze %dma_wait3A_168 : memref<1x112x128xi32, #tpu.memory_space<hbm>> -> memref<112x128xi32, #tpu.memory_space<hbm>>
        %dma_wait3A_170 = arith.constant 0 : i32
        %dma_wait3A_171 = arith.constant 0 : i32
        %dma_wait3A_172 = tpu.memref_slice %arg11[%dma_wait3A_170, %dma_wait3A_171] : memref<112x128xi32, #tpu.memory_space<vmem>> -> memref<112x128xi32, #tpu.memory_space<vmem>>
        %dma_wait3A_173 = arith.constant 0 : i32
        %dma_wait3A_174 = arith.constant 0 : i32
        %dma_wait3A_175 = tpu.memref_slice %arg5[%arg1, %dma_wait3A_173, %dma_wait3A_174] : memref<16x112x128xi32, #tpu.memory_space<hbm>> -> memref<1x112x128xi32, #tpu.memory_space<hbm>>
        %dma_wait3A_176 = tpu.memref_squeeze %dma_wait3A_175 : memref<1x112x128xi32, #tpu.memory_space<hbm>> -> memref<112x128xi32, #tpu.memory_space<hbm>>
        tpu.wait_dma2 semaphore(%run_scoped3A_148 : memref<!tpu.dma_semaphore, #tpu.memory_space<semaphore_mem>>) src(%dma_wait3A_176 : memref<112x128xi32, #tpu.memory_space<hbm>>) dst(%dma_wait3A_172 : memref<112x128xi32, #tpu.memory_space<vmem>>)
        tpu.yield
      }) : () -> ()
    } else {
    }
    %eq3A_3 = arith.constant 1 : i32
    %eq3A_4 = arith.cmpi eq, %arg0, %eq3A_3 : i32
    %convert_element_type3A_5 = arith.extui %eq3A_4 : i1 to i32
    %cond3A_6 = arith.constant 0 : i32
    %cond3A_7 = arith.cmpi ne, %convert_element_type3A_5, %cond3A_6 : i32
    scf.if %cond3A_7 {
      "tpu.region"() ({
        %run_scoped3A_148 = tpu.sem_alloc : memref<!tpu.dma_semaphore, #tpu.memory_space<semaphore_mem>>
        %dma_start3A_149 = arith.constant 0 : i32
        %dma_start3A_150 = arith.constant 0 : i32
        %dma_start3A_151 = tpu.memref_slice %arg10[%dma_start3A_149, %dma_start3A_150] : memref<112x128xi32, #tpu.memory_space<vmem>> -> memref<50x128xi32, #tpu.memory_space<vmem>>
        %dma_start3A_152 = arith.constant 0 : i32
        %dma_start3A_153 = arith.constant 0 : i32
        %dma_start3A_154 = tpu.memref_slice %arg6[%arg1, %dma_start3A_152, %dma_start3A_153] : memref<16x50x128xi32, #tpu.memory_space<hbm>> -> memref<1x50x128xi32, #tpu.memory_space<hbm>>
        %dma_start3A_155 = tpu.memref_squeeze %dma_start3A_154 : memref<1x50x128xi32, #tpu.memory_space<hbm>> -> memref<50x128xi32, #tpu.memory_space<hbm>>
        %dma_start3A_156 = arith.constant 0 : i32
        %dma_start3A_157 = arith.constant 0 : i32
        %dma_start3A_158 = tpu.memref_slice %arg10[%dma_start3A_156, %dma_start3A_157] : memref<112x128xi32, #tpu.memory_space<vmem>> -> memref<50x128xi32, #tpu.memory_space<vmem>>
        %dma_start3A_159 = arith.constant 0 : i32
        %dma_start3A_160 = arith.constant 0 : i32
        %dma_start3A_161 = tpu.memref_slice %arg6[%arg1, %dma_start3A_159, %dma_start3A_160] : memref<16x50x128xi32, #tpu.memory_space<hbm>> -> memref<1x50x128xi32, #tpu.memory_space<hbm>>
        %dma_start3A_162 = tpu.memref_squeeze %dma_start3A_161 : memref<1x50x128xi32, #tpu.memory_space<hbm>> -> memref<50x128xi32, #tpu.memory_space<hbm>>
        tpu.enqueue_dma source(%dma_start3A_162 : memref<50x128xi32, #tpu.memory_space<hbm>>) target(%dma_start3A_158 : memref<50x128xi32, #tpu.memory_space<vmem>>) target_semaphore(%run_scoped3A_148 : memref<!tpu.dma_semaphore, #tpu.memory_space<semaphore_mem>>)
        %dma_wait3A_163 = arith.constant 0 : i32
        %dma_wait3A_164 = arith.constant 0 : i32
        %dma_wait3A_165 = tpu.memref_slice %arg10[%dma_wait3A_163, %dma_wait3A_164] : memref<112x128xi32, #tpu.memory_space<vmem>> -> memref<50x128xi32, #tpu.memory_space<vmem>>
        %dma_wait3A_166 = arith.constant 0 : i32
        %dma_wait3A_167 = arith.constant 0 : i32
        %dma_wait3A_168 = tpu.memref_slice %arg6[%arg1, %dma_wait3A_166, %dma_wait3A_167] : memref<16x50x128xi32, #tpu.memory_space<hbm>> -> memref<1x50x128xi32, #tpu.memory_space<hbm>>
        %dma_wait3A_169 = tpu.memref_squeeze %dma_wait3A_168 : memref<1x50x128xi32, #tpu.memory_space<hbm>> -> memref<50x128xi32, #tpu.memory_space<hbm>>
        %dma_wait3A_170 = arith.constant 0 : i32
        %dma_wait3A_171 = arith.constant 0 : i32
        %dma_wait3A_172 = tpu.memref_slice %arg10[%dma_wait3A_170, %dma_wait3A_171] : memref<112x128xi32, #tpu.memory_space<vmem>> -> memref<50x128xi32, #tpu.memory_space<vmem>>
        %dma_wait3A_173 = arith.constant 0 : i32
        %dma_wait3A_174 = arith.constant 0 : i32
        %dma_wait3A_175 = tpu.memref_slice %arg6[%arg1, %dma_wait3A_173, %dma_wait3A_174] : memref<16x50x128xi32, #tpu.memory_space<hbm>> -> memref<1x50x128xi32, #tpu.memory_space<hbm>>
        %dma_wait3A_176 = tpu.memref_squeeze %dma_wait3A_175 : memref<1x50x128xi32, #tpu.memory_space<hbm>> -> memref<50x128xi32, #tpu.memory_space<hbm>>
        tpu.wait_dma2 semaphore(%run_scoped3A_148 : memref<!tpu.dma_semaphore, #tpu.memory_space<semaphore_mem>>) src(%dma_wait3A_176 : memref<50x128xi32, #tpu.memory_space<hbm>>) dst(%dma_wait3A_172 : memref<50x128xi32, #tpu.memory_space<vmem>>)
        tpu.yield
      }) : () -> ()
      "tpu.region"() ({
        %run_scoped3A_148 = tpu.sem_alloc : memref<!tpu.dma_semaphore, #tpu.memory_space<semaphore_mem>>
        %dma_start3A_149 = arith.constant 0 : i32
        %dma_start3A_150 = arith.constant 0 : i32
        %dma_start3A_151 = tpu.memref_slice %arg11[%dma_start3A_149, %dma_start3A_150] : memref<112x128xi32, #tpu.memory_space<vmem>> -> memref<50x128xi32, #tpu.memory_space<vmem>>
        %dma_start3A_152 = arith.constant 0 : i32
        %dma_start3A_153 = arith.constant 0 : i32
        %dma_start3A_154 = tpu.memref_slice %arg7[%arg1, %dma_start3A_152, %dma_start3A_153] : memref<16x50x128xi32, #tpu.memory_space<hbm>> -> memref<1x50x128xi32, #tpu.memory_space<hbm>>
        %dma_start3A_155 = tpu.memref_squeeze %dma_start3A_154 : memref<1x50x128xi32, #tpu.memory_space<hbm>> -> memref<50x128xi32, #tpu.memory_space<hbm>>
        %dma_start3A_156 = arith.constant 0 : i32
        %dma_start3A_157 = arith.constant 0 : i32
        %dma_start3A_158 = tpu.memref_slice %arg11[%dma_start3A_156, %dma_start3A_157] : memref<112x128xi32, #tpu.memory_space<vmem>> -> memref<50x128xi32, #tpu.memory_space<vmem>>
        %dma_start3A_159 = arith.constant 0 : i32
        %dma_start3A_160 = arith.constant 0 : i32
        %dma_start3A_161 = tpu.memref_slice %arg7[%arg1, %dma_start3A_159, %dma_start3A_160] : memref<16x50x128xi32, #tpu.memory_space<hbm>> -> memref<1x50x128xi32, #tpu.memory_space<hbm>>
        %dma_start3A_162 = tpu.memref_squeeze %dma_start3A_161 : memref<1x50x128xi32, #tpu.memory_space<hbm>> -> memref<50x128xi32, #tpu.memory_space<hbm>>
        tpu.enqueue_dma source(%dma_start3A_162 : memref<50x128xi32, #tpu.memory_space<hbm>>) target(%dma_start3A_158 : memref<50x128xi32, #tpu.memory_space<vmem>>) target_semaphore(%run_scoped3A_148 : memref<!tpu.dma_semaphore, #tpu.memory_space<semaphore_mem>>)
        %dma_wait3A_163 = arith.constant 0 : i32
        %dma_wait3A_164 = arith.constant 0 : i32
        %dma_wait3A_165 = tpu.memref_slice %arg11[%dma_wait3A_163, %dma_wait3A_164] : memref<112x128xi32, #tpu.memory_space<vmem>> -> memref<50x128xi32, #tpu.memory_space<vmem>>
        %dma_wait3A_166 = arith.constant 0 : i32
        %dma_wait3A_167 = arith.constant 0 : i32
        %dma_wait3A_168 = tpu.memref_slice %arg7[%arg1, %dma_wait3A_166, %dma_wait3A_167] : memref<16x50x128xi32, #tpu.memory_space<hbm>> -> memref<1x50x128xi32, #tpu.memory_space<hbm>>
        %dma_wait3A_169 = tpu.memref_squeeze %dma_wait3A_168 : memref<1x50x128xi32, #tpu.memory_space<hbm>> -> memref<50x128xi32, #tpu.memory_space<hbm>>
        %dma_wait3A_170 = arith.constant 0 : i32
        %dma_wait3A_171 = arith.constant 0 : i32
        %dma_wait3A_172 = tpu.memref_slice %arg11[%dma_wait3A_170, %dma_wait3A_171] : memref<112x128xi32, #tpu.memory_space<vmem>> -> memref<50x128xi32, #tpu.memory_space<vmem>>
        %dma_wait3A_173 = arith.constant 0 : i32
        %dma_wait3A_174 = arith.constant 0 : i32
        %dma_wait3A_175 = tpu.memref_slice %arg7[%arg1, %dma_wait3A_173, %dma_wait3A_174] : memref<16x50x128xi32, #tpu.memory_space<hbm>> -> memref<1x50x128xi32, #tpu.memory_space<hbm>>
        %dma_wait3A_176 = tpu.memref_squeeze %dma_wait3A_175 : memref<1x50x128xi32, #tpu.memory_space<hbm>> -> memref<50x128xi32, #tpu.memory_space<hbm>>
        tpu.wait_dma2 semaphore(%run_scoped3A_148 : memref<!tpu.dma_semaphore, #tpu.memory_space<semaphore_mem>>) src(%dma_wait3A_176 : memref<50x128xi32, #tpu.memory_space<hbm>>) dst(%dma_wait3A_172 : memref<50x128xi32, #tpu.memory_space<vmem>>)
        tpu.yield
      }) : () -> ()
    } else {
    }
    %eq3A_8 = arith.constant 0 : i32
    %eq3A_9 = arith.cmpi eq, %arg0, %eq3A_8 : i32
    %select_n3A = arith.constant 50 : i32
    %select_n3A_10 = arith.constant 112 : i32
    %select_n3A_11 = arith.select %eq3A_9, %select_n3A_10, %select_n3A : i32
    "tpu.region"() ({
      %run_scoped3A_148 = tpu.sem_alloc : memref<!tpu.dma_semaphore, #tpu.memory_space<semaphore_mem>>
      %dma_start3A_149 = arith.constant 0 : i32
      %dma_start3A_150 = tpu.memref_slice %arg14[%mul3A_0, %dma_start3A_149] : memref<10240x64xf32, #tpu.memory_space<vmem_shared>> -> memref<640x64xf32, #tpu.memory_space<vmem_shared>>
      %dma_start3A_151 = arith.constant 0 : i32
      %dma_start3A_152 = tpu.memref_slice %arg8[%mul3A_0, %dma_start3A_151] : memref<10240x64xf32, #tpu.memory_space<hbm>> -> memref<640x64xf32, #tpu.memory_space<hbm>>
      tpu.enqueue_dma source(%dma_start3A_152 : memref<640x64xf32, #tpu.memory_space<hbm>>) target(%dma_start3A_150 : memref<640x64xf32, #tpu.memory_space<vmem_shared>>) target_semaphore(%run_scoped3A_148 : memref<!tpu.dma_semaphore, #tpu.memory_space<semaphore_mem>>)
      %dma_wait3A_153 = arith.constant 0 : i32
      %dma_wait3A_154 = tpu.memref_slice %arg14[%mul3A_0, %dma_wait3A_153] : memref<10240x64xf32, #tpu.memory_space<vmem_shared>> -> memref<640x64xf32, #tpu.memory_space<vmem_shared>>
      %dma_wait3A_155 = arith.constant 0 : i32
      %dma_wait3A_156 = tpu.memref_slice %arg8[%mul3A_0, %dma_wait3A_155] : memref<10240x64xf32, #tpu.memory_space<hbm>> -> memref<640x64xf32, #tpu.memory_space<hbm>>
      tpu.wait_dma2 semaphore(%run_scoped3A_148 : memref<!tpu.dma_semaphore, #tpu.memory_space<semaphore_mem>>) src(%dma_wait3A_156 : memref<640x64xf32, #tpu.memory_space<hbm>>) dst(%dma_wait3A_154 : memref<640x64xf32, #tpu.memory_space<vmem_shared>>)
      tpu.yield
    }) : () -> ()
    %barrier3A = arith.constant 0 : index
    tpu.barrier barrier_id(%barrier3A)
    %dma_start3A = arith.constant 0 : i32
    %dma_start3A_12 = arith.constant 0 : i32
    %dma_start3A_13 = tpu.memref_slice %arg10[%dma_start3A, %dma_start3A_12] : memref<112x128xi32, #tpu.memory_space<vmem>> -> memref<1x128xi32, #tpu.memory_space<vmem>>
    %dma_start3A_14 = tpu.memref_squeeze %dma_start3A_13 : memref<1x128xi32, #tpu.memory_space<vmem>> -> memref<128xi32, #tpu.memory_space<vmem>>
    %dma_start3A_15 = arith.constant 0 : i32
    %dma_start3A_16 = arith.constant 0 : i32
    %dma_start3A_17 = tpu.memref_slice %arg2[%dma_start3A_15, %dma_start3A_16] : memref<10240x64xf32, #tpu.memory_space<hbm>> -> memref<10240x64xf32, #tpu.memory_space<hbm>>
    tpu.enqueue_indirect_dma source(%dma_start3A_17 : memref<10240x64xf32, #tpu.memory_space<hbm>>) target(%arg12 : memref<128x64xf32, #tpu.memory_space<vmem>>) offsets(%dma_start3A_14 : memref<128xi32, #tpu.memory_space<vmem>>) semaphore(%arg15 : memref<!tpu.dma_semaphore, #tpu.memory_space<semaphore_mem>>)
    %jit3A = arith.constant 2 : i32
    %div3A = arith.divsi %select_n3A_11, %jit3A : i32
    %sign3A = arith.constant 0 : i32
    %sign3A_18 = arith.cmpi sgt, %select_n3A_11, %sign3A : i32
    %sign3A_19 = arith.extui %sign3A_18 : i1 to i32
    %sign3A_20 = arith.constant 0 : i32
    %sign3A_21 = arith.cmpi slt, %select_n3A_11, %sign3A_20 : i32
    %sign3A_22 = arith.extui %sign3A_21 : i1 to i32
    %sign3A_23 = arith.subi %sign3A_19, %sign3A_22 : i32
    %sign3A_24 = arith.constant 0 : i32
    %sign3A_25 = arith.cmpi sgt, %jit3A, %sign3A_24 : i32
    %sign3A_26 = arith.extui %sign3A_25 : i1 to i32
    %sign3A_27 = arith.constant 0 : i32
    %sign3A_28 = arith.cmpi slt, %jit3A, %sign3A_27 : i32
    %sign3A_29 = arith.extui %sign3A_28 : i1 to i32
    %sign3A_30 = arith.subi %sign3A_26, %sign3A_29 : i32
    %ne3A = arith.cmpi ne, %sign3A_23, %sign3A_30 : i32
    %rem3A = arith.remsi %select_n3A_11, %jit3A : i32
    %ne3A_31 = arith.constant 0 : i32
    %ne3A_32 = arith.cmpi ne, %rem3A, %ne3A_31 : i32
    %and3A = arith.andi %ne3A, %ne3A_32 : i1
    %sub3A = arith.constant 1 : i32
    %sub3A_33 = arith.subi %div3A, %sub3A : i32
    %select_n3A_34 = arith.select %and3A, %sub3A_33, %div3A : i32
    %sub3A_35 = arith.constant 1 : i32
    %sub3A_36 = arith.subi %select_n3A_34, %sub3A_35 : i32
    %while3A = arith.constant 0 : i32
    %while3A_37 = arith.constant 0 : i32
    %while3A_38 = arith.subi %sub3A_36, %while3A_37 : i32
    %while3A_39 = arith.addi %while3A_37, %while3A_38 : i32
    %while3A_40 = arith.constant 1 : i32
    %while3A_41 = arith.divsi %while3A_38, %while3A_40 : i32
    %while3A_42 = arith.muli %while3A_41, %while3A_40 : i32
    %while3A_43 = arith.addi %while3A_37, %while3A_42 : i32
    %while3A_44 = arith.constant 1 : i32
    scf.for %while3A_148 = %while3A_37 to %while3A_43 step %while3A_44  : i32 {
      %mul3A_149 = arith.constant 2 : i32
      %mul3A_150 = arith.muli %mul3A_149, %while3A_148 : i32
      %add3A = arith.constant 1 : i32
      %add3A_151 = arith.addi %mul3A_150, %add3A : i32
      %dma_start3A_152 = arith.constant 0 : i32
      %dma_start3A_153 = tpu.memref_slice %arg10[%add3A_151, %dma_start3A_152] : memref<112x128xi32, #tpu.memory_space<vmem>> -> memref<1x128xi32, #tpu.memory_space<vmem>>
      %dma_start3A_154 = tpu.memref_squeeze %dma_start3A_153 : memref<1x128xi32, #tpu.memory_space<vmem>> -> memref<128xi32, #tpu.memory_space<vmem>>
      %dma_start3A_155 = arith.constant 0 : i32
      %dma_start3A_156 = arith.constant 0 : i32
      %dma_start3A_157 = tpu.memref_slice %arg2[%dma_start3A_155, %dma_start3A_156] : memref<10240x64xf32, #tpu.memory_space<hbm>> -> memref<10240x64xf32, #tpu.memory_space<hbm>>
      tpu.enqueue_indirect_dma source(%dma_start3A_157 : memref<10240x64xf32, #tpu.memory_space<hbm>>) target(%arg13 : memref<128x64xf32, #tpu.memory_space<vmem>>) offsets(%dma_start3A_154 : memref<128xi32, #tpu.memory_space<vmem>>) semaphore(%arg16 : memref<!tpu.dma_semaphore, #tpu.memory_space<semaphore_mem>>)
      %dma_wait3A_158 = arith.constant 0 : i32
      %dma_wait3A_159 = tpu.memref_slice %arg10[%mul3A_150, %dma_wait3A_158] : memref<112x128xi32, #tpu.memory_space<vmem>> -> memref<1x128xi32, #tpu.memory_space<vmem>>
      %dma_wait3A_160 = tpu.memref_squeeze %dma_wait3A_159 : memref<1x128xi32, #tpu.memory_space<vmem>> -> memref<128xi32, #tpu.memory_space<vmem>>
      %dma_wait3A_161 = arith.constant 0 : i32
      %dma_wait3A_162 = arith.constant 0 : i32
      %dma_wait3A_163 = tpu.memref_slice %arg2[%dma_wait3A_161, %dma_wait3A_162] : memref<10240x64xf32, #tpu.memory_space<hbm>> -> memref<10240x64xf32, #tpu.memory_space<hbm>>
      tpu.wait_indirect_dma semaphore(%arg15 : memref<!tpu.dma_semaphore, #tpu.memory_space<semaphore_mem>>) src(%dma_wait3A_163 : memref<10240x64xf32, #tpu.memory_space<hbm>>) dst(%arg12 : memref<128x64xf32, #tpu.memory_space<vmem>>)
      "tpu.region"() ({
        %run_scoped3A_178 = tpu.sem_alloc : memref<!tpu.dma_semaphore, #tpu.memory_space<semaphore_mem>>
        %dma_start3A_179 = arith.constant 0 : i32
        %dma_start3A_180 = tpu.memref_slice %arg11[%mul3A_150, %dma_start3A_179] : memref<112x128xi32, #tpu.memory_space<vmem>> -> memref<1x128xi32, #tpu.memory_space<vmem>>
        %dma_start3A_181 = tpu.memref_squeeze %dma_start3A_180 : memref<1x128xi32, #tpu.memory_space<vmem>> -> memref<128xi32, #tpu.memory_space<vmem>>
        %dma_start3A_182 = arith.constant 0 : i32
        %dma_start3A_183 = arith.constant 0 : i32
        %dma_start3A_184 = tpu.memref_slice %arg14[%dma_start3A_182, %dma_start3A_183] : memref<10240x64xf32, #tpu.memory_space<vmem_shared>> -> memref<10240x64xf32, #tpu.memory_space<vmem_shared>>
        tpu.enqueue_indirect_dma source(%arg12 : memref<128x64xf32, #tpu.memory_space<vmem>>) target(%dma_start3A_184 : memref<10240x64xf32, #tpu.memory_space<vmem_shared>>) offsets(%dma_start3A_181 : memref<128xi32, #tpu.memory_space<vmem>>) semaphore(%run_scoped3A_178 : memref<!tpu.dma_semaphore, #tpu.memory_space<semaphore_mem>>) {add = true}
        %dma_wait3A_185 = arith.constant 0 : i32
        %dma_wait3A_186 = tpu.memref_slice %arg11[%mul3A_150, %dma_wait3A_185] : memref<112x128xi32, #tpu.memory_space<vmem>> -> memref<1x128xi32, #tpu.memory_space<vmem>>
        %dma_wait3A_187 = tpu.memref_squeeze %dma_wait3A_186 : memref<1x128xi32, #tpu.memory_space<vmem>> -> memref<128xi32, #tpu.memory_space<vmem>>
        %dma_wait3A_188 = arith.constant 0 : i32
        %dma_wait3A_189 = arith.constant 0 : i32
        %dma_wait3A_190 = tpu.memref_slice %arg14[%dma_wait3A_188, %dma_wait3A_189] : memref<10240x64xf32, #tpu.memory_space<vmem_shared>> -> memref<10240x64xf32, #tpu.memory_space<vmem_shared>>
        tpu.wait_indirect_dma semaphore(%run_scoped3A_178 : memref<!tpu.dma_semaphore, #tpu.memory_space<semaphore_mem>>) src(%arg12 : memref<128x64xf32, #tpu.memory_space<vmem>>) dst(%dma_wait3A_190 : memref<10240x64xf32, #tpu.memory_space<vmem_shared>>)
        tpu.yield
      }) : () -> ()
      %add3A_164 = arith.constant 2 : i32
      %add3A_165 = arith.addi %mul3A_150, %add3A_164 : i32
      %dma_start3A_166 = arith.constant 0 : i32
      %dma_start3A_167 = tpu.memref_slice %arg10[%add3A_165, %dma_start3A_166] : memref<112x128xi32, #tpu.memory_space<vmem>> -> memref<1x128xi32, #tpu.memory_space<vmem>>
      %dma_start3A_168 = tpu.memref_squeeze %dma_start3A_167 : memref<1x128xi32, #tpu.memory_space<vmem>> -> memref<128xi32, #tpu.memory_space<vmem>>
      %dma_start3A_169 = arith.constant 0 : i32
      %dma_start3A_170 = arith.constant 0 : i32
      %dma_start3A_171 = tpu.memref_slice %arg2[%dma_start3A_169, %dma_start3A_170] : memref<10240x64xf32, #tpu.memory_space<hbm>> -> memref<10240x64xf32, #tpu.memory_space<hbm>>
      tpu.enqueue_indirect_dma source(%dma_start3A_171 : memref<10240x64xf32, #tpu.memory_space<hbm>>) target(%arg12 : memref<128x64xf32, #tpu.memory_space<vmem>>) offsets(%dma_start3A_168 : memref<128xi32, #tpu.memory_space<vmem>>) semaphore(%arg15 : memref<!tpu.dma_semaphore, #tpu.memory_space<semaphore_mem>>)
      %dma_wait3A_172 = arith.constant 0 : i32
      %dma_wait3A_173 = tpu.memref_slice %arg10[%add3A_151, %dma_wait3A_172] : memref<112x128xi32, #tpu.memory_space<vmem>> -> memref<1x128xi32, #tpu.memory_space<vmem>>
      %dma_wait3A_174 = tpu.memref_squeeze %dma_wait3A_173 : memref<1x128xi32, #tpu.memory_space<vmem>> -> memref<128xi32, #tpu.memory_space<vmem>>
      %dma_wait3A_175 = arith.constant 0 : i32
      %dma_wait3A_176 = arith.constant 0 : i32
      %dma_wait3A_177 = tpu.memref_slice %arg2[%dma_wait3A_175, %dma_wait3A_176] : memref<10240x64xf32, #tpu.memory_space<hbm>> -> memref<10240x64xf32, #tpu.memory_space<hbm>>
      tpu.wait_indirect_dma semaphore(%arg16 : memref<!tpu.dma_semaphore, #tpu.memory_space<semaphore_mem>>) src(%dma_wait3A_177 : memref<10240x64xf32, #tpu.memory_space<hbm>>) dst(%arg13 : memref<128x64xf32, #tpu.memory_space<vmem>>)
      "tpu.region"() ({
        %run_scoped3A_178 = tpu.sem_alloc : memref<!tpu.dma_semaphore, #tpu.memory_space<semaphore_mem>>
        %dma_start3A_179 = arith.constant 0 : i32
        %dma_start3A_180 = tpu.memref_slice %arg11[%add3A_151, %dma_start3A_179] : memref<112x128xi32, #tpu.memory_space<vmem>> -> memref<1x128xi32, #tpu.memory_space<vmem>>
        %dma_start3A_181 = tpu.memref_squeeze %dma_start3A_180 : memref<1x128xi32, #tpu.memory_space<vmem>> -> memref<128xi32, #tpu.memory_space<vmem>>
        %dma_start3A_182 = arith.constant 0 : i32
        %dma_start3A_183 = arith.constant 0 : i32
        %dma_start3A_184 = tpu.memref_slice %arg14[%dma_start3A_182, %dma_start3A_183] : memref<10240x64xf32, #tpu.memory_space<vmem_shared>> -> memref<10240x64xf32, #tpu.memory_space<vmem_shared>>
        tpu.enqueue_indirect_dma source(%arg13 : memref<128x64xf32, #tpu.memory_space<vmem>>) target(%dma_start3A_184 : memref<10240x64xf32, #tpu.memory_space<vmem_shared>>) offsets(%dma_start3A_181 : memref<128xi32, #tpu.memory_space<vmem>>) semaphore(%run_scoped3A_178 : memref<!tpu.dma_semaphore, #tpu.memory_space<semaphore_mem>>) {add = true}
        %dma_wait3A_185 = arith.constant 0 : i32
        %dma_wait3A_186 = tpu.memref_slice %arg11[%add3A_151, %dma_wait3A_185] : memref<112x128xi32, #tpu.memory_space<vmem>> -> memref<1x128xi32, #tpu.memory_space<vmem>>
        %dma_wait3A_187 = tpu.memref_squeeze %dma_wait3A_186 : memref<1x128xi32, #tpu.memory_space<vmem>> -> memref<128xi32, #tpu.memory_space<vmem>>
        %dma_wait3A_188 = arith.constant 0 : i32
        %dma_wait3A_189 = arith.constant 0 : i32
        %dma_wait3A_190 = tpu.memref_slice %arg14[%dma_wait3A_188, %dma_wait3A_189] : memref<10240x64xf32, #tpu.memory_space<vmem_shared>> -> memref<10240x64xf32, #tpu.memory_space<vmem_shared>>
        tpu.wait_indirect_dma semaphore(%run_scoped3A_178 : memref<!tpu.dma_semaphore, #tpu.memory_space<semaphore_mem>>) src(%arg13 : memref<128x64xf32, #tpu.memory_space<vmem>>) dst(%dma_wait3A_190 : memref<10240x64xf32, #tpu.memory_space<vmem_shared>>)
        tpu.yield
      }) : () -> ()
    }
    %while3A_45 = arith.constant 1 : i32
    scf.for %while3A_148 = %while3A_43 to %while3A_39 step %while3A_45  : i32 {
      %mul3A_149 = arith.constant 2 : i32
      %mul3A_150 = arith.muli %mul3A_149, %while3A_148 : i32
      %add3A = arith.constant 1 : i32
      %add3A_151 = arith.addi %mul3A_150, %add3A : i32
      %dma_start3A_152 = arith.constant 0 : i32
      %dma_start3A_153 = tpu.memref_slice %arg10[%add3A_151, %dma_start3A_152] : memref<112x128xi32, #tpu.memory_space<vmem>> -> memref<1x128xi32, #tpu.memory_space<vmem>>
      %dma_start3A_154 = tpu.memref_squeeze %dma_start3A_153 : memref<1x128xi32, #tpu.memory_space<vmem>> -> memref<128xi32, #tpu.memory_space<vmem>>
      %dma_start3A_155 = arith.constant 0 : i32
      %dma_start3A_156 = arith.constant 0 : i32
      %dma_start3A_157 = tpu.memref_slice %arg2[%dma_start3A_155, %dma_start3A_156] : memref<10240x64xf32, #tpu.memory_space<hbm>> -> memref<10240x64xf32, #tpu.memory_space<hbm>>
      tpu.enqueue_indirect_dma source(%dma_start3A_157 : memref<10240x64xf32, #tpu.memory_space<hbm>>) target(%arg13 : memref<128x64xf32, #tpu.memory_space<vmem>>) offsets(%dma_start3A_154 : memref<128xi32, #tpu.memory_space<vmem>>) semaphore(%arg16 : memref<!tpu.dma_semaphore, #tpu.memory_space<semaphore_mem>>)
      %dma_wait3A_158 = arith.constant 0 : i32
      %dma_wait3A_159 = tpu.memref_slice %arg10[%mul3A_150, %dma_wait3A_158] : memref<112x128xi32, #tpu.memory_space<vmem>> -> memref<1x128xi32, #tpu.memory_space<vmem>>
      %dma_wait3A_160 = tpu.memref_squeeze %dma_wait3A_159 : memref<1x128xi32, #tpu.memory_space<vmem>> -> memref<128xi32, #tpu.memory_space<vmem>>
      %dma_wait3A_161 = arith.constant 0 : i32
      %dma_wait3A_162 = arith.constant 0 : i32
      %dma_wait3A_163 = tpu.memref_slice %arg2[%dma_wait3A_161, %dma_wait3A_162] : memref<10240x64xf32, #tpu.memory_space<hbm>> -> memref<10240x64xf32, #tpu.memory_space<hbm>>
      tpu.wait_indirect_dma semaphore(%arg15 : memref<!tpu.dma_semaphore, #tpu.memory_space<semaphore_mem>>) src(%dma_wait3A_163 : memref<10240x64xf32, #tpu.memory_space<hbm>>) dst(%arg12 : memref<128x64xf32, #tpu.memory_space<vmem>>)
      "tpu.region"() ({
        %run_scoped3A_178 = tpu.sem_alloc : memref<!tpu.dma_semaphore, #tpu.memory_space<semaphore_mem>>
        %dma_start3A_179 = arith.constant 0 : i32
        %dma_start3A_180 = tpu.memref_slice %arg11[%mul3A_150, %dma_start3A_179] : memref<112x128xi32, #tpu.memory_space<vmem>> -> memref<1x128xi32, #tpu.memory_space<vmem>>
        %dma_start3A_181 = tpu.memref_squeeze %dma_start3A_180 : memref<1x128xi32, #tpu.memory_space<vmem>> -> memref<128xi32, #tpu.memory_space<vmem>>
        %dma_start3A_182 = arith.constant 0 : i32
        %dma_start3A_183 = arith.constant 0 : i32
        %dma_start3A_184 = tpu.memref_slice %arg14[%dma_start3A_182, %dma_start3A_183] : memref<10240x64xf32, #tpu.memory_space<vmem_shared>> -> memref<10240x64xf32, #tpu.memory_space<vmem_shared>>
        tpu.enqueue_indirect_dma source(%arg12 : memref<128x64xf32, #tpu.memory_space<vmem>>) target(%dma_start3A_184 : memref<10240x64xf32, #tpu.memory_space<vmem_shared>>) offsets(%dma_start3A_181 : memref<128xi32, #tpu.memory_space<vmem>>) semaphore(%run_scoped3A_178 : memref<!tpu.dma_semaphore, #tpu.memory_space<semaphore_mem>>) {add = true}
        %dma_wait3A_185 = arith.constant 0 : i32
        %dma_wait3A_186 = tpu.memref_slice %arg11[%mul3A_150, %dma_wait3A_185] : memref<112x128xi32, #tpu.memory_space<vmem>> -> memref<1x128xi32, #tpu.memory_space<vmem>>
        %dma_wait3A_187 = tpu.memref_squeeze %dma_wait3A_186 : memref<1x128xi32, #tpu.memory_space<vmem>> -> memref<128xi32, #tpu.memory_space<vmem>>
        %dma_wait3A_188 = arith.constant 0 : i32
        %dma_wait3A_189 = arith.constant 0 : i32
        %dma_wait3A_190 = tpu.memref_slice %arg14[%dma_wait3A_188, %dma_wait3A_189] : memref<10240x64xf32, #tpu.memory_space<vmem_shared>> -> memref<10240x64xf32, #tpu.memory_space<vmem_shared>>
        tpu.wait_indirect_dma semaphore(%run_scoped3A_178 : memref<!tpu.dma_semaphore, #tpu.memory_space<semaphore_mem>>) src(%arg12 : memref<128x64xf32, #tpu.memory_space<vmem>>) dst(%dma_wait3A_190 : memref<10240x64xf32, #tpu.memory_space<vmem_shared>>)
        tpu.yield
      }) : () -> ()
      %add3A_164 = arith.constant 2 : i32
      %add3A_165 = arith.addi %mul3A_150, %add3A_164 : i32
      %dma_start3A_166 = arith.constant 0 : i32
      %dma_start3A_167 = tpu.memref_slice %arg10[%add3A_165, %dma_start3A_166] : memref<112x128xi32, #tpu.memory_space<vmem>> -> memref<1x128xi32, #tpu.memory_space<vmem>>
      %dma_start3A_168 = tpu.memref_squeeze %dma_start3A_167 : memref<1x128xi32, #tpu.memory_space<vmem>> -> memref<128xi32, #tpu.memory_space<vmem>>
      %dma_start3A_169 = arith.constant 0 : i32
      %dma_start3A_170 = arith.constant 0 : i32
      %dma_start3A_171 = tpu.memref_slice %arg2[%dma_start3A_169, %dma_start3A_170] : memref<10240x64xf32, #tpu.memory_space<hbm>> -> memref<10240x64xf32, #tpu.memory_space<hbm>>
      tpu.enqueue_indirect_dma source(%dma_start3A_171 : memref<10240x64xf32, #tpu.memory_space<hbm>>) target(%arg12 : memref<128x64xf32, #tpu.memory_space<vmem>>) offsets(%dma_start3A_168 : memref<128xi32, #tpu.memory_space<vmem>>) semaphore(%arg15 : memref<!tpu.dma_semaphore, #tpu.memory_space<semaphore_mem>>)
      %dma_wait3A_172 = arith.constant 0 : i32
      %dma_wait3A_173 = tpu.memref_slice %arg10[%add3A_151, %dma_wait3A_172] : memref<112x128xi32, #tpu.memory_space<vmem>> -> memref<1x128xi32, #tpu.memory_space<vmem>>
      %dma_wait3A_174 = tpu.memref_squeeze %dma_wait3A_173 : memref<1x128xi32, #tpu.memory_space<vmem>> -> memref<128xi32, #tpu.memory_space<vmem>>
      %dma_wait3A_175 = arith.constant 0 : i32
      %dma_wait3A_176 = arith.constant 0 : i32
      %dma_wait3A_177 = tpu.memref_slice %arg2[%dma_wait3A_175, %dma_wait3A_176] : memref<10240x64xf32, #tpu.memory_space<hbm>> -> memref<10240x64xf32, #tpu.memory_space<hbm>>
      tpu.wait_indirect_dma semaphore(%arg16 : memref<!tpu.dma_semaphore, #tpu.memory_space<semaphore_mem>>) src(%dma_wait3A_177 : memref<10240x64xf32, #tpu.memory_space<hbm>>) dst(%arg13 : memref<128x64xf32, #tpu.memory_space<vmem>>)
      "tpu.region"() ({
        %run_scoped3A_178 = tpu.sem_alloc : memref<!tpu.dma_semaphore, #tpu.memory_space<semaphore_mem>>
        %dma_start3A_179 = arith.constant 0 : i32
        %dma_start3A_180 = tpu.memref_slice %arg11[%add3A_151, %dma_start3A_179] : memref<112x128xi32, #tpu.memory_space<vmem>> -> memref<1x128xi32, #tpu.memory_space<vmem>>
        %dma_start3A_181 = tpu.memref_squeeze %dma_start3A_180 : memref<1x128xi32, #tpu.memory_space<vmem>> -> memref<128xi32, #tpu.memory_space<vmem>>
        %dma_start3A_182 = arith.constant 0 : i32
        %dma_start3A_183 = arith.constant 0 : i32
        %dma_start3A_184 = tpu.memref_slice %arg14[%dma_start3A_182, %dma_start3A_183] : memref<10240x64xf32, #tpu.memory_space<vmem_shared>> -> memref<10240x64xf32, #tpu.memory_space<vmem_shared>>
        tpu.enqueue_indirect_dma source(%arg13 : memref<128x64xf32, #tpu.memory_space<vmem>>) target(%dma_start3A_184 : memref<10240x64xf32, #tpu.memory_space<vmem_shared>>) offsets(%dma_start3A_181 : memref<128xi32, #tpu.memory_space<vmem>>) semaphore(%run_scoped3A_178 : memref<!tpu.dma_semaphore, #tpu.memory_space<semaphore_mem>>) {add = true}
        %dma_wait3A_185 = arith.constant 0 : i32
        %dma_wait3A_186 = tpu.memref_slice %arg11[%add3A_151, %dma_wait3A_185] : memref<112x128xi32, #tpu.memory_space<vmem>> -> memref<1x128xi32, #tpu.memory_space<vmem>>
        %dma_wait3A_187 = tpu.memref_squeeze %dma_wait3A_186 : memref<1x128xi32, #tpu.memory_space<vmem>> -> memref<128xi32, #tpu.memory_space<vmem>>
        %dma_wait3A_188 = arith.constant 0 : i32
        %dma_wait3A_189 = arith.constant 0 : i32
        %dma_wait3A_190 = tpu.memref_slice %arg14[%dma_wait3A_188, %dma_wait3A_189] : memref<10240x64xf32, #tpu.memory_space<vmem_shared>> -> memref<10240x64xf32, #tpu.memory_space<vmem_shared>>
        tpu.wait_indirect_dma semaphore(%run_scoped3A_178 : memref<!tpu.dma_semaphore, #tpu.memory_space<semaphore_mem>>) src(%arg13 : memref<128x64xf32, #tpu.memory_space<vmem>>) dst(%dma_wait3A_190 : memref<10240x64xf32, #tpu.memory_space<vmem_shared>>)
        tpu.yield
      }) : () -> ()
    }
    %sub3A_46 = arith.constant 1 : i32
    %sub3A_47 = arith.subi %select_n3A_11, %sub3A_46 : i32
    %dma_start3A_48 = arith.constant 0 : i32
    %dma_start3A_49 = tpu.memref_slice %arg10[%sub3A_47, %dma_start3A_48] : memref<112x128xi32, #tpu.memory_space<vmem>> -> memref<1x128xi32, #tpu.memory_space<vmem>>
    %dma_start3A_50 = tpu.memref_squeeze %dma_start3A_49 : memref<1x128xi32, #tpu.memory_space<vmem>> -> memref<128xi32, #tpu.memory_space<vmem>>
    %dma_start3A_51 = arith.constant 0 : i32
    %dma_start3A_52 = arith.constant 0 : i32
    %dma_start3A_53 = tpu.memref_slice %arg2[%dma_start3A_51, %dma_start3A_52] : memref<10240x64xf32, #tpu.memory_space<hbm>> -> memref<10240x64xf32, #tpu.memory_space<hbm>>
    tpu.enqueue_indirect_dma source(%dma_start3A_53 : memref<10240x64xf32, #tpu.memory_space<hbm>>) target(%arg13 : memref<128x64xf32, #tpu.memory_space<vmem>>) offsets(%dma_start3A_50 : memref<128xi32, #tpu.memory_space<vmem>>) semaphore(%arg16 : memref<!tpu.dma_semaphore, #tpu.memory_space<semaphore_mem>>)
    %sub3A_54 = arith.constant 2 : i32
    %sub3A_55 = arith.subi %select_n3A_11, %sub3A_54 : i32
    %dma_wait3A = arith.constant 0 : i32
    %dma_wait3A_56 = tpu.memref_slice %arg10[%sub3A_55, %dma_wait3A] : memref<112x128xi32, #tpu.memory_space<vmem>> -> memref<1x128xi32, #tpu.memory_space<vmem>>
    %dma_wait3A_57 = tpu.memref_squeeze %dma_wait3A_56 : memref<1x128xi32, #tpu.memory_space<vmem>> -> memref<128xi32, #tpu.memory_space<vmem>>
    %dma_wait3A_58 = arith.constant 0 : i32
    %dma_wait3A_59 = arith.constant 0 : i32
    %dma_wait3A_60 = tpu.memref_slice %arg2[%dma_wait3A_58, %dma_wait3A_59] : memref<10240x64xf32, #tpu.memory_space<hbm>> -> memref<10240x64xf32, #tpu.memory_space<hbm>>
    tpu.wait_indirect_dma semaphore(%arg15 : memref<!tpu.dma_semaphore, #tpu.memory_space<semaphore_mem>>) src(%dma_wait3A_60 : memref<10240x64xf32, #tpu.memory_space<hbm>>) dst(%arg12 : memref<128x64xf32, #tpu.memory_space<vmem>>)
    %sub3A_61 = arith.constant 2 : i32
    %sub3A_62 = arith.subi %select_n3A_11, %sub3A_61 : i32
    "tpu.region"() ({
      %run_scoped3A_148 = tpu.sem_alloc : memref<!tpu.dma_semaphore, #tpu.memory_space<semaphore_mem>>
      %dma_start3A_149 = arith.constant 0 : i32
      %dma_start3A_150 = tpu.memref_slice %arg11[%sub3A_62, %dma_start3A_149] : memref<112x128xi32, #tpu.memory_space<vmem>> -> memref<1x128xi32, #tpu.memory_space<vmem>>
      %dma_start3A_151 = tpu.memref_squeeze %dma_start3A_150 : memref<1x128xi32, #tpu.memory_space<vmem>> -> memref<128xi32, #tpu.memory_space<vmem>>
      %dma_start3A_152 = arith.constant 0 : i32
      %dma_start3A_153 = arith.constant 0 : i32
      %dma_start3A_154 = tpu.memref_slice %arg14[%dma_start3A_152, %dma_start3A_153] : memref<10240x64xf32, #tpu.memory_space<vmem_shared>> -> memref<10240x64xf32, #tpu.memory_space<vmem_shared>>
      tpu.enqueue_indirect_dma source(%arg12 : memref<128x64xf32, #tpu.memory_space<vmem>>) target(%dma_start3A_154 : memref<10240x64xf32, #tpu.memory_space<vmem_shared>>) offsets(%dma_start3A_151 : memref<128xi32, #tpu.memory_space<vmem>>) semaphore(%run_scoped3A_148 : memref<!tpu.dma_semaphore, #tpu.memory_space<semaphore_mem>>) {add = true}
      %dma_wait3A_155 = arith.constant 0 : i32
      %dma_wait3A_156 = tpu.memref_slice %arg11[%sub3A_62, %dma_wait3A_155] : memref<112x128xi32, #tpu.memory_space<vmem>> -> memref<1x128xi32, #tpu.memory_space<vmem>>
      %dma_wait3A_157 = tpu.memref_squeeze %dma_wait3A_156 : memref<1x128xi32, #tpu.memory_space<vmem>> -> memref<128xi32, #tpu.memory_space<vmem>>
      %dma_wait3A_158 = arith.constant 0 : i32
      %dma_wait3A_159 = arith.constant 0 : i32
      %dma_wait3A_160 = tpu.memref_slice %arg14[%dma_wait3A_158, %dma_wait3A_159] : memref<10240x64xf32, #tpu.memory_space<vmem_shared>> -> memref<10240x64xf32, #tpu.memory_space<vmem_shared>>
      tpu.wait_indirect_dma semaphore(%run_scoped3A_148 : memref<!tpu.dma_semaphore, #tpu.memory_space<semaphore_mem>>) src(%arg12 : memref<128x64xf32, #tpu.memory_space<vmem>>) dst(%dma_wait3A_160 : memref<10240x64xf32, #tpu.memory_space<vmem_shared>>)
      tpu.yield
    }) : () -> ()
    %sub3A_63 = arith.constant 1 : i32
    %sub3A_64 = arith.subi %select_n3A_11, %sub3A_63 : i32
    %dma_wait3A_65 = arith.constant 0 : i32
    %dma_wait3A_66 = tpu.memref_slice %arg10[%sub3A_64, %dma_wait3A_65] : memref<112x128xi32, #tpu.memory_space<vmem>> -> memref<1x128xi32, #tpu.memory_space<vmem>>
    %dma_wait3A_67 = tpu.memref_squeeze %dma_wait3A_66 : memref<1x128xi32, #tpu.memory_space<vmem>> -> memref<128xi32, #tpu.memory_space<vmem>>
    %dma_wait3A_68 = arith.constant 0 : i32
    %dma_wait3A_69 = arith.constant 0 : i32
    %dma_wait3A_70 = tpu.memref_slice %arg2[%dma_wait3A_68, %dma_wait3A_69] : memref<10240x64xf32, #tpu.memory_space<hbm>> -> memref<10240x64xf32, #tpu.memory_space<hbm>>
    tpu.wait_indirect_dma semaphore(%arg16 : memref<!tpu.dma_semaphore, #tpu.memory_space<semaphore_mem>>) src(%dma_wait3A_70 : memref<10240x64xf32, #tpu.memory_space<hbm>>) dst(%arg13 : memref<128x64xf32, #tpu.memory_space<vmem>>)
    %sub3A_71 = arith.constant 1 : i32
    %sub3A_72 = arith.subi %select_n3A_11, %sub3A_71 : i32
    "tpu.region"() ({
      %run_scoped3A_148 = tpu.sem_alloc : memref<!tpu.dma_semaphore, #tpu.memory_space<semaphore_mem>>
      %dma_start3A_149 = arith.constant 0 : i32
      %dma_start3A_150 = tpu.memref_slice %arg11[%sub3A_72, %dma_start3A_149] : memref<112x128xi32, #tpu.memory_space<vmem>> -> memref<1x128xi32, #tpu.memory_space<vmem>>
      %dma_start3A_151 = tpu.memref_squeeze %dma_start3A_150 : memref<1x128xi32, #tpu.memory_space<vmem>> -> memref<128xi32, #tpu.memory_space<vmem>>
      %dma_start3A_152 = arith.constant 0 : i32
      %dma_start3A_153 = arith.constant 0 : i32
      %dma_start3A_154 = tpu.memref_slice %arg14[%dma_start3A_152, %dma_start3A_153] : memref<10240x64xf32, #tpu.memory_space<vmem_shared>> -> memref<10240x64xf32, #tpu.memory_space<vmem_shared>>
      tpu.enqueue_indirect_dma source(%arg13 : memref<128x64xf32, #tpu.memory_space<vmem>>) target(%dma_start3A_154 : memref<10240x64xf32, #tpu.memory_space<vmem_shared>>) offsets(%dma_start3A_151 : memref<128xi32, #tpu.memory_space<vmem>>) semaphore(%run_scoped3A_148 : memref<!tpu.dma_semaphore, #tpu.memory_space<semaphore_mem>>) {add = true}
      %dma_wait3A_155 = arith.constant 0 : i32
      %dma_wait3A_156 = tpu.memref_slice %arg11[%sub3A_72, %dma_wait3A_155] : memref<112x128xi32, #tpu.memory_space<vmem>> -> memref<1x128xi32, #tpu.memory_space<vmem>>
      %dma_wait3A_157 = tpu.memref_squeeze %dma_wait3A_156 : memref<1x128xi32, #tpu.memory_space<vmem>> -> memref<128xi32, #tpu.memory_space<vmem>>
      %dma_wait3A_158 = arith.constant 0 : i32
      %dma_wait3A_159 = arith.constant 0 : i32
      %dma_wait3A_160 = tpu.memref_slice %arg14[%dma_wait3A_158, %dma_wait3A_159] : memref<10240x64xf32, #tpu.memory_space<vmem_shared>> -> memref<10240x64xf32, #tpu.memory_space<vmem_shared>>
      tpu.wait_indirect_dma semaphore(%run_scoped3A_148 : memref<!tpu.dma_semaphore, #tpu.memory_space<semaphore_mem>>) src(%arg13 : memref<128x64xf32, #tpu.memory_space<vmem>>) dst(%dma_wait3A_160 : memref<10240x64xf32, #tpu.memory_space<vmem_shared>>)
      tpu.yield
    }) : () -> ()
    %barrier3A_73 = arith.constant 0 : index
    tpu.barrier barrier_id(%barrier3A_73)
    %run_scoped3A = arith.constant 0 : i32
    "tpu.region"() ({
      %run_scoped3A_148 = tpu.sem_alloc : memref<!tpu.dma_semaphore, #tpu.memory_space<semaphore_mem>>
      %dma_start3A_149 = arith.constant 0 : i32
      %dma_start3A_150 = tpu.memref_slice %arg9[%run_scoped3A, %arg0, %mul3A_0, %dma_start3A_149] : memref<2x2x10240x64xf32, #tpu.memory_space<hbm>> -> memref<1x1x640x64xf32, #tpu.memory_space<hbm>>
      %dma_start3A_151 = tpu.memref_squeeze %dma_start3A_150 : memref<1x1x640x64xf32, #tpu.memory_space<hbm>> -> memref<640x64xf32, #tpu.memory_space<hbm>>
      %dma_start3A_152 = arith.constant 0 : i32
      %dma_start3A_153 = tpu.memref_slice %arg14[%mul3A_0, %dma_start3A_152] : memref<10240x64xf32, #tpu.memory_space<vmem_shared>> -> memref<640x64xf32, #tpu.memory_space<vmem_shared>>
      tpu.enqueue_dma source(%dma_start3A_153 : memref<640x64xf32, #tpu.memory_space<vmem_shared>>) target(%dma_start3A_151 : memref<640x64xf32, #tpu.memory_space<hbm>>) target_semaphore(%run_scoped3A_148 : memref<!tpu.dma_semaphore, #tpu.memory_space<semaphore_mem>>)
      %dma_wait3A_154 = arith.constant 0 : i32
      %dma_wait3A_155 = tpu.memref_slice %arg9[%run_scoped3A, %arg0, %mul3A_0, %dma_wait3A_154] : memref<2x2x10240x64xf32, #tpu.memory_space<hbm>> -> memref<1x1x640x64xf32, #tpu.memory_space<hbm>>
      %dma_wait3A_156 = tpu.memref_squeeze %dma_wait3A_155 : memref<1x1x640x64xf32, #tpu.memory_space<hbm>> -> memref<640x64xf32, #tpu.memory_space<hbm>>
      %dma_wait3A_157 = arith.constant 0 : i32
      %dma_wait3A_158 = tpu.memref_slice %arg14[%mul3A_0, %dma_wait3A_157] : memref<10240x64xf32, #tpu.memory_space<vmem_shared>> -> memref<640x64xf32, #tpu.memory_space<vmem_shared>>
      tpu.wait_dma2 semaphore(%run_scoped3A_148 : memref<!tpu.dma_semaphore, #tpu.memory_space<semaphore_mem>>) src(%dma_wait3A_158 : memref<640x64xf32, #tpu.memory_space<vmem_shared>>) dst(%dma_wait3A_156 : memref<640x64xf32, #tpu.memory_space<hbm>>)
      tpu.yield
    }) : () -> ()
    "tpu.region"() ({
      %run_scoped3A_148 = tpu.sem_alloc : memref<!tpu.dma_semaphore, #tpu.memory_space<semaphore_mem>>
      %dma_start3A_149 = arith.constant 0 : i32
      %dma_start3A_150 = tpu.memref_slice %arg14[%mul3A_0, %dma_start3A_149] : memref<10240x64xf32, #tpu.memory_space<vmem_shared>> -> memref<640x64xf32, #tpu.memory_space<vmem_shared>>
      %dma_start3A_151 = arith.constant 0 : i32
      %dma_start3A_152 = tpu.memref_slice %arg8[%mul3A_0, %dma_start3A_151] : memref<10240x64xf32, #tpu.memory_space<hbm>> -> memref<640x64xf32, #tpu.memory_space<hbm>>
      tpu.enqueue_dma source(%dma_start3A_152 : memref<640x64xf32, #tpu.memory_space<hbm>>) target(%dma_start3A_150 : memref<640x64xf32, #tpu.memory_space<vmem_shared>>) target_semaphore(%run_scoped3A_148 : memref<!tpu.dma_semaphore, #tpu.memory_space<semaphore_mem>>)
      %dma_wait3A_153 = arith.constant 0 : i32
      %dma_wait3A_154 = tpu.memref_slice %arg14[%mul3A_0, %dma_wait3A_153] : memref<10240x64xf32, #tpu.memory_space<vmem_shared>> -> memref<640x64xf32, #tpu.memory_space<vmem_shared>>
      %dma_wait3A_155 = arith.constant 0 : i32
      %dma_wait3A_156 = tpu.memref_slice %arg8[%mul3A_0, %dma_wait3A_155] : memref<10240x64xf32, #tpu.memory_space<hbm>> -> memref<640x64xf32, #tpu.memory_space<hbm>>
      tpu.wait_dma2 semaphore(%run_scoped3A_148 : memref<!tpu.dma_semaphore, #tpu.memory_space<semaphore_mem>>) src(%dma_wait3A_156 : memref<640x64xf32, #tpu.memory_space<hbm>>) dst(%dma_wait3A_154 : memref<640x64xf32, #tpu.memory_space<vmem_shared>>)
      tpu.yield
    }) : () -> ()
    %barrier3A_74 = arith.constant 0 : index
    tpu.barrier barrier_id(%barrier3A_74)
    %dma_start3A_75 = arith.constant 0 : i32
    %dma_start3A_76 = arith.constant 0 : i32
    %dma_start3A_77 = tpu.memref_slice %arg10[%dma_start3A_75, %dma_start3A_76] : memref<112x128xi32, #tpu.memory_space<vmem>> -> memref<1x128xi32, #tpu.memory_space<vmem>>
    %dma_start3A_78 = tpu.memref_squeeze %dma_start3A_77 : memref<1x128xi32, #tpu.memory_space<vmem>> -> memref<128xi32, #tpu.memory_space<vmem>>
    %dma_start3A_79 = arith.constant 0 : i32
    %dma_start3A_80 = arith.constant 0 : i32
    %dma_start3A_81 = tpu.memref_slice %arg3[%dma_start3A_79, %dma_start3A_80] : memref<10240x64xf32, #tpu.memory_space<hbm>> -> memref<10240x64xf32, #tpu.memory_space<hbm>>
    tpu.enqueue_indirect_dma source(%dma_start3A_81 : memref<10240x64xf32, #tpu.memory_space<hbm>>) target(%arg12 : memref<128x64xf32, #tpu.memory_space<vmem>>) offsets(%dma_start3A_78 : memref<128xi32, #tpu.memory_space<vmem>>) semaphore(%arg15 : memref<!tpu.dma_semaphore, #tpu.memory_space<semaphore_mem>>)
    %jit3A_82 = arith.constant 2 : i32
    %div3A_83 = arith.divsi %select_n3A_11, %jit3A_82 : i32
    %sign3A_84 = arith.constant 0 : i32
    %sign3A_85 = arith.cmpi sgt, %select_n3A_11, %sign3A_84 : i32
    %sign3A_86 = arith.extui %sign3A_85 : i1 to i32
    %sign3A_87 = arith.constant 0 : i32
    %sign3A_88 = arith.cmpi slt, %select_n3A_11, %sign3A_87 : i32
    %sign3A_89 = arith.extui %sign3A_88 : i1 to i32
    %sign3A_90 = arith.subi %sign3A_86, %sign3A_89 : i32
    %sign3A_91 = arith.constant 0 : i32
    %sign3A_92 = arith.cmpi sgt, %jit3A_82, %sign3A_91 : i32
    %sign3A_93 = arith.extui %sign3A_92 : i1 to i32
    %sign3A_94 = arith.constant 0 : i32
    %sign3A_95 = arith.cmpi slt, %jit3A_82, %sign3A_94 : i32
    %sign3A_96 = arith.extui %sign3A_95 : i1 to i32
    %sign3A_97 = arith.subi %sign3A_93, %sign3A_96 : i32
    %ne3A_98 = arith.cmpi ne, %sign3A_90, %sign3A_97 : i32
    %rem3A_99 = arith.remsi %select_n3A_11, %jit3A_82 : i32
    %ne3A_100 = arith.constant 0 : i32
    %ne3A_101 = arith.cmpi ne, %rem3A_99, %ne3A_100 : i32
    %and3A_102 = arith.andi %ne3A_98, %ne3A_101 : i1
    %sub3A_103 = arith.constant 1 : i32
    %sub3A_104 = arith.subi %div3A_83, %sub3A_103 : i32
    %select_n3A_105 = arith.select %and3A_102, %sub3A_104, %div3A_83 : i32
    %sub3A_106 = arith.constant 1 : i32
    %sub3A_107 = arith.subi %select_n3A_105, %sub3A_106 : i32
    %while3A_108 = arith.constant 0 : i32
    %while3A_109 = arith.constant 0 : i32
    %while3A_110 = arith.subi %sub3A_107, %while3A_109 : i32
    %while3A_111 = arith.addi %while3A_109, %while3A_110 : i32
    %while3A_112 = arith.constant 1 : i32
    %while3A_113 = arith.divsi %while3A_110, %while3A_112 : i32
    %while3A_114 = arith.muli %while3A_113, %while3A_112 : i32
    %while3A_115 = arith.addi %while3A_109, %while3A_114 : i32
    %while3A_116 = arith.constant 1 : i32
    scf.for %while3A_148 = %while3A_109 to %while3A_115 step %while3A_116  : i32 {
      %mul3A_149 = arith.constant 2 : i32
      %mul3A_150 = arith.muli %mul3A_149, %while3A_148 : i32
      %add3A = arith.constant 1 : i32
      %add3A_151 = arith.addi %mul3A_150, %add3A : i32
      %dma_start3A_152 = arith.constant 0 : i32
      %dma_start3A_153 = tpu.memref_slice %arg10[%add3A_151, %dma_start3A_152] : memref<112x128xi32, #tpu.memory_space<vmem>> -> memref<1x128xi32, #tpu.memory_space<vmem>>
      %dma_start3A_154 = tpu.memref_squeeze %dma_start3A_153 : memref<1x128xi32, #tpu.memory_space<vmem>> -> memref<128xi32, #tpu.memory_space<vmem>>
      %dma_start3A_155 = arith.constant 0 : i32
      %dma_start3A_156 = arith.constant 0 : i32
      %dma_start3A_157 = tpu.memref_slice %arg3[%dma_start3A_155, %dma_start3A_156] : memref<10240x64xf32, #tpu.memory_space<hbm>> -> memref<10240x64xf32, #tpu.memory_space<hbm>>
      tpu.enqueue_indirect_dma source(%dma_start3A_157 : memref<10240x64xf32, #tpu.memory_space<hbm>>) target(%arg13 : memref<128x64xf32, #tpu.memory_space<vmem>>) offsets(%dma_start3A_154 : memref<128xi32, #tpu.memory_space<vmem>>) semaphore(%arg16 : memref<!tpu.dma_semaphore, #tpu.memory_space<semaphore_mem>>)
      %dma_wait3A_158 = arith.constant 0 : i32
      %dma_wait3A_159 = tpu.memref_slice %arg10[%mul3A_150, %dma_wait3A_158] : memref<112x128xi32, #tpu.memory_space<vmem>> -> memref<1x128xi32, #tpu.memory_space<vmem>>
      %dma_wait3A_160 = tpu.memref_squeeze %dma_wait3A_159 : memref<1x128xi32, #tpu.memory_space<vmem>> -> memref<128xi32, #tpu.memory_space<vmem>>
      %dma_wait3A_161 = arith.constant 0 : i32
      %dma_wait3A_162 = arith.constant 0 : i32
      %dma_wait3A_163 = tpu.memref_slice %arg3[%dma_wait3A_161, %dma_wait3A_162] : memref<10240x64xf32, #tpu.memory_space<hbm>> -> memref<10240x64xf32, #tpu.memory_space<hbm>>
      tpu.wait_indirect_dma semaphore(%arg15 : memref<!tpu.dma_semaphore, #tpu.memory_space<semaphore_mem>>) src(%dma_wait3A_163 : memref<10240x64xf32, #tpu.memory_space<hbm>>) dst(%arg12 : memref<128x64xf32, #tpu.memory_space<vmem>>)
      "tpu.region"() ({
        %run_scoped3A_178 = tpu.sem_alloc : memref<!tpu.dma_semaphore, #tpu.memory_space<semaphore_mem>>
        %dma_start3A_179 = arith.constant 0 : i32
        %dma_start3A_180 = tpu.memref_slice %arg11[%mul3A_150, %dma_start3A_179] : memref<112x128xi32, #tpu.memory_space<vmem>> -> memref<1x128xi32, #tpu.memory_space<vmem>>
        %dma_start3A_181 = tpu.memref_squeeze %dma_start3A_180 : memref<1x128xi32, #tpu.memory_space<vmem>> -> memref<128xi32, #tpu.memory_space<vmem>>
        %dma_start3A_182 = arith.constant 0 : i32
        %dma_start3A_183 = arith.constant 0 : i32
        %dma_start3A_184 = tpu.memref_slice %arg14[%dma_start3A_182, %dma_start3A_183] : memref<10240x64xf32, #tpu.memory_space<vmem_shared>> -> memref<10240x64xf32, #tpu.memory_space<vmem_shared>>
        tpu.enqueue_indirect_dma source(%arg12 : memref<128x64xf32, #tpu.memory_space<vmem>>) target(%dma_start3A_184 : memref<10240x64xf32, #tpu.memory_space<vmem_shared>>) offsets(%dma_start3A_181 : memref<128xi32, #tpu.memory_space<vmem>>) semaphore(%run_scoped3A_178 : memref<!tpu.dma_semaphore, #tpu.memory_space<semaphore_mem>>) {add = true}
        %dma_wait3A_185 = arith.constant 0 : i32
        %dma_wait3A_186 = tpu.memref_slice %arg11[%mul3A_150, %dma_wait3A_185] : memref<112x128xi32, #tpu.memory_space<vmem>> -> memref<1x128xi32, #tpu.memory_space<vmem>>
        %dma_wait3A_187 = tpu.memref_squeeze %dma_wait3A_186 : memref<1x128xi32, #tpu.memory_space<vmem>> -> memref<128xi32, #tpu.memory_space<vmem>>
        %dma_wait3A_188 = arith.constant 0 : i32
        %dma_wait3A_189 = arith.constant 0 : i32
        %dma_wait3A_190 = tpu.memref_slice %arg14[%dma_wait3A_188, %dma_wait3A_189] : memref<10240x64xf32, #tpu.memory_space<vmem_shared>> -> memref<10240x64xf32, #tpu.memory_space<vmem_shared>>
        tpu.wait_indirect_dma semaphore(%run_scoped3A_178 : memref<!tpu.dma_semaphore, #tpu.memory_space<semaphore_mem>>) src(%arg12 : memref<128x64xf32, #tpu.memory_space<vmem>>) dst(%dma_wait3A_190 : memref<10240x64xf32, #tpu.memory_space<vmem_shared>>)
        tpu.yield
      }) : () -> ()
      %add3A_164 = arith.constant 2 : i32
      %add3A_165 = arith.addi %mul3A_150, %add3A_164 : i32
      %dma_start3A_166 = arith.constant 0 : i32
      %dma_start3A_167 = tpu.memref_slice %arg10[%add3A_165, %dma_start3A_166] : memref<112x128xi32, #tpu.memory_space<vmem>> -> memref<1x128xi32, #tpu.memory_space<vmem>>
      %dma_start3A_168 = tpu.memref_squeeze %dma_start3A_167 : memref<1x128xi32, #tpu.memory_space<vmem>> -> memref<128xi32, #tpu.memory_space<vmem>>
      %dma_start3A_169 = arith.constant 0 : i32
      %dma_start3A_170 = arith.constant 0 : i32
      %dma_start3A_171 = tpu.memref_slice %arg3[%dma_start3A_169, %dma_start3A_170] : memref<10240x64xf32, #tpu.memory_space<hbm>> -> memref<10240x64xf32, #tpu.memory_space<hbm>>
      tpu.enqueue_indirect_dma source(%dma_start3A_171 : memref<10240x64xf32, #tpu.memory_space<hbm>>) target(%arg12 : memref<128x64xf32, #tpu.memory_space<vmem>>) offsets(%dma_start3A_168 : memref<128xi32, #tpu.memory_space<vmem>>) semaphore(%arg15 : memref<!tpu.dma_semaphore, #tpu.memory_space<semaphore_mem>>)
      %dma_wait3A_172 = arith.constant 0 : i32
      %dma_wait3A_173 = tpu.memref_slice %arg10[%add3A_151, %dma_wait3A_172] : memref<112x128xi32, #tpu.memory_space<vmem>> -> memref<1x128xi32, #tpu.memory_space<vmem>>
      %dma_wait3A_174 = tpu.memref_squeeze %dma_wait3A_173 : memref<1x128xi32, #tpu.memory_space<vmem>> -> memref<128xi32, #tpu.memory_space<vmem>>
      %dma_wait3A_175 = arith.constant 0 : i32
      %dma_wait3A_176 = arith.constant 0 : i32
      %dma_wait3A_177 = tpu.memref_slice %arg3[%dma_wait3A_175, %dma_wait3A_176] : memref<10240x64xf32, #tpu.memory_space<hbm>> -> memref<10240x64xf32, #tpu.memory_space<hbm>>
      tpu.wait_indirect_dma semaphore(%arg16 : memref<!tpu.dma_semaphore, #tpu.memory_space<semaphore_mem>>) src(%dma_wait3A_177 : memref<10240x64xf32, #tpu.memory_space<hbm>>) dst(%arg13 : memref<128x64xf32, #tpu.memory_space<vmem>>)
      "tpu.region"() ({
        %run_scoped3A_178 = tpu.sem_alloc : memref<!tpu.dma_semaphore, #tpu.memory_space<semaphore_mem>>
        %dma_start3A_179 = arith.constant 0 : i32
        %dma_start3A_180 = tpu.memref_slice %arg11[%add3A_151, %dma_start3A_179] : memref<112x128xi32, #tpu.memory_space<vmem>> -> memref<1x128xi32, #tpu.memory_space<vmem>>
        %dma_start3A_181 = tpu.memref_squeeze %dma_start3A_180 : memref<1x128xi32, #tpu.memory_space<vmem>> -> memref<128xi32, #tpu.memory_space<vmem>>
        %dma_start3A_182 = arith.constant 0 : i32
        %dma_start3A_183 = arith.constant 0 : i32
        %dma_start3A_184 = tpu.memref_slice %arg14[%dma_start3A_182, %dma_start3A_183] : memref<10240x64xf32, #tpu.memory_space<vmem_shared>> -> memref<10240x64xf32, #tpu.memory_space<vmem_shared>>
        tpu.enqueue_indirect_dma source(%arg13 : memref<128x64xf32, #tpu.memory_space<vmem>>) target(%dma_start3A_184 : memref<10240x64xf32, #tpu.memory_space<vmem_shared>>) offsets(%dma_start3A_181 : memref<128xi32, #tpu.memory_space<vmem>>) semaphore(%run_scoped3A_178 : memref<!tpu.dma_semaphore, #tpu.memory_space<semaphore_mem>>) {add = true}
        %dma_wait3A_185 = arith.constant 0 : i32
        %dma_wait3A_186 = tpu.memref_slice %arg11[%add3A_151, %dma_wait3A_185] : memref<112x128xi32, #tpu.memory_space<vmem>> -> memref<1x128xi32, #tpu.memory_space<vmem>>
        %dma_wait3A_187 = tpu.memref_squeeze %dma_wait3A_186 : memref<1x128xi32, #tpu.memory_space<vmem>> -> memref<128xi32, #tpu.memory_space<vmem>>
        %dma_wait3A_188 = arith.constant 0 : i32
        %dma_wait3A_189 = arith.constant 0 : i32
        %dma_wait3A_190 = tpu.memref_slice %arg14[%dma_wait3A_188, %dma_wait3A_189] : memref<10240x64xf32, #tpu.memory_space<vmem_shared>> -> memref<10240x64xf32, #tpu.memory_space<vmem_shared>>
        tpu.wait_indirect_dma semaphore(%run_scoped3A_178 : memref<!tpu.dma_semaphore, #tpu.memory_space<semaphore_mem>>) src(%arg13 : memref<128x64xf32, #tpu.memory_space<vmem>>) dst(%dma_wait3A_190 : memref<10240x64xf32, #tpu.memory_space<vmem_shared>>)
        tpu.yield
      }) : () -> ()
    }
    %while3A_117 = arith.constant 1 : i32
    scf.for %while3A_148 = %while3A_115 to %while3A_111 step %while3A_117  : i32 {
      %mul3A_149 = arith.constant 2 : i32
      %mul3A_150 = arith.muli %mul3A_149, %while3A_148 : i32
      %add3A = arith.constant 1 : i32
      %add3A_151 = arith.addi %mul3A_150, %add3A : i32
      %dma_start3A_152 = arith.constant 0 : i32
      %dma_start3A_153 = tpu.memref_slice %arg10[%add3A_151, %dma_start3A_152] : memref<112x128xi32, #tpu.memory_space<vmem>> -> memref<1x128xi32, #tpu.memory_space<vmem>>
      %dma_start3A_154 = tpu.memref_squeeze %dma_start3A_153 : memref<1x128xi32, #tpu.memory_space<vmem>> -> memref<128xi32, #tpu.memory_space<vmem>>
      %dma_start3A_155 = arith.constant 0 : i32
      %dma_start3A_156 = arith.constant 0 : i32
      %dma_start3A_157 = tpu.memref_slice %arg3[%dma_start3A_155, %dma_start3A_156] : memref<10240x64xf32, #tpu.memory_space<hbm>> -> memref<10240x64xf32, #tpu.memory_space<hbm>>
      tpu.enqueue_indirect_dma source(%dma_start3A_157 : memref<10240x64xf32, #tpu.memory_space<hbm>>) target(%arg13 : memref<128x64xf32, #tpu.memory_space<vmem>>) offsets(%dma_start3A_154 : memref<128xi32, #tpu.memory_space<vmem>>) semaphore(%arg16 : memref<!tpu.dma_semaphore, #tpu.memory_space<semaphore_mem>>)
      %dma_wait3A_158 = arith.constant 0 : i32
      %dma_wait3A_159 = tpu.memref_slice %arg10[%mul3A_150, %dma_wait3A_158] : memref<112x128xi32, #tpu.memory_space<vmem>> -> memref<1x128xi32, #tpu.memory_space<vmem>>
      %dma_wait3A_160 = tpu.memref_squeeze %dma_wait3A_159 : memref<1x128xi32, #tpu.memory_space<vmem>> -> memref<128xi32, #tpu.memory_space<vmem>>
      %dma_wait3A_161 = arith.constant 0 : i32
      %dma_wait3A_162 = arith.constant 0 : i32
      %dma_wait3A_163 = tpu.memref_slice %arg3[%dma_wait3A_161, %dma_wait3A_162] : memref<10240x64xf32, #tpu.memory_space<hbm>> -> memref<10240x64xf32, #tpu.memory_space<hbm>>
      tpu.wait_indirect_dma semaphore(%arg15 : memref<!tpu.dma_semaphore, #tpu.memory_space<semaphore_mem>>) src(%dma_wait3A_163 : memref<10240x64xf32, #tpu.memory_space<hbm>>) dst(%arg12 : memref<128x64xf32, #tpu.memory_space<vmem>>)
      "tpu.region"() ({
        %run_scoped3A_178 = tpu.sem_alloc : memref<!tpu.dma_semaphore, #tpu.memory_space<semaphore_mem>>
        %dma_start3A_179 = arith.constant 0 : i32
        %dma_start3A_180 = tpu.memref_slice %arg11[%mul3A_150, %dma_start3A_179] : memref<112x128xi32, #tpu.memory_space<vmem>> -> memref<1x128xi32, #tpu.memory_space<vmem>>
        %dma_start3A_181 = tpu.memref_squeeze %dma_start3A_180 : memref<1x128xi32, #tpu.memory_space<vmem>> -> memref<128xi32, #tpu.memory_space<vmem>>
        %dma_start3A_182 = arith.constant 0 : i32
        %dma_start3A_183 = arith.constant 0 : i32
        %dma_start3A_184 = tpu.memref_slice %arg14[%dma_start3A_182, %dma_start3A_183] : memref<10240x64xf32, #tpu.memory_space<vmem_shared>> -> memref<10240x64xf32, #tpu.memory_space<vmem_shared>>
        tpu.enqueue_indirect_dma source(%arg12 : memref<128x64xf32, #tpu.memory_space<vmem>>) target(%dma_start3A_184 : memref<10240x64xf32, #tpu.memory_space<vmem_shared>>) offsets(%dma_start3A_181 : memref<128xi32, #tpu.memory_space<vmem>>) semaphore(%run_scoped3A_178 : memref<!tpu.dma_semaphore, #tpu.memory_space<semaphore_mem>>) {add = true}
        %dma_wait3A_185 = arith.constant 0 : i32
        %dma_wait3A_186 = tpu.memref_slice %arg11[%mul3A_150, %dma_wait3A_185] : memref<112x128xi32, #tpu.memory_space<vmem>> -> memref<1x128xi32, #tpu.memory_space<vmem>>
        %dma_wait3A_187 = tpu.memref_squeeze %dma_wait3A_186 : memref<1x128xi32, #tpu.memory_space<vmem>> -> memref<128xi32, #tpu.memory_space<vmem>>
        %dma_wait3A_188 = arith.constant 0 : i32
        %dma_wait3A_189 = arith.constant 0 : i32
        %dma_wait3A_190 = tpu.memref_slice %arg14[%dma_wait3A_188, %dma_wait3A_189] : memref<10240x64xf32, #tpu.memory_space<vmem_shared>> -> memref<10240x64xf32, #tpu.memory_space<vmem_shared>>
        tpu.wait_indirect_dma semaphore(%run_scoped3A_178 : memref<!tpu.dma_semaphore, #tpu.memory_space<semaphore_mem>>) src(%arg12 : memref<128x64xf32, #tpu.memory_space<vmem>>) dst(%dma_wait3A_190 : memref<10240x64xf32, #tpu.memory_space<vmem_shared>>)
        tpu.yield
      }) : () -> ()
      %add3A_164 = arith.constant 2 : i32
      %add3A_165 = arith.addi %mul3A_150, %add3A_164 : i32
      %dma_start3A_166 = arith.constant 0 : i32
      %dma_start3A_167 = tpu.memref_slice %arg10[%add3A_165, %dma_start3A_166] : memref<112x128xi32, #tpu.memory_space<vmem>> -> memref<1x128xi32, #tpu.memory_space<vmem>>
      %dma_start3A_168 = tpu.memref_squeeze %dma_start3A_167 : memref<1x128xi32, #tpu.memory_space<vmem>> -> memref<128xi32, #tpu.memory_space<vmem>>
      %dma_start3A_169 = arith.constant 0 : i32
      %dma_start3A_170 = arith.constant 0 : i32
      %dma_start3A_171 = tpu.memref_slice %arg3[%dma_start3A_169, %dma_start3A_170] : memref<10240x64xf32, #tpu.memory_space<hbm>> -> memref<10240x64xf32, #tpu.memory_space<hbm>>
      tpu.enqueue_indirect_dma source(%dma_start3A_171 : memref<10240x64xf32, #tpu.memory_space<hbm>>) target(%arg12 : memref<128x64xf32, #tpu.memory_space<vmem>>) offsets(%dma_start3A_168 : memref<128xi32, #tpu.memory_space<vmem>>) semaphore(%arg15 : memref<!tpu.dma_semaphore, #tpu.memory_space<semaphore_mem>>)
      %dma_wait3A_172 = arith.constant 0 : i32
      %dma_wait3A_173 = tpu.memref_slice %arg10[%add3A_151, %dma_wait3A_172] : memref<112x128xi32, #tpu.memory_space<vmem>> -> memref<1x128xi32, #tpu.memory_space<vmem>>
      %dma_wait3A_174 = tpu.memref_squeeze %dma_wait3A_173 : memref<1x128xi32, #tpu.memory_space<vmem>> -> memref<128xi32, #tpu.memory_space<vmem>>
      %dma_wait3A_175 = arith.constant 0 : i32
      %dma_wait3A_176 = arith.constant 0 : i32
      %dma_wait3A_177 = tpu.memref_slice %arg3[%dma_wait3A_175, %dma_wait3A_176] : memref<10240x64xf32, #tpu.memory_space<hbm>> -> memref<10240x64xf32, #tpu.memory_space<hbm>>
      tpu.wait_indirect_dma semaphore(%arg16 : memref<!tpu.dma_semaphore, #tpu.memory_space<semaphore_mem>>) src(%dma_wait3A_177 : memref<10240x64xf32, #tpu.memory_space<hbm>>) dst(%arg13 : memref<128x64xf32, #tpu.memory_space<vmem>>)
      "tpu.region"() ({
        %run_scoped3A_178 = tpu.sem_alloc : memref<!tpu.dma_semaphore, #tpu.memory_space<semaphore_mem>>
        %dma_start3A_179 = arith.constant 0 : i32
        %dma_start3A_180 = tpu.memref_slice %arg11[%add3A_151, %dma_start3A_179] : memref<112x128xi32, #tpu.memory_space<vmem>> -> memref<1x128xi32, #tpu.memory_space<vmem>>
        %dma_start3A_181 = tpu.memref_squeeze %dma_start3A_180 : memref<1x128xi32, #tpu.memory_space<vmem>> -> memref<128xi32, #tpu.memory_space<vmem>>
        %dma_start3A_182 = arith.constant 0 : i32
        %dma_start3A_183 = arith.constant 0 : i32
        %dma_start3A_184 = tpu.memref_slice %arg14[%dma_start3A_182, %dma_start3A_183] : memref<10240x64xf32, #tpu.memory_space<vmem_shared>> -> memref<10240x64xf32, #tpu.memory_space<vmem_shared>>
        tpu.enqueue_indirect_dma source(%arg13 : memref<128x64xf32, #tpu.memory_space<vmem>>) target(%dma_start3A_184 : memref<10240x64xf32, #tpu.memory_space<vmem_shared>>) offsets(%dma_start3A_181 : memref<128xi32, #tpu.memory_space<vmem>>) semaphore(%run_scoped3A_178 : memref<!tpu.dma_semaphore, #tpu.memory_space<semaphore_mem>>) {add = true}
        %dma_wait3A_185 = arith.constant 0 : i32
        %dma_wait3A_186 = tpu.memref_slice %arg11[%add3A_151, %dma_wait3A_185] : memref<112x128xi32, #tpu.memory_space<vmem>> -> memref<1x128xi32, #tpu.memory_space<vmem>>
        %dma_wait3A_187 = tpu.memref_squeeze %dma_wait3A_186 : memref<1x128xi32, #tpu.memory_space<vmem>> -> memref<128xi32, #tpu.memory_space<vmem>>
        %dma_wait3A_188 = arith.constant 0 : i32
        %dma_wait3A_189 = arith.constant 0 : i32
        %dma_wait3A_190 = tpu.memref_slice %arg14[%dma_wait3A_188, %dma_wait3A_189] : memref<10240x64xf32, #tpu.memory_space<vmem_shared>> -> memref<10240x64xf32, #tpu.memory_space<vmem_shared>>
        tpu.wait_indirect_dma semaphore(%run_scoped3A_178 : memref<!tpu.dma_semaphore, #tpu.memory_space<semaphore_mem>>) src(%arg13 : memref<128x64xf32, #tpu.memory_space<vmem>>) dst(%dma_wait3A_190 : memref<10240x64xf32, #tpu.memory_space<vmem_shared>>)
        tpu.yield
      }) : () -> ()
    }
    %sub3A_118 = arith.constant 1 : i32
    %sub3A_119 = arith.subi %select_n3A_11, %sub3A_118 : i32
    %dma_start3A_120 = arith.constant 0 : i32
    %dma_start3A_121 = tpu.memref_slice %arg10[%sub3A_119, %dma_start3A_120] : memref<112x128xi32, #tpu.memory_space<vmem>> -> memref<1x128xi32, #tpu.memory_space<vmem>>
    %dma_start3A_122 = tpu.memref_squeeze %dma_start3A_121 : memref<1x128xi32, #tpu.memory_space<vmem>> -> memref<128xi32, #tpu.memory_space<vmem>>
    %dma_start3A_123 = arith.constant 0 : i32
    %dma_start3A_124 = arith.constant 0 : i32
    %dma_start3A_125 = tpu.memref_slice %arg3[%dma_start3A_123, %dma_start3A_124] : memref<10240x64xf32, #tpu.memory_space<hbm>> -> memref<10240x64xf32, #tpu.memory_space<hbm>>
    tpu.enqueue_indirect_dma source(%dma_start3A_125 : memref<10240x64xf32, #tpu.memory_space<hbm>>) target(%arg13 : memref<128x64xf32, #tpu.memory_space<vmem>>) offsets(%dma_start3A_122 : memref<128xi32, #tpu.memory_space<vmem>>) semaphore(%arg16 : memref<!tpu.dma_semaphore, #tpu.memory_space<semaphore_mem>>)
    %sub3A_126 = arith.constant 2 : i32
    %sub3A_127 = arith.subi %select_n3A_11, %sub3A_126 : i32
    %dma_wait3A_128 = arith.constant 0 : i32
    %dma_wait3A_129 = tpu.memref_slice %arg10[%sub3A_127, %dma_wait3A_128] : memref<112x128xi32, #tpu.memory_space<vmem>> -> memref<1x128xi32, #tpu.memory_space<vmem>>
    %dma_wait3A_130 = tpu.memref_squeeze %dma_wait3A_129 : memref<1x128xi32, #tpu.memory_space<vmem>> -> memref<128xi32, #tpu.memory_space<vmem>>
    %dma_wait3A_131 = arith.constant 0 : i32
    %dma_wait3A_132 = arith.constant 0 : i32
    %dma_wait3A_133 = tpu.memref_slice %arg3[%dma_wait3A_131, %dma_wait3A_132] : memref<10240x64xf32, #tpu.memory_space<hbm>> -> memref<10240x64xf32, #tpu.memory_space<hbm>>
    tpu.wait_indirect_dma semaphore(%arg15 : memref<!tpu.dma_semaphore, #tpu.memory_space<semaphore_mem>>) src(%dma_wait3A_133 : memref<10240x64xf32, #tpu.memory_space<hbm>>) dst(%arg12 : memref<128x64xf32, #tpu.memory_space<vmem>>)
    %sub3A_134 = arith.constant 2 : i32
    %sub3A_135 = arith.subi %select_n3A_11, %sub3A_134 : i32
    "tpu.region"() ({
      %run_scoped3A_148 = tpu.sem_alloc : memref<!tpu.dma_semaphore, #tpu.memory_space<semaphore_mem>>
      %dma_start3A_149 = arith.constant 0 : i32
      %dma_start3A_150 = tpu.memref_slice %arg11[%sub3A_135, %dma_start3A_149] : memref<112x128xi32, #tpu.memory_space<vmem>> -> memref<1x128xi32, #tpu.memory_space<vmem>>
      %dma_start3A_151 = tpu.memref_squeeze %dma_start3A_150 : memref<1x128xi32, #tpu.memory_space<vmem>> -> memref<128xi32, #tpu.memory_space<vmem>>
      %dma_start3A_152 = arith.constant 0 : i32
      %dma_start3A_153 = arith.constant 0 : i32
      %dma_start3A_154 = tpu.memref_slice %arg14[%dma_start3A_152, %dma_start3A_153] : memref<10240x64xf32, #tpu.memory_space<vmem_shared>> -> memref<10240x64xf32, #tpu.memory_space<vmem_shared>>
      tpu.enqueue_indirect_dma source(%arg12 : memref<128x64xf32, #tpu.memory_space<vmem>>) target(%dma_start3A_154 : memref<10240x64xf32, #tpu.memory_space<vmem_shared>>) offsets(%dma_start3A_151 : memref<128xi32, #tpu.memory_space<vmem>>) semaphore(%run_scoped3A_148 : memref<!tpu.dma_semaphore, #tpu.memory_space<semaphore_mem>>) {add = true}
      %dma_wait3A_155 = arith.constant 0 : i32
      %dma_wait3A_156 = tpu.memref_slice %arg11[%sub3A_135, %dma_wait3A_155] : memref<112x128xi32, #tpu.memory_space<vmem>> -> memref<1x128xi32, #tpu.memory_space<vmem>>
      %dma_wait3A_157 = tpu.memref_squeeze %dma_wait3A_156 : memref<1x128xi32, #tpu.memory_space<vmem>> -> memref<128xi32, #tpu.memory_space<vmem>>
      %dma_wait3A_158 = arith.constant 0 : i32
      %dma_wait3A_159 = arith.constant 0 : i32
      %dma_wait3A_160 = tpu.memref_slice %arg14[%dma_wait3A_158, %dma_wait3A_159] : memref<10240x64xf32, #tpu.memory_space<vmem_shared>> -> memref<10240x64xf32, #tpu.memory_space<vmem_shared>>
      tpu.wait_indirect_dma semaphore(%run_scoped3A_148 : memref<!tpu.dma_semaphore, #tpu.memory_space<semaphore_mem>>) src(%arg12 : memref<128x64xf32, #tpu.memory_space<vmem>>) dst(%dma_wait3A_160 : memref<10240x64xf32, #tpu.memory_space<vmem_shared>>)
      tpu.yield
    }) : () -> ()
    %sub3A_136 = arith.constant 1 : i32
    %sub3A_137 = arith.subi %select_n3A_11, %sub3A_136 : i32
    %dma_wait3A_138 = arith.constant 0 : i32
    %dma_wait3A_139 = tpu.memref_slice %arg10[%sub3A_137, %dma_wait3A_138] : memref<112x128xi32, #tpu.memory_space<vmem>> -> memref<1x128xi32, #tpu.memory_space<vmem>>
    %dma_wait3A_140 = tpu.memref_squeeze %dma_wait3A_139 : memref<1x128xi32, #tpu.memory_space<vmem>> -> memref<128xi32, #tpu.memory_space<vmem>>
    %dma_wait3A_141 = arith.constant 0 : i32
    %dma_wait3A_142 = arith.constant 0 : i32
    %dma_wait3A_143 = tpu.memref_slice %arg3[%dma_wait3A_141, %dma_wait3A_142] : memref<10240x64xf32, #tpu.memory_space<hbm>> -> memref<10240x64xf32, #tpu.memory_space<hbm>>
    tpu.wait_indirect_dma semaphore(%arg16 : memref<!tpu.dma_semaphore, #tpu.memory_space<semaphore_mem>>) src(%dma_wait3A_143 : memref<10240x64xf32, #tpu.memory_space<hbm>>) dst(%arg13 : memref<128x64xf32, #tpu.memory_space<vmem>>)
    %sub3A_144 = arith.constant 1 : i32
    %sub3A_145 = arith.subi %select_n3A_11, %sub3A_144 : i32
    "tpu.region"() ({
      %run_scoped3A_148 = tpu.sem_alloc : memref<!tpu.dma_semaphore, #tpu.memory_space<semaphore_mem>>
      %dma_start3A_149 = arith.constant 0 : i32
      %dma_start3A_150 = tpu.memref_slice %arg11[%sub3A_145, %dma_start3A_149] : memref<112x128xi32, #tpu.memory_space<vmem>> -> memref<1x128xi32, #tpu.memory_space<vmem>>
      %dma_start3A_151 = tpu.memref_squeeze %dma_start3A_150 : memref<1x128xi32, #tpu.memory_space<vmem>> -> memref<128xi32, #tpu.memory_space<vmem>>
      %dma_start3A_152 = arith.constant 0 : i32
      %dma_start3A_153 = arith.constant 0 : i32
      %dma_start3A_154 = tpu.memref_slice %arg14[%dma_start3A_152, %dma_start3A_153] : memref<10240x64xf32, #tpu.memory_space<vmem_shared>> -> memref<10240x64xf32, #tpu.memory_space<vmem_shared>>
      tpu.enqueue_indirect_dma source(%arg13 : memref<128x64xf32, #tpu.memory_space<vmem>>) target(%dma_start3A_154 : memref<10240x64xf32, #tpu.memory_space<vmem_shared>>) offsets(%dma_start3A_151 : memref<128xi32, #tpu.memory_space<vmem>>) semaphore(%run_scoped3A_148 : memref<!tpu.dma_semaphore, #tpu.memory_space<semaphore_mem>>) {add = true}
      %dma_wait3A_155 = arith.constant 0 : i32
      %dma_wait3A_156 = tpu.memref_slice %arg11[%sub3A_145, %dma_wait3A_155] : memref<112x128xi32, #tpu.memory_space<vmem>> -> memref<1x128xi32, #tpu.memory_space<vmem>>
      %dma_wait3A_157 = tpu.memref_squeeze %dma_wait3A_156 : memref<1x128xi32, #tpu.memory_space<vmem>> -> memref<128xi32, #tpu.memory_space<vmem>>
      %dma_wait3A_158 = arith.constant 0 : i32
      %dma_wait3A_159 = arith.constant 0 : i32
      %dma_wait3A_160 = tpu.memref_slice %arg14[%dma_wait3A_158, %dma_wait3A_159] : memref<10240x64xf32, #tpu.memory_space<vmem_shared>> -> memref<10240x64xf32, #tpu.memory_space<vmem_shared>>
      tpu.wait_indirect_dma semaphore(%run_scoped3A_148 : memref<!tpu.dma_semaphore, #tpu.memory_space<semaphore_mem>>) src(%arg13 : memref<128x64xf32, #tpu.memory_space<vmem>>) dst(%dma_wait3A_160 : memref<10240x64xf32, #tpu.memory_space<vmem_shared>>)
      tpu.yield
    }) : () -> ()
    %barrier3A_146 = arith.constant 0 : index
    tpu.barrier barrier_id(%barrier3A_146)
    %run_scoped3A_147 = arith.constant 1 : i32
    "tpu.region"() ({
      %run_scoped3A_148 = tpu.sem_alloc : memref<!tpu.dma_semaphore, #tpu.memory_space<semaphore_mem>>
      %dma_start3A_149 = arith.constant 0 : i32
      %dma_start3A_150 = tpu.memref_slice %arg9[%run_scoped3A_147, %arg0, %mul3A_0, %dma_start3A_149] : memref<2x2x10240x64xf32, #tpu.memory_space<hbm>> -> memref<1x1x640x64xf32, #tpu.memory_space<hbm>>
      %dma_start3A_151 = tpu.memref_squeeze %dma_start3A_150 : memref<1x1x640x64xf32, #tpu.memory_space<hbm>> -> memref<640x64xf32, #tpu.memory_space<hbm>>
      %dma_start3A_152 = arith.constant 0 : i32
      %dma_start3A_153 = tpu.memref_slice %arg14[%mul3A_0, %dma_start3A_152] : memref<10240x64xf32, #tpu.memory_space<vmem_shared>> -> memref<640x64xf32, #tpu.memory_space<vmem_shared>>
      tpu.enqueue_dma source(%dma_start3A_153 : memref<640x64xf32, #tpu.memory_space<vmem_shared>>) target(%dma_start3A_151 : memref<640x64xf32, #tpu.memory_space<hbm>>) target_semaphore(%run_scoped3A_148 : memref<!tpu.dma_semaphore, #tpu.memory_space<semaphore_mem>>)
      %dma_wait3A_154 = arith.constant 0 : i32
      %dma_wait3A_155 = tpu.memref_slice %arg9[%run_scoped3A_147, %arg0, %mul3A_0, %dma_wait3A_154] : memref<2x2x10240x64xf32, #tpu.memory_space<hbm>> -> memref<1x1x640x64xf32, #tpu.memory_space<hbm>>
      %dma_wait3A_156 = tpu.memref_squeeze %dma_wait3A_155 : memref<1x1x640x64xf32, #tpu.memory_space<hbm>> -> memref<640x64xf32, #tpu.memory_space<hbm>>
      %dma_wait3A_157 = arith.constant 0 : i32
      %dma_wait3A_158 = tpu.memref_slice %arg14[%mul3A_0, %dma_wait3A_157] : memref<10240x64xf32, #tpu.memory_space<vmem_shared>> -> memref<640x64xf32, #tpu.memory_space<vmem_shared>>
      tpu.wait_dma2 semaphore(%run_scoped3A_148 : memref<!tpu.dma_semaphore, #tpu.memory_space<semaphore_mem>>) src(%dma_wait3A_158 : memref<640x64xf32, #tpu.memory_space<vmem_shared>>) dst(%dma_wait3A_156 : memref<640x64xf32, #tpu.memory_space<hbm>>)
      tpu.yield
    }) : () -> ()
    return
  }
}

module attributes {stable_mosaic.version = 14 : i64} {
  func.func @_embed_body(%arg0: memref<10240x128xf32, #tpu.memory_space<vmem>>, %arg1: memref<128x128xf32, #tpu.memory_space<vmem>>, %arg2: memref<1x128xf32, #tpu.memory_space<vmem>>, %arg3: memref<2x10240x16xf32, #tpu.memory_space<vmem>>, %arg4: memref<128x128xf32, #tpu.memory_space<vmem>>, %arg5: memref<10240x64xf32, #tpu.memory_space<vmem>>, %arg6: memref<10240x64xf32, #tpu.memory_space<vmem>>, %arg7: memref<10240x1xf32, #tpu.memory_space<vmem>>) attributes {dimension_semantics = [], scalar_prefetch = 0 : i64, scratch_operands = 0 : i64, tpu.core_type = #tpu.core_type<tc>} {
    %get3A = arith.constant 0 : index
    %get3A_0 = arith.constant 0 : index
    %get3A_1 = arith.constant 0 : index
    %get3A_2 = vector.load %arg3[%get3A, %get3A_0, %get3A_1] : memref<2x10240x16xf32, #tpu.memory_space<vmem>>, vector<1x10240x1xf32>
    %get3A_3 = vector.shape_cast %get3A_2 : vector<1x10240x1xf32> to vector<10240x1xf32>
    %get3A_4 = arith.constant 1 : index
    %get3A_5 = arith.constant 0 : index
    %get3A_6 = arith.constant 0 : index
    %get3A_7 = vector.load %arg3[%get3A_4, %get3A_5, %get3A_6] : memref<2x10240x16xf32, #tpu.memory_space<vmem>>, vector<1x10240x1xf32>
    %get3A_8 = vector.shape_cast %get3A_7 : vector<1x10240x1xf32> to vector<10240x1xf32>
    %add3A = arith.addf %get3A_3, %get3A_8 : vector<10240x1xf32>
    %iota3A = tpu.iota {dimensions = array<i32: 0>} : vector<10240x1xi32>
    %gt3A = arith.constant 0.000000e+00 : f32
    %gt3A_9 = vector.broadcast %gt3A : f32 to vector<10240x1xf32>
    %gt3A_10 = arith.cmpf ogt, %add3A, %gt3A_9 : vector<10240x1xf32>
    %lt3A = arith.constant 10000 : i32
    %lt3A_11 = vector.broadcast %lt3A : i32 to vector<10240x1xi32>
    %lt3A_12 = arith.cmpi slt, %iota3A, %lt3A_11 : vector<10240x1xi32>
    %and3A = arith.andi %gt3A_10, %lt3A_12 : vector<10240x1xi1>
    %rsqrt3A = math.rsqrt %add3A : vector<10240x1xf32>
    %jit3A = arith.constant 0.000000e+00 : f32
    %broadcast_in_dim3A = vector.broadcast %jit3A : f32 to vector<10240x1xf32>
    %select_n3A = arith.select %and3A, %rsqrt3A, %broadcast_in_dim3A : vector<10240x1xi1>, vector<10240x1xf32>
    %get3A_13 = arith.constant 0 : index
    %get3A_14 = arith.constant 0 : index
    %get3A_15 = vector.load %arg0[%get3A_13, %get3A_14] : memref<10240x128xf32, #tpu.memory_space<vmem>>, vector<10240x128xf32>
    %get3A_16 = arith.constant 0 : index
    %get3A_17 = arith.constant 0 : index
    %get3A_18 = vector.load %arg1[%get3A_16, %get3A_17] : memref<128x128xf32, #tpu.memory_space<vmem>>, vector<128x128xf32>
    %dot_general3A = arith.constant dense<0.000000e+00> : vector<10240x128xf32>
    %dot_general3A_19 = tpu.matmul %get3A_15, %get3A_18, %dot_general3A {dimension_numbers = #tpu.dot_dimension_numbers<[1], [0], [0], [1], [0, 0, 1, 1], [], []>, transpose_lhs_hint = false} : vector<10240x128xf32>, vector<128x128xf32>, vector<10240x128xf32> -> vector<10240x128xf32>
    %get3A_20 = arith.constant 0 : index
    %get3A_21 = arith.constant 0 : index
    %get3A_22 = vector.load %arg2[%get3A_20, %get3A_21] : memref<1x128xf32, #tpu.memory_space<vmem>>, vector<1x128xf32>
    %add3A_23 = vector.broadcast %get3A_22 : vector<1x128xf32> to vector<10240x128xf32>
    %add3A_24 = arith.addf %dot_general3A_19, %add3A_23 : vector<10240x128xf32>
    %max3A = arith.constant 0.000000e+00 : f32
    %max3A_25 = vector.broadcast %max3A : f32 to vector<10240x128xf32>
    %max3A_26 = arith.maximumf %add3A_24, %max3A_25 : vector<10240x128xf32>
    %mul3A = vector.broadcast %select_n3A : vector<10240x1xf32> to vector<10240x128xf32>
    %mul3A_27 = arith.mulf %mul3A, %max3A_26 : vector<10240x128xf32>
    %get3A_28 = arith.constant 0 : index
    %get3A_29 = arith.constant 0 : index
    %get3A_30 = vector.load %arg4[%get3A_28, %get3A_29] : memref<128x128xf32, #tpu.memory_space<vmem>>, vector<128x128xf32>
    %dot_general3A_31 = arith.constant dense<0.000000e+00> : vector<10240x128xf32>
    %dot_general3A_32 = tpu.matmul %mul3A_27, %get3A_30, %dot_general3A_31 {dimension_numbers = #tpu.dot_dimension_numbers<[1], [0], [0], [1], [0, 0, 1, 1], [], []>, transpose_lhs_hint = false} : vector<10240x128xf32>, vector<128x128xf32>, vector<10240x128xf32> -> vector<10240x128xf32>
    %slice3A = vector.extract_strided_slice %dot_general3A_32 {offsets = [0, 0], sizes = [10240, 64], strides = [1, 1]} : vector<10240x128xf32> to vector<10240x64xf32>
    %swap3A = arith.constant 0 : index
    %swap3A_33 = arith.constant 0 : index
    %swap3A_34 = vector.load %arg5[%swap3A, %swap3A_33] : memref<10240x64xf32, #tpu.memory_space<vmem>>, vector<10240x64xf32>
    tpu.vector_store %arg5[%swap3A, %swap3A_33], %slice3A {strides = array<i32>} : memref<10240x64xf32, #tpu.memory_space<vmem>>, vector<10240x64xf32>,
    %slice3A_35 = vector.extract_strided_slice %dot_general3A_32 {offsets = [0, 64], sizes = [10240, 64], strides = [1, 1]} : vector<10240x128xf32> to vector<10240x64xf32>
    %swap3A_36 = arith.constant 0 : index
    %swap3A_37 = arith.constant 0 : index
    %swap3A_38 = vector.load %arg6[%swap3A_36, %swap3A_37] : memref<10240x64xf32, #tpu.memory_space<vmem>>, vector<10240x64xf32>
    tpu.vector_store %arg6[%swap3A_36, %swap3A_37], %slice3A_35 {strides = array<i32>} : memref<10240x64xf32, #tpu.memory_space<vmem>>, vector<10240x64xf32>,
    %swap3A_39 = arith.constant 0 : index
    %swap3A_40 = arith.constant 0 : index
    %swap3A_41 = vector.load %arg7[%swap3A_39, %swap3A_40] : memref<10240x1xf32, #tpu.memory_space<vmem>>, vector<10240x1xf32>
    tpu.vector_store %arg7[%swap3A_39, %swap3A_40], %select_n3A {strides = array<i32>} : memref<10240x1xf32, #tpu.memory_space<vmem>>, vector<10240x1xf32>,
    return
  }
}

module attributes {stable_mosaic.version = 14 : i64} {
  func.func @_mid_body(%arg0: memref<2x2x10240x64xf32, #tpu.memory_space<vmem>>, %arg1: memref<10240x1xf32, #tpu.memory_space<vmem>>, %arg2: memref<1x128xf32, #tpu.memory_space<vmem>>, %arg3: memref<128x128xf32, #tpu.memory_space<vmem>>, %arg4: memref<10240x64xf32, #tpu.memory_space<vmem>>, %arg5: memref<10240x64xf32, #tpu.memory_space<vmem>>) attributes {dimension_semantics = [], scalar_prefetch = 0 : i64, scratch_operands = 0 : i64, tpu.core_type = #tpu.core_type<tc>} {
    %get3A = arith.constant 0 : index
    %get3A_0 = arith.constant 0 : index
    %get3A_1 = vector.load %arg1[%get3A, %get3A_0] : memref<10240x1xf32, #tpu.memory_space<vmem>>, vector<10240x1xf32>
    %get3A_2 = arith.constant 0 : index
    %get3A_3 = arith.constant 0 : index
    %get3A_4 = arith.constant 0 : index
    %get3A_5 = arith.constant 0 : index
    %get3A_6 = vector.load %arg0[%get3A_2, %get3A_3, %get3A_4, %get3A_5] : memref<2x2x10240x64xf32, #tpu.memory_space<vmem>>, vector<1x1x10240x64xf32>
    %get3A_7 = vector.shape_cast %get3A_6 : vector<1x1x10240x64xf32> to vector<10240x64xf32>
    %get3A_8 = arith.constant 0 : index
    %get3A_9 = arith.constant 1 : index
    %get3A_10 = arith.constant 0 : index
    %get3A_11 = arith.constant 0 : index
    %get3A_12 = vector.load %arg0[%get3A_8, %get3A_9, %get3A_10, %get3A_11] : memref<2x2x10240x64xf32, #tpu.memory_space<vmem>>, vector<1x1x10240x64xf32>
    %get3A_13 = vector.shape_cast %get3A_12 : vector<1x1x10240x64xf32> to vector<10240x64xf32>
    %add3A = arith.addf %get3A_7, %get3A_13 : vector<10240x64xf32>
    %get3A_14 = arith.constant 1 : index
    %get3A_15 = arith.constant 0 : index
    %get3A_16 = arith.constant 0 : index
    %get3A_17 = arith.constant 0 : index
    %get3A_18 = vector.load %arg0[%get3A_14, %get3A_15, %get3A_16, %get3A_17] : memref<2x2x10240x64xf32, #tpu.memory_space<vmem>>, vector<1x1x10240x64xf32>
    %get3A_19 = vector.shape_cast %get3A_18 : vector<1x1x10240x64xf32> to vector<10240x64xf32>
    %get3A_20 = arith.constant 1 : index
    %get3A_21 = arith.constant 1 : index
    %get3A_22 = arith.constant 0 : index
    %get3A_23 = arith.constant 0 : index
    %get3A_24 = vector.load %arg0[%get3A_20, %get3A_21, %get3A_22, %get3A_23] : memref<2x2x10240x64xf32, #tpu.memory_space<vmem>>, vector<1x1x10240x64xf32>
    %get3A_25 = vector.shape_cast %get3A_24 : vector<1x1x10240x64xf32> to vector<10240x64xf32>
    %add3A_26 = arith.addf %get3A_19, %get3A_25 : vector<10240x64xf32>
    %concatenate3A = tpu.concatenate %add3A, %add3A_26 in 1 : vector<10240x64xf32>, vector<10240x64xf32> -> vector<10240x128xf32>
    %get3A_27 = arith.constant 0 : index
    %get3A_28 = arith.constant 0 : index
    %get3A_29 = vector.load %arg1[%get3A_27, %get3A_28] : memref<10240x1xf32, #tpu.memory_space<vmem>>, vector<10240x1xf32>
    %mul3A = vector.broadcast %get3A_29 : vector<10240x1xf32> to vector<10240x128xf32>
    %mul3A_30 = arith.mulf %mul3A, %concatenate3A : vector<10240x128xf32>
    %get3A_31 = arith.constant 0 : index
    %get3A_32 = arith.constant 0 : index
    %get3A_33 = vector.load %arg2[%get3A_31, %get3A_32] : memref<1x128xf32, #tpu.memory_space<vmem>>, vector<1x128xf32>
    %add3A_34 = vector.broadcast %get3A_33 : vector<1x128xf32> to vector<10240x128xf32>
    %add3A_35 = arith.addf %mul3A_30, %add3A_34 : vector<10240x128xf32>
    %max3A = arith.constant 0.000000e+00 : f32
    %max3A_36 = vector.broadcast %max3A : f32 to vector<10240x128xf32>
    %max3A_37 = arith.maximumf %add3A_35, %max3A_36 : vector<10240x128xf32>
    %mul3A_38 = vector.broadcast %get3A_1 : vector<10240x1xf32> to vector<10240x128xf32>
    %mul3A_39 = arith.mulf %mul3A_38, %max3A_37 : vector<10240x128xf32>
    %get3A_40 = arith.constant 0 : index
    %get3A_41 = arith.constant 0 : index
    %get3A_42 = vector.load %arg3[%get3A_40, %get3A_41] : memref<128x128xf32, #tpu.memory_space<vmem>>, vector<128x128xf32>
    %dot_general3A = arith.constant dense<0.000000e+00> : vector<10240x128xf32>
    %dot_general3A_43 = tpu.matmul %mul3A_39, %get3A_42, %dot_general3A {dimension_numbers = #tpu.dot_dimension_numbers<[1], [0], [0], [1], [0, 0, 1, 1], [], []>, transpose_lhs_hint = false} : vector<10240x128xf32>, vector<128x128xf32>, vector<10240x128xf32> -> vector<10240x128xf32>
    %slice3A = vector.extract_strided_slice %dot_general3A_43 {offsets = [0, 0], sizes = [10240, 64], strides = [1, 1]} : vector<10240x128xf32> to vector<10240x64xf32>
    %swap3A = arith.constant 0 : index
    %swap3A_44 = arith.constant 0 : index
    %swap3A_45 = vector.load %arg4[%swap3A, %swap3A_44] : memref<10240x64xf32, #tpu.memory_space<vmem>>, vector<10240x64xf32>
    tpu.vector_store %arg4[%swap3A, %swap3A_44], %slice3A {strides = array<i32>} : memref<10240x64xf32, #tpu.memory_space<vmem>>, vector<10240x64xf32>,
    %slice3A_46 = vector.extract_strided_slice %dot_general3A_43 {offsets = [0, 64], sizes = [10240, 64], strides = [1, 1]} : vector<10240x128xf32> to vector<10240x64xf32>
    %swap3A_47 = arith.constant 0 : index
    %swap3A_48 = arith.constant 0 : index
    %swap3A_49 = vector.load %arg5[%swap3A_47, %swap3A_48] : memref<10240x64xf32, #tpu.memory_space<vmem>>, vector<10240x64xf32>
    tpu.vector_store %arg5[%swap3A_47, %swap3A_48], %slice3A_46 {strides = array<i32>} : memref<10240x64xf32, #tpu.memory_space<vmem>>, vector<10240x64xf32>,
    return
  }
}

module attributes {stable_mosaic.version = 14 : i64} {
  func.func @_final_body(%arg0: memref<2x2x10240x64xf32, #tpu.memory_space<vmem>>, %arg1: memref<10240x1xf32, #tpu.memory_space<vmem>>, %arg2: memref<1x128xf32, #tpu.memory_space<vmem>>, %arg3: memref<10240x1xi32, #tpu.memory_space<vmem>>, %arg4: memref<128x1xf32, #tpu.memory_space<vmem>>, %arg5: memref<1x1xf32, #tpu.memory_space<vmem>>, %arg6: memref<64x1xf32, #tpu.memory_space<vmem>>) attributes {dimension_semantics = [], scalar_prefetch = 0 : i64, scratch_operands = 0 : i64, tpu.core_type = #tpu.core_type<tc>} {
    %get3A = arith.constant 0 : index
    %get3A_0 = arith.constant 0 : index
    %get3A_1 = arith.constant 0 : index
    %get3A_2 = arith.constant 0 : index
    %get3A_3 = vector.load %arg0[%get3A, %get3A_0, %get3A_1, %get3A_2] : memref<2x2x10240x64xf32, #tpu.memory_space<vmem>>, vector<1x1x10240x64xf32>
    %get3A_4 = vector.shape_cast %get3A_3 : vector<1x1x10240x64xf32> to vector<10240x64xf32>
    %get3A_5 = arith.constant 0 : index
    %get3A_6 = arith.constant 1 : index
    %get3A_7 = arith.constant 0 : index
    %get3A_8 = arith.constant 0 : index
    %get3A_9 = vector.load %arg0[%get3A_5, %get3A_6, %get3A_7, %get3A_8] : memref<2x2x10240x64xf32, #tpu.memory_space<vmem>>, vector<1x1x10240x64xf32>
    %get3A_10 = vector.shape_cast %get3A_9 : vector<1x1x10240x64xf32> to vector<10240x64xf32>
    %add3A = arith.addf %get3A_4, %get3A_10 : vector<10240x64xf32>
    %get3A_11 = arith.constant 1 : index
    %get3A_12 = arith.constant 0 : index
    %get3A_13 = arith.constant 0 : index
    %get3A_14 = arith.constant 0 : index
    %get3A_15 = vector.load %arg0[%get3A_11, %get3A_12, %get3A_13, %get3A_14] : memref<2x2x10240x64xf32, #tpu.memory_space<vmem>>, vector<1x1x10240x64xf32>
    %get3A_16 = vector.shape_cast %get3A_15 : vector<1x1x10240x64xf32> to vector<10240x64xf32>
    %get3A_17 = arith.constant 1 : index
    %get3A_18 = arith.constant 1 : index
    %get3A_19 = arith.constant 0 : index
    %get3A_20 = arith.constant 0 : index
    %get3A_21 = vector.load %arg0[%get3A_17, %get3A_18, %get3A_19, %get3A_20] : memref<2x2x10240x64xf32, #tpu.memory_space<vmem>>, vector<1x1x10240x64xf32>
    %get3A_22 = vector.shape_cast %get3A_21 : vector<1x1x10240x64xf32> to vector<10240x64xf32>
    %add3A_23 = arith.addf %get3A_16, %get3A_22 : vector<10240x64xf32>
    %concatenate3A = tpu.concatenate %add3A, %add3A_23 in 1 : vector<10240x64xf32>, vector<10240x64xf32> -> vector<10240x128xf32>
    %get3A_24 = arith.constant 0 : index
    %get3A_25 = arith.constant 0 : index
    %get3A_26 = vector.load %arg1[%get3A_24, %get3A_25] : memref<10240x1xf32, #tpu.memory_space<vmem>>, vector<10240x1xf32>
    %mul3A = vector.broadcast %get3A_26 : vector<10240x1xf32> to vector<10240x128xf32>
    %mul3A_27 = arith.mulf %mul3A, %concatenate3A : vector<10240x128xf32>
    %get3A_28 = arith.constant 0 : index
    %get3A_29 = arith.constant 0 : index
    %get3A_30 = vector.load %arg2[%get3A_28, %get3A_29] : memref<1x128xf32, #tpu.memory_space<vmem>>, vector<1x128xf32>
    %add3A_31 = vector.broadcast %get3A_30 : vector<1x128xf32> to vector<10240x128xf32>
    %add3A_32 = arith.addf %mul3A_27, %add3A_31 : vector<10240x128xf32>
    %max3A = arith.constant 0.000000e+00 : f32
    %max3A_33 = vector.broadcast %max3A : f32 to vector<10240x128xf32>
    %max3A_34 = arith.maximumf %add3A_32, %max3A_33 : vector<10240x128xf32>
    %get3A_35 = arith.constant 0 : index
    %get3A_36 = arith.constant 0 : index
    %get3A_37 = vector.load %arg4[%get3A_35, %get3A_36] : memref<128x1xf32, #tpu.memory_space<vmem>>, vector<128x1xf32>
    %dot_general3A = arith.constant dense<0.000000e+00> : vector<10240x1xf32>
    %dot_general3A_38 = tpu.matmul %max3A_34, %get3A_37, %dot_general3A {dimension_numbers = #tpu.dot_dimension_numbers<[1], [0], [0], [1], [0, 0, 1, 1], [], []>, transpose_lhs_hint = false} : vector<10240x128xf32>, vector<128x1xf32>, vector<10240x1xf32> -> vector<10240x1xf32>
    %iota3A = tpu.iota {dimensions = array<i32: 1>} : vector<10240x64xi32>
    %get3A_39 = arith.constant 0 : index
    %get3A_40 = arith.constant 0 : index
    %get3A_41 = vector.load %arg3[%get3A_39, %get3A_40] : memref<10240x1xi32, #tpu.memory_space<vmem>>, vector<10240x1xi32>
    %eq3A = vector.broadcast %get3A_41 : vector<10240x1xi32> to vector<10240x64xi32>
    %eq3A_42 = arith.cmpi eq, %eq3A, %iota3A : vector<10240x64xi32>
    %convert_element_type3A = arith.extui %eq3A_42 : vector<10240x64xi1> to vector<10240x64xi32>
    %convert_element_type3A_43 = arith.sitofp %convert_element_type3A : vector<10240x64xi32> to vector<10240x64xf32>
    %mul3A_44 = vector.broadcast %dot_general3A_38 : vector<10240x1xf32> to vector<10240x64xf32>
    %mul3A_45 = arith.mulf %convert_element_type3A_43, %mul3A_44 : vector<10240x64xf32>
    %reduce_sum3A = arith.constant dense<0.000000e+00> : vector<64xf32>
    %reduce_sum3A_46 = vector.multi_reduction <add>, %mul3A_45, %reduce_sum3A [0] : vector<10240x64xf32> to vector<64xf32>
    %reduce_sum3A_47 = arith.constant dense<0.000000e+00> : vector<64xf32>
    %reduce_sum3A_48 = vector.multi_reduction <add>, %convert_element_type3A_43, %reduce_sum3A_47 [0] : vector<10240x64xf32> to vector<64xf32>
    %max3A_49 = arith.constant 1.000000e+00 : f32
    %max3A_50 = vector.broadcast %max3A_49 : f32 to vector<64xf32>
    %max3A_51 = arith.maximumf %reduce_sum3A_48, %max3A_50 : vector<64xf32>
    %div3A = arith.divf %reduce_sum3A_46, %max3A_51 : vector<64xf32>
    %broadcast_in_dim3A = vector.shape_cast %div3A : vector<64xf32> to vector<64x1xf32>
    %get3A_52 = arith.constant 0 : index
    %get3A_53 = arith.constant 0 : index
    %get3A_54 = vector.load %arg5[%get3A_52, %get3A_53] : memref<1x1xf32, #tpu.memory_space<vmem>>, vector<1x1xf32>
    %add3A_55 = vector.broadcast %get3A_54 : vector<1x1xf32> to vector<64x1xf32>
    %add3A_56 = arith.addf %broadcast_in_dim3A, %add3A_55 : vector<64x1xf32>
    %swap3A = arith.constant 0 : index
    %swap3A_57 = arith.constant 0 : index
    %swap3A_58 = vector.load %arg6[%swap3A, %swap3A_57] : memref<64x1xf32, #tpu.memory_space<vmem>>, vector<64x1xf32>
    tpu.vector_store %arg6[%swap3A, %swap3A_57], %add3A_56 {strides = array<i32>} : memref<64x1xf32, #tpu.memory_space<vmem>>, vector<64x1xf32>,
    return
  }
}

</mosaic_0001>

<sc_bundles>
// kernel: kernel.12.cloned.1.call-start
scs
__scs_entry_jumppad:
0x0: {  	(pc) =	sbr.rel $0x88, $3  }
0x1: {  	(tag) =	ssettag $0x0;
	lr =	simm.s32 $0x1  }
0x2: {  	[smem:$0x3F98] =	sst lr;
	_ =	strace $0xD0000000  }
0x3: {  	_ = 	snop  }
0x4: {  	_ = 	snop  }
0x5: {  	_ = 	snop  }
0x6: {  	_ = 	snop  }
0x7: {  	_ = 	snop  }
__scs_overlays_trampoline_lowered:
0x8: {  	[smem:$0x3FA7] =	sst s0  }
0x9: {  	[smem:$0x3FA8] =	sst s1  }
0xa: {  	[smem:$0x3FA9] =	sst s2  }
0xb: {  	[smem:$0x3FAA] =	sst s3  }
0xc: {  	[smem:$0x3FAB] =	sst s4  }
0xd: {  	[smem:$0x3FAC] =	sst s5  }
0xe: {  	[smem:$0x3FAD] =	sst s6  }
0xf: {  	[smem:$0x3FAE] =	sst s7  }
0x10: {  	[smem:$0x3FAF] =	sst s8  }
0x11: {  	[smem:$0x3FB0] =	sst s9;
	s0 =	simm.s32 @!p0 $0x0  }
0x12: {  	s1 =	sld [smem:$0x3F96];
	s0 =	simm.s32 @p0 $0x1  }
0x13: {  	[smem:$0x3FB1] =	sst s0;
	s0 =	simm.s32 @!p1 $0x0  }
0x14: {  	s2 =	sld [smem:$0x3F95];
	s0 =	simm.s32 @p1 $0x1  }
0x15: {  	[smem:$0x3FB2] =	sst s0;
	s0 =	simm.s32 @!p2 $0x0  }
0x16: {  	s3 =	sld [smem:$0x3FDB];
	s0 =	simm.s32 @p2 $0x1  }
0x17: {  	s4 =	simm.s32 $0x1BF5;
	[smem:$0x3FB4] =	sst s0  }
0x18: {  	s0 =	sld [smem:$0x3F97];
	_ =	swait.ge [sflag:s4], $0x0  }
0x19: {  	s7 =	sld [smem:$0x3F98]  }
0x1a: {  	s8 =	sadd.s32 $0xFFFFE003, lr  }
0x1b: {  	s9 =	sadd.s32 $0xFFFFFEF7, lr;
	s5 =	simm.s32 $0xFFFFFFFF;
	p2 =	slt.u32 s8, $0xFFFFF086  }
0x1c: {  	p1 =	slt.u32 s9, $0xF7A;
	s5 =	simm.s32 @!p2 $0x0  }
0x1d: {  	s5 =	simm.s32 @p1 $0x1;
	p0 =	seq.s32 s7, s2  }
0x1e: {  	s7 =	smul.u32 @!p0 $0xF7A, s2;
	p2 =	seq.s32 @!p0 s5, $0x0  }
0x1f: {  	s9 =	smul.u32 $0xF7A, s1;
	s8 =	simm.s32 @!p0 $0x1BF5;
	p2 =	por !p2, p0  }
0x20: {  	[sflag:s8] =	ssyncset.s32 @!p0 $0xFFFFF086;
	s6 =	sadd.s32 @!p0 s3, s7;
	s7 =	simm.s32 @!p0 $0x108  }
0x21: {  	s3 =	sadd.s32 s3, s9;
	s6 =	sadd.s32 @!p0 $0x88, s6;
	s7 =	simm.s32 @p2 $0x1082  }
0x22: {  	[simem:s7], [sflag:s8] =	dma.local @!p0 [hbm:s6], $0xF7A  }
0x23: {  	s9 =	sor.u32 $0xD0000000, s2;
	s6 =	simm.s32 $0x108;
	_ =	swait.ge @!p0 [sflag:s8], $0x0  }
0x24: {  	s3 =	sadd.s32 $0x88, s3;
	s6 =	simm.s32 @!p1 $0x1082;
	[sflag:s4] =	ssyncset.s32 $0xFFFFF086  }
0x25: {  	[simem:s6], [sflag:s4] =	dma.local [hbm:s3], $0xF7A  }
0x26: {  	[smem:$0x3F98] =	sst s1;
	(tag) =	ssettag s2;
	_ =	strace s9  }
0x27: {  	s1 =	sld [smem:$0x3FA8]  }
0x28: {  	s2 =	sld [smem:$0x3FA9]  }
0x29: {  	s4 =	sld [smem:$0x3FAB]  }
0x2a: {  	p0 =	seq.s32 s5, $0x0;
	s5 =	sld [smem:$0x3FAC]  }
0x2b: {  	s6 =	sld [smem:$0x3FAD]  }
0x2c: {  	s7 =	sld [smem:$0x3FAE]  }
0x2d: {  	s3 =	simm.s32 $0x108;
	s8 =	sld [smem:$0x3FAF]  }
0x2e: {  	s3 =	simm.s32 @!p0 $0x1082;
	s9 =	sld [smem:$0x3FB0]  }
0x2f: {  	lr =	sadd.s32 s0, s3;
	s0 =	sld [smem:$0x3FA7]  }
0x30: {  	s3 =	sld [smem:$0x3FAA]  }
0x31: {  	[smem:$0x3FB3] =	sst s10  }
0x32: {  	s10 =	sld [smem:$0x3FB1];
	_ =	sdelay $0x3  }
0x33: {  	p0 =	seq.s32 s10, $0x1;
	s10 =	sld [smem:$0x3FB3];
	_ =	sdelay $0x3  }
0x34: {  	[smem:$0x3FB3] =	sst s10  }
0x35: {  	s10 =	sld [smem:$0x3FB2];
	_ =	sdelay $0x3  }
0x36: {  	p1 =	seq.s32 s10, $0x1;
	s10 =	sld [smem:$0x3FB3];
	_ =	sdelay $0x3  }
0x37: {  	[smem:$0x3FB3] =	sst s10  }
0x38: {  	s10 =	sld [smem:$0x3FB4]  }
0x39: {  	_ = 	snop;
	(pc) =	sbr.ind lr, $3  }
0x3a: {  	_ = 	snop  }
0x3b: {  	_ = 	snop  }
0x3c: {  	p2 =	seq.s32 s10, $0x1;
	s10 =	sld [smem:$0x3FB3]  }
0x3d: {  	_ =	shalt  }
0x3e: {  	_ =	shalt  }
0x3f: {  	_ =	shalt  }
0x40: {  	_ =	shalt  }
0x41: {  	_ =	shalt  }
0x42: {  	_ =	shalt  }
0x43: {  	_ =	shalt  }
0x44: {  	_ =	shalt  }
0x45: {  	_ =	shalt  }
0x46: {  	_ =	shalt  }
0x47: {  	_ =	shalt  }
0x48: {  	_ =	shalt  }
0x49: {  	_ =	shalt  }
0x4a: {  	_ =	shalt  }
0x4b: {  	_ =	shalt  }
0x4c: {  	_ =	shalt  }
0x4d: {  	_ =	shalt  }
0x4e: {  	_ =	shalt  }
0x4f: {  	_ =	shalt  }
0x50: {  	_ =	shalt  }
0x51: {  	_ =	shalt  }
0x52: {  	_ =	shalt  }
0x53: {  	_ =	shalt  }
0x54: {  	_ =	shalt  }
0x55: {  	_ =	shalt  }
0x56: {  	_ =	shalt  }
0x57: {  	_ =	shalt  }
0x58: {  	_ =	shalt  }
0x59: {  	_ =	shalt  }
0x5a: {  	_ =	shalt  }
0x5b: {  	_ =	shalt  }
0x5c: {  	_ =	shalt  }
0x5d: {  	_ =	shalt  }
0x5e: {  	_ =	shalt  }
0x5f: {  	_ =	shalt  }
0x60: {  	_ =	shalt  }
0x61: {  	_ =	shalt  }
0x62: {  	_ =	shalt  }
0x63: {  	_ =	shalt  }
0x64: {  	_ =	shalt  }
0x65: {  	_ =	shalt  }
0x66: {  	_ =	shalt  }
0x67: {  	_ =	shalt  }
0x68: {  	_ =	shalt  }
0x69: {  	_ =	shalt  }
0x6a: {  	_ =	shalt  }
0x6b: {  	_ =	shalt  }
0x6c: {  	_ =	shalt  }
0x6d: {  	_ =	shalt  }
0x6e: {  	_ =	shalt  }
0x6f: {  	_ =	shalt  }
0x70: {  	_ =	shalt  }
0x71: {  	_ =	shalt  }
0x72: {  	_ =	shalt  }
0x73: {  	_ =	shalt  }
0x74: {  	_ =	shalt  }
0x75: {  	_ =	shalt  }
0x76: {  	_ =	shalt  }
0x77: {  	_ =	shalt  }
0x78: {  	_ =	shalt  }
0x79: {  	_ =	shalt  }
0x7a: {  	_ =	shalt  }
0x7b: {  	_ =	shalt  }
0x7c: {  	_ =	shalt  }
0x7d: {  	_ =	shalt  }
0x7e: {  	_ =	shalt  }
0x7f: {  	_ =	shalt  }
0x80: {  	_ =	shalt  }
0x81: {  	_ =	shalt  }
0x82: {  	_ =	shalt  }
0x83: {  	_ =	shalt  }
0x84: {  	_ =	shalt  }
0x85: {  	_ =	shalt  }
0x86: {  	_ =	shalt  }
0x87: {  	_ =	shalt  }
.Lfunc_end0:
.L_simem_size_0:
called_computation_lowered:
.L_overlay_start_0:
0x88: {  	s2 =	sld [smem:$0x3FD9]  }
0x89: {  	s3 =	sld [smem:$0x3FFE];
	_ =	sdelay $0x1  }
0x8a: {  	s1 =	srdreg.scid  }
0x8b: {  	s0 =	sand.u32 $0x1, s1  }
0x8c: {  	s16 =	sshll.u32 s0, $0xA;
	s2 =	sadd.s32 s3, s2  }
0x8d: {  	s2 =	sadd.s32 s2, s16  }
0x8e: {  	[smem:$0x3FBF] =	sst s2  }
0x8f: {  	_ = 	snop  }
0x90: {  	(tm) =	ssettm $0x1  }
0x91: {  	s17 =	sld [smem:$0x3FFB];
	_ =	sdelay $0x3  }
0x92: {  	_ =	strace s17  }
0x93: {  	s2 =	sld [smem:$0x3FFC];
	_ =	sdelay $0x3  }
0x94: {  	_ =	strace s2  }
0x95: {  	s2 =	sld [smem:$0x3FFD];
	_ =	sdelay $0x3  }
0x96: {  	_ =	strace s2  }
0x97: {  	_ =	strace $0x8FFFFFFF  }
0x98: {  	s18 =	sld [smem:$0x3FDB];
	_ =	sdelay $0x1  }
0x99: {  	s19 =	simm.s32 $_scs_section_size  }
0x9a: {  	s4 =	simm.s32 $_size__tile_overlayer_lowered;
	s5 =	simm.s32 $_tile_overlayer_lowered  }
0x9b: {  	s22 =	simm.s32 $0x1BFF;
	s21 =	sshll.u32 s5, $0x1;
	s2 =	sadd.s32 s19, s18  }
0x9c: {  	s6 =	simm.s32 $0x0;
	s20 =	sshll.u32 s4, $0x1;
	s4 =	sadd.s32 s21, s2  }
0x9d: {  	[timem:s6], [sflag:s22] =	dma.local [hbm:s4], s20  }
0x9e: {  	_ =	swait.ge [sflag:s22], s20  }
0x9f: {  	s3 =	ssub.s32 $0x0, s20;
	[sflag:s22] =	ssyncset.done $0x0  }
0xa0: {  	[sflag:s22] =	ssyncadd.s32 s3;
	_ =	sdelay $0x1  }
0xa1: {  	s23 =	simm.s32 $0x1B8B  }
0xa2: {  	_ =	swait.ge [sflag:s23], $0x1  }
0xa3: {  	[sflag:s23] =	ssyncset.done $0x0  }
0xa4: {  	s25 =	simm.s32 $0x1B8E;
	s24 =	sld [smem:$0x3FFE];
	[sflag:s23] =	ssyncadd.s32 $0xFFFFFFFF  }
0xa5: {  	s26 =	simm.s32 $execute0_lowered;
	[smem:$0x3FD2] =	sst s25  }
0xa6: {  	s4 =	sshll.u32 s26, $0x1;
	_ =	strace $0x80000046;
	[dreg:$0x1] =	wrdreg $0xFFFFFFFF  }
0xa7: {  	s28 =	simm.s32 $_size_execute0_lowered;
	s2 =	sadd.s32 s2, s4;
	[dreg:$0x0] =	wrdreg $0x0  }
0xa8: {  	s4 =	sshll.u32 s28, $0x1;
	[dreg:$0x2] =	wrdreg s2  }
0xa9: {  	[dreg:$0x3] =	wrdreg s4  }
0xaa: {  	[dreg:$0x4] =	wrdreg $0xC0  }
0xab: {  	_ =	task [dreg:s6], $0x5FFFF  }
0xac: {  	[dreg:$0x1] =	wrdreg $0xFFFFFFFF  }
0xad: {  	[dreg:$0x0] =	wrdreg $0x60  }
0xae: {  	[dreg:$0x2] =	wrdreg s24  }
0xaf: {  	[dreg:$0x3] =	wrdreg $0x30800  }
0xb0: {  	[dreg:$0x4] =	wrdreg $0x9  }
0xb1: {  	_ =	task.clear_ibuf [dreg:s6], $0x5FFFF;
	_ =	strace $0x90000046  }
0xb2: {  	s29 =	simm.s32 $0x9;
	_ =	strace $0x80000048  }
0xb3: {  	_ =	swait.ge [sflag:s29], $0x1  }
0xb4: {  	[sflag:s29] =	ssyncadd.s32 $0xFFFFFFFF  }
0xb5: {  	_ =	strace $0x90000048  }
0xb6: {  	_ =	sfence  }
0xb7: {  	s30 =	sld [smem:$0x0];
	_ =	sdelay $0x2  }
0xb8: {  	s31 =	sshll.u32 s1, $0xD;
	s1 =	sshrl.u32 s1, $0x2  }
0xb9: {  	s3 =	sand.u32 $0x4000, s31;
	s1 =	sadd.s32 s1, s30  }
0xba: {  	s0 =	sor.u32 s3, s0;
	s1 =	sshll.u32 s1, $0x11  }
0xbb: {  	s0 =	sor.u32 s1, s0  }
0xbc: {  	s0 =	sadd.s32 $0x8F2B, s0  }
0xbd: {  	[sflag:s0] =	ssyncadd.remote.s32 $0x1  }
0xbe: {  	_ =	sfence.sel $0xFFFF  }
0xbf: {  	[dreg:$0x0] =	wrdreg $0xFFFFFFFF;
	(pc) =	sbr.abs _section_cstart, $3  }
0xc0: {  	[dreg:$0x1] =	wrdreg $0xFFFFFFFF  }
0xc1: {  	_ =	task.clear_ibuf [dreg:s6], $0x2FFFF;
	_ =	strace $0x9FFFFFFF  }
0xc2: {  	(tm) =	ssettm $0x7FFFFFFF  }
0xc3: {  	_ =	shalt  }
tec
execute0_lowered:
.L_overlay_start_1:
0x0: {  	(tag) =	ssettag $0x1  }
0x1: {  	s6 =	rddreg [dreg:$0x0]  }
0x2: {  	s0 =	srdreg.scid;
	s2 =	rddreg [dreg:$0x1]  }
0x3: {  	s3 =	simm.s32 $0x0;
	s5 =	sand.u32 $0x1, s0;
	s0 =	stileid.u32  }
0x4: {  	s13 =	simm.s32 $0x80;
	s14 =	simm.s32 $0x0;
	s7 =	smul.u32 $0x2800, s0  }
0x5: {  	[smem:$0x7FF] =	sst s3;
	s1 =	sshll.u32 s5, $0x4;
	s8 =	smul.u32 $0x28000, s5  }
0x6: {  	s5 =	ssub.s32 $0x2, s5;
	s31 =	sshll.u32 s0, $0x6;
	s1 =	sor.u32 s0, s1  }
0x7: {  	s11 =	sshrl.u32 s5, $0x1;
	s4 =	smul.u32 $0x510, s1;
	s1 =	rddreg [dreg:$0x2]  }
0x8: {  	_ =	strace $0x80000047;
	s8 =	sadd.s32 s7, s8;
	s10 =	sshrl.u32 s7, $0x3  }
0x9: {  	s11 =	ssub.s32 s5, s11;
	s12 =	sadd.s32 s7, s2;
	s8 =	sshrl.u32 s8, $0x3  }
0xa: {  	s10 =	sadd.s32 s10, s6;
	s9 =	sadd.s32 s4, s6;
	s4 =	sadd.s32 $0x12200, s6  }
0xb: {  	s8 =	sadd.s32 s8, s6;
	s5 =	sadd.s32 $0xD200, s10;
	s6 =	sor.u32 $0x1C01, s31  }
0xc: {  	s10 =	sshrl.u32 s12, $0x3;
	s12 =	simm.s32 $0x2880;
	s7 =	sadd.s32 $0x3000, s9  }
0xd: {  	s8 =	sadd.s32 $0x12400, s8;
	s9 =	smax.u32 s11, $0x1;
	s11 =	simm.s32 $0x1  }
.LBB2_1:
0xe: {  	[spmem:s10], [sflag:s6] =	dma.local [hbm:s5], $0x500  }
0xf: {  	_ =	swait.ge [sflag:s11], $0x500  }
0x10: {  	[sflag:s11] =	ssyncset.done $0x0  }
0x11: {  	[sflag:s11] =	ssyncadd.s32 $0xFFFFFB00  }
0x12: {  	[tilespmem:s12], [sflag:$0x1] =	stream.linear.gather [hbm4b:s4+s3], $0x800, $0x38;
	[tilespmem:$0x5880] =	vst v63  }
0x13: {  	_ =	swait.ge [sflag:s11], $0x800  }
0x14: {  	[sflag:s11] =	ssyncset.done $0x0  }
0x15: {  	[sflag:s11] =	ssyncadd.s32 $0xFFFFF800  }
0x16: {  	[tilespmem:s3], [sflag:$0x1] =	stream.linear.gather [hbm4b:s7+s3], $0x2880, $0x38;
	[tilespmem:$0x5880] =	vst v63  }
0x17: {  	_ =	swait.ge [sflag:s11], $0x2880  }
0x18: {  	[sflag:s11] =	ssyncset.done $0x0  }
0x19: {  	[sflag:s11] =	ssyncadd.s32 $0xFFFFD780  }
0x1a: {  	s15 =	simm.s32 $0x0;
	[bflag:$0x0] =	sbarrier.arrive $0xFFFF  }
0x1b: {  	[spmem:s2] =	stream.indirect.scatter.add.f32 [tilespmem:s12], [sflag:$0x1], $0x10, s15, s13, $0xb8;
	[tilespmem:$0x5880] =	vst v63  }
0x1c: {  	_ =	swait.ge [sflag:s11], $0x800  }
0x1d: {  	s15 =	simm.s32 $0x200;
	[sflag:s11] =	ssyncset.done $0x0  }
.LBB2_2:
0x1e: {  	s16 =	sshra.s32 s15, $0x2;
	[sflag:s11] =	ssyncadd.s32 $0xFFFFF800;
	p0 =	sne.s32 s15, $0xA000  }
0x1f: {  	[spmem:s2] =	stream.indirect.scatter.add.f32 [tilespmem:s12], [sflag:$0x1], $0x10, s16, s13, $0xb8;
	[tilespmem:$0x5880] =	vst v63  }
.Ltmp0:
0x20: {  	_ = 	snop;
	(pc) =	sbr.rel @p0 .LBB2_2-.Ltmp0, $4  }
0x21: {  	_ = 	snop  }
0x22: {  	s15 =	sadd.s32 $0x200, s15  }
0x23: {  	_ =	swait.ge [sflag:s11], $0x800  }
0x24: {  	[sflag:s11] =	ssyncset.done $0x0  }
0x25: {  	s14 =	sadd.s32 $0x1, s14  }
0x26: {  	[sflag:s11] =	ssyncadd.s32 $0xFFFFF800;
	p0 =	sne.s32 s14, s9  }
.Ltmp1:
0x27: {  	[bflag:$0x0] =	sbarrier.arrive $0xFFFF;
	(pc) =	sbr.rel @p0 .LBB2_1-.Ltmp1, $4  }
0x28: {  	[hbm:s8], [sflag:s6] =	dma.local [spmem:s10], $0x500  }
0x29: {  	_ =	swait.ge [sflag:s11], $0x500  }
0x2a: {  	[sflag:s11] =	ssyncset.done $0x0  }
0x2b: {  	[sflag:s11] =	ssyncadd.s32 $0xFFFFFB00  }
0x2c: {  	_ =	sfence.sel $0x180000  }
0x2d: {  	[bflag:$0x0] =	sbarrier.arrive $0xFFFF  }
0x2e: {  	p0 =	sne.s32 s0, $0x0;
	_ =	strace $0x90000047  }
0x2f: {  	s0 =	sadd.s32 @!p0 $0x100000, s1;
	[bflag:$0x2] =	sbarrier.arrive $0xFFFF  }
0x30: {  	[sflag:s0] =	ssyncadd.tile.s32 @!p0 $0x1;
	_ =	shalt  }
.Lfunc_end2:
_tile_overlayer_lowered:
.L_overlay_start_2:
0x31: {  	(tag) =	ssettag $0x2  }
0x32: {  	s0 =	rddreg [dreg:$0x0];
	s2 =	stileid.u32  }
0x33: {  	s1 =	rddreg [dreg:$0x1];
	p0 =	sne.s32 s2, $0x0  }
0x34: {  	s3 =	rddreg [dreg:$0x2];
	[bflag:$0x3] =	sbarrier.arrive $0xFFFF;
	s2 =	simm.s32 @!p0 $0x1C01  }
0x35: {  	[timem:s3], [sflag:s2] =	dma.local @!p0 [hbm:s0], s1  }
0x36: {  	s0 =	simm.s32 @!p0 $0x1  }
0x37: {  	_ =	swait.ge @!p0 [sflag:s0], s1  }
0x38: {  	s1 =	ssub.s32 @!p0 $0x0, s1;
	[sflag:s0] =	ssyncset.done @!p0 $0x0  }
0x39: {  	[sflag:s0] =	ssyncadd.s32 @!p0 s1  }
0x3a: {  	[bflag:$0x3] =	sbarrier.arrive $0xFFFF  }
0x3b: {  	_ =	shalt  }

// kernel: kernel.15.cloned.1.call-start
scs
__scs_entry_jumppad:
0x0: {  	(pc) =	sbr.rel $0x88, $3  }
0x1: {  	(tag) =	ssettag $0x0;
	lr =	simm.s32 $0x1  }
0x2: {  	[smem:$0x3F98] =	sst lr;
	_ =	strace $0xD0000000  }
0x3: {  	_ = 	snop  }
0x4: {  	_ = 	snop  }
0x5: {  	_ = 	snop  }
0x6: {  	_ = 	snop  }
0x7: {  	_ = 	snop  }
__scs_overlays_trampoline_lowered:
0x8: {  	[smem:$0x3FA7] =	sst s0  }
0x9: {  	[smem:$0x3FA8] =	sst s1  }
0xa: {  	[smem:$0x3FA9] =	sst s2  }
0xb: {  	[smem:$0x3FAA] =	sst s3  }
0xc: {  	[smem:$0x3FAB] =	sst s4  }
0xd: {  	[smem:$0x3FAC] =	sst s5  }
0xe: {  	[smem:$0x3FAD] =	sst s6  }
0xf: {  	[smem:$0x3FAE] =	sst s7  }
0x10: {  	[smem:$0x3FAF] =	sst s8  }
0x11: {  	[smem:$0x3FB0] =	sst s9;
	s0 =	simm.s32 @!p0 $0x0  }
0x12: {  	s1 =	sld [smem:$0x3F96];
	s0 =	simm.s32 @p0 $0x1  }
0x13: {  	[smem:$0x3FB1] =	sst s0;
	s0 =	simm.s32 @!p1 $0x0  }
0x14: {  	s2 =	sld [smem:$0x3F95];
	s0 =	simm.s32 @p1 $0x1  }
0x15: {  	[smem:$0x3FB2] =	sst s0;
	s0 =	simm.s32 @!p2 $0x0  }
0x16: {  	s3 =	sld [smem:$0x3FDB];
	s0 =	simm.s32 @p2 $0x1  }
0x17: {  	s4 =	simm.s32 $0x1BF5;
	[smem:$0x3FB4] =	sst s0  }
0x18: {  	s0 =	sld [smem:$0x3F97];
	_ =	swait.ge [sflag:s4], $0x0  }
0x19: {  	s7 =	sld [smem:$0x3F98]  }
0x1a: {  	s8 =	sadd.s32 $0xFFFFE003, lr  }
0x1b: {  	s9 =	sadd.s32 $0xFFFFFEF7, lr;
	s5 =	simm.s32 $0xFFFFFFFF;
	p2 =	slt.u32 s8, $0xFFFFF086  }
0x1c: {  	p1 =	slt.u32 s9, $0xF7A;
	s5 =	simm.s32 @!p2 $0x0  }
0x1d: {  	s5 =	simm.s32 @p1 $0x1;
	p0 =	seq.s32 s7, s2  }
0x1e: {  	s7 =	smul.u32 @!p0 $0xF7A, s2;
	p2 =	seq.s32 @!p0 s5, $0x0  }
0x1f: {  	s9 =	smul.u32 $0xF7A, s1;
	s8 =	simm.s32 @!p0 $0x1BF5;
	p2 =	por !p2, p0  }
0x20: {  	[sflag:s8] =	ssyncset.s32 @!p0 $0xFFFFF086;
	s6 =	sadd.s32 @!p0 s3, s7;
	s7 =	simm.s32 @!p0 $0x108  }
0x21: {  	s3 =	sadd.s32 s3, s9;
	s6 =	sadd.s32 @!p0 $0x88, s6;
	s7 =	simm.s32 @p2 $0x1082  }
0x22: {  	[simem:s7], [sflag:s8] =	dma.local @!p0 [hbm:s6], $0xF7A  }
0x23: {  	s9 =	sor.u32 $0xD0000000, s2;
	s6 =	simm.s32 $0x108;
	_ =	swait.ge @!p0 [sflag:s8], $0x0  }
0x24: {  	s3 =	sadd.s32 $0x88, s3;
	s6 =	simm.s32 @!p1 $0x1082;
	[sflag:s4] =	ssyncset.s32 $0xFFFFF086  }
0x25: {  	[simem:s6], [sflag:s4] =	dma.local [hbm:s3], $0xF7A  }
0x26: {  	[smem:$0x3F98] =	sst s1;
	(tag) =	ssettag s2;
	_ =	strace s9  }
0x27: {  	s1 =	sld [smem:$0x3FA8]  }
0x28: {  	s2 =	sld [smem:$0x3FA9]  }
0x29: {  	s4 =	sld [smem:$0x3FAB]  }
0x2a: {  	p0 =	seq.s32 s5, $0x0;
	s5 =	sld [smem:$0x3FAC]  }
0x2b: {  	s6 =	sld [smem:$0x3FAD]  }
0x2c: {  	s7 =	sld [smem:$0x3FAE]  }
0x2d: {  	s3 =	simm.s32 $0x108;
	s8 =	sld [smem:$0x3FAF]  }
0x2e: {  	s3 =	simm.s32 @!p0 $0x1082;
	s9 =	sld [smem:$0x3FB0]  }
0x2f: {  	lr =	sadd.s32 s0, s3;
	s0 =	sld [smem:$0x3FA7]  }
0x30: {  	s3 =	sld [smem:$0x3FAA]  }
0x31: {  	[smem:$0x3FB3] =	sst s10  }
0x32: {  	s10 =	sld [smem:$0x3FB1];
	_ =	sdelay $0x3  }
0x33: {  	p0 =	seq.s32 s10, $0x1;
	s10 =	sld [smem:$0x3FB3];
	_ =	sdelay $0x3  }
0x34: {  	[smem:$0x3FB3] =	sst s10  }
0x35: {  	s10 =	sld [smem:$0x3FB2];
	_ =	sdelay $0x3  }
0x36: {  	p1 =	seq.s32 s10, $0x1;
	s10 =	sld [smem:$0x3FB3];
	_ =	sdelay $0x3  }
0x37: {  	[smem:$0x3FB3] =	sst s10  }
0x38: {  	s10 =	sld [smem:$0x3FB4]  }
0x39: {  	_ = 	snop;
	(pc) =	sbr.ind lr, $3  }
0x3a: {  	_ = 	snop  }
0x3b: {  	_ = 	snop  }
0x3c: {  	p2 =	seq.s32 s10, $0x1;
	s10 =	sld [smem:$0x3FB3]  }
0x3d: {  	_ =	shalt  }
0x3e: {  	_ =	shalt  }
0x3f: {  	_ =	shalt  }
0x40: {  	_ =	shalt  }
0x41: {  	_ =	shalt  }
0x42: {  	_ =	shalt  }
0x43: {  	_ =	shalt  }
0x44: {  	_ =	shalt  }
0x45: {  	_ =	shalt  }
0x46: {  	_ =	shalt  }
0x47: {  	_ =	shalt  }
0x48: {  	_ =	shalt  }
0x49: {  	_ =	shalt  }
0x4a: {  	_ =	shalt  }
0x4b: {  	_ =	shalt  }
0x4c: {  	_ =	shalt  }
0x4d: {  	_ =	shalt  }
0x4e: {  	_ =	shalt  }
0x4f: {  	_ =	shalt  }
0x50: {  	_ =	shalt  }
0x51: {  	_ =	shalt  }
0x52: {  	_ =	shalt  }
0x53: {  	_ =	shalt  }
0x54: {  	_ =	shalt  }
0x55: {  	_ =	shalt  }
0x56: {  	_ =	shalt  }
0x57: {  	_ =	shalt  }
0x58: {  	_ =	shalt  }
0x59: {  	_ =	shalt  }
0x5a: {  	_ =	shalt  }
0x5b: {  	_ =	shalt  }
0x5c: {  	_ =	shalt  }
0x5d: {  	_ =	shalt  }
0x5e: {  	_ =	shalt  }
0x5f: {  	_ =	shalt  }
0x60: {  	_ =	shalt  }
0x61: {  	_ =	shalt  }
0x62: {  	_ =	shalt  }
0x63: {  	_ =	shalt  }
0x64: {  	_ =	shalt  }
0x65: {  	_ =	shalt  }
0x66: {  	_ =	shalt  }
0x67: {  	_ =	shalt  }
0x68: {  	_ =	shalt  }
0x69: {  	_ =	shalt  }
0x6a: {  	_ =	shalt  }
0x6b: {  	_ =	shalt  }
0x6c: {  	_ =	shalt  }
0x6d: {  	_ =	shalt  }
0x6e: {  	_ =	shalt  }
0x6f: {  	_ =	shalt  }
0x70: {  	_ =	shalt  }
0x71: {  	_ =	shalt  }
0x72: {  	_ =	shalt  }
0x73: {  	_ =	shalt  }
0x74: {  	_ =	shalt  }
0x75: {  	_ =	shalt  }
0x76: {  	_ =	shalt  }
0x77: {  	_ =	shalt  }
0x78: {  	_ =	shalt  }
0x79: {  	_ =	shalt  }
0x7a: {  	_ =	shalt  }
0x7b: {  	_ =	shalt  }
0x7c: {  	_ =	shalt  }
0x7d: {  	_ =	shalt  }
0x7e: {  	_ =	shalt  }
0x7f: {  	_ =	shalt  }
0x80: {  	_ =	shalt  }
0x81: {  	_ =	shalt  }
0x82: {  	_ =	shalt  }
0x83: {  	_ =	shalt  }
0x84: {  	_ =	shalt  }
0x85: {  	_ =	shalt  }
0x86: {  	_ =	shalt  }
0x87: {  	_ =	shalt  }
.Lfunc_end0:
.L_simem_size_0:
called_computation.1_lowered:
.L_overlay_start_0:
0x88: {  	s2 =	sld [smem:$0x3FD9]  }
0x89: {  	s3 =	sld [smem:$0x3FFE];
	_ =	sdelay $0x1  }
0x8a: {  	s1 =	srdreg.scid  }
0x8b: {  	s0 =	sand.u32 $0x1, s1  }
0x8c: {  	s16 =	sshll.u32 s0, $0xA;
	s2 =	sadd.s32 s3, s2  }
0x8d: {  	s2 =	sadd.s32 s2, s16  }
0x8e: {  	[smem:$0x3FBF] =	sst s2  }
0x8f: {  	_ = 	snop  }
0x90: {  	(tm) =	ssettm $0x1  }
0x91: {  	s17 =	sld [smem:$0x3FFB];
	_ =	sdelay $0x3  }
0x92: {  	_ =	strace s17  }
0x93: {  	s2 =	sld [smem:$0x3FFC];
	_ =	sdelay $0x3  }
0x94: {  	_ =	strace s2  }
0x95: {  	s2 =	sld [smem:$0x3FFD];
	_ =	sdelay $0x3  }
0x96: {  	_ =	strace s2  }
0x97: {  	_ =	strace $0x8FFFFFFF  }
0x98: {  	s18 =	sld [smem:$0x3FDB];
	_ =	sdelay $0x1  }
0x99: {  	s19 =	simm.s32 $_scs_section_size  }
0x9a: {  	s4 =	simm.s32 $_size__tile_overlayer_lowered;
	s5 =	simm.s32 $_tile_overlayer_lowered  }
0x9b: {  	s22 =	simm.s32 $0x1BFF;
	s21 =	sshll.u32 s5, $0x1;
	s2 =	sadd.s32 s19, s18  }
0x9c: {  	s6 =	simm.s32 $0x0;
	s20 =	sshll.u32 s4, $0x1;
	s4 =	sadd.s32 s21, s2  }
0x9d: {  	[timem:s6], [sflag:s22] =	dma.local [hbm:s4], s20  }
0x9e: {  	_ =	swait.ge [sflag:s22], s20  }
0x9f: {  	s3 =	ssub.s32 $0x0, s20;
	[sflag:s22] =	ssyncset.done $0x0  }
0xa0: {  	[sflag:s22] =	ssyncadd.s32 s3;
	_ =	sdelay $0x1  }
0xa1: {  	s23 =	simm.s32 $0x1B8B  }
0xa2: {  	_ =	swait.ge [sflag:s23], $0x1  }
0xa3: {  	[sflag:s23] =	ssyncset.done $0x0  }
0xa4: {  	s25 =	simm.s32 $0x1B8E;
	s24 =	sld [smem:$0x3FFE];
	[sflag:s23] =	ssyncadd.s32 $0xFFFFFFFF  }
0xa5: {  	s26 =	simm.s32 $execute0_lowered;
	[smem:$0x3FD2] =	sst s25  }
0xa6: {  	s4 =	sshll.u32 s26, $0x1;
	_ =	strace $0x80000049;
	[dreg:$0x1] =	wrdreg $0xFFFFFFFF  }
0xa7: {  	s28 =	simm.s32 $_size_execute0_lowered;
	s2 =	sadd.s32 s2, s4;
	[dreg:$0x0] =	wrdreg $0x0  }
0xa8: {  	s4 =	sshll.u32 s28, $0x1;
	[dreg:$0x2] =	wrdreg s2  }
0xa9: {  	[dreg:$0x3] =	wrdreg s4  }
0xaa: {  	[dreg:$0x4] =	wrdreg $0xC0  }
0xab: {  	_ =	task [dreg:s6], $0x5FFFF  }
0xac: {  	[dreg:$0x1] =	wrdreg $0xFFFFFFFF  }
0xad: {  	[dreg:$0x0] =	wrdreg $0x60  }
0xae: {  	[dreg:$0x2] =	wrdreg s24  }
0xaf: {  	[dreg:$0x3] =	wrdreg $0xB0000  }
0xb0: {  	[dreg:$0x4] =	wrdreg $0x9  }
0xb1: {  	_ =	task.clear_ibuf [dreg:s6], $0x5FFFF;
	_ =	strace $0x90000049  }
0xb2: {  	s29 =	simm.s32 $0x9;
	_ =	strace $0x8000004B  }
0xb3: {  	_ =	swait.ge [sflag:s29], $0x1  }
0xb4: {  	[sflag:s29] =	ssyncadd.s32 $0xFFFFFFFF  }
0xb5: {  	_ =	strace $0x9000004B  }
0xb6: {  	_ =	sfence  }
0xb7: {  	s30 =	sld [smem:$0x0];
	_ =	sdelay $0x2  }
0xb8: {  	s31 =	sshll.u32 s1, $0xD;
	s1 =	sshrl.u32 s1, $0x2  }
0xb9: {  	s3 =	sand.u32 $0x4000, s31;
	s1 =	sadd.s32 s1, s30  }
0xba: {  	s0 =	sor.u32 s3, s0;
	s1 =	sshll.u32 s1, $0x11  }
0xbb: {  	s0 =	sor.u32 s1, s0  }
0xbc: {  	s0 =	sadd.s32 $0x8F2B, s0  }
0xbd: {  	[sflag:s0] =	ssyncadd.remote.s32 $0x1  }
0xbe: {  	_ =	sfence.sel $0xFFFF  }
0xbf: {  	[dreg:$0x0] =	wrdreg $0xFFFFFFFF;
	(pc) =	sbr.abs _section_cstart, $3  }
0xc0: {  	[dreg:$0x1] =	wrdreg $0xFFFFFFFF  }
0xc1: {  	_ =	task.clear_ibuf [dreg:s6], $0x2FFFF;
	_ =	strace $0x9FFFFFFF  }
0xc2: {  	(tm) =	ssettm $0x7FFFFFFF  }
0xc3: {  	_ =	shalt  }
tec
execute0_lowered:
.L_overlay_start_1:
0x0: {  	(tag) =	ssettag $0x1  }
0x1: {  	s6 =	rddreg [dreg:$0x0]  }
0x2: {  	s2 =	rddreg [dreg:$0x1];
	s1 =	stileid.u32  }
0x3: {  	s0 =	rddreg [dreg:$0x2];
	s4 =	srdreg.scid;
	s3 =	simm.s32 $0x0  }
0x4: {  	s18 =	simm.s32 $0x7000;
	s19 =	simm.s32 $0x9000;
	s7 =	smul.u32 $0x700, s1  }
0x5: {  	s20 =	simm.s32 $0x1;
	s21 =	simm.s32 $0x2;
	s8 =	smul.u32 $0x320, s1  }
0x6: {  	s22 =	simm.s32 $0x0;
	s10 =	smul.u32 $0xA000, s1;
	s14 =	sand.u32 $0x1, s4  }
0x7: {  	[smem:$0x7FF] =	sst s3;
	s4 =	sadd.s32 $0x30800, s6;
	s5 =	sadd.s32 $0x3000, s6  }
0x8: {  	s31 =	sshll.u32 s1, $0x6;
	s9 =	smul.u32 $0xA0000, s14;
	_ =	strace $0x8000004A  }
0x9: {  	s12 =	ssub.s32 $0x2, s14;
	p0 =	sne.s32 s14, $0x0;
	s14 =	sor.u32 $0x1C03, s31  }
0xa: {  	s11 =	sadd.s32 s7, s6;
	s26 =	sadd.s32 s8, s6;
	s29 =	sshrl.u32 s10, $0x3  }
0xb: {  	s30 =	sshrl.u32 s12, $0x1;
	s17 =	sadd.s32 s10, s2;
	s28 =	sadd.s32 s10, s9  }
0xc: {  	s13 =	sadd.s32 s29, s6;
	s16 =	ssub.s32 s12, s30;
	s7 =	sadd.s32 $0x1C400, s26  }
0xd: {  	s9 =	sadd.s32 $0x22800, s11;
	s8 =	sshrl.u32 s28, $0x3;
	s10 =	sadd.s32 $0x44800, s13  }
0xe: {  	s13 =	smax.u32 s16, $0x1;
	s16 =	simm.s32 $0x3;
	s15 =	sadd.s32 s8, s6  }
0xf: {  	s6 =	sadd.s32 $0x1F600, s26;
	s8 =	sadd.s32 $0x29800, s11;
	s11 =	sadd.s32 $0x58800, s15  }
0x10: {  	s12 =	sadd.s32 $0x80800, s15;
	s15 =	sshrl.u32 s17, $0x3;
	s17 =	simm.s32 $0x80  }
.LBB2_1:
0x11: {  	s23 =	simm.s32 @p0 $0x0;
	s24 =	simm.s32 @p0 $0x3  }
0x12: {  	[tilespmem:s23], [sflag:$0x3] =	stream.linear.gather @p0 [hbm4b:s6+s23], $0x1900, $0x38;
	[tilespmem:$0x15000] =	vst v63  }
0x13: {  	_ =	swait.ge @p0 [sflag:s24], $0x1900  }
0x14: {  	[sflag:s24] =	ssyncset.done @p0 $0x0  }
0x15: {  	s25 =	simm.s32 @p0 $0x3800;
	[sflag:s24] =	ssyncadd.s32 @p0 $0xFFFFE700  }
0x16: {  	[tilespmem:s25], [sflag:$0x3] =	stream.linear.gather @p0 [hbm4b:s7+s23], $0x1900, $0x38;
	[tilespmem:$0x15000] =	vst v63  }
0x17: {  	_ =	swait.ge @p0 [sflag:s24], $0x1900  }
0x18: {  	[sflag:s24] =	ssyncset.done @p0 $0x0  }
0x19: {  	s23 =	simm.s32 @!p0 $0x0;
	[sflag:s24] =	ssyncadd.s32 @p0 $0xFFFFE700;
	s24 =	simm.s32 @!p0 $0x3  }
0x1a: {  	[tilespmem:s23], [sflag:$0x3] =	stream.linear.gather @!p0 [hbm4b:s8+s23], $0x3800, $0x38;
	[tilespmem:$0x15000] =	vst v63  }
0x1b: {  	_ =	swait.ge @!p0 [sflag:s24], $0x3800  }
0x1c: {  	s26 =	simm.s32 @!p0 $0x70;
	[sflag:s24] =	ssyncset.done @!p0 $0x0  }
0x1d: {  	s26 =	simm.s32 @p0 $0x32;
	s25 =	simm.s32 @!p0 $0x3800;
	[sflag:s24] =	ssyncadd.s32 @!p0 $0xFFFFC800  }
0x1e: {  	[tilespmem:s25], [sflag:$0x3] =	stream.linear.gather @!p0 [hbm4b:s9+s23], $0x3800, $0x38;
	[tilespmem:$0x15000] =	vst v63  }
0x1f: {  	s30 =	sshrl.u32 s26, $0x1;
	_ =	swait.ge @!p0 [sflag:s24], $0x3800  }
0x20: {  	s31 =	sadd.s32 $0xFFFFFFFF, s30;
	[sflag:s24] =	ssyncset.done @!p0 $0x0  }
0x21: {  	p2 =	sne.s32 s31, $0x1;
	[sflag:s24] =	ssyncadd.s32 @!p0 $0xFFFFC800  }
0x22: {  	[spmem:s15], [sflag:s14] =	dma.local [hbm:s10], $0x1400  }
.Ltmp0:
0x23: {  	p1 =	por $0x0, $0x0;
	_ =	swait.ge [sflag:s16], $0x1400;
	(pc) =	sbr.rel @!p2 .LBB2_5-.Ltmp0, $4  }
0x24: {  	s28 =	simm.s32 $0x100;
	s29 =	simm.s32 $0x3800;
	[sflag:s16] =	ssyncset.done $0x0  }
0x25: {  	p3 =	por $0x0, $0x0;
	s23 =	simm.s32 $0x3800;
	[sflag:s16] =	ssyncadd.s32 $0xFFFFEC00  }
0x26: {  	s25 =	sadd.s32 $0xFFFFFFFF, s31;
	s24 =	simm.s32 $0x100;
	[bflag:$0x0] =	sbarrier.arrive $0xFFFF  }
0x27: {  	[tilespmem:s18], [sflag:$0x1] =	stream.indirect.gather [hbm4b:s4+s17], $0x40, s3, s17, $0xb8;
	[tilespmem:$0x15000] =	vst v63  }
0x28: {  	s28 =	simm.s32 $0x80  }
0x29: {  	[tilespmem:s19], [sflag:$0x2] =	stream.indirect.gather [hbm4b:s4+s17], $0x40, s28, s17, $0xb8;
	[tilespmem:$0x15000] =	vst v63  }
0x2a: {  	_ =	swait.ge [sflag:s20], $0x2000  }
0x2b: {  	[sflag:s20] =	ssyncset.done $0x0  }
0x2c: {  	[sflag:s20] =	ssyncadd.s32 $0xFFFFE000  }
0x2d: {  	[spmem:s2] =	stream.indirect.scatter.add.f32 [tilespmem:s18], [sflag:$0x3], $0x40, s23, s17, $0xb8;
	[tilespmem:$0x15000] =	vst v63  }
0x2e: {  	_ =	swait.ge [sflag:s16], $0x2000  }
0x2f: {  	[sflag:s16] =	ssyncset.done $0x0  }
0x30: {  	[sflag:s16] =	ssyncadd.s32 $0xFFFFE000  }
0x31: {  	[tilespmem:s18], [sflag:$0x1] =	stream.indirect.gather [hbm4b:s4+s17], $0x40, s24, s17, $0xb8;
	[tilespmem:$0x15000] =	vst v63  }
0x32: {  	p4 =	sne.s32 s25, $0x1;
	_ =	swait.ge [sflag:s21], $0x2000  }
.Ltmp1:
0x33: {  	[sflag:s21] =	ssyncset.done $0x0;
	(pc) =	sbr.rel @!p4 .LBB2_3-.Ltmp1, $4  }
0x34: {  	s28 =	simm.s32 $0x3880;
	[sflag:s21] =	ssyncadd.s32 $0xFFFFE000  }
0x35: {  	[spmem:s2] =	stream.indirect.scatter.add.f32 [tilespmem:s19], [sflag:$0x3], $0x40, s28, s17, $0xb8;
	[tilespmem:$0x15000] =	vst v63  }
0x36: {  	s30 =	sadd.s32 $0xFFFFFFFF, s25;
	p3 =	por $0x1, $0x1;
	_ =	swait.ge [sflag:s16], $0x2000  }
0x37: {  	s29 =	simm.s32 $0x3800;
	s28 =	simm.s32 $0x200;
	[sflag:s16] =	ssyncset.done $0x0  }
.LBB2_4:
0x38: {  	s31 =	sadd.s32 $0xFFFFFF80, s28;
	[sflag:s16] =	ssyncadd.s32 $0xFFFFE000;
	s29 =	sadd.s32 $0x100, s29  }
0x39: {  	[tilespmem:s19], [sflag:$0x2] =	stream.indirect.gather [hbm4b:s4+s17], $0x40, s31, s17, $0xb8;
	[tilespmem:$0x15000] =	vst v63  }
0x3a: {  	p4 =	sne.s32 s30, $0x1;
	s30 =	sadd.s32 $0xFFFFFFFF, s30;
	_ =	swait.ge [sflag:s20], $0x2000  }
0x3b: {  	[sflag:s20] =	ssyncset.done $0x0  }
0x3c: {  	[sflag:s20] =	ssyncadd.s32 $0xFFFFE000  }
0x3d: {  	[spmem:s2] =	stream.indirect.scatter.add.f32 [tilespmem:s18], [sflag:$0x3], $0x40, s29, s17, $0xb8;
	[tilespmem:$0x15000] =	vst v63  }
0x3e: {  	_ =	swait.ge [sflag:s16], $0x2000  }
0x3f: {  	[sflag:s16] =	ssyncset.done $0x0  }
0x40: {  	[sflag:s16] =	ssyncadd.s32 $0xFFFFE000  }
0x41: {  	[tilespmem:s18], [sflag:$0x1] =	stream.indirect.gather [hbm4b:s4+s17], $0x40, s28, s17, $0xb8;
	[tilespmem:$0x15000] =	vst v63  }
0x42: {  	_ =	swait.ge [sflag:s21], $0x2000  }
.Ltmp2:
0x43: {  	[sflag:s21] =	ssyncset.done $0x0;
	(pc) =	sbr.rel @p4 .LBB2_4-.Ltmp2, $4  }
0x44: {  	s31 =	sadd.s32 $0x80, s29;
	[sflag:s21] =	ssyncadd.s32 $0xFFFFE000  }
0x45: {  	[spmem:s2] =	stream.indirect.scatter.add.f32 [tilespmem:s19], [sflag:$0x3], $0x40, s31, s17, $0xb8;
	[tilespmem:$0x15000] =	vst v63  }
0x46: {  	_ =	swait.ge [sflag:s16], $0x2000  }
0x47: {  	s28 =	sadd.s32 $0x100, s28;
	[sflag:s16] =	ssyncset.done $0x0  }
.LBB2_5:
0x48: {  	s30 =	sadd.s32 $0xFFFFFF80, s28;
	[sflag:s16] =	ssyncadd.s32 @p3 $0xFFFFE000  }
0x49: {  	[tilespmem:s19], [sflag:$0x2] =	stream.indirect.gather [hbm4b:s4+s17], $0x40, s30, s17, $0xb8;
	[tilespmem:$0x15000] =	vst v63  }
0x4a: {  	_ =	swait.ge [sflag:s20], $0x2000  }
0x4b: {  	s29 =	sadd.s32 @p3 $0x100, s29;
	s30 =	simm.s32 $0x3800;
	[sflag:s20] =	ssyncset.done $0x0  }
0x4c: {  	s30 =	smov.u32 @p3 s29;
	[sflag:s20] =	ssyncadd.s32 $0xFFFFE000  }
0x4d: {  	[spmem:s2] =	stream.indirect.scatter.add.f32 [tilespmem:s18], [sflag:$0x3], $0x40, s30, s17, $0xb8;
	[tilespmem:$0x15000] =	vst v63  }
0x4e: {  	_ =	swait.ge [sflag:s16], $0x2000  }
0x4f: {  	[sflag:s16] =	ssyncset.done $0x0  }
0x50: {  	[sflag:s16] =	ssyncadd.s32 $0xFFFFE000  }
0x51: {  	[tilespmem:s18], [sflag:$0x1] =	stream.indirect.gather [hbm4b:s4+s17], $0x40, s28, s17, $0xb8;
	[tilespmem:$0x15000] =	vst v63  }
0x52: {  	_ =	swait.ge [sflag:s21], $0x2000  }
0x53: {  	[sflag:s21] =	ssyncset.done $0x0  }
0x54: {  	s28 =	sadd.s32 $0x80, s30;
	[sflag:s21] =	ssyncadd.s32 $0xFFFFE000  }
0x55: {  	[spmem:s2] =	stream.indirect.scatter.add.f32 [tilespmem:s19], [sflag:$0x3], $0x40, s28, s17, $0xb8;
	[tilespmem:$0x15000] =	vst v63  }
0x56: {  	_ =	swait.ge [sflag:s16], $0x2000  }
0x57: {  	s29 =	sshll.u32 s26, $0x7;
	[sflag:s16] =	ssyncset.done $0x0  }
0x58: {  	s26 =	sadd.s32 $0xFFFFFF80, s29;
	[sflag:s16] =	ssyncadd.s32 $0xFFFFE000  }
0x59: {  	[tilespmem:s19], [sflag:$0x2] =	stream.indirect.gather [hbm4b:s4+s17], $0x40, s26, s17, $0xb8;
	[tilespmem:$0x15000] =	vst v63  }
0x5a: {  	_ =	swait.ge [sflag:s20], $0x2000  }
0x5b: {  	[sflag:s20] =	ssyncset.done $0x0  }
0x5c: {  	s28 =	sadd.s32 $0x3700, s29;
	[sflag:s20] =	ssyncadd.s32 $0xFFFFE000  }
0x5d: {  	[spmem:s2] =	stream.indirect.scatter.add.f32 [tilespmem:s18], [sflag:$0x3], $0x40, s28, s17, $0xb8;
	[tilespmem:$0x15000] =	vst v63  }
0x5e: {  	_ =	swait.ge [sflag:s16], $0x2000  }
0x5f: {  	[sflag:s16] =	ssyncset.done $0x0  }
0x60: {  	[sflag:s16] =	ssyncadd.s32 $0xFFFFE000  }
0x61: {  	_ =	swait.ge [sflag:s21], $0x2000  }
0x62: {  	[sflag:s21] =	ssyncset.done $0x0  }
0x63: {  	s29 =	sadd.s32 $0x3780, s29;
	[sflag:s21] =	ssyncadd.s32 $0xFFFFE000  }
0x64: {  	[spmem:s2] =	stream.indirect.scatter.add.f32 [tilespmem:s19], [sflag:$0x3], $0x40, s29, s17, $0xb8;
	[tilespmem:$0x15000] =	vst v63  }
0x65: {  	_ =	swait.ge [sflag:s16], $0x2000  }
0x66: {  	[sflag:s16] =	ssyncset.done $0x0  }
0x67: {  	[sflag:s16] =	ssyncadd.s32 $0xFFFFE000  }
0x68: {  	[bflag:$0x0] =	sbarrier.arrive $0xFFFF  }
0x69: {  	[hbm:s11], [sflag:s14] =	dma.local [spmem:s15], $0x1400  }
0x6a: {  	_ =	swait.ge [sflag:s16], $0x1400  }
0x6b: {  	[sflag:s16] =	ssyncset.done $0x0  }
0x6c: {  	[sflag:s16] =	ssyncadd.s32 $0xFFFFEC00  }
0x6d: {  	[spmem:s15], [sflag:s14] =	dma.local [hbm:s10], $0x1400  }
.Ltmp3:
0x6e: {  	_ =	swait.ge [sflag:s16], $0x1400;
	(pc) =	sbr.rel @!p2 .LBB2_6-.Ltmp3, $4  }
0x6f: {  	[sflag:s16] =	ssyncset.done $0x0  }
0x70: {  	[sflag:s16] =	ssyncadd.s32 $0xFFFFEC00  }
0x71: {  	[bflag:$0x0] =	sbarrier.arrive $0xFFFF  }
0x72: {  	[tilespmem:s18], [sflag:$0x1] =	stream.indirect.gather [hbm4b:s5+s17], $0x40, s3, s17, $0xb8;
	[tilespmem:$0x15000] =	vst v63  }
0x73: {  	s30 =	simm.s32 $0x80  }
0x74: {  	[tilespmem:s19], [sflag:$0x2] =	stream.indirect.gather [hbm4b:s5+s17], $0x40, s30, s17, $0xb8;
	[tilespmem:$0x15000] =	vst v63  }
0x75: {  	_ =	swait.ge [sflag:s20], $0x2000  }
0x76: {  	[sflag:s20] =	ssyncset.done $0x0  }
0x77: {  	[sflag:s20] =	ssyncadd.s32 $0xFFFFE000  }
0x78: {  	[spmem:s2] =	stream.indirect.scatter.add.f32 [tilespmem:s18], [sflag:$0x3], $0x40, s23, s17, $0xb8;
	[tilespmem:$0x15000] =	vst v63  }
0x79: {  	_ =	swait.ge [sflag:s16], $0x2000  }
0x7a: {  	[sflag:s16] =	ssyncset.done $0x0  }
0x7b: {  	[sflag:s16] =	ssyncadd.s32 $0xFFFFE000  }
0x7c: {  	[tilespmem:s18], [sflag:$0x1] =	stream.indirect.gather [hbm4b:s5+s17], $0x40, s24, s17, $0xb8;
	[tilespmem:$0x15000] =	vst v63  }
0x7d: {  	p2 =	sne.s32 s25, $0x1;
	_ =	swait.ge [sflag:s21], $0x2000  }
.Ltmp4:
0x7e: {  	[sflag:s21] =	ssyncset.done $0x0;
	(pc) =	sbr.rel @!p2 .LBB2_8-.Ltmp4, $4  }
0x7f: {  	s31 =	simm.s32 $0x3880;
	[sflag:s21] =	ssyncadd.s32 $0xFFFFE000  }
0x80: {  	[spmem:s2] =	stream.indirect.scatter.add.f32 [tilespmem:s19], [sflag:$0x3], $0x40, s31, s17, $0xb8;
	[tilespmem:$0x15000] =	vst v63  }
0x81: {  	p1 =	por $0x1, $0x1;
	s30 =	sadd.s32 $0xFFFFFFFF, s25;
	_ =	swait.ge [sflag:s16], $0x2000  }
0x82: {  	s25 =	simm.s32 $0x3800;
	s24 =	simm.s32 $0x200;
	[sflag:s16] =	ssyncset.done $0x0  }
.LBB2_9:
0x83: {  	s31 =	sadd.s32 $0xFFFFFF80, s24;
	[sflag:s16] =	ssyncadd.s32 $0xFFFFE000;
	s25 =	sadd.s32 $0x100, s25  }
0x84: {  	[tilespmem:s19], [sflag:$0x2] =	stream.indirect.gather [hbm4b:s5+s17], $0x40, s31, s17, $0xb8;
	[tilespmem:$0x15000] =	vst v63  }
0x85: {  	p2 =	sne.s32 s30, $0x1;
	s30 =	sadd.s32 $0xFFFFFFFF, s30;
	_ =	swait.ge [sflag:s20], $0x2000  }
0x86: {  	[sflag:s20] =	ssyncset.done $0x0  }
0x87: {  	[sflag:s20] =	ssyncadd.s32 $0xFFFFE000  }
0x88: {  	[spmem:s2] =	stream.indirect.scatter.add.f32 [tilespmem:s18], [sflag:$0x3], $0x40, s25, s17, $0xb8;
	[tilespmem:$0x15000] =	vst v63  }
0x89: {  	_ =	swait.ge [sflag:s16], $0x2000  }
0x8a: {  	[sflag:s16] =	ssyncset.done $0x0  }
0x8b: {  	[sflag:s16] =	ssyncadd.s32 $0xFFFFE000  }
0x8c: {  	[tilespmem:s18], [sflag:$0x1] =	stream.indirect.gather [hbm4b:s5+s17], $0x40, s24, s17, $0xb8;
	[tilespmem:$0x15000] =	vst v63  }
0x8d: {  	_ =	swait.ge [sflag:s21], $0x2000  }
.Ltmp5:
0x8e: {  	[sflag:s21] =	ssyncset.done $0x0;
	(pc) =	sbr.rel @p2 .LBB2_9-.Ltmp5, $4  }
0x8f: {  	s31 =	sadd.s32 $0x80, s25;
	[sflag:s21] =	ssyncadd.s32 $0xFFFFE000  }
0x90: {  	[spmem:s2] =	stream.indirect.scatter.add.f32 [tilespmem:s19], [sflag:$0x3], $0x40, s31, s17, $0xb8;
	[tilespmem:$0x15000] =	vst v63  }
0x91: {  	_ =	swait.ge [sflag:s16], $0x2000  }
0x92: {  	s24 =	sadd.s32 $0x100, s24;
	[sflag:s16] =	ssyncset.done $0x0  }
.LBB2_10:
0x93: {  	s30 =	sadd.s32 $0xFFFFFF80, s24;
	[sflag:s16] =	ssyncadd.s32 @p1 $0xFFFFE000  }
0x94: {  	[tilespmem:s19], [sflag:$0x2] =	stream.indirect.gather [hbm4b:s5+s17], $0x40, s30, s17, $0xb8;
	[tilespmem:$0x15000] =	vst v63  }
0x95: {  	_ =	swait.ge [sflag:s20], $0x2000  }
0x96: {  	s25 =	sadd.s32 @p1 $0x100, s25;
	[sflag:s20] =	ssyncset.done $0x0  }
0x97: {  	s23 =	smov.u32 @p1 s25;
	[sflag:s20] =	ssyncadd.s32 $0xFFFFE000  }
0x98: {  	[spmem:s2] =	stream.indirect.scatter.add.f32 [tilespmem:s18], [sflag:$0x3], $0x40, s23, s17, $0xb8;
	[tilespmem:$0x15000] =	vst v63  }
0x99: {  	_ =	swait.ge [sflag:s16], $0x2000  }
0x9a: {  	[sflag:s16] =	ssyncset.done $0x0  }
0x9b: {  	[sflag:s16] =	ssyncadd.s32 $0xFFFFE000  }
0x9c: {  	[tilespmem:s18], [sflag:$0x1] =	stream.indirect.gather [hbm4b:s5+s17], $0x40, s24, s17, $0xb8;
	[tilespmem:$0x15000] =	vst v63  }
0x9d: {  	_ =	swait.ge [sflag:s21], $0x2000  }
0x9e: {  	[sflag:s21] =	ssyncset.done $0x0  }
0x9f: {  	s23 =	sadd.s32 $0x80, s23;
	[sflag:s21] =	ssyncadd.s32 $0xFFFFE000  }
0xa0: {  	[spmem:s2] =	stream.indirect.scatter.add.f32 [tilespmem:s19], [sflag:$0x3], $0x40, s23, s17, $0xb8;
	[tilespmem:$0x15000] =	vst v63  }
0xa1: {  	_ =	swait.ge [sflag:s16], $0x2000  }
0xa2: {  	[sflag:s16] =	ssyncset.done $0x0  }
0xa3: {  	[sflag:s16] =	ssyncadd.s32 $0xFFFFE000  }
0xa4: {  	[tilespmem:s19], [sflag:$0x2] =	stream.indirect.gather [hbm4b:s5+s17], $0x40, s26, s17, $0xb8;
	[tilespmem:$0x15000] =	vst v63  }
0xa5: {  	_ =	swait.ge [sflag:s20], $0x2000  }
0xa6: {  	[sflag:s20] =	ssyncset.done $0x0  }
0xa7: {  	[sflag:s20] =	ssyncadd.s32 $0xFFFFE000  }
0xa8: {  	[spmem:s2] =	stream.indirect.scatter.add.f32 [tilespmem:s18], [sflag:$0x3], $0x40, s28, s17, $0xb8;
	[tilespmem:$0x15000] =	vst v63  }
0xa9: {  	_ =	swait.ge [sflag:s16], $0x2000  }
0xaa: {  	[sflag:s16] =	ssyncset.done $0x0  }
0xab: {  	[sflag:s16] =	ssyncadd.s32 $0xFFFFE000  }
0xac: {  	_ =	swait.ge [sflag:s21], $0x2000  }
0xad: {  	[sflag:s21] =	ssyncset.done $0x0  }
0xae: {  	[sflag:s21] =	ssyncadd.s32 $0xFFFFE000  }
0xaf: {  	[spmem:s2] =	stream.indirect.scatter.add.f32 [tilespmem:s19], [sflag:$0x3], $0x40, s29, s17, $0xb8;
	[tilespmem:$0x15000] =	vst v63  }
0xb0: {  	_ =	swait.ge [sflag:s16], $0x2000  }
0xb1: {  	[sflag:s16] =	ssyncset.done $0x0  }
0xb2: {  	s22 =	sadd.s32 $0x1, s22;
	[sflag:s16] =	ssyncadd.s32 $0xFFFFE000  }
0xb3: {  	p1 =	sne.s32 s22, s13;
	[bflag:$0x0] =	sbarrier.arrive $0xFFFF  }
0xb4: {  	[hbm:s12], [sflag:s14] =	dma.local [spmem:s15], $0x1400  }
.Ltmp6:
0xb5: {  	_ = 	snop;
	(pc) =	sbr.rel @p1 .LBB2_1-.Ltmp6, $4  }
.Ltmp7:
0xb6: {  	_ = 	snop;
	(pc) =	sbr.rel @!p1 .LBB2_11-.Ltmp7, $4  }
0xb7: {  	_ =	swait.ge [sflag:s16], $0x1400  }
0xb8: {  	[sflag:s16] =	ssyncset.done $0x0  }
0xb9: {  	[sflag:s16] =	ssyncadd.s32 $0xFFFFEC00  }
0xba: {  	_ = 	snop  }
.LBB2_6:
.Ltmp8:
0xbb: {  	(pc) =	sbr.rel .LBB2_10-.Ltmp8, $2  }
0xbc: {  	_ =	sdelay $0x2  }
0xbd: {  	s25 =	simm.s32 $0x3800  }
.LBB2_3:
.Ltmp9:
0xbe: {  	(pc) =	sbr.rel .LBB2_5-.Ltmp9, $2  }
0xbf: {  	_ =	sdelay $0x2  }
0xc0: {  	s29 =	simm.s32 $0x3800  }
.LBB2_8:
.Ltmp10:
0xc1: {  	(pc) =	sbr.rel .LBB2_10-.Ltmp10, $2  }
0xc2: {  	_ =	sdelay $0x2  }
0xc3: {  	s25 =	simm.s32 $0x3800  }
.LBB2_11:
0xc4: {  	_ =	sfence.sel $0x180000  }
0xc5: {  	[bflag:$0x0] =	sbarrier.arrive $0xFFFF  }
0xc6: {  	p0 =	sne.s32 s1, $0x0;
	_ =	strace $0x9000004A  }
0xc7: {  	s0 =	sadd.s32 @!p0 $0x100000, s0;
	[bflag:$0x2] =	sbarrier.arrive $0xFFFF  }
0xc8: {  	[sflag:s0] =	ssyncadd.tile.s32 @!p0 $0x1;
	_ =	shalt  }
.Lfunc_end2:
_tile_overlayer_lowered:
.L_overlay_start_2:
0xc9: {  	(tag) =	ssettag $0x2  }
0xca: {  	s0 =	rddreg [dreg:$0x0];
	s2 =	stileid.u32  }
0xcb: {  	s1 =	rddreg [dreg:$0x1];
	p0 =	sne.s32 s2, $0x0  }
0xcc: {  	s3 =	rddreg [dreg:$0x2];
	[bflag:$0x3] =	sbarrier.arrive $0xFFFF;
	s2 =	simm.s32 @!p0 $0x1C03  }
0xcd: {  	[timem:s3], [sflag:s2] =	dma.local @!p0 [hbm:s0], s1  }
0xce: {  	s0 =	simm.s32 @!p0 $0x3  }
0xcf: {  	_ =	swait.ge @!p0 [sflag:s0], s1  }
0xd0: {  	s1 =	ssub.s32 @!p0 $0x0, s1;
	[sflag:s0] =	ssyncset.done @!p0 $0x0  }
0xd1: {  	[sflag:s0] =	ssyncadd.s32 @!p0 s1  }
0xd2: {  	[bflag:$0x3] =	sbarrier.arrive $0xFFFF  }
0xd3: {  	_ =	shalt  }

// kernel: kernel.18.cloned.1.call-start
scs
__scs_entry_jumppad:
0x0: {  	(pc) =	sbr.rel $0x88, $3  }
0x1: {  	(tag) =	ssettag $0x0;
	lr =	simm.s32 $0x1  }
0x2: {  	[smem:$0x3F98] =	sst lr;
	_ =	strace $0xD0000000  }
0x3: {  	_ = 	snop  }
0x4: {  	_ = 	snop  }
0x5: {  	_ = 	snop  }
0x6: {  	_ = 	snop  }
0x7: {  	_ = 	snop  }
__scs_overlays_trampoline_lowered:
0x8: {  	[smem:$0x3FA7] =	sst s0  }
0x9: {  	[smem:$0x3FA8] =	sst s1  }
0xa: {  	[smem:$0x3FA9] =	sst s2  }
0xb: {  	[smem:$0x3FAA] =	sst s3  }
0xc: {  	[smem:$0x3FAB] =	sst s4  }
0xd: {  	[smem:$0x3FAC] =	sst s5  }
0xe: {  	[smem:$0x3FAD] =	sst s6  }
0xf: {  	[smem:$0x3FAE] =	sst s7  }
0x10: {  	[smem:$0x3FAF] =	sst s8  }
0x11: {  	[smem:$0x3FB0] =	sst s9;
	s0 =	simm.s32 @!p0 $0x0  }
0x12: {  	s1 =	sld [smem:$0x3F96];
	s0 =	simm.s32 @p0 $0x1  }
0x13: {  	[smem:$0x3FB1] =	sst s0;
	s0 =	simm.s32 @!p1 $0x0  }
0x14: {  	s2 =	sld [smem:$0x3F95];
	s0 =	simm.s32 @p1 $0x1  }
0x15: {  	[smem:$0x3FB2] =	sst s0;
	s0 =	simm.s32 @!p2 $0x0  }
0x16: {  	s3 =	sld [smem:$0x3FDB];
	s0 =	simm.s32 @p2 $0x1  }
0x17: {  	s4 =	simm.s32 $0x1BF5;
	[smem:$0x3FB4] =	sst s0  }
0x18: {  	s0 =	sld [smem:$0x3F97];
	_ =	swait.ge [sflag:s4], $0x0  }
0x19: {  	s7 =	sld [smem:$0x3F98]  }
0x1a: {  	s8 =	sadd.s32 $0xFFFFE003, lr  }
0x1b: {  	s9 =	sadd.s32 $0xFFFFFEF7, lr;
	s5 =	simm.s32 $0xFFFFFFFF;
	p2 =	slt.u32 s8, $0xFFFFF086  }
0x1c: {  	p1 =	slt.u32 s9, $0xF7A;
	s5 =	simm.s32 @!p2 $0x0  }
0x1d: {  	s5 =	simm.s32 @p1 $0x1;
	p0 =	seq.s32 s7, s2  }
0x1e: {  	s7 =	smul.u32 @!p0 $0xF7A, s2;
	p2 =	seq.s32 @!p0 s5, $0x0  }
0x1f: {  	s9 =	smul.u32 $0xF7A, s1;
	s8 =	simm.s32 @!p0 $0x1BF5;
	p2 =	por !p2, p0  }
0x20: {  	[sflag:s8] =	ssyncset.s32 @!p0 $0xFFFFF086;
	s6 =	sadd.s32 @!p0 s3, s7;
	s7 =	simm.s32 @!p0 $0x108  }
0x21: {  	s3 =	sadd.s32 s3, s9;
	s6 =	sadd.s32 @!p0 $0x88, s6;
	s7 =	simm.s32 @p2 $0x1082  }
0x22: {  	[simem:s7], [sflag:s8] =	dma.local @!p0 [hbm:s6], $0xF7A  }
0x23: {  	s9 =	sor.u32 $0xD0000000, s2;
	s6 =	simm.s32 $0x108;
	_ =	swait.ge @!p0 [sflag:s8], $0x0  }
0x24: {  	s3 =	sadd.s32 $0x88, s3;
	s6 =	simm.s32 @!p1 $0x1082;
	[sflag:s4] =	ssyncset.s32 $0xFFFFF086  }
0x25: {  	[simem:s6], [sflag:s4] =	dma.local [hbm:s3], $0xF7A  }
0x26: {  	[smem:$0x3F98] =	sst s1;
	(tag) =	ssettag s2;
	_ =	strace s9  }
0x27: {  	s1 =	sld [smem:$0x3FA8]  }
0x28: {  	s2 =	sld [smem:$0x3FA9]  }
0x29: {  	s4 =	sld [smem:$0x3FAB]  }
0x2a: {  	p0 =	seq.s32 s5, $0x0;
	s5 =	sld [smem:$0x3FAC]  }
0x2b: {  	s6 =	sld [smem:$0x3FAD]  }
0x2c: {  	s7 =	sld [smem:$0x3FAE]  }
0x2d: {  	s3 =	simm.s32 $0x108;
	s8 =	sld [smem:$0x3FAF]  }
0x2e: {  	s3 =	simm.s32 @!p0 $0x1082;
	s9 =	sld [smem:$0x3FB0]  }
0x2f: {  	lr =	sadd.s32 s0, s3;
	s0 =	sld [smem:$0x3FA7]  }
0x30: {  	s3 =	sld [smem:$0x3FAA]  }
0x31: {  	[smem:$0x3FB3] =	sst s10  }
0x32: {  	s10 =	sld [smem:$0x3FB1];
	_ =	sdelay $0x3  }
0x33: {  	p0 =	seq.s32 s10, $0x1;
	s10 =	sld [smem:$0x3FB3];
	_ =	sdelay $0x3  }
0x34: {  	[smem:$0x3FB3] =	sst s10  }
0x35: {  	s10 =	sld [smem:$0x3FB2];
	_ =	sdelay $0x3  }
0x36: {  	p1 =	seq.s32 s10, $0x1;
	s10 =	sld [smem:$0x3FB3];
	_ =	sdelay $0x3  }
0x37: {  	[smem:$0x3FB3] =	sst s10  }
0x38: {  	s10 =	sld [smem:$0x3FB4]  }
0x39: {  	_ = 	snop;
	(pc) =	sbr.ind lr, $3  }
0x3a: {  	_ = 	snop  }
0x3b: {  	_ = 	snop  }
0x3c: {  	p2 =	seq.s32 s10, $0x1;
	s10 =	sld [smem:$0x3FB3]  }
0x3d: {  	_ =	shalt  }
0x3e: {  	_ =	shalt  }
0x3f: {  	_ =	shalt  }
0x40: {  	_ =	shalt  }
0x41: {  	_ =	shalt  }
0x42: {  	_ =	shalt  }
0x43: {  	_ =	shalt  }
0x44: {  	_ =	shalt  }
0x45: {  	_ =	shalt  }
0x46: {  	_ =	shalt  }
0x47: {  	_ =	shalt  }
0x48: {  	_ =	shalt  }
0x49: {  	_ =	shalt  }
0x4a: {  	_ =	shalt  }
0x4b: {  	_ =	shalt  }
0x4c: {  	_ =	shalt  }
0x4d: {  	_ =	shalt  }
0x4e: {  	_ =	shalt  }
0x4f: {  	_ =	shalt  }
0x50: {  	_ =	shalt  }
0x51: {  	_ =	shalt  }
0x52: {  	_ =	shalt  }
0x53: {  	_ =	shalt  }
0x54: {  	_ =	shalt  }
0x55: {  	_ =	shalt  }
0x56: {  	_ =	shalt  }
0x57: {  	_ =	shalt  }
0x58: {  	_ =	shalt  }
0x59: {  	_ =	shalt  }
0x5a: {  	_ =	shalt  }
0x5b: {  	_ =	shalt  }
0x5c: {  	_ =	shalt  }
0x5d: {  	_ =	shalt  }
0x5e: {  	_ =	shalt  }
0x5f: {  	_ =	shalt  }
0x60: {  	_ =	shalt  }
0x61: {  	_ =	shalt  }
0x62: {  	_ =	shalt  }
0x63: {  	_ =	shalt  }
0x64: {  	_ =	shalt  }
0x65: {  	_ =	shalt  }
0x66: {  	_ =	shalt  }
0x67: {  	_ =	shalt  }
0x68: {  	_ =	shalt  }
0x69: {  	_ =	shalt  }
0x6a: {  	_ =	shalt  }
0x6b: {  	_ =	shalt  }
0x6c: {  	_ =	shalt  }
0x6d: {  	_ =	shalt  }
0x6e: {  	_ =	shalt  }
0x6f: {  	_ =	shalt  }
0x70: {  	_ =	shalt  }
0x71: {  	_ =	shalt  }
0x72: {  	_ =	shalt  }
0x73: {  	_ =	shalt  }
0x74: {  	_ =	shalt  }
0x75: {  	_ =	shalt  }
0x76: {  	_ =	shalt  }
0x77: {  	_ =	shalt  }
0x78: {  	_ =	shalt  }
0x79: {  	_ =	shalt  }
0x7a: {  	_ =	shalt  }
0x7b: {  	_ =	shalt  }
0x7c: {  	_ =	shalt  }
0x7d: {  	_ =	shalt  }
0x7e: {  	_ =	shalt  }
0x7f: {  	_ =	shalt  }
0x80: {  	_ =	shalt  }
0x81: {  	_ =	shalt  }
0x82: {  	_ =	shalt  }
0x83: {  	_ =	shalt  }
0x84: {  	_ =	shalt  }
0x85: {  	_ =	shalt  }
0x86: {  	_ =	shalt  }
0x87: {  	_ =	shalt  }
.Lfunc_end0:
.L_simem_size_0:
called_computation.2_lowered:
.L_overlay_start_0:
0x88: {  	s2 =	sld [smem:$0x3FD9]  }
0x89: {  	s3 =	sld [smem:$0x3FFE];
	_ =	sdelay $0x1  }
0x8a: {  	s1 =	srdreg.scid  }
0x8b: {  	s0 =	sand.u32 $0x1, s1  }
0x8c: {  	s16 =	sshll.u32 s0, $0xA;
	s2 =	sadd.s32 s3, s2  }
0x8d: {  	s2 =	sadd.s32 s2, s16  }
0x8e: {  	[smem:$0x3FBF] =	sst s2  }
0x8f: {  	_ = 	snop  }
0x90: {  	(tm) =	ssettm $0x1  }
0x91: {  	s17 =	sld [smem:$0x3FFB];
	_ =	sdelay $0x3  }
0x92: {  	_ =	strace s17  }
0x93: {  	s2 =	sld [smem:$0x3FFC];
	_ =	sdelay $0x3  }
0x94: {  	_ =	strace s2  }
0x95: {  	s2 =	sld [smem:$0x3FFD];
	_ =	sdelay $0x3  }
0x96: {  	_ =	strace s2  }
0x97: {  	_ =	strace $0x8FFFFFFF  }
0x98: {  	s18 =	sld [smem:$0x3FDB];
	_ =	sdelay $0x1  }
0x99: {  	s19 =	simm.s32 $_scs_section_size  }
0x9a: {  	s4 =	simm.s32 $_size__tile_overlayer_lowered;
	s5 =	simm.s32 $_tile_overlayer_lowered  }
0x9b: {  	s22 =	simm.s32 $0x1BFF;
	s21 =	sshll.u32 s5, $0x1;
	s2 =	sadd.s32 s19, s18  }
0x9c: {  	s6 =	simm.s32 $0x0;
	s20 =	sshll.u32 s4, $0x1;
	s4 =	sadd.s32 s21, s2  }
0x9d: {  	[timem:s6], [sflag:s22] =	dma.local [hbm:s4], s20  }
0x9e: {  	_ =	swait.ge [sflag:s22], s20  }
0x9f: {  	s3 =	ssub.s32 $0x0, s20;
	[sflag:s22] =	ssyncset.done $0x0  }
0xa0: {  	[sflag:s22] =	ssyncadd.s32 s3;
	_ =	sdelay $0x1  }
0xa1: {  	s23 =	simm.s32 $0x1B8B  }
0xa2: {  	_ =	swait.ge [sflag:s23], $0x1  }
0xa3: {  	[sflag:s23] =	ssyncset.done $0x0  }
0xa4: {  	s25 =	simm.s32 $0x1B8E;
	s24 =	sld [smem:$0x3FFE];
	[sflag:s23] =	ssyncadd.s32 $0xFFFFFFFF  }
0xa5: {  	s26 =	simm.s32 $execute0_lowered;
	[smem:$0x3FD2] =	sst s25  }
0xa6: {  	s4 =	sshll.u32 s26, $0x1;
	_ =	strace $0x8000004C;
	[dreg:$0x1] =	wrdreg $0xFFFFFFFF  }
0xa7: {  	s28 =	simm.s32 $_size_execute0_lowered;
	s2 =	sadd.s32 s2, s4;
	[dreg:$0x0] =	wrdreg $0x0  }
0xa8: {  	s4 =	sshll.u32 s28, $0x1;
	[dreg:$0x2] =	wrdreg s2  }
0xa9: {  	[dreg:$0x3] =	wrdreg s4  }
0xaa: {  	[dreg:$0x4] =	wrdreg $0xC0  }
0xab: {  	_ =	task [dreg:s6], $0x5FFFF  }
0xac: {  	[dreg:$0x1] =	wrdreg $0xFFFFFFFF  }
0xad: {  	[dreg:$0x0] =	wrdreg $0x60  }
0xae: {  	[dreg:$0x2] =	wrdreg s24  }
0xaf: {  	[dreg:$0x3] =	wrdreg $0xB0000  }
0xb0: {  	[dreg:$0x4] =	wrdreg $0x9  }
0xb1: {  	_ =	task.clear_ibuf [dreg:s6], $0x5FFFF;
	_ =	strace $0x9000004C  }
0xb2: {  	s29 =	simm.s32 $0x9;
	_ =	strace $0x8000004E  }
0xb3: {  	_ =	swait.ge [sflag:s29], $0x1  }
0xb4: {  	[sflag:s29] =	ssyncadd.s32 $0xFFFFFFFF  }
0xb5: {  	_ =	strace $0x9000004E  }
0xb6: {  	_ =	sfence  }
0xb7: {  	s30 =	sld [smem:$0x0];
	_ =	sdelay $0x2  }
0xb8: {  	s31 =	sshll.u32 s1, $0xD;
	s1 =	sshrl.u32 s1, $0x2  }
0xb9: {  	s3 =	sand.u32 $0x4000, s31;
	s1 =	sadd.s32 s1, s30  }
0xba: {  	s0 =	sor.u32 s3, s0;
	s1 =	sshll.u32 s1, $0x11  }
0xbb: {  	s0 =	sor.u32 s1, s0  }
0xbc: {  	s0 =	sadd.s32 $0x8F2B, s0  }
0xbd: {  	[sflag:s0] =	ssyncadd.remote.s32 $0x1  }
0xbe: {  	_ =	sfence.sel $0xFFFF  }
0xbf: {  	[dreg:$0x0] =	wrdreg $0xFFFFFFFF;
	(pc) =	sbr.abs _section_cstart, $3  }
0xc0: {  	[dreg:$0x1] =	wrdreg $0xFFFFFFFF  }
0xc1: {  	_ =	task.clear_ibuf [dreg:s6], $0x2FFFF;
	_ =	strace $0x9FFFFFFF  }
0xc2: {  	(tm) =	ssettm $0x7FFFFFFF  }
0xc3: {  	_ =	shalt  }
tec
execute0_lowered:
.L_overlay_start_1:
0x0: {  	(tag) =	ssettag $0x1  }
0x1: {  	s6 =	rddreg [dreg:$0x0]  }
0x2: {  	s2 =	rddreg [dreg:$0x1];
	s1 =	stileid.u32  }
0x3: {  	s0 =	rddreg [dreg:$0x2];
	s4 =	srdreg.scid;
	s3 =	simm.s32 $0x0  }
0x4: {  	s18 =	simm.s32 $0x7000;
	s19 =	simm.s32 $0x9000;
	s7 =	smul.u32 $0x700, s1  }
0x5: {  	s20 =	simm.s32 $0x1;
	s21 =	simm.s32 $0x2;
	s8 =	smul.u32 $0x320, s1  }
0x6: {  	s22 =	simm.s32 $0x0;
	s10 =	smul.u32 $0xA000, s1;
	s14 =	sand.u32 $0x1, s4  }
0x7: {  	[smem:$0x7FF] =	sst s3;
	s4 =	sadd.s32 $0x3000, s6;
	s5 =	sadd.s32 $0x30800, s6  }
0x8: {  	s31 =	sshll.u32 s1, $0x6;
	s9 =	smul.u32 $0xA0000, s14;
	_ =	strace $0x8000004D  }
0x9: {  	s12 =	ssub.s32 $0x2, s14;
	p0 =	sne.s32 s14, $0x0;
	s14 =	sor.u32 $0x1C03, s31  }
0xa: {  	s11 =	sadd.s32 s7, s6;
	s26 =	sadd.s32 s8, s6;
	s29 =	sshrl.u32 s10, $0x3  }
0xb: {  	s30 =	sshrl.u32 s12, $0x1;
	s17 =	sadd.s32 s10, s2;
	s28 =	sadd.s32 s10, s9  }
0xc: {  	s13 =	sadd.s32 s29, s6;
	s16 =	ssub.s32 s12, s30;
	s7 =	sadd.s32 $0x1C400, s26  }
0xd: {  	s9 =	sadd.s32 $0x22800, s11;
	s8 =	sshrl.u32 s28, $0x3;
	s10 =	sadd.s32 $0x44800, s13  }
0xe: {  	s13 =	smax.u32 s16, $0x1;
	s16 =	simm.s32 $0x3;
	s15 =	sadd.s32 s8, s6  }
0xf: {  	s6 =	sadd.s32 $0x1F600, s26;
	s8 =	sadd.s32 $0x29800, s11;
	s11 =	sadd.s32 $0x58800, s15  }
0x10: {  	s12 =	sadd.s32 $0x80800, s15;
	s15 =	sshrl.u32 s17, $0x3;
	s17 =	simm.s32 $0x80  }
.LBB2_1:
0x11: {  	s23 =	simm.s32 @p0 $0x0;
	s24 =	simm.s32 @p0 $0x3  }
0x12: {  	[tilespmem:s23], [sflag:$0x3] =	stream.linear.gather @p0 [hbm4b:s6+s23], $0x1900, $0x38;
	[tilespmem:$0x15000] =	vst v63  }
0x13: {  	_ =	swait.ge @p0 [sflag:s24], $0x1900  }
0x14: {  	[sflag:s24] =	ssyncset.done @p0 $0x0  }
0x15: {  	s25 =	simm.s32 @p0 $0x3800;
	[sflag:s24] =	ssyncadd.s32 @p0 $0xFFFFE700  }
0x16: {  	[tilespmem:s25], [sflag:$0x3] =	stream.linear.gather @p0 [hbm4b:s7+s23], $0x1900, $0x38;
	[tilespmem:$0x15000] =	vst v63  }
0x17: {  	_ =	swait.ge @p0 [sflag:s24], $0x1900  }
0x18: {  	[sflag:s24] =	ssyncset.done @p0 $0x0  }
0x19: {  	s23 =	simm.s32 @!p0 $0x0;
	[sflag:s24] =	ssyncadd.s32 @p0 $0xFFFFE700;
	s24 =	simm.s32 @!p0 $0x3  }
0x1a: {  	[tilespmem:s23], [sflag:$0x3] =	stream.linear.gather @!p0 [hbm4b:s8+s23], $0x3800, $0x38;
	[tilespmem:$0x15000] =	vst v63  }
0x1b: {  	_ =	swait.ge @!p0 [sflag:s24], $0x3800  }
0x1c: {  	s26 =	simm.s32 @!p0 $0x70;
	[sflag:s24] =	ssyncset.done @!p0 $0x0  }
0x1d: {  	s26 =	simm.s32 @p0 $0x32;
	s25 =	simm.s32 @!p0 $0x3800;
	[sflag:s24] =	ssyncadd.s32 @!p0 $0xFFFFC800  }
0x1e: {  	[tilespmem:s25], [sflag:$0x3] =	stream.linear.gather @!p0 [hbm4b:s9+s23], $0x3800, $0x38;
	[tilespmem:$0x15000] =	vst v63  }
0x1f: {  	s30 =	sshrl.u32 s26, $0x1;
	_ =	swait.ge @!p0 [sflag:s24], $0x3800  }
0x20: {  	s31 =	sadd.s32 $0xFFFFFFFF, s30;
	[sflag:s24] =	ssyncset.done @!p0 $0x0  }
0x21: {  	p2 =	sne.s32 s31, $0x1;
	[sflag:s24] =	ssyncadd.s32 @!p0 $0xFFFFC800  }
0x22: {  	[spmem:s15], [sflag:s14] =	dma.local [hbm:s10], $0x1400  }
.Ltmp0:
0x23: {  	p1 =	por $0x0, $0x0;
	_ =	swait.ge [sflag:s16], $0x1400;
	(pc) =	sbr.rel @!p2 .LBB2_5-.Ltmp0, $4  }
0x24: {  	s28 =	simm.s32 $0x100;
	s29 =	simm.s32 $0x3800;
	[sflag:s16] =	ssyncset.done $0x0  }
0x25: {  	p3 =	por $0x0, $0x0;
	s23 =	simm.s32 $0x3800;
	[sflag:s16] =	ssyncadd.s32 $0xFFFFEC00  }
0x26: {  	s25 =	sadd.s32 $0xFFFFFFFF, s31;
	s24 =	simm.s32 $0x100;
	[bflag:$0x0] =	sbarrier.arrive $0xFFFF  }
0x27: {  	[tilespmem:s18], [sflag:$0x1] =	stream.indirect.gather [hbm4b:s4+s17], $0x40, s3, s17, $0xb8;
	[tilespmem:$0x15000] =	vst v63  }
0x28: {  	s28 =	simm.s32 $0x80  }
0x29: {  	[tilespmem:s19], [sflag:$0x2] =	stream.indirect.gather [hbm4b:s4+s17], $0x40, s28, s17, $0xb8;
	[tilespmem:$0x15000] =	vst v63  }
0x2a: {  	_ =	swait.ge [sflag:s20], $0x2000  }
0x2b: {  	[sflag:s20] =	ssyncset.done $0x0  }
0x2c: {  	[sflag:s20] =	ssyncadd.s32 $0xFFFFE000  }
0x2d: {  	[spmem:s2] =	stream.indirect.scatter.add.f32 [tilespmem:s18], [sflag:$0x3], $0x40, s23, s17, $0xb8;
	[tilespmem:$0x15000] =	vst v63  }
0x2e: {  	_ =	swait.ge [sflag:s16], $0x2000  }
0x2f: {  	[sflag:s16] =	ssyncset.done $0x0  }
0x30: {  	[sflag:s16] =	ssyncadd.s32 $0xFFFFE000  }
0x31: {  	[tilespmem:s18], [sflag:$0x1] =	stream.indirect.gather [hbm4b:s4+s17], $0x40, s24, s17, $0xb8;
	[tilespmem:$0x15000] =	vst v63  }
0x32: {  	p4 =	sne.s32 s25, $0x1;
	_ =	swait.ge [sflag:s21], $0x2000  }
.Ltmp1:
0x33: {  	[sflag:s21] =	ssyncset.done $0x0;
	(pc) =	sbr.rel @!p4 .LBB2_3-.Ltmp1, $4  }
0x34: {  	s28 =	simm.s32 $0x3880;
	[sflag:s21] =	ssyncadd.s32 $0xFFFFE000  }
0x35: {  	[spmem:s2] =	stream.indirect.scatter.add.f32 [tilespmem:s19], [sflag:$0x3], $0x40, s28, s17, $0xb8;
	[tilespmem:$0x15000] =	vst v63  }
0x36: {  	s30 =	sadd.s32 $0xFFFFFFFF, s25;
	p3 =	por $0x1, $0x1;
	_ =	swait.ge [sflag:s16], $0x2000  }
0x37: {  	s29 =	simm.s32 $0x3800;
	s28 =	simm.s32 $0x200;
	[sflag:s16] =	ssyncset.done $0x0  }
.LBB2_4:
0x38: {  	s31 =	sadd.s32 $0xFFFFFF80, s28;
	[sflag:s16] =	ssyncadd.s32 $0xFFFFE000;
	s29 =	sadd.s32 $0x100, s29  }
0x39: {  	[tilespmem:s19], [sflag:$0x2] =	stream.indirect.gather [hbm4b:s4+s17], $0x40, s31, s17, $0xb8;
	[tilespmem:$0x15000] =	vst v63  }
0x3a: {  	p4 =	sne.s32 s30, $0x1;
	s30 =	sadd.s32 $0xFFFFFFFF, s30;
	_ =	swait.ge [sflag:s20], $0x2000  }
0x3b: {  	[sflag:s20] =	ssyncset.done $0x0  }
0x3c: {  	[sflag:s20] =	ssyncadd.s32 $0xFFFFE000  }
0x3d: {  	[spmem:s2] =	stream.indirect.scatter.add.f32 [tilespmem:s18], [sflag:$0x3], $0x40, s29, s17, $0xb8;
	[tilespmem:$0x15000] =	vst v63  }
0x3e: {  	_ =	swait.ge [sflag:s16], $0x2000  }
0x3f: {  	[sflag:s16] =	ssyncset.done $0x0  }
0x40: {  	[sflag:s16] =	ssyncadd.s32 $0xFFFFE000  }
0x41: {  	[tilespmem:s18], [sflag:$0x1] =	stream.indirect.gather [hbm4b:s4+s17], $0x40, s28, s17, $0xb8;
	[tilespmem:$0x15000] =	vst v63  }
0x42: {  	_ =	swait.ge [sflag:s21], $0x2000  }
.Ltmp2:
0x43: {  	[sflag:s21] =	ssyncset.done $0x0;
	(pc) =	sbr.rel @p4 .LBB2_4-.Ltmp2, $4  }
0x44: {  	s31 =	sadd.s32 $0x80, s29;
	[sflag:s21] =	ssyncadd.s32 $0xFFFFE000  }
0x45: {  	[spmem:s2] =	stream.indirect.scatter.add.f32 [tilespmem:s19], [sflag:$0x3], $0x40, s31, s17, $0xb8;
	[tilespmem:$0x15000] =	vst v63  }
0x46: {  	_ =	swait.ge [sflag:s16], $0x2000  }
0x47: {  	s28 =	sadd.s32 $0x100, s28;
	[sflag:s16] =	ssyncset.done $0x0  }
.LBB2_5:
0x48: {  	s30 =	sadd.s32 $0xFFFFFF80, s28;
	[sflag:s16] =	ssyncadd.s32 @p3 $0xFFFFE000  }
0x49: {  	[tilespmem:s19], [sflag:$0x2] =	stream.indirect.gather [hbm4b:s4+s17], $0x40, s30, s17, $0xb8;
	[tilespmem:$0x15000] =	vst v63  }
0x4a: {  	_ =	swait.ge [sflag:s20], $0x2000  }
0x4b: {  	s29 =	sadd.s32 @p3 $0x100, s29;
	s30 =	simm.s32 $0x3800;
	[sflag:s20] =	ssyncset.done $0x0  }
0x4c: {  	s30 =	smov.u32 @p3 s29;
	[sflag:s20] =	ssyncadd.s32 $0xFFFFE000  }
0x4d: {  	[spmem:s2] =	stream.indirect.scatter.add.f32 [tilespmem:s18], [sflag:$0x3], $0x40, s30, s17, $0xb8;
	[tilespmem:$0x15000] =	vst v63  }
0x4e: {  	_ =	swait.ge [sflag:s16], $0x2000  }
0x4f: {  	[sflag:s16] =	ssyncset.done $0x0  }
0x50: {  	[sflag:s16] =	ssyncadd.s32 $0xFFFFE000  }
0x51: {  	[tilespmem:s18], [sflag:$0x1] =	stream.indirect.gather [hbm4b:s4+s17], $0x40, s28, s17, $0xb8;
	[tilespmem:$0x15000] =	vst v63  }
0x52: {  	_ =	swait.ge [sflag:s21], $0x2000  }
0x53: {  	[sflag:s21] =	ssyncset.done $0x0  }
0x54: {  	s28 =	sadd.s32 $0x80, s30;
	[sflag:s21] =	ssyncadd.s32 $0xFFFFE000  }
0x55: {  	[spmem:s2] =	stream.indirect.scatter.add.f32 [tilespmem:s19], [sflag:$0x3], $0x40, s28, s17, $0xb8;
	[tilespmem:$0x15000] =	vst v63  }
0x56: {  	_ =	swait.ge [sflag:s16], $0x2000  }
0x57: {  	s29 =	sshll.u32 s26, $0x7;
	[sflag:s16] =	ssyncset.done $0x0  }
0x58: {  	s26 =	sadd.s32 $0xFFFFFF80, s29;
	[sflag:s16] =	ssyncadd.s32 $0xFFFFE000  }
0x59: {  	[tilespmem:s19], [sflag:$0x2] =	stream.indirect.gather [hbm4b:s4+s17], $0x40, s26, s17, $0xb8;
	[tilespmem:$0x15000] =	vst v63  }
0x5a: {  	_ =	swait.ge [sflag:s20], $0x2000  }
0x5b: {  	[sflag:s20] =	ssyncset.done $0x0  }
0x5c: {  	s28 =	sadd.s32 $0x3700, s29;
	[sflag:s20] =	ssyncadd.s32 $0xFFFFE000  }
0x5d: {  	[spmem:s2] =	stream.indirect.scatter.add.f32 [tilespmem:s18], [sflag:$0x3], $0x40, s28, s17, $0xb8;
	[tilespmem:$0x15000] =	vst v63  }
0x5e: {  	_ =	swait.ge [sflag:s16], $0x2000  }
0x5f: {  	[sflag:s16] =	ssyncset.done $0x0  }
0x60: {  	[sflag:s16] =	ssyncadd.s32 $0xFFFFE000  }
0x61: {  	_ =	swait.ge [sflag:s21], $0x2000  }
0x62: {  	[sflag:s21] =	ssyncset.done $0x0  }
0x63: {  	s29 =	sadd.s32 $0x3780, s29;
	[sflag:s21] =	ssyncadd.s32 $0xFFFFE000  }
0x64: {  	[spmem:s2] =	stream.indirect.scatter.add.f32 [tilespmem:s19], [sflag:$0x3], $0x40, s29, s17, $0xb8;
	[tilespmem:$0x15000] =	vst v63  }
0x65: {  	_ =	swait.ge [sflag:s16], $0x2000  }
0x66: {  	[sflag:s16] =	ssyncset.done $0x0  }
0x67: {  	[sflag:s16] =	ssyncadd.s32 $0xFFFFE000  }
0x68: {  	[bflag:$0x0] =	sbarrier.arrive $0xFFFF  }
0x69: {  	[hbm:s11], [sflag:s14] =	dma.local [spmem:s15], $0x1400  }
0x6a: {  	_ =	swait.ge [sflag:s16], $0x1400  }
0x6b: {  	[sflag:s16] =	ssyncset.done $0x0  }
0x6c: {  	[sflag:s16] =	ssyncadd.s32 $0xFFFFEC00  }
0x6d: {  	[spmem:s15], [sflag:s14] =	dma.local [hbm:s10], $0x1400  }
.Ltmp3:
0x6e: {  	_ =	swait.ge [sflag:s16], $0x1400;
	(pc) =	sbr.rel @!p2 .LBB2_6-.Ltmp3, $4  }
0x6f: {  	[sflag:s16] =	ssyncset.done $0x0  }
0x70: {  	[sflag:s16] =	ssyncadd.s32 $0xFFFFEC00  }
0x71: {  	[bflag:$0x0] =	sbarrier.arrive $0xFFFF  }
0x72: {  	[tilespmem:s18], [sflag:$0x1] =	stream.indirect.gather [hbm4b:s5+s17], $0x40, s3, s17, $0xb8;
	[tilespmem:$0x15000] =	vst v63  }
0x73: {  	s30 =	simm.s32 $0x80  }
0x74: {  	[tilespmem:s19], [sflag:$0x2] =	stream.indirect.gather [hbm4b:s5+s17], $0x40, s30, s17, $0xb8;
	[tilespmem:$0x15000] =	vst v63  }
0x75: {  	_ =	swait.ge [sflag:s20], $0x2000  }
0x76: {  	[sflag:s20] =	ssyncset.done $0x0  }
0x77: {  	[sflag:s20] =	ssyncadd.s32 $0xFFFFE000  }
0x78: {  	[spmem:s2] =	stream.indirect.scatter.add.f32 [tilespmem:s18], [sflag:$0x3], $0x40, s23, s17, $0xb8;
	[tilespmem:$0x15000] =	vst v63  }
0x79: {  	_ =	swait.ge [sflag:s16], $0x2000  }
0x7a: {  	[sflag:s16] =	ssyncset.done $0x0  }
0x7b: {  	[sflag:s16] =	ssyncadd.s32 $0xFFFFE000  }
0x7c: {  	[tilespmem:s18], [sflag:$0x1] =	stream.indirect.gather [hbm4b:s5+s17], $0x40, s24, s17, $0xb8;
	[tilespmem:$0x15000] =	vst v63  }
0x7d: {  	p2 =	sne.s32 s25, $0x1;
	_ =	swait.ge [sflag:s21], $0x2000  }
.Ltmp4:
0x7e: {  	[sflag:s21] =	ssyncset.done $0x0;
	(pc) =	sbr.rel @!p2 .LBB2_8-.Ltmp4, $4  }
0x7f: {  	s31 =	simm.s32 $0x3880;
	[sflag:s21] =	ssyncadd.s32 $0xFFFFE000  }
0x80: {  	[spmem:s2] =	stream.indirect.scatter.add.f32 [tilespmem:s19], [sflag:$0x3], $0x40, s31, s17, $0xb8;
	[tilespmem:$0x15000] =	vst v63  }
0x81: {  	p1 =	por $0x1, $0x1;
	s30 =	sadd.s32 $0xFFFFFFFF, s25;
	_ =	swait.ge [sflag:s16], $0x2000  }
0x82: {  	s25 =	simm.s32 $0x3800;
	s24 =	simm.s32 $0x200;
	[sflag:s16] =	ssyncset.done $0x0  }
.LBB2_9:
0x83: {  	s31 =	sadd.s32 $0xFFFFFF80, s24;
	[sflag:s16] =	ssyncadd.s32 $0xFFFFE000;
	s25 =	sadd.s32 $0x100, s25  }
0x84: {  	[tilespmem:s19], [sflag:$0x2] =	stream.indirect.gather [hbm4b:s5+s17], $0x40, s31, s17, $0xb8;
	[tilespmem:$0x15000] =	vst v63  }
0x85: {  	p2 =	sne.s32 s30, $0x1;
	s30 =	sadd.s32 $0xFFFFFFFF, s30;
	_ =	swait.ge [sflag:s20], $0x2000  }
0x86: {  	[sflag:s20] =	ssyncset.done $0x0  }
0x87: {  	[sflag:s20] =	ssyncadd.s32 $0xFFFFE000  }
0x88: {  	[spmem:s2] =	stream.indirect.scatter.add.f32 [tilespmem:s18], [sflag:$0x3], $0x40, s25, s17, $0xb8;
	[tilespmem:$0x15000] =	vst v63  }
0x89: {  	_ =	swait.ge [sflag:s16], $0x2000  }
0x8a: {  	[sflag:s16] =	ssyncset.done $0x0  }
0x8b: {  	[sflag:s16] =	ssyncadd.s32 $0xFFFFE000  }
0x8c: {  	[tilespmem:s18], [sflag:$0x1] =	stream.indirect.gather [hbm4b:s5+s17], $0x40, s24, s17, $0xb8;
	[tilespmem:$0x15000] =	vst v63  }
0x8d: {  	_ =	swait.ge [sflag:s21], $0x2000  }
.Ltmp5:
0x8e: {  	[sflag:s21] =	ssyncset.done $0x0;
	(pc) =	sbr.rel @p2 .LBB2_9-.Ltmp5, $4  }
0x8f: {  	s31 =	sadd.s32 $0x80, s25;
	[sflag:s21] =	ssyncadd.s32 $0xFFFFE000  }
0x90: {  	[spmem:s2] =	stream.indirect.scatter.add.f32 [tilespmem:s19], [sflag:$0x3], $0x40, s31, s17, $0xb8;
	[tilespmem:$0x15000] =	vst v63  }
0x91: {  	_ =	swait.ge [sflag:s16], $0x2000  }
0x92: {  	s24 =	sadd.s32 $0x100, s24;
	[sflag:s16] =	ssyncset.done $0x0  }
.LBB2_10:
0x93: {  	s30 =	sadd.s32 $0xFFFFFF80, s24;
	[sflag:s16] =	ssyncadd.s32 @p1 $0xFFFFE000  }
0x94: {  	[tilespmem:s19], [sflag:$0x2] =	stream.indirect.gather [hbm4b:s5+s17], $0x40, s30, s17, $0xb8;
	[tilespmem:$0x15000] =	vst v63  }
0x95: {  	_ =	swait.ge [sflag:s20], $0x2000  }
0x96: {  	s25 =	sadd.s32 @p1 $0x100, s25;
	[sflag:s20] =	ssyncset.done $0x0  }
0x97: {  	s23 =	smov.u32 @p1 s25;
	[sflag:s20] =	ssyncadd.s32 $0xFFFFE000  }
0x98: {  	[spmem:s2] =	stream.indirect.scatter.add.f32 [tilespmem:s18], [sflag:$0x3], $0x40, s23, s17, $0xb8;
	[tilespmem:$0x15000] =	vst v63  }
0x99: {  	_ =	swait.ge [sflag:s16], $0x2000  }
0x9a: {  	[sflag:s16] =	ssyncset.done $0x0  }
0x9b: {  	[sflag:s16] =	ssyncadd.s32 $0xFFFFE000  }
0x9c: {  	[tilespmem:s18], [sflag:$0x1] =	stream.indirect.gather [hbm4b:s5+s17], $0x40, s24, s17, $0xb8;
	[tilespmem:$0x15000] =	vst v63  }
0x9d: {  	_ =	swait.ge [sflag:s21], $0x2000  }
0x9e: {  	[sflag:s21] =	ssyncset.done $0x0  }
0x9f: {  	s23 =	sadd.s32 $0x80, s23;
	[sflag:s21] =	ssyncadd.s32 $0xFFFFE000  }
0xa0: {  	[spmem:s2] =	stream.indirect.scatter.add.f32 [tilespmem:s19], [sflag:$0x3], $0x40, s23, s17, $0xb8;
	[tilespmem:$0x15000] =	vst v63  }
0xa1: {  	_ =	swait.ge [sflag:s16], $0x2000  }
0xa2: {  	[sflag:s16] =	ssyncset.done $0x0  }
0xa3: {  	[sflag:s16] =	ssyncadd.s32 $0xFFFFE000  }
0xa4: {  	[tilespmem:s19], [sflag:$0x2] =	stream.indirect.gather [hbm4b:s5+s17], $0x40, s26, s17, $0xb8;
	[tilespmem:$0x15000] =	vst v63  }
0xa5: {  	_ =	swait.ge [sflag:s20], $0x2000  }
0xa6: {  	[sflag:s20] =	ssyncset.done $0x0  }
0xa7: {  	[sflag:s20] =	ssyncadd.s32 $0xFFFFE000  }
0xa8: {  	[spmem:s2] =	stream.indirect.scatter.add.f32 [tilespmem:s18], [sflag:$0x3], $0x40, s28, s17, $0xb8;
	[tilespmem:$0x15000] =	vst v63  }
0xa9: {  	_ =	swait.ge [sflag:s16], $0x2000  }
0xaa: {  	[sflag:s16] =	ssyncset.done $0x0  }
0xab: {  	[sflag:s16] =	ssyncadd.s32 $0xFFFFE000  }
0xac: {  	_ =	swait.ge [sflag:s21], $0x2000  }
0xad: {  	[sflag:s21] =	ssyncset.done $0x0  }
0xae: {  	[sflag:s21] =	ssyncadd.s32 $0xFFFFE000  }
0xaf: {  	[spmem:s2] =	stream.indirect.scatter.add.f32 [tilespmem:s19], [sflag:$0x3], $0x40, s29, s17, $0xb8;
	[tilespmem:$0x15000] =	vst v63  }
0xb0: {  	_ =	swait.ge [sflag:s16], $0x2000  }
0xb1: {  	[sflag:s16] =	ssyncset.done $0x0  }
0xb2: {  	s22 =	sadd.s32 $0x1, s22;
	[sflag:s16] =	ssyncadd.s32 $0xFFFFE000  }
0xb3: {  	p1 =	sne.s32 s22, s13;
	[bflag:$0x0] =	sbarrier.arrive $0xFFFF  }
0xb4: {  	[hbm:s12], [sflag:s14] =	dma.local [spmem:s15], $0x1400  }
.Ltmp6:
0xb5: {  	_ = 	snop;
	(pc) =	sbr.rel @p1 .LBB2_1-.Ltmp6, $4  }
.Ltmp7:
0xb6: {  	_ = 	snop;
	(pc) =	sbr.rel @!p1 .LBB2_11-.Ltmp7, $4  }
0xb7: {  	_ =	swait.ge [sflag:s16], $0x1400  }
0xb8: {  	[sflag:s16] =	ssyncset.done $0x0  }
0xb9: {  	[sflag:s16] =	ssyncadd.s32 $0xFFFFEC00  }
0xba: {  	_ = 	snop  }
.LBB2_6:
.Ltmp8:
0xbb: {  	(pc) =	sbr.rel .LBB2_10-.Ltmp8, $2  }
0xbc: {  	_ =	sdelay $0x2  }
0xbd: {  	s25 =	simm.s32 $0x3800  }
.LBB2_3:
.Ltmp9:
0xbe: {  	(pc) =	sbr.rel .LBB2_5-.Ltmp9, $2  }
0xbf: {  	_ =	sdelay $0x2  }
0xc0: {  	s29 =	simm.s32 $0x3800  }
.LBB2_8:
.Ltmp10:
0xc1: {  	(pc) =	sbr.rel .LBB2_10-.Ltmp10, $2  }
0xc2: {  	_ =	sdelay $0x2  }
0xc3: {  	s25 =	simm.s32 $0x3800  }
.LBB2_11:
0xc4: {  	_ =	sfence.sel $0x180000  }
0xc5: {  	[bflag:$0x0] =	sbarrier.arrive $0xFFFF  }
0xc6: {  	p0 =	sne.s32 s1, $0x0;
	_ =	strace $0x9000004D  }
0xc7: {  	s0 =	sadd.s32 @!p0 $0x100000, s0;
	[bflag:$0x2] =	sbarrier.arrive $0xFFFF  }
0xc8: {  	[sflag:s0] =	ssyncadd.tile.s32 @!p0 $0x1;
	_ =	shalt  }
.Lfunc_end2:
_tile_overlayer_lowered:
.L_overlay_start_2:
0xc9: {  	(tag) =	ssettag $0x2  }
0xca: {  	s0 =	rddreg [dreg:$0x0];
	s2 =	stileid.u32  }
0xcb: {  	s1 =	rddreg [dreg:$0x1];
	p0 =	sne.s32 s2, $0x0  }
0xcc: {  	s3 =	rddreg [dreg:$0x2];
	[bflag:$0x3] =	sbarrier.arrive $0xFFFF;
	s2 =	simm.s32 @!p0 $0x1C03  }
0xcd: {  	[timem:s3], [sflag:s2] =	dma.local @!p0 [hbm:s0], s1  }
0xce: {  	s0 =	simm.s32 @!p0 $0x3  }
0xcf: {  	_ =	swait.ge @!p0 [sflag:s0], s1  }
0xd0: {  	s1 =	ssub.s32 @!p0 $0x0, s1;
	[sflag:s0] =	ssyncset.done @!p0 $0x0  }
0xd1: {  	[sflag:s0] =	ssyncadd.s32 @!p0 s1  }
0xd2: {  	[bflag:$0x3] =	sbarrier.arrive $0xFFFF  }
0xd3: {  	_ =	shalt  }

// kernel: kernel.21.cloned.1.call-start
scs
__scs_entry_jumppad:
0x0: {  	(pc) =	sbr.rel $0x88, $3  }
0x1: {  	(tag) =	ssettag $0x0;
	lr =	simm.s32 $0x1  }
0x2: {  	[smem:$0x3F98] =	sst lr;
	_ =	strace $0xD0000000  }
0x3: {  	_ = 	snop  }
0x4: {  	_ = 	snop  }
0x5: {  	_ = 	snop  }
0x6: {  	_ = 	snop  }
0x7: {  	_ = 	snop  }
__scs_overlays_trampoline_lowered:
0x8: {  	[smem:$0x3FA7] =	sst s0  }
0x9: {  	[smem:$0x3FA8] =	sst s1  }
0xa: {  	[smem:$0x3FA9] =	sst s2  }
0xb: {  	[smem:$0x3FAA] =	sst s3  }
0xc: {  	[smem:$0x3FAB] =	sst s4  }
0xd: {  	[smem:$0x3FAC] =	sst s5  }
0xe: {  	[smem:$0x3FAD] =	sst s6  }
0xf: {  	[smem:$0x3FAE] =	sst s7  }
0x10: {  	[smem:$0x3FAF] =	sst s8  }
0x11: {  	[smem:$0x3FB0] =	sst s9;
	s0 =	simm.s32 @!p0 $0x0  }
0x12: {  	s1 =	sld [smem:$0x3F96];
	s0 =	simm.s32 @p0 $0x1  }
0x13: {  	[smem:$0x3FB1] =	sst s0;
	s0 =	simm.s32 @!p1 $0x0  }
0x14: {  	s2 =	sld [smem:$0x3F95];
	s0 =	simm.s32 @p1 $0x1  }
0x15: {  	[smem:$0x3FB2] =	sst s0;
	s0 =	simm.s32 @!p2 $0x0  }
0x16: {  	s3 =	sld [smem:$0x3FDB];
	s0 =	simm.s32 @p2 $0x1  }
0x17: {  	s4 =	simm.s32 $0x1BF5;
	[smem:$0x3FB4] =	sst s0  }
0x18: {  	s0 =	sld [smem:$0x3F97];
	_ =	swait.ge [sflag:s4], $0x0  }
0x19: {  	s7 =	sld [smem:$0x3F98]  }
0x1a: {  	s8 =	sadd.s32 $0xFFFFE003, lr  }
0x1b: {  	s9 =	sadd.s32 $0xFFFFFEF7, lr;
	s5 =	simm.s32 $0xFFFFFFFF;
	p2 =	slt.u32 s8, $0xFFFFF086  }
0x1c: {  	p1 =	slt.u32 s9, $0xF7A;
	s5 =	simm.s32 @!p2 $0x0  }
0x1d: {  	s5 =	simm.s32 @p1 $0x1;
	p0 =	seq.s32 s7, s2  }
0x1e: {  	s7 =	smul.u32 @!p0 $0xF7A, s2;
	p2 =	seq.s32 @!p0 s5, $0x0  }
0x1f: {  	s9 =	smul.u32 $0xF7A, s1;
	s8 =	simm.s32 @!p0 $0x1BF5;
	p2 =	por !p2, p0  }
0x20: {  	[sflag:s8] =	ssyncset.s32 @!p0 $0xFFFFF086;
	s6 =	sadd.s32 @!p0 s3, s7;
	s7 =	simm.s32 @!p0 $0x108  }
0x21: {  	s3 =	sadd.s32 s3, s9;
	s6 =	sadd.s32 @!p0 $0x88, s6;
	s7 =	simm.s32 @p2 $0x1082  }
0x22: {  	[simem:s7], [sflag:s8] =	dma.local @!p0 [hbm:s6], $0xF7A  }
0x23: {  	s9 =	sor.u32 $0xD0000000, s2;
	s6 =	simm.s32 $0x108;
	_ =	swait.ge @!p0 [sflag:s8], $0x0  }
0x24: {  	s3 =	sadd.s32 $0x88, s3;
	s6 =	simm.s32 @!p1 $0x1082;
	[sflag:s4] =	ssyncset.s32 $0xFFFFF086  }
0x25: {  	[simem:s6], [sflag:s4] =	dma.local [hbm:s3], $0xF7A  }
0x26: {  	[smem:$0x3F98] =	sst s1;
	(tag) =	ssettag s2;
	_ =	strace s9  }
0x27: {  	s1 =	sld [smem:$0x3FA8]  }
0x28: {  	s2 =	sld [smem:$0x3FA9]  }
0x29: {  	s4 =	sld [smem:$0x3FAB]  }
0x2a: {  	p0 =	seq.s32 s5, $0x0;
	s5 =	sld [smem:$0x3FAC]  }
0x2b: {  	s6 =	sld [smem:$0x3FAD]  }
0x2c: {  	s7 =	sld [smem:$0x3FAE]  }
0x2d: {  	s3 =	simm.s32 $0x108;
	s8 =	sld [smem:$0x3FAF]  }
0x2e: {  	s3 =	simm.s32 @!p0 $0x1082;
	s9 =	sld [smem:$0x3FB0]  }
0x2f: {  	lr =	sadd.s32 s0, s3;
	s0 =	sld [smem:$0x3FA7]  }
0x30: {  	s3 =	sld [smem:$0x3FAA]  }
0x31: {  	[smem:$0x3FB3] =	sst s10  }
0x32: {  	s10 =	sld [smem:$0x3FB1];
	_ =	sdelay $0x3  }
0x33: {  	p0 =	seq.s32 s10, $0x1;
	s10 =	sld [smem:$0x3FB3];
	_ =	sdelay $0x3  }
0x34: {  	[smem:$0x3FB3] =	sst s10  }
0x35: {  	s10 =	sld [smem:$0x3FB2];
	_ =	sdelay $0x3  }
0x36: {  	p1 =	seq.s32 s10, $0x1;
	s10 =	sld [smem:$0x3FB3];
	_ =	sdelay $0x3  }
0x37: {  	[smem:$0x3FB3] =	sst s10  }
0x38: {  	s10 =	sld [smem:$0x3FB4]  }
0x39: {  	_ = 	snop;
	(pc) =	sbr.ind lr, $3  }
0x3a: {  	_ = 	snop  }
0x3b: {  	_ = 	snop  }
0x3c: {  	p2 =	seq.s32 s10, $0x1;
	s10 =	sld [smem:$0x3FB3]  }
0x3d: {  	_ =	shalt  }
0x3e: {  	_ =	shalt  }
0x3f: {  	_ =	shalt  }
0x40: {  	_ =	shalt  }
0x41: {  	_ =	shalt  }
0x42: {  	_ =	shalt  }
0x43: {  	_ =	shalt  }
0x44: {  	_ =	shalt  }
0x45: {  	_ =	shalt  }
0x46: {  	_ =	shalt  }
0x47: {  	_ =	shalt  }
0x48: {  	_ =	shalt  }
0x49: {  	_ =	shalt  }
0x4a: {  	_ =	shalt  }
0x4b: {  	_ =	shalt  }
0x4c: {  	_ =	shalt  }
0x4d: {  	_ =	shalt  }
0x4e: {  	_ =	shalt  }
0x4f: {  	_ =	shalt  }
0x50: {  	_ =	shalt  }
0x51: {  	_ =	shalt  }
0x52: {  	_ =	shalt  }
0x53: {  	_ =	shalt  }
0x54: {  	_ =	shalt  }
0x55: {  	_ =	shalt  }
0x56: {  	_ =	shalt  }
0x57: {  	_ =	shalt  }
0x58: {  	_ =	shalt  }
0x59: {  	_ =	shalt  }
0x5a: {  	_ =	shalt  }
0x5b: {  	_ =	shalt  }
0x5c: {  	_ =	shalt  }
0x5d: {  	_ =	shalt  }
0x5e: {  	_ =	shalt  }
0x5f: {  	_ =	shalt  }
0x60: {  	_ =	shalt  }
0x61: {  	_ =	shalt  }
0x62: {  	_ =	shalt  }
0x63: {  	_ =	shalt  }
0x64: {  	_ =	shalt  }
0x65: {  	_ =	shalt  }
0x66: {  	_ =	shalt  }
0x67: {  	_ =	shalt  }
0x68: {  	_ =	shalt  }
0x69: {  	_ =	shalt  }
0x6a: {  	_ =	shalt  }
0x6b: {  	_ =	shalt  }
0x6c: {  	_ =	shalt  }
0x6d: {  	_ =	shalt  }
0x6e: {  	_ =	shalt  }
0x6f: {  	_ =	shalt  }
0x70: {  	_ =	shalt  }
0x71: {  	_ =	shalt  }
0x72: {  	_ =	shalt  }
0x73: {  	_ =	shalt  }
0x74: {  	_ =	shalt  }
0x75: {  	_ =	shalt  }
0x76: {  	_ =	shalt  }
0x77: {  	_ =	shalt  }
0x78: {  	_ =	shalt  }
0x79: {  	_ =	shalt  }
0x7a: {  	_ =	shalt  }
0x7b: {  	_ =	shalt  }
0x7c: {  	_ =	shalt  }
0x7d: {  	_ =	shalt  }
0x7e: {  	_ =	shalt  }
0x7f: {  	_ =	shalt  }
0x80: {  	_ =	shalt  }
0x81: {  	_ =	shalt  }
0x82: {  	_ =	shalt  }
0x83: {  	_ =	shalt  }
0x84: {  	_ =	shalt  }
0x85: {  	_ =	shalt  }
0x86: {  	_ =	shalt  }
0x87: {  	_ =	shalt  }
.Lfunc_end0:
.L_simem_size_0:
called_computation.3_lowered:
.L_overlay_start_0:
0x88: {  	s2 =	sld [smem:$0x3FD9]  }
0x89: {  	s3 =	sld [smem:$0x3FFE];
	_ =	sdelay $0x1  }
0x8a: {  	s1 =	srdreg.scid  }
0x8b: {  	s0 =	sand.u32 $0x1, s1  }
0x8c: {  	s16 =	sshll.u32 s0, $0xA;
	s2 =	sadd.s32 s3, s2  }
0x8d: {  	s2 =	sadd.s32 s2, s16  }
0x8e: {  	[smem:$0x3FBF] =	sst s2  }
0x8f: {  	_ = 	snop  }
0x90: {  	(tm) =	ssettm $0x1  }
0x91: {  	s17 =	sld [smem:$0x3FFB];
	_ =	sdelay $0x3  }
0x92: {  	_ =	strace s17  }
0x93: {  	s2 =	sld [smem:$0x3FFC];
	_ =	sdelay $0x3  }
0x94: {  	_ =	strace s2  }
0x95: {  	s2 =	sld [smem:$0x3FFD];
	_ =	sdelay $0x3  }
0x96: {  	_ =	strace s2  }
0x97: {  	_ =	strace $0x8FFFFFFF  }
0x98: {  	s18 =	sld [smem:$0x3FDB];
	_ =	sdelay $0x1  }
0x99: {  	s19 =	simm.s32 $_scs_section_size  }
0x9a: {  	s4 =	simm.s32 $_size__tile_overlayer_lowered;
	s5 =	simm.s32 $_tile_overlayer_lowered  }
0x9b: {  	s22 =	simm.s32 $0x1BFF;
	s21 =	sshll.u32 s5, $0x1;
	s2 =	sadd.s32 s19, s18  }
0x9c: {  	s6 =	simm.s32 $0x0;
	s20 =	sshll.u32 s4, $0x1;
	s4 =	sadd.s32 s21, s2  }
0x9d: {  	[timem:s6], [sflag:s22] =	dma.local [hbm:s4], s20  }
0x9e: {  	_ =	swait.ge [sflag:s22], s20  }
0x9f: {  	s3 =	ssub.s32 $0x0, s20;
	[sflag:s22] =	ssyncset.done $0x0  }
0xa0: {  	[sflag:s22] =	ssyncadd.s32 s3;
	_ =	sdelay $0x1  }
0xa1: {  	s23 =	simm.s32 $0x1B8B  }
0xa2: {  	_ =	swait.ge [sflag:s23], $0x1  }
0xa3: {  	[sflag:s23] =	ssyncset.done $0x0  }
0xa4: {  	s25 =	simm.s32 $0x1B8E;
	s24 =	sld [smem:$0x3FFE];
	[sflag:s23] =	ssyncadd.s32 $0xFFFFFFFF  }
0xa5: {  	s26 =	simm.s32 $execute0_lowered;
	[smem:$0x3FD2] =	sst s25  }
0xa6: {  	s4 =	sshll.u32 s26, $0x1;
	_ =	strace $0x8000004F;
	[dreg:$0x1] =	wrdreg $0xFFFFFFFF  }
0xa7: {  	s28 =	simm.s32 $_size_execute0_lowered;
	s2 =	sadd.s32 s2, s4;
	[dreg:$0x0] =	wrdreg $0x0  }
0xa8: {  	s4 =	sshll.u32 s28, $0x1;
	[dreg:$0x2] =	wrdreg s2  }
0xa9: {  	[dreg:$0x3] =	wrdreg s4  }
0xaa: {  	[dreg:$0x4] =	wrdreg $0xC0  }
0xab: {  	_ =	task [dreg:s6], $0x5FFFF  }
0xac: {  	[dreg:$0x1] =	wrdreg $0xFFFFFFFF  }
0xad: {  	[dreg:$0x0] =	wrdreg $0x60  }
0xae: {  	[dreg:$0x2] =	wrdreg s24  }
0xaf: {  	[dreg:$0x3] =	wrdreg $0xB0000  }
0xb0: {  	[dreg:$0x4] =	wrdreg $0x9  }
0xb1: {  	_ =	task.clear_ibuf [dreg:s6], $0x5FFFF;
	_ =	strace $0x9000004F  }
0xb2: {  	s29 =	simm.s32 $0x9;
	_ =	strace $0x80000051  }
0xb3: {  	_ =	swait.ge [sflag:s29], $0x1  }
0xb4: {  	[sflag:s29] =	ssyncadd.s32 $0xFFFFFFFF  }
0xb5: {  	_ =	strace $0x90000051  }
0xb6: {  	_ =	sfence  }
0xb7: {  	s30 =	sld [smem:$0x0];
	_ =	sdelay $0x2  }
0xb8: {  	s31 =	sshll.u32 s1, $0xD;
	s1 =	sshrl.u32 s1, $0x2  }
0xb9: {  	s3 =	sand.u32 $0x4000, s31;
	s1 =	sadd.s32 s1, s30  }
0xba: {  	s0 =	sor.u32 s3, s0;
	s1 =	sshll.u32 s1, $0x11  }
0xbb: {  	s0 =	sor.u32 s1, s0  }
0xbc: {  	s0 =	sadd.s32 $0x8F2B, s0  }
0xbd: {  	[sflag:s0] =	ssyncadd.remote.s32 $0x1  }
0xbe: {  	_ =	sfence.sel $0xFFFF  }
0xbf: {  	[dreg:$0x0] =	wrdreg $0xFFFFFFFF;
	(pc) =	sbr.abs _section_cstart, $3  }
0xc0: {  	[dreg:$0x1] =	wrdreg $0xFFFFFFFF  }
0xc1: {  	_ =	task.clear_ibuf [dreg:s6], $0x2FFFF;
	_ =	strace $0x9FFFFFFF  }
0xc2: {  	(tm) =	ssettm $0x7FFFFFFF  }
0xc3: {  	_ =	shalt  }
tec
execute0_lowered:
.L_overlay_start_1:
0x0: {  	(tag) =	ssettag $0x1  }
0x1: {  	s6 =	rddreg [dreg:$0x0]  }
0x2: {  	s2 =	rddreg [dreg:$0x1];
	s1 =	stileid.u32  }
0x3: {  	s0 =	rddreg [dreg:$0x2];
	s4 =	srdreg.scid;
	s3 =	simm.s32 $0x0  }
0x4: {  	s18 =	simm.s32 $0x7000;
	s19 =	simm.s32 $0x9000;
	s7 =	smul.u32 $0x700, s1  }
0x5: {  	s20 =	simm.s32 $0x1;
	s21 =	simm.s32 $0x2;
	s8 =	smul.u32 $0x320, s1  }
0x6: {  	s22 =	simm.s32 $0x0;
	s10 =	smul.u32 $0xA000, s1;
	s14 =	sand.u32 $0x1, s4  }
0x7: {  	[smem:$0x7FF] =	sst s3;
	s4 =	sadd.s32 $0x3000, s6;
	s5 =	sadd.s32 $0x30800, s6  }
0x8: {  	s31 =	sshll.u32 s1, $0x6;
	s9 =	smul.u32 $0xA0000, s14;
	_ =	strace $0x80000050  }
0x9: {  	s12 =	ssub.s32 $0x2, s14;
	p0 =	sne.s32 s14, $0x0;
	s14 =	sor.u32 $0x1C03, s31  }
0xa: {  	s11 =	sadd.s32 s7, s6;
	s26 =	sadd.s32 s8, s6;
	s29 =	sshrl.u32 s10, $0x3  }
0xb: {  	s30 =	sshrl.u32 s12, $0x1;
	s17 =	sadd.s32 s10, s2;
	s28 =	sadd.s32 s10, s9  }
0xc: {  	s13 =	sadd.s32 s29, s6;
	s16 =	ssub.s32 s12, s30;
	s7 =	sadd.s32 $0x1C400, s26  }
0xd: {  	s9 =	sadd.s32 $0x22800, s11;
	s8 =	sshrl.u32 s28, $0x3;
	s10 =	sadd.s32 $0x44800, s13  }
0xe: {  	s13 =	smax.u32 s16, $0x1;
	s16 =	simm.s32 $0x3;
	s15 =	sadd.s32 s8, s6  }
0xf: {  	s6 =	sadd.s32 $0x1F600, s26;
	s8 =	sadd.s32 $0x29800, s11;
	s11 =	sadd.s32 $0x58800, s15  }
0x10: {  	s12 =	sadd.s32 $0x80800, s15;
	s15 =	sshrl.u32 s17, $0x3;
	s17 =	simm.s32 $0x80  }
.LBB2_1:
0x11: {  	s23 =	simm.s32 @p0 $0x0;
	s24 =	simm.s32 @p0 $0x3  }
0x12: {  	[tilespmem:s23], [sflag:$0x3] =	stream.linear.gather @p0 [hbm4b:s6+s23], $0x1900, $0x38;
	[tilespmem:$0x15000] =	vst v63  }
0x13: {  	_ =	swait.ge @p0 [sflag:s24], $0x1900  }
0x14: {  	[sflag:s24] =	ssyncset.done @p0 $0x0  }
0x15: {  	s25 =	simm.s32 @p0 $0x3800;
	[sflag:s24] =	ssyncadd.s32 @p0 $0xFFFFE700  }
0x16: {  	[tilespmem:s25], [sflag:$0x3] =	stream.linear.gather @p0 [hbm4b:s7+s23], $0x1900, $0x38;
	[tilespmem:$0x15000] =	vst v63  }
0x17: {  	_ =	swait.ge @p0 [sflag:s24], $0x1900  }
0x18: {  	[sflag:s24] =	ssyncset.done @p0 $0x0  }
0x19: {  	s23 =	simm.s32 @!p0 $0x0;
	[sflag:s24] =	ssyncadd.s32 @p0 $0xFFFFE700;
	s24 =	simm.s32 @!p0 $0x3  }
0x1a: {  	[tilespmem:s23], [sflag:$0x3] =	stream.linear.gather @!p0 [hbm4b:s8+s23], $0x3800, $0x38;
	[tilespmem:$0x15000] =	vst v63  }
0x1b: {  	_ =	swait.ge @!p0 [sflag:s24], $0x3800  }
0x1c: {  	s26 =	simm.s32 @!p0 $0x70;
	[sflag:s24] =	ssyncset.done @!p0 $0x0  }
0x1d: {  	s26 =	simm.s32 @p0 $0x32;
	s25 =	simm.s32 @!p0 $0x3800;
	[sflag:s24] =	ssyncadd.s32 @!p0 $0xFFFFC800  }
0x1e: {  	[tilespmem:s25], [sflag:$0x3] =	stream.linear.gather @!p0 [hbm4b:s9+s23], $0x3800, $0x38;
	[tilespmem:$0x15000] =	vst v63  }
0x1f: {  	s30 =	sshrl.u32 s26, $0x1;
	_ =	swait.ge @!p0 [sflag:s24], $0x3800  }
0x20: {  	s31 =	sadd.s32 $0xFFFFFFFF, s30;
	[sflag:s24] =	ssyncset.done @!p0 $0x0  }
0x21: {  	p2 =	sne.s32 s31, $0x1;
	[sflag:s24] =	ssyncadd.s32 @!p0 $0xFFFFC800  }
0x22: {  	[spmem:s15], [sflag:s14] =	dma.local [hbm:s10], $0x1400  }
.Ltmp0:
0x23: {  	p1 =	por $0x0, $0x0;
	_ =	swait.ge [sflag:s16], $0x1400;
	(pc) =	sbr.rel @!p2 .LBB2_5-.Ltmp0, $4  }
0x24: {  	s28 =	simm.s32 $0x100;
	s29 =	simm.s32 $0x3800;
	[sflag:s16] =	ssyncset.done $0x0  }
0x25: {  	p3 =	por $0x0, $0x0;
	s23 =	simm.s32 $0x3800;
	[sflag:s16] =	ssyncadd.s32 $0xFFFFEC00  }
0x26: {  	s25 =	sadd.s32 $0xFFFFFFFF, s31;
	s24 =	simm.s32 $0x100;
	[bflag:$0x0] =	sbarrier.arrive $0xFFFF  }
0x27: {  	[tilespmem:s18], [sflag:$0x1] =	stream.indirect.gather [hbm4b:s4+s17], $0x40, s3, s17, $0xb8;
	[tilespmem:$0x15000] =	vst v63  }
0x28: {  	s28 =	simm.s32 $0x80  }
0x29: {  	[tilespmem:s19], [sflag:$0x2] =	stream.indirect.gather [hbm4b:s4+s17], $0x40, s28, s17, $0xb8;
	[tilespmem:$0x15000] =	vst v63  }
0x2a: {  	_ =	swait.ge [sflag:s20], $0x2000  }
0x2b: {  	[sflag:s20] =	ssyncset.done $0x0  }
0x2c: {  	[sflag:s20] =	ssyncadd.s32 $0xFFFFE000  }
0x2d: {  	[spmem:s2] =	stream.indirect.scatter.add.f32 [tilespmem:s18], [sflag:$0x3], $0x40, s23, s17, $0xb8;
	[tilespmem:$0x15000] =	vst v63  }
0x2e: {  	_ =	swait.ge [sflag:s16], $0x2000  }
0x2f: {  	[sflag:s16] =	ssyncset.done $0x0  }
0x30: {  	[sflag:s16] =	ssyncadd.s32 $0xFFFFE000  }
0x31: {  	[tilespmem:s18], [sflag:$0x1] =	stream.indirect.gather [hbm4b:s4+s17], $0x40, s24, s17, $0xb8;
	[tilespmem:$0x15000] =	vst v63  }
0x32: {  	p4 =	sne.s32 s25, $0x1;
	_ =	swait.ge [sflag:s21], $0x2000  }
.Ltmp1:
0x33: {  	[sflag:s21] =	ssyncset.done $0x0;
	(pc) =	sbr.rel @!p4 .LBB2_3-.Ltmp1, $4  }
0x34: {  	s28 =	simm.s32 $0x3880;
	[sflag:s21] =	ssyncadd.s32 $0xFFFFE000  }
0x35: {  	[spmem:s2] =	stream.indirect.scatter.add.f32 [tilespmem:s19], [sflag:$0x3], $0x40, s28, s17, $0xb8;
	[tilespmem:$0x15000] =	vst v63  }
0x36: {  	s30 =	sadd.s32 $0xFFFFFFFF, s25;
	p3 =	por $0x1, $0x1;
	_ =	swait.ge [sflag:s16], $0x2000  }
0x37: {  	s29 =	simm.s32 $0x3800;
	s28 =	simm.s32 $0x200;
	[sflag:s16] =	ssyncset.done $0x0  }
.LBB2_4:
0x38: {  	s31 =	sadd.s32 $0xFFFFFF80, s28;
	[sflag:s16] =	ssyncadd.s32 $0xFFFFE000;
	s29 =	sadd.s32 $0x100, s29  }
0x39: {  	[tilespmem:s19], [sflag:$0x2] =	stream.indirect.gather [hbm4b:s4+s17], $0x40, s31, s17, $0xb8;
	[tilespmem:$0x15000] =	vst v63  }
0x3a: {  	p4 =	sne.s32 s30, $0x1;
	s30 =	sadd.s32 $0xFFFFFFFF, s30;
	_ =	swait.ge [sflag:s20], $0x2000  }
0x3b: {  	[sflag:s20] =	ssyncset.done $0x0  }
0x3c: {  	[sflag:s20] =	ssyncadd.s32 $0xFFFFE000  }
0x3d: {  	[spmem:s2] =	stream.indirect.scatter.add.f32 [tilespmem:s18], [sflag:$0x3], $0x40, s29, s17, $0xb8;
	[tilespmem:$0x15000] =	vst v63  }
0x3e: {  	_ =	swait.ge [sflag:s16], $0x2000  }
0x3f: {  	[sflag:s16] =	ssyncset.done $0x0  }
0x40: {  	[sflag:s16] =	ssyncadd.s32 $0xFFFFE000  }
0x41: {  	[tilespmem:s18], [sflag:$0x1] =	stream.indirect.gather [hbm4b:s4+s17], $0x40, s28, s17, $0xb8;
	[tilespmem:$0x15000] =	vst v63  }
0x42: {  	_ =	swait.ge [sflag:s21], $0x2000  }
.Ltmp2:
0x43: {  	[sflag:s21] =	ssyncset.done $0x0;
	(pc) =	sbr.rel @p4 .LBB2_4-.Ltmp2, $4  }
0x44: {  	s31 =	sadd.s32 $0x80, s29;
	[sflag:s21] =	ssyncadd.s32 $0xFFFFE000  }
0x45: {  	[spmem:s2] =	stream.indirect.scatter.add.f32 [tilespmem:s19], [sflag:$0x3], $0x40, s31, s17, $0xb8;
	[tilespmem:$0x15000] =	vst v63  }
0x46: {  	_ =	swait.ge [sflag:s16], $0x2000  }
0x47: {  	s28 =	sadd.s32 $0x100, s28;
	[sflag:s16] =	ssyncset.done $0x0  }
.LBB2_5:
0x48: {  	s30 =	sadd.s32 $0xFFFFFF80, s28;
	[sflag:s16] =	ssyncadd.s32 @p3 $0xFFFFE000  }
0x49: {  	[tilespmem:s19], [sflag:$0x2] =	stream.indirect.gather [hbm4b:s4+s17], $0x40, s30, s17, $0xb8;
	[tilespmem:$0x15000] =	vst v63  }
0x4a: {  	_ =	swait.ge [sflag:s20], $0x2000  }
0x4b: {  	s29 =	sadd.s32 @p3 $0x100, s29;
	s30 =	simm.s32 $0x3800;
	[sflag:s20] =	ssyncset.done $0x0  }
0x4c: {  	s30 =	smov.u32 @p3 s29;
	[sflag:s20] =	ssyncadd.s32 $0xFFFFE000  }
0x4d: {  	[spmem:s2] =	stream.indirect.scatter.add.f32 [tilespmem:s18], [sflag:$0x3], $0x40, s30, s17, $0xb8;
	[tilespmem:$0x15000] =	vst v63  }
0x4e: {  	_ =	swait.ge [sflag:s16], $0x2000  }
0x4f: {  	[sflag:s16] =	ssyncset.done $0x0  }
0x50: {  	[sflag:s16] =	ssyncadd.s32 $0xFFFFE000  }
0x51: {  	[tilespmem:s18], [sflag:$0x1] =	stream.indirect.gather [hbm4b:s4+s17], $0x40, s28, s17, $0xb8;
	[tilespmem:$0x15000] =	vst v63  }
0x52: {  	_ =	swait.ge [sflag:s21], $0x2000  }
0x53: {  	[sflag:s21] =	ssyncset.done $0x0  }
0x54: {  	s28 =	sadd.s32 $0x80, s30;
	[sflag:s21] =	ssyncadd.s32 $0xFFFFE000  }
0x55: {  	[spmem:s2] =	stream.indirect.scatter.add.f32 [tilespmem:s19], [sflag:$0x3], $0x40, s28, s17, $0xb8;
	[tilespmem:$0x15000] =	vst v63  }
0x56: {  	_ =	swait.ge [sflag:s16], $0x2000  }
0x57: {  	s29 =	sshll.u32 s26, $0x7;
	[sflag:s16] =	ssyncset.done $0x0  }
0x58: {  	s26 =	sadd.s32 $0xFFFFFF80, s29;
	[sflag:s16] =	ssyncadd.s32 $0xFFFFE000  }
0x59: {  	[tilespmem:s19], [sflag:$0x2] =	stream.indirect.gather [hbm4b:s4+s17], $0x40, s26, s17, $0xb8;
	[tilespmem:$0x15000] =	vst v63  }
0x5a: {  	_ =	swait.ge [sflag:s20], $0x2000  }
0x5b: {  	[sflag:s20] =	ssyncset.done $0x0  }
0x5c: {  	s28 =	sadd.s32 $0x3700, s29;
	[sflag:s20] =	ssyncadd.s32 $0xFFFFE000  }
0x5d: {  	[spmem:s2] =	stream.indirect.scatter.add.f32 [tilespmem:s18], [sflag:$0x3], $0x40, s28, s17, $0xb8;
	[tilespmem:$0x15000] =	vst v63  }
0x5e: {  	_ =	swait.ge [sflag:s16], $0x2000  }
0x5f: {  	[sflag:s16] =	ssyncset.done $0x0  }
0x60: {  	[sflag:s16] =	ssyncadd.s32 $0xFFFFE000  }
0x61: {  	_ =	swait.ge [sflag:s21], $0x2000  }
0x62: {  	[sflag:s21] =	ssyncset.done $0x0  }
0x63: {  	s29 =	sadd.s32 $0x3780, s29;
	[sflag:s21] =	ssyncadd.s32 $0xFFFFE000  }
0x64: {  	[spmem:s2] =	stream.indirect.scatter.add.f32 [tilespmem:s19], [sflag:$0x3], $0x40, s29, s17, $0xb8;
	[tilespmem:$0x15000] =	vst v63  }
0x65: {  	_ =	swait.ge [sflag:s16], $0x2000  }
0x66: {  	[sflag:s16] =	ssyncset.done $0x0  }
0x67: {  	[sflag:s16] =	ssyncadd.s32 $0xFFFFE000  }
0x68: {  	[bflag:$0x0] =	sbarrier.arrive $0xFFFF  }
0x69: {  	[hbm:s11], [sflag:s14] =	dma.local [spmem:s15], $0x1400  }
0x6a: {  	_ =	swait.ge [sflag:s16], $0x1400  }
0x6b: {  	[sflag:s16] =	ssyncset.done $0x0  }
0x6c: {  	[sflag:s16] =	ssyncadd.s32 $0xFFFFEC00  }
0x6d: {  	[spmem:s15], [sflag:s14] =	dma.local [hbm:s10], $0x1400  }
.Ltmp3:
0x6e: {  	_ =	swait.ge [sflag:s16], $0x1400;
	(pc) =	sbr.rel @!p2 .LBB2_6-.Ltmp3, $4  }
0x6f: {  	[sflag:s16] =	ssyncset.done $0x0  }
0x70: {  	[sflag:s16] =	ssyncadd.s32 $0xFFFFEC00  }
0x71: {  	[bflag:$0x0] =	sbarrier.arrive $0xFFFF  }
0x72: {  	[tilespmem:s18], [sflag:$0x1] =	stream.indirect.gather [hbm4b:s5+s17], $0x40, s3, s17, $0xb8;
	[tilespmem:$0x15000] =	vst v63  }
0x73: {  	s30 =	simm.s32 $0x80  }
0x74: {  	[tilespmem:s19], [sflag:$0x2] =	stream.indirect.gather [hbm4b:s5+s17], $0x40, s30, s17, $0xb8;
	[tilespmem:$0x15000] =	vst v63  }
0x75: {  	_ =	swait.ge [sflag:s20], $0x2000  }
0x76: {  	[sflag:s20] =	ssyncset.done $0x0  }
0x77: {  	[sflag:s20] =	ssyncadd.s32 $0xFFFFE000  }
0x78: {  	[spmem:s2] =	stream.indirect.scatter.add.f32 [tilespmem:s18], [sflag:$0x3], $0x40, s23, s17, $0xb8;
	[tilespmem:$0x15000] =	vst v63  }
0x79: {  	_ =	swait.ge [sflag:s16], $0x2000  }
0x7a: {  	[sflag:s16] =	ssyncset.done $0x0  }
0x7b: {  	[sflag:s16] =	ssyncadd.s32 $0xFFFFE000  }
0x7c: {  	[tilespmem:s18], [sflag:$0x1] =	stream.indirect.gather [hbm4b:s5+s17], $0x40, s24, s17, $0xb8;
	[tilespmem:$0x15000] =	vst v63  }
0x7d: {  	p2 =	sne.s32 s25, $0x1;
	_ =	swait.ge [sflag:s21], $0x2000  }
.Ltmp4:
0x7e: {  	[sflag:s21] =	ssyncset.done $0x0;
	(pc) =	sbr.rel @!p2 .LBB2_8-.Ltmp4, $4  }
0x7f: {  	s31 =	simm.s32 $0x3880;
	[sflag:s21] =	ssyncadd.s32 $0xFFFFE000  }
0x80: {  	[spmem:s2] =	stream.indirect.scatter.add.f32 [tilespmem:s19], [sflag:$0x3], $0x40, s31, s17, $0xb8;
	[tilespmem:$0x15000] =	vst v63  }
0x81: {  	p1 =	por $0x1, $0x1;
	s30 =	sadd.s32 $0xFFFFFFFF, s25;
	_ =	swait.ge [sflag:s16], $0x2000  }
0x82: {  	s25 =	simm.s32 $0x3800;
	s24 =	simm.s32 $0x200;
	[sflag:s16] =	ssyncset.done $0x0  }
.LBB2_9:
0x83: {  	s31 =	sadd.s32 $0xFFFFFF80, s24;
	[sflag:s16] =	ssyncadd.s32 $0xFFFFE000;
	s25 =	sadd.s32 $0x100, s25  }
0x84: {  	[tilespmem:s19], [sflag:$0x2] =	stream.indirect.gather [hbm4b:s5+s17], $0x40, s31, s17, $0xb8;
	[tilespmem:$0x15000] =	vst v63  }
0x85: {  	p2 =	sne.s32 s30, $0x1;
	s30 =	sadd.s32 $0xFFFFFFFF, s30;
	_ =	swait.ge [sflag:s20], $0x2000  }
0x86: {  	[sflag:s20] =	ssyncset.done $0x0  }
0x87: {  	[sflag:s20] =	ssyncadd.s32 $0xFFFFE000  }
0x88: {  	[spmem:s2] =	stream.indirect.scatter.add.f32 [tilespmem:s18], [sflag:$0x3], $0x40, s25, s17, $0xb8;
	[tilespmem:$0x15000] =	vst v63  }
0x89: {  	_ =	swait.ge [sflag:s16], $0x2000  }
0x8a: {  	[sflag:s16] =	ssyncset.done $0x0  }
0x8b: {  	[sflag:s16] =	ssyncadd.s32 $0xFFFFE000  }
0x8c: {  	[tilespmem:s18], [sflag:$0x1] =	stream.indirect.gather [hbm4b:s5+s17], $0x40, s24, s17, $0xb8;
	[tilespmem:$0x15000] =	vst v63  }
0x8d: {  	_ =	swait.ge [sflag:s21], $0x2000  }
.Ltmp5:
0x8e: {  	[sflag:s21] =	ssyncset.done $0x0;
	(pc) =	sbr.rel @p2 .LBB2_9-.Ltmp5, $4  }
0x8f: {  	s31 =	sadd.s32 $0x80, s25;
	[sflag:s21] =	ssyncadd.s32 $0xFFFFE000  }
0x90: {  	[spmem:s2] =	stream.indirect.scatter.add.f32 [tilespmem:s19], [sflag:$0x3], $0x40, s31, s17, $0xb8;
	[tilespmem:$0x15000] =	vst v63  }
0x91: {  	_ =	swait.ge [sflag:s16], $0x2000  }
0x92: {  	s24 =	sadd.s32 $0x100, s24;
	[sflag:s16] =	ssyncset.done $0x0  }
.LBB2_10:
0x93: {  	s30 =	sadd.s32 $0xFFFFFF80, s24;
	[sflag:s16] =	ssyncadd.s32 @p1 $0xFFFFE000  }
0x94: {  	[tilespmem:s19], [sflag:$0x2] =	stream.indirect.gather [hbm4b:s5+s17], $0x40, s30, s17, $0xb8;
	[tilespmem:$0x15000] =	vst v63  }
0x95: {  	_ =	swait.ge [sflag:s20], $0x2000  }
0x96: {  	s25 =	sadd.s32 @p1 $0x100, s25;
	[sflag:s20] =	ssyncset.done $0x0  }
0x97: {  	s23 =	smov.u32 @p1 s25;
	[sflag:s20] =	ssyncadd.s32 $0xFFFFE000  }
0x98: {  	[spmem:s2] =	stream.indirect.scatter.add.f32 [tilespmem:s18], [sflag:$0x3], $0x40, s23, s17, $0xb8;
	[tilespmem:$0x15000] =	vst v63  }
0x99: {  	_ =	swait.ge [sflag:s16], $0x2000  }
0x9a: {  	[sflag:s16] =	ssyncset.done $0x0  }
0x9b: {  	[sflag:s16] =	ssyncadd.s32 $0xFFFFE000  }
0x9c: {  	[tilespmem:s18], [sflag:$0x1] =	stream.indirect.gather [hbm4b:s5+s17], $0x40, s24, s17, $0xb8;
	[tilespmem:$0x15000] =	vst v63  }
0x9d: {  	_ =	swait.ge [sflag:s21], $0x2000  }
0x9e: {  	[sflag:s21] =	ssyncset.done $0x0  }
0x9f: {  	s23 =	sadd.s32 $0x80, s23;
	[sflag:s21] =	ssyncadd.s32 $0xFFFFE000  }
0xa0: {  	[spmem:s2] =	stream.indirect.scatter.add.f32 [tilespmem:s19], [sflag:$0x3], $0x40, s23, s17, $0xb8;
	[tilespmem:$0x15000] =	vst v63  }
0xa1: {  	_ =	swait.ge [sflag:s16], $0x2000  }
0xa2: {  	[sflag:s16] =	ssyncset.done $0x0  }
0xa3: {  	[sflag:s16] =	ssyncadd.s32 $0xFFFFE000  }
0xa4: {  	[tilespmem:s19], [sflag:$0x2] =	stream.indirect.gather [hbm4b:s5+s17], $0x40, s26, s17, $0xb8;
	[tilespmem:$0x15000] =	vst v63  }
0xa5: {  	_ =	swait.ge [sflag:s20], $0x2000  }
0xa6: {  	[sflag:s20] =	ssyncset.done $0x0  }
0xa7: {  	[sflag:s20] =	ssyncadd.s32 $0xFFFFE000  }
0xa8: {  	[spmem:s2] =	stream.indirect.scatter.add.f32 [tilespmem:s18], [sflag:$0x3], $0x40, s28, s17, $0xb8;
	[tilespmem:$0x15000] =	vst v63  }
0xa9: {  	_ =	swait.ge [sflag:s16], $0x2000  }
0xaa: {  	[sflag:s16] =	ssyncset.done $0x0  }
0xab: {  	[sflag:s16] =	ssyncadd.s32 $0xFFFFE000  }
0xac: {  	_ =	swait.ge [sflag:s21], $0x2000  }
0xad: {  	[sflag:s21] =	ssyncset.done $0x0  }
0xae: {  	[sflag:s21] =	ssyncadd.s32 $0xFFFFE000  }
0xaf: {  	[spmem:s2] =	stream.indirect.scatter.add.f32 [tilespmem:s19], [sflag:$0x3], $0x40, s29, s17, $0xb8;
	[tilespmem:$0x15000] =	vst v63  }
0xb0: {  	_ =	swait.ge [sflag:s16], $0x2000  }
0xb1: {  	[sflag:s16] =	ssyncset.done $0x0  }
0xb2: {  	s22 =	sadd.s32 $0x1, s22;
	[sflag:s16] =	ssyncadd.s32 $0xFFFFE000  }
0xb3: {  	p1 =	sne.s32 s22, s13;
	[bflag:$0x0] =	sbarrier.arrive $0xFFFF  }
0xb4: {  	[hbm:s12], [sflag:s14] =	dma.local [spmem:s15], $0x1400  }
.Ltmp6:
0xb5: {  	_ = 	snop;
	(pc) =	sbr.rel @p1 .LBB2_1-.Ltmp6, $4  }
.Ltmp7:
0xb6: {  	_ = 	snop;
	(pc) =	sbr.rel @!p1 .LBB2_11-.Ltmp7, $4  }
0xb7: {  	_ =	swait.ge [sflag:s16], $0x1400  }
0xb8: {  	[sflag:s16] =	ssyncset.done $0x0  }
0xb9: {  	[sflag:s16] =	ssyncadd.s32 $0xFFFFEC00  }
0xba: {  	_ = 	snop  }
.LBB2_6:
.Ltmp8:
0xbb: {  	(pc) =	sbr.rel .LBB2_10-.Ltmp8, $2  }
0xbc: {  	_ =	sdelay $0x2  }
0xbd: {  	s25 =	simm.s32 $0x3800  }
.LBB2_3:
.Ltmp9:
0xbe: {  	(pc) =	sbr.rel .LBB2_5-.Ltmp9, $2  }
0xbf: {  	_ =	sdelay $0x2  }
0xc0: {  	s29 =	simm.s32 $0x3800  }
.LBB2_8:
.Ltmp10:
0xc1: {  	(pc) =	sbr.rel .LBB2_10-.Ltmp10, $2  }
0xc2: {  	_ =	sdelay $0x2  }
0xc3: {  	s25 =	simm.s32 $0x3800  }
.LBB2_11:
0xc4: {  	_ =	sfence.sel $0x180000  }
0xc5: {  	[bflag:$0x0] =	sbarrier.arrive $0xFFFF  }
0xc6: {  	p0 =	sne.s32 s1, $0x0;
	_ =	strace $0x90000050  }
0xc7: {  	s0 =	sadd.s32 @!p0 $0x100000, s0;
	[bflag:$0x2] =	sbarrier.arrive $0xFFFF  }
0xc8: {  	[sflag:s0] =	ssyncadd.tile.s32 @!p0 $0x1;
	_ =	shalt  }
.Lfunc_end2:
_tile_overlayer_lowered:
.L_overlay_start_2:
0xc9: {  	(tag) =	ssettag $0x2  }
0xca: {  	s0 =	rddreg [dreg:$0x0];
	s2 =	stileid.u32  }
0xcb: {  	s1 =	rddreg [dreg:$0x1];
	p0 =	sne.s32 s2, $0x0  }
0xcc: {  	s3 =	rddreg [dreg:$0x2];
	[bflag:$0x3] =	sbarrier.arrive $0xFFFF;
	s2 =	simm.s32 @!p0 $0x1C03  }
0xcd: {  	[timem:s3], [sflag:s2] =	dma.local @!p0 [hbm:s0], s1  }
0xce: {  	s0 =	simm.s32 @!p0 $0x3  }
0xcf: {  	_ =	swait.ge @!p0 [sflag:s0], s1  }
0xd0: {  	s1 =	ssub.s32 @!p0 $0x0, s1;
	[sflag:s0] =	ssyncset.done @!p0 $0x0  }
0xd1: {  	[sflag:s0] =	ssyncadd.s32 @!p0 s1  }
0xd2: {  	[bflag:$0x3] =	sbarrier.arrive $0xFFFF  }
0xd3: {  	_ =	shalt  }

// kernel: kernel.24.cloned.1.call-start
scs
__scs_entry_jumppad:
0x0: {  	(pc) =	sbr.rel $0x88, $3  }
0x1: {  	(tag) =	ssettag $0x0;
	lr =	simm.s32 $0x1  }
0x2: {  	[smem:$0x3F98] =	sst lr;
	_ =	strace $0xD0000000  }
0x3: {  	_ = 	snop  }
0x4: {  	_ = 	snop  }
0x5: {  	_ = 	snop  }
0x6: {  	_ = 	snop  }
0x7: {  	_ = 	snop  }
__scs_overlays_trampoline_lowered:
0x8: {  	[smem:$0x3FA7] =	sst s0  }
0x9: {  	[smem:$0x3FA8] =	sst s1  }
0xa: {  	[smem:$0x3FA9] =	sst s2  }
0xb: {  	[smem:$0x3FAA] =	sst s3  }
0xc: {  	[smem:$0x3FAB] =	sst s4  }
0xd: {  	[smem:$0x3FAC] =	sst s5  }
0xe: {  	[smem:$0x3FAD] =	sst s6  }
0xf: {  	[smem:$0x3FAE] =	sst s7  }
0x10: {  	[smem:$0x3FAF] =	sst s8  }
0x11: {  	[smem:$0x3FB0] =	sst s9;
	s0 =	simm.s32 @!p0 $0x0  }
0x12: {  	s1 =	sld [smem:$0x3F96];
	s0 =	simm.s32 @p0 $0x1  }
0x13: {  	[smem:$0x3FB1] =	sst s0;
	s0 =	simm.s32 @!p1 $0x0  }
0x14: {  	s2 =	sld [smem:$0x3F95];
	s0 =	simm.s32 @p1 $0x1  }
0x15: {  	[smem:$0x3FB2] =	sst s0;
	s0 =	simm.s32 @!p2 $0x0  }
0x16: {  	s3 =	sld [smem:$0x3FDB];
	s0 =	simm.s32 @p2 $0x1  }
0x17: {  	s4 =	simm.s32 $0x1BF5;
	[smem:$0x3FB4] =	sst s0  }
0x18: {  	s0 =	sld [smem:$0x3F97];
	_ =	swait.ge [sflag:s4], $0x0  }
0x19: {  	s7 =	sld [smem:$0x3F98]  }
0x1a: {  	s8 =	sadd.s32 $0xFFFFE003, lr  }
0x1b: {  	s9 =	sadd.s32 $0xFFFFFEF7, lr;
	s5 =	simm.s32 $0xFFFFFFFF;
	p2 =	slt.u32 s8, $0xFFFFF086  }
0x1c: {  	p1 =	slt.u32 s9, $0xF7A;
	s5 =	simm.s32 @!p2 $0x0  }
0x1d: {  	s5 =	simm.s32 @p1 $0x1;
	p0 =	seq.s32 s7, s2  }
0x1e: {  	s7 =	smul.u32 @!p0 $0xF7A, s2;
	p2 =	seq.s32 @!p0 s5, $0x0  }
0x1f: {  	s9 =	smul.u32 $0xF7A, s1;
	s8 =	simm.s32 @!p0 $0x1BF5;
	p2 =	por !p2, p0  }
0x20: {  	[sflag:s8] =	ssyncset.s32 @!p0 $0xFFFFF086;
	s6 =	sadd.s32 @!p0 s3, s7;
	s7 =	simm.s32 @!p0 $0x108  }
0x21: {  	s3 =	sadd.s32 s3, s9;
	s6 =	sadd.s32 @!p0 $0x88, s6;
	s7 =	simm.s32 @p2 $0x1082  }
0x22: {  	[simem:s7], [sflag:s8] =	dma.local @!p0 [hbm:s6], $0xF7A  }
0x23: {  	s9 =	sor.u32 $0xD0000000, s2;
	s6 =	simm.s32 $0x108;
	_ =	swait.ge @!p0 [sflag:s8], $0x0  }
0x24: {  	s3 =	sadd.s32 $0x88, s3;
	s6 =	simm.s32 @!p1 $0x1082;
	[sflag:s4] =	ssyncset.s32 $0xFFFFF086  }
0x25: {  	[simem:s6], [sflag:s4] =	dma.local [hbm:s3], $0xF7A  }
0x26: {  	[smem:$0x3F98] =	sst s1;
	(tag) =	ssettag s2;
	_ =	strace s9  }
0x27: {  	s1 =	sld [smem:$0x3FA8]  }
0x28: {  	s2 =	sld [smem:$0x3FA9]  }
0x29: {  	s4 =	sld [smem:$0x3FAB]  }
0x2a: {  	p0 =	seq.s32 s5, $0x0;
	s5 =	sld [smem:$0x3FAC]  }
0x2b: {  	s6 =	sld [smem:$0x3FAD]  }
0x2c: {  	s7 =	sld [smem:$0x3FAE]  }
0x2d: {  	s3 =	simm.s32 $0x108;
	s8 =	sld [smem:$0x3FAF]  }
0x2e: {  	s3 =	simm.s32 @!p0 $0x1082;
	s9 =	sld [smem:$0x3FB0]  }
0x2f: {  	lr =	sadd.s32 s0, s3;
	s0 =	sld [smem:$0x3FA7]  }
0x30: {  	s3 =	sld [smem:$0x3FAA]  }
0x31: {  	[smem:$0x3FB3] =	sst s10  }
0x32: {  	s10 =	sld [smem:$0x3FB1];
	_ =	sdelay $0x3  }
0x33: {  	p0 =	seq.s32 s10, $0x1;
	s10 =	sld [smem:$0x3FB3];
	_ =	sdelay $0x3  }
0x34: {  	[smem:$0x3FB3] =	sst s10  }
0x35: {  	s10 =	sld [smem:$0x3FB2];
	_ =	sdelay $0x3  }
0x36: {  	p1 =	seq.s32 s10, $0x1;
	s10 =	sld [smem:$0x3FB3];
	_ =	sdelay $0x3  }
0x37: {  	[smem:$0x3FB3] =	sst s10  }
0x38: {  	s10 =	sld [smem:$0x3FB4]  }
0x39: {  	_ = 	snop;
	(pc) =	sbr.ind lr, $3  }
0x3a: {  	_ = 	snop  }
0x3b: {  	_ = 	snop  }
0x3c: {  	p2 =	seq.s32 s10, $0x1;
	s10 =	sld [smem:$0x3FB3]  }
0x3d: {  	_ =	shalt  }
0x3e: {  	_ =	shalt  }
0x3f: {  	_ =	shalt  }
0x40: {  	_ =	shalt  }
0x41: {  	_ =	shalt  }
0x42: {  	_ =	shalt  }
0x43: {  	_ =	shalt  }
0x44: {  	_ =	shalt  }
0x45: {  	_ =	shalt  }
0x46: {  	_ =	shalt  }
0x47: {  	_ =	shalt  }
0x48: {  	_ =	shalt  }
0x49: {  	_ =	shalt  }
0x4a: {  	_ =	shalt  }
0x4b: {  	_ =	shalt  }
0x4c: {  	_ =	shalt  }
0x4d: {  	_ =	shalt  }
0x4e: {  	_ =	shalt  }
0x4f: {  	_ =	shalt  }
0x50: {  	_ =	shalt  }
0x51: {  	_ =	shalt  }
0x52: {  	_ =	shalt  }
0x53: {  	_ =	shalt  }
0x54: {  	_ =	shalt  }
0x55: {  	_ =	shalt  }
0x56: {  	_ =	shalt  }
0x57: {  	_ =	shalt  }
0x58: {  	_ =	shalt  }
0x59: {  	_ =	shalt  }
0x5a: {  	_ =	shalt  }
0x5b: {  	_ =	shalt  }
0x5c: {  	_ =	shalt  }
0x5d: {  	_ =	shalt  }
0x5e: {  	_ =	shalt  }
0x5f: {  	_ =	shalt  }
0x60: {  	_ =	shalt  }
0x61: {  	_ =	shalt  }
0x62: {  	_ =	shalt  }
0x63: {  	_ =	shalt  }
0x64: {  	_ =	shalt  }
0x65: {  	_ =	shalt  }
0x66: {  	_ =	shalt  }
0x67: {  	_ =	shalt  }
0x68: {  	_ =	shalt  }
0x69: {  	_ =	shalt  }
0x6a: {  	_ =	shalt  }
0x6b: {  	_ =	shalt  }
0x6c: {  	_ =	shalt  }
0x6d: {  	_ =	shalt  }
0x6e: {  	_ =	shalt  }
0x6f: {  	_ =	shalt  }
0x70: {  	_ =	shalt  }
0x71: {  	_ =	shalt  }
0x72: {  	_ =	shalt  }
0x73: {  	_ =	shalt  }
0x74: {  	_ =	shalt  }
0x75: {  	_ =	shalt  }
0x76: {  	_ =	shalt  }
0x77: {  	_ =	shalt  }
0x78: {  	_ =	shalt  }
0x79: {  	_ =	shalt  }
0x7a: {  	_ =	shalt  }
0x7b: {  	_ =	shalt  }
0x7c: {  	_ =	shalt  }
0x7d: {  	_ =	shalt  }
0x7e: {  	_ =	shalt  }
0x7f: {  	_ =	shalt  }
0x80: {  	_ =	shalt  }
0x81: {  	_ =	shalt  }
0x82: {  	_ =	shalt  }
0x83: {  	_ =	shalt  }
0x84: {  	_ =	shalt  }
0x85: {  	_ =	shalt  }
0x86: {  	_ =	shalt  }
0x87: {  	_ =	shalt  }
.Lfunc_end0:
.L_simem_size_0:
called_computation.4_lowered:
.L_overlay_start_0:
0x88: {  	s2 =	sld [smem:$0x3FD9]  }
0x89: {  	s3 =	sld [smem:$0x3FFE];
	_ =	sdelay $0x1  }
0x8a: {  	s1 =	srdreg.scid  }
0x8b: {  	s0 =	sand.u32 $0x1, s1  }
0x8c: {  	s16 =	sshll.u32 s0, $0xA;
	s2 =	sadd.s32 s3, s2  }
0x8d: {  	s2 =	sadd.s32 s2, s16  }
0x8e: {  	[smem:$0x3FBF] =	sst s2  }
0x8f: {  	_ = 	snop  }
0x90: {  	(tm) =	ssettm $0x1  }
0x91: {  	s17 =	sld [smem:$0x3FFB];
	_ =	sdelay $0x3  }
0x92: {  	_ =	strace s17  }
0x93: {  	s2 =	sld [smem:$0x3FFC];
	_ =	sdelay $0x3  }
0x94: {  	_ =	strace s2  }
0x95: {  	s2 =	sld [smem:$0x3FFD];
	_ =	sdelay $0x3  }
0x96: {  	_ =	strace s2  }
0x97: {  	_ =	strace $0x8FFFFFFF  }
0x98: {  	s18 =	sld [smem:$0x3FDB];
	_ =	sdelay $0x1  }
0x99: {  	s19 =	simm.s32 $_scs_section_size  }
0x9a: {  	s4 =	simm.s32 $_size__tile_overlayer_lowered;
	s5 =	simm.s32 $_tile_overlayer_lowered  }
0x9b: {  	s22 =	simm.s32 $0x1BFF;
	s21 =	sshll.u32 s5, $0x1;
	s2 =	sadd.s32 s19, s18  }
0x9c: {  	s6 =	simm.s32 $0x0;
	s20 =	sshll.u32 s4, $0x1;
	s4 =	sadd.s32 s21, s2  }
0x9d: {  	[timem:s6], [sflag:s22] =	dma.local [hbm:s4], s20  }
0x9e: {  	_ =	swait.ge [sflag:s22], s20  }
0x9f: {  	s3 =	ssub.s32 $0x0, s20;
	[sflag:s22] =	ssyncset.done $0x0  }
0xa0: {  	[sflag:s22] =	ssyncadd.s32 s3;
	_ =	sdelay $0x1  }
0xa1: {  	s23 =	simm.s32 $0x1B8B  }
0xa2: {  	_ =	swait.ge [sflag:s23], $0x1  }
0xa3: {  	[sflag:s23] =	ssyncset.done $0x0  }
0xa4: {  	s25 =	simm.s32 $0x1B8E;
	s24 =	sld [smem:$0x3FFE];
	[sflag:s23] =	ssyncadd.s32 $0xFFFFFFFF  }
0xa5: {  	s26 =	simm.s32 $execute0_lowered;
	[smem:$0x3FD2] =	sst s25  }
0xa6: {  	s4 =	sshll.u32 s26, $0x1;
	_ =	strace $0x80000052;
	[dreg:$0x1] =	wrdreg $0xFFFFFFFF  }
0xa7: {  	s28 =	simm.s32 $_size_execute0_lowered;
	s2 =	sadd.s32 s2, s4;
	[dreg:$0x0] =	wrdreg $0x0  }
0xa8: {  	s4 =	sshll.u32 s28, $0x1;
	[dreg:$0x2] =	wrdreg s2  }
0xa9: {  	[dreg:$0x3] =	wrdreg s4  }
0xaa: {  	[dreg:$0x4] =	wrdreg $0xC0  }
0xab: {  	_ =	task [dreg:s6], $0x5FFFF  }
0xac: {  	[dreg:$0x1] =	wrdreg $0xFFFFFFFF  }
0xad: {  	[dreg:$0x0] =	wrdreg $0x60  }
0xae: {  	[dreg:$0x2] =	wrdreg s24  }
0xaf: {  	[dreg:$0x3] =	wrdreg $0xB0000  }
0xb0: {  	[dreg:$0x4] =	wrdreg $0x9  }
0xb1: {  	_ =	task.clear_ibuf [dreg:s6], $0x5FFFF;
	_ =	strace $0x90000052  }
0xb2: {  	s29 =	simm.s32 $0x9;
	_ =	strace $0x80000054  }
0xb3: {  	_ =	swait.ge [sflag:s29], $0x1  }
0xb4: {  	[sflag:s29] =	ssyncadd.s32 $0xFFFFFFFF  }
0xb5: {  	_ =	strace $0x90000054  }
0xb6: {  	_ =	sfence  }
0xb7: {  	s30 =	sld [smem:$0x0];
	_ =	sdelay $0x2  }
0xb8: {  	s31 =	sshll.u32 s1, $0xD;
	s1 =	sshrl.u32 s1, $0x2  }
0xb9: {  	s3 =	sand.u32 $0x4000, s31;
	s1 =	sadd.s32 s1, s30  }
0xba: {  	s0 =	sor.u32 s3, s0;
	s1 =	sshll.u32 s1, $0x11  }
0xbb: {  	s0 =	sor.u32 s1, s0  }
0xbc: {  	s0 =	sadd.s32 $0x8F2B, s0  }
0xbd: {  	[sflag:s0] =	ssyncadd.remote.s32 $0x1  }
0xbe: {  	_ =	sfence.sel $0xFFFF  }
0xbf: {  	[dreg:$0x0] =	wrdreg $0xFFFFFFFF;
	(pc) =	sbr.abs _section_cstart, $3  }
0xc0: {  	[dreg:$0x1] =	wrdreg $0xFFFFFFFF  }
0xc1: {  	_ =	task.clear_ibuf [dreg:s6], $0x2FFFF;
	_ =	strace $0x9FFFFFFF  }
0xc2: {  	(tm) =	ssettm $0x7FFFFFFF  }
0xc3: {  	_ =	shalt  }
tec
execute0_lowered:
.L_overlay_start_1:
0x0: {  	(tag) =	ssettag $0x1  }
0x1: {  	s6 =	rddreg [dreg:$0x0]  }
0x2: {  	s2 =	rddreg [dreg:$0x1];
	s1 =	stileid.u32  }
0x3: {  	s0 =	rddreg [dreg:$0x2];
	s4 =	srdreg.scid;
	s3 =	simm.s32 $0x0  }
0x4: {  	s18 =	simm.s32 $0x7000;
	s19 =	simm.s32 $0x9000;
	s7 =	smul.u32 $0x700, s1  }
0x5: {  	s20 =	simm.s32 $0x1;
	s21 =	simm.s32 $0x2;
	s8 =	smul.u32 $0x320, s1  }
0x6: {  	s22 =	simm.s32 $0x0;
	s10 =	smul.u32 $0xA000, s1;
	s14 =	sand.u32 $0x1, s4  }
0x7: {  	[smem:$0x7FF] =	sst s3;
	s4 =	sadd.s32 $0x3000, s6;
	s5 =	sadd.s32 $0x30800, s6  }
0x8: {  	s31 =	sshll.u32 s1, $0x6;
	s9 =	smul.u32 $0xA0000, s14;
	_ =	strace $0x80000053  }
0x9: {  	s12 =	ssub.s32 $0x2, s14;
	p0 =	sne.s32 s14, $0x0;
	s14 =	sor.u32 $0x1C03, s31  }
0xa: {  	s11 =	sadd.s32 s7, s6;
	s26 =	sadd.s32 s8, s6;
	s29 =	sshrl.u32 s10, $0x3  }
0xb: {  	s30 =	sshrl.u32 s12, $0x1;
	s17 =	sadd.s32 s10, s2;
	s28 =	sadd.s32 s10, s9  }
0xc: {  	s13 =	sadd.s32 s29, s6;
	s16 =	ssub.s32 s12, s30;
	s7 =	sadd.s32 $0x1C400, s26  }
0xd: {  	s9 =	sadd.s32 $0x22800, s11;
	s8 =	sshrl.u32 s28, $0x3;
	s10 =	sadd.s32 $0x44800, s13  }
0xe: {  	s13 =	smax.u32 s16, $0x1;
	s16 =	simm.s32 $0x3;
	s15 =	sadd.s32 s8, s6  }
0xf: {  	s6 =	sadd.s32 $0x1F600, s26;
	s8 =	sadd.s32 $0x29800, s11;
	s11 =	sadd.s32 $0x58800, s15  }
0x10: {  	s12 =	sadd.s32 $0x80800, s15;
	s15 =	sshrl.u32 s17, $0x3;
	s17 =	simm.s32 $0x80  }
.LBB2_1:
0x11: {  	s23 =	simm.s32 @p0 $0x0;
	s24 =	simm.s32 @p0 $0x3  }
0x12: {  	[tilespmem:s23], [sflag:$0x3] =	stream.linear.gather @p0 [hbm4b:s6+s23], $0x1900, $0x38;
	[tilespmem:$0x15000] =	vst v63  }
0x13: {  	_ =	swait.ge @p0 [sflag:s24], $0x1900  }
0x14: {  	[sflag:s24] =	ssyncset.done @p0 $0x0  }
0x15: {  	s25 =	simm.s32 @p0 $0x3800;
	[sflag:s24] =	ssyncadd.s32 @p0 $0xFFFFE700  }
0x16: {  	[tilespmem:s25], [sflag:$0x3] =	stream.linear.gather @p0 [hbm4b:s7+s23], $0x1900, $0x38;
	[tilespmem:$0x15000] =	vst v63  }
0x17: {  	_ =	swait.ge @p0 [sflag:s24], $0x1900  }
0x18: {  	[sflag:s24] =	ssyncset.done @p0 $0x0  }
0x19: {  	s23 =	simm.s32 @!p0 $0x0;
	[sflag:s24] =	ssyncadd.s32 @p0 $0xFFFFE700;
	s24 =	simm.s32 @!p0 $0x3  }
0x1a: {  	[tilespmem:s23], [sflag:$0x3] =	stream.linear.gather @!p0 [hbm4b:s8+s23], $0x3800, $0x38;
	[tilespmem:$0x15000] =	vst v63  }
0x1b: {  	_ =	swait.ge @!p0 [sflag:s24], $0x3800  }
0x1c: {  	s26 =	simm.s32 @!p0 $0x70;
	[sflag:s24] =	ssyncset.done @!p0 $0x0  }
0x1d: {  	s26 =	simm.s32 @p0 $0x32;
	s25 =	simm.s32 @!p0 $0x3800;
	[sflag:s24] =	ssyncadd.s32 @!p0 $0xFFFFC800  }
0x1e: {  	[tilespmem:s25], [sflag:$0x3] =	stream.linear.gather @!p0 [hbm4b:s9+s23], $0x3800, $0x38;
	[tilespmem:$0x15000] =	vst v63  }
0x1f: {  	s30 =	sshrl.u32 s26, $0x1;
	_ =	swait.ge @!p0 [sflag:s24], $0x3800  }
0x20: {  	s31 =	sadd.s32 $0xFFFFFFFF, s30;
	[sflag:s24] =	ssyncset.done @!p0 $0x0  }
0x21: {  	p2 =	sne.s32 s31, $0x1;
	[sflag:s24] =	ssyncadd.s32 @!p0 $0xFFFFC800  }
0x22: {  	[spmem:s15], [sflag:s14] =	dma.local [hbm:s10], $0x1400  }
.Ltmp0:
0x23: {  	p1 =	por $0x0, $0x0;
	_ =	swait.ge [sflag:s16], $0x1400;
	(pc) =	sbr.rel @!p2 .LBB2_5-.Ltmp0, $4  }
0x24: {  	s28 =	simm.s32 $0x100;
	s29 =	simm.s32 $0x3800;
	[sflag:s16] =	ssyncset.done $0x0  }
0x25: {  	p3 =	por $0x0, $0x0;
	s23 =	simm.s32 $0x3800;
	[sflag:s16] =	ssyncadd.s32 $0xFFFFEC00  }
0x26: {  	s25 =	sadd.s32 $0xFFFFFFFF, s31;
	s24 =	simm.s32 $0x100;
	[bflag:$0x0] =	sbarrier.arrive $0xFFFF  }
0x27: {  	[tilespmem:s18], [sflag:$0x1] =	stream.indirect.gather [hbm4b:s4+s17], $0x40, s3, s17, $0xb8;
	[tilespmem:$0x15000] =	vst v63  }
0x28: {  	s28 =	simm.s32 $0x80  }
0x29: {  	[tilespmem:s19], [sflag:$0x2] =	stream.indirect.gather [hbm4b:s4+s17], $0x40, s28, s17, $0xb8;
	[tilespmem:$0x15000] =	vst v63  }
0x2a: {  	_ =	swait.ge [sflag:s20], $0x2000  }
0x2b: {  	[sflag:s20] =	ssyncset.done $0x0  }
0x2c: {  	[sflag:s20] =	ssyncadd.s32 $0xFFFFE000  }
0x2d: {  	[spmem:s2] =	stream.indirect.scatter.add.f32 [tilespmem:s18], [sflag:$0x3], $0x40, s23, s17, $0xb8;
	[tilespmem:$0x15000] =	vst v63  }
0x2e: {  	_ =	swait.ge [sflag:s16], $0x2000  }
0x2f: {  	[sflag:s16] =	ssyncset.done $0x0  }
0x30: {  	[sflag:s16] =	ssyncadd.s32 $0xFFFFE000  }
0x31: {  	[tilespmem:s18], [sflag:$0x1] =	stream.indirect.gather [hbm4b:s4+s17], $0x40, s24, s17, $0xb8;
	[tilespmem:$0x15000] =	vst v63  }
0x32: {  	p4 =	sne.s32 s25, $0x1;
	_ =	swait.ge [sflag:s21], $0x2000  }
.Ltmp1:
0x33: {  	[sflag:s21] =	ssyncset.done $0x0;
	(pc) =	sbr.rel @!p4 .LBB2_3-.Ltmp1, $4  }
0x34: {  	s28 =	simm.s32 $0x3880;
	[sflag:s21] =	ssyncadd.s32 $0xFFFFE000  }
0x35: {  	[spmem:s2] =	stream.indirect.scatter.add.f32 [tilespmem:s19], [sflag:$0x3], $0x40, s28, s17, $0xb8;
	[tilespmem:$0x15000] =	vst v63  }
0x36: {  	s30 =	sadd.s32 $0xFFFFFFFF, s25;
	p3 =	por $0x1, $0x1;
	_ =	swait.ge [sflag:s16], $0x2000  }
0x37: {  	s29 =	simm.s32 $0x3800;
	s28 =	simm.s32 $0x200;
	[sflag:s16] =	ssyncset.done $0x0  }
.LBB2_4:
0x38: {  	s31 =	sadd.s32 $0xFFFFFF80, s28;
	[sflag:s16] =	ssyncadd.s32 $0xFFFFE000;
	s29 =	sadd.s32 $0x100, s29  }
0x39: {  	[tilespmem:s19], [sflag:$0x2] =	stream.indirect.gather [hbm4b:s4+s17], $0x40, s31, s17, $0xb8;
	[tilespmem:$0x15000] =	vst v63  }
0x3a: {  	p4 =	sne.s32 s30, $0x1;
	s30 =	sadd.s32 $0xFFFFFFFF, s30;
	_ =	swait.ge [sflag:s20], $0x2000  }
0x3b: {  	[sflag:s20] =	ssyncset.done $0x0  }
0x3c: {  	[sflag:s20] =	ssyncadd.s32 $0xFFFFE000  }
0x3d: {  	[spmem:s2] =	stream.indirect.scatter.add.f32 [tilespmem:s18], [sflag:$0x3], $0x40, s29, s17, $0xb8;
	[tilespmem:$0x15000] =	vst v63  }
0x3e: {  	_ =	swait.ge [sflag:s16], $0x2000  }
0x3f: {  	[sflag:s16] =	ssyncset.done $0x0  }
0x40: {  	[sflag:s16] =	ssyncadd.s32 $0xFFFFE000  }
0x41: {  	[tilespmem:s18], [sflag:$0x1] =	stream.indirect.gather [hbm4b:s4+s17], $0x40, s28, s17, $0xb8;
	[tilespmem:$0x15000] =	vst v63  }
0x42: {  	_ =	swait.ge [sflag:s21], $0x2000  }
.Ltmp2:
0x43: {  	[sflag:s21] =	ssyncset.done $0x0;
	(pc) =	sbr.rel @p4 .LBB2_4-.Ltmp2, $4  }
0x44: {  	s31 =	sadd.s32 $0x80, s29;
	[sflag:s21] =	ssyncadd.s32 $0xFFFFE000  }
0x45: {  	[spmem:s2] =	stream.indirect.scatter.add.f32 [tilespmem:s19], [sflag:$0x3], $0x40, s31, s17, $0xb8;
	[tilespmem:$0x15000] =	vst v63  }
0x46: {  	_ =	swait.ge [sflag:s16], $0x2000  }
0x47: {  	s28 =	sadd.s32 $0x100, s28;
	[sflag:s16] =	ssyncset.done $0x0  }
.LBB2_5:
0x48: {  	s30 =	sadd.s32 $0xFFFFFF80, s28;
	[sflag:s16] =	ssyncadd.s32 @p3 $0xFFFFE000  }
0x49: {  	[tilespmem:s19], [sflag:$0x2] =	stream.indirect.gather [hbm4b:s4+s17], $0x40, s30, s17, $0xb8;
	[tilespmem:$0x15000] =	vst v63  }
0x4a: {  	_ =	swait.ge [sflag:s20], $0x2000  }
0x4b: {  	s29 =	sadd.s32 @p3 $0x100, s29;
	s30 =	simm.s32 $0x3800;
	[sflag:s20] =	ssyncset.done $0x0  }
0x4c: {  	s30 =	smov.u32 @p3 s29;
	[sflag:s20] =	ssyncadd.s32 $0xFFFFE000  }
0x4d: {  	[spmem:s2] =	stream.indirect.scatter.add.f32 [tilespmem:s18], [sflag:$0x3], $0x40, s30, s17, $0xb8;
	[tilespmem:$0x15000] =	vst v63  }
0x4e: {  	_ =	swait.ge [sflag:s16], $0x2000  }
0x4f: {  	[sflag:s16] =	ssyncset.done $0x0  }
0x50: {  	[sflag:s16] =	ssyncadd.s32 $0xFFFFE000  }
0x51: {  	[tilespmem:s18], [sflag:$0x1] =	stream.indirect.gather [hbm4b:s4+s17], $0x40, s28, s17, $0xb8;
	[tilespmem:$0x15000] =	vst v63  }
0x52: {  	_ =	swait.ge [sflag:s21], $0x2000  }
0x53: {  	[sflag:s21] =	ssyncset.done $0x0  }
0x54: {  	s28 =	sadd.s32 $0x80, s30;
	[sflag:s21] =	ssyncadd.s32 $0xFFFFE000  }
0x55: {  	[spmem:s2] =	stream.indirect.scatter.add.f32 [tilespmem:s19], [sflag:$0x3], $0x40, s28, s17, $0xb8;
	[tilespmem:$0x15000] =	vst v63  }
0x56: {  	_ =	swait.ge [sflag:s16], $0x2000  }
0x57: {  	s29 =	sshll.u32 s26, $0x7;
	[sflag:s16] =	ssyncset.done $0x0  }
0x58: {  	s26 =	sadd.s32 $0xFFFFFF80, s29;
	[sflag:s16] =	ssyncadd.s32 $0xFFFFE000  }
0x59: {  	[tilespmem:s19], [sflag:$0x2] =	stream.indirect.gather [hbm4b:s4+s17], $0x40, s26, s17, $0xb8;
	[tilespmem:$0x15000] =	vst v63  }
0x5a: {  	_ =	swait.ge [sflag:s20], $0x2000  }
0x5b: {  	[sflag:s20] =	ssyncset.done $0x0  }
0x5c: {  	s28 =	sadd.s32 $0x3700, s29;
	[sflag:s20] =	ssyncadd.s32 $0xFFFFE000  }
0x5d: {  	[spmem:s2] =	stream.indirect.scatter.add.f32 [tilespmem:s18], [sflag:$0x3], $0x40, s28, s17, $0xb8;
	[tilespmem:$0x15000] =	vst v63  }
0x5e: {  	_ =	swait.ge [sflag:s16], $0x2000  }
0x5f: {  	[sflag:s16] =	ssyncset.done $0x0  }
0x60: {  	[sflag:s16] =	ssyncadd.s32 $0xFFFFE000  }
0x61: {  	_ =	swait.ge [sflag:s21], $0x2000  }
0x62: {  	[sflag:s21] =	ssyncset.done $0x0  }
0x63: {  	s29 =	sadd.s32 $0x3780, s29;
	[sflag:s21] =	ssyncadd.s32 $0xFFFFE000  }
0x64: {  	[spmem:s2] =	stream.indirect.scatter.add.f32 [tilespmem:s19], [sflag:$0x3], $0x40, s29, s17, $0xb8;
	[tilespmem:$0x15000] =	vst v63  }
0x65: {  	_ =	swait.ge [sflag:s16], $0x2000  }
0x66: {  	[sflag:s16] =	ssyncset.done $0x0  }
0x67: {  	[sflag:s16] =	ssyncadd.s32 $0xFFFFE000  }
0x68: {  	[bflag:$0x0] =	sbarrier.arrive $0xFFFF  }
0x69: {  	[hbm:s11], [sflag:s14] =	dma.local [spmem:s15], $0x1400  }
0x6a: {  	_ =	swait.ge [sflag:s16], $0x1400  }
0x6b: {  	[sflag:s16] =	ssyncset.done $0x0  }
0x6c: {  	[sflag:s16] =	ssyncadd.s32 $0xFFFFEC00  }
0x6d: {  	[spmem:s15], [sflag:s14] =	dma.local [hbm:s10], $0x1400  }
.Ltmp3:
0x6e: {  	_ =	swait.ge [sflag:s16], $0x1400;
	(pc) =	sbr.rel @!p2 .LBB2_6-.Ltmp3, $4  }
0x6f: {  	[sflag:s16] =	ssyncset.done $0x0  }
0x70: {  	[sflag:s16] =	ssyncadd.s32 $0xFFFFEC00  }
0x71: {  	[bflag:$0x0] =	sbarrier.arrive $0xFFFF  }
0x72: {  	[tilespmem:s18], [sflag:$0x1] =	stream.indirect.gather [hbm4b:s5+s17], $0x40, s3, s17, $0xb8;
	[tilespmem:$0x15000] =	vst v63  }
0x73: {  	s30 =	simm.s32 $0x80  }
0x74: {  	[tilespmem:s19], [sflag:$0x2] =	stream.indirect.gather [hbm4b:s5+s17], $0x40, s30, s17, $0xb8;
	[tilespmem:$0x15000] =	vst v63  }
0x75: {  	_ =	swait.ge [sflag:s20], $0x2000  }
0x76: {  	[sflag:s20] =	ssyncset.done $0x0  }
0x77: {  	[sflag:s20] =	ssyncadd.s32 $0xFFFFE000  }
0x78: {  	[spmem:s2] =	stream.indirect.scatter.add.f32 [tilespmem:s18], [sflag:$0x3], $0x40, s23, s17, $0xb8;
	[tilespmem:$0x15000] =	vst v63  }
0x79: {  	_ =	swait.ge [sflag:s16], $0x2000  }
0x7a: {  	[sflag:s16] =	ssyncset.done $0x0  }
0x7b: {  	[sflag:s16] =	ssyncadd.s32 $0xFFFFE000  }
0x7c: {  	[tilespmem:s18], [sflag:$0x1] =	stream.indirect.gather [hbm4b:s5+s17], $0x40, s24, s17, $0xb8;
	[tilespmem:$0x15000] =	vst v63  }
0x7d: {  	p2 =	sne.s32 s25, $0x1;
	_ =	swait.ge [sflag:s21], $0x2000  }
.Ltmp4:
0x7e: {  	[sflag:s21] =	ssyncset.done $0x0;
	(pc) =	sbr.rel @!p2 .LBB2_8-.Ltmp4, $4  }
0x7f: {  	s31 =	simm.s32 $0x3880;
	[sflag:s21] =	ssyncadd.s32 $0xFFFFE000  }
0x80: {  	[spmem:s2] =	stream.indirect.scatter.add.f32 [tilespmem:s19], [sflag:$0x3], $0x40, s31, s17, $0xb8;
	[tilespmem:$0x15000] =	vst v63  }
0x81: {  	p1 =	por $0x1, $0x1;
	s30 =	sadd.s32 $0xFFFFFFFF, s25;
	_ =	swait.ge [sflag:s16], $0x2000  }
0x82: {  	s25 =	simm.s32 $0x3800;
	s24 =	simm.s32 $0x200;
	[sflag:s16] =	ssyncset.done $0x0  }
.LBB2_9:
0x83: {  	s31 =	sadd.s32 $0xFFFFFF80, s24;
	[sflag:s16] =	ssyncadd.s32 $0xFFFFE000;
	s25 =	sadd.s32 $0x100, s25  }
0x84: {  	[tilespmem:s19], [sflag:$0x2] =	stream.indirect.gather [hbm4b:s5+s17], $0x40, s31, s17, $0xb8;
	[tilespmem:$0x15000] =	vst v63  }
0x85: {  	p2 =	sne.s32 s30, $0x1;
	s30 =	sadd.s32 $0xFFFFFFFF, s30;
	_ =	swait.ge [sflag:s20], $0x2000  }
0x86: {  	[sflag:s20] =	ssyncset.done $0x0  }
0x87: {  	[sflag:s20] =	ssyncadd.s32 $0xFFFFE000  }
0x88: {  	[spmem:s2] =	stream.indirect.scatter.add.f32 [tilespmem:s18], [sflag:$0x3], $0x40, s25, s17, $0xb8;
	[tilespmem:$0x15000] =	vst v63  }
0x89: {  	_ =	swait.ge [sflag:s16], $0x2000  }
0x8a: {  	[sflag:s16] =	ssyncset.done $0x0  }
0x8b: {  	[sflag:s16] =	ssyncadd.s32 $0xFFFFE000  }
0x8c: {  	[tilespmem:s18], [sflag:$0x1] =	stream.indirect.gather [hbm4b:s5+s17], $0x40, s24, s17, $0xb8;
	[tilespmem:$0x15000] =	vst v63  }
0x8d: {  	_ =	swait.ge [sflag:s21], $0x2000  }
.Ltmp5:
0x8e: {  	[sflag:s21] =	ssyncset.done $0x0;
	(pc) =	sbr.rel @p2 .LBB2_9-.Ltmp5, $4  }
0x8f: {  	s31 =	sadd.s32 $0x80, s25;
	[sflag:s21] =	ssyncadd.s32 $0xFFFFE000  }
0x90: {  	[spmem:s2] =	stream.indirect.scatter.add.f32 [tilespmem:s19], [sflag:$0x3], $0x40, s31, s17, $0xb8;
	[tilespmem:$0x15000] =	vst v63  }
0x91: {  	_ =	swait.ge [sflag:s16], $0x2000  }
0x92: {  	s24 =	sadd.s32 $0x100, s24;
	[sflag:s16] =	ssyncset.done $0x0  }
.LBB2_10:
0x93: {  	s30 =	sadd.s32 $0xFFFFFF80, s24;
	[sflag:s16] =	ssyncadd.s32 @p1 $0xFFFFE000  }
0x94: {  	[tilespmem:s19], [sflag:$0x2] =	stream.indirect.gather [hbm4b:s5+s17], $0x40, s30, s17, $0xb8;
	[tilespmem:$0x15000] =	vst v63  }
0x95: {  	_ =	swait.ge [sflag:s20], $0x2000  }
0x96: {  	s25 =	sadd.s32 @p1 $0x100, s25;
	[sflag:s20] =	ssyncset.done $0x0  }
0x97: {  	s23 =	smov.u32 @p1 s25;
	[sflag:s20] =	ssyncadd.s32 $0xFFFFE000  }
0x98: {  	[spmem:s2] =	stream.indirect.scatter.add.f32 [tilespmem:s18], [sflag:$0x3], $0x40, s23, s17, $0xb8;
	[tilespmem:$0x15000] =	vst v63  }
0x99: {  	_ =	swait.ge [sflag:s16], $0x2000  }
0x9a: {  	[sflag:s16] =	ssyncset.done $0x0  }
0x9b: {  	[sflag:s16] =	ssyncadd.s32 $0xFFFFE000  }
0x9c: {  	[tilespmem:s18], [sflag:$0x1] =	stream.indirect.gather [hbm4b:s5+s17], $0x40, s24, s17, $0xb8;
	[tilespmem:$0x15000] =	vst v63  }
0x9d: {  	_ =	swait.ge [sflag:s21], $0x2000  }
0x9e: {  	[sflag:s21] =	ssyncset.done $0x0  }
0x9f: {  	s23 =	sadd.s32 $0x80, s23;
	[sflag:s21] =	ssyncadd.s32 $0xFFFFE000  }
0xa0: {  	[spmem:s2] =	stream.indirect.scatter.add.f32 [tilespmem:s19], [sflag:$0x3], $0x40, s23, s17, $0xb8;
	[tilespmem:$0x15000] =	vst v63  }
0xa1: {  	_ =	swait.ge [sflag:s16], $0x2000  }
0xa2: {  	[sflag:s16] =	ssyncset.done $0x0  }
0xa3: {  	[sflag:s16] =	ssyncadd.s32 $0xFFFFE000  }
0xa4: {  	[tilespmem:s19], [sflag:$0x2] =	stream.indirect.gather [hbm4b:s5+s17], $0x40, s26, s17, $0xb8;
	[tilespmem:$0x15000] =	vst v63  }
0xa5: {  	_ =	swait.ge [sflag:s20], $0x2000  }
0xa6: {  	[sflag:s20] =	ssyncset.done $0x0  }
0xa7: {  	[sflag:s20] =	ssyncadd.s32 $0xFFFFE000  }
0xa8: {  	[spmem:s2] =	stream.indirect.scatter.add.f32 [tilespmem:s18], [sflag:$0x3], $0x40, s28, s17, $0xb8;
	[tilespmem:$0x15000] =	vst v63  }
0xa9: {  	_ =	swait.ge [sflag:s16], $0x2000  }
0xaa: {  	[sflag:s16] =	ssyncset.done $0x0  }
0xab: {  	[sflag:s16] =	ssyncadd.s32 $0xFFFFE000  }
0xac: {  	_ =	swait.ge [sflag:s21], $0x2000  }
0xad: {  	[sflag:s21] =	ssyncset.done $0x0  }
0xae: {  	[sflag:s21] =	ssyncadd.s32 $0xFFFFE000  }
0xaf: {  	[spmem:s2] =	stream.indirect.scatter.add.f32 [tilespmem:s19], [sflag:$0x3], $0x40, s29, s17, $0xb8;
	[tilespmem:$0x15000] =	vst v63  }
0xb0: {  	_ =	swait.ge [sflag:s16], $0x2000  }
0xb1: {  	[sflag:s16] =	ssyncset.done $0x0  }
0xb2: {  	s22 =	sadd.s32 $0x1, s22;
	[sflag:s16] =	ssyncadd.s32 $0xFFFFE000  }
0xb3: {  	p1 =	sne.s32 s22, s13;
	[bflag:$0x0] =	sbarrier.arrive $0xFFFF  }
0xb4: {  	[hbm:s12], [sflag:s14] =	dma.local [spmem:s15], $0x1400  }
.Ltmp6:
0xb5: {  	_ = 	snop;
	(pc) =	sbr.rel @p1 .LBB2_1-.Ltmp6, $4  }
.Ltmp7:
0xb6: {  	_ = 	snop;
	(pc) =	sbr.rel @!p1 .LBB2_11-.Ltmp7, $4  }
0xb7: {  	_ =	swait.ge [sflag:s16], $0x1400  }
0xb8: {  	[sflag:s16] =	ssyncset.done $0x0  }
0xb9: {  	[sflag:s16] =	ssyncadd.s32 $0xFFFFEC00  }
0xba: {  	_ = 	snop  }
.LBB2_6:
.Ltmp8:
0xbb: {  	(pc) =	sbr.rel .LBB2_10-.Ltmp8, $2  }
0xbc: {  	_ =	sdelay $0x2  }
0xbd: {  	s25 =	simm.s32 $0x3800  }
.LBB2_3:
.Ltmp9:
0xbe: {  	(pc) =	sbr.rel .LBB2_5-.Ltmp9, $2  }
0xbf: {  	_ =	sdelay $0x2  }
0xc0: {  	s29 =	simm.s32 $0x3800  }
.LBB2_8:
.Ltmp10:
0xc1: {  	(pc) =	sbr.rel .LBB2_10-.Ltmp10, $2  }
0xc2: {  	_ =	sdelay $0x2  }
0xc3: {  	s25 =	simm.s32 $0x3800  }
.LBB2_11:
0xc4: {  	_ =	sfence.sel $0x180000  }
0xc5: {  	[bflag:$0x0] =	sbarrier.arrive $0xFFFF  }
0xc6: {  	p0 =	sne.s32 s1, $0x0;
	_ =	strace $0x90000053  }
0xc7: {  	s0 =	sadd.s32 @!p0 $0x100000, s0;
	[bflag:$0x2] =	sbarrier.arrive $0xFFFF  }
0xc8: {  	[sflag:s0] =	ssyncadd.tile.s32 @!p0 $0x1;
	_ =	shalt  }
.Lfunc_end2:
_tile_overlayer_lowered:
.L_overlay_start_2:
0xc9: {  	(tag) =	ssettag $0x2  }
0xca: {  	s0 =	rddreg [dreg:$0x0];
	s2 =	stileid.u32  }
0xcb: {  	s1 =	rddreg [dreg:$0x1];
	p0 =	sne.s32 s2, $0x0  }
0xcc: {  	s3 =	rddreg [dreg:$0x2];
	[bflag:$0x3] =	sbarrier.arrive $0xFFFF;
	s2 =	simm.s32 @!p0 $0x1C03  }
0xcd: {  	[timem:s3], [sflag:s2] =	dma.local @!p0 [hbm:s0], s1  }
0xce: {  	s0 =	simm.s32 @!p0 $0x3  }
0xcf: {  	_ =	swait.ge @!p0 [sflag:s0], s1  }
0xd0: {  	s1 =	ssub.s32 @!p0 $0x0, s1;
	[sflag:s0] =	ssyncset.done @!p0 $0x0  }
0xd1: {  	[sflag:s0] =	ssyncadd.s32 @!p0 s1  }
0xd2: {  	[bflag:$0x3] =	sbarrier.arrive $0xFFFF  }
0xd3: {  	_ =	shalt  }

</sc_bundles>
